<compile_context>
chip_gen: v7x
topology: tpu7x:2x2x1
jax: 0.10.2.dev20260603
libtpu: 0.0.44.dev20260713+nightly
codegen_flags: <defaults>
</compile_context>

<pallas_src>
import functools

import jax
import jax.numpy as jnp
import numpy as np
from jax import lax
from jax.experimental import pallas as pl
from jax.experimental.pallas import tpu as pltpu
from jax.experimental.pallas import tpu_sc as plsc

N = 1024
E = 65536
D_IN = 128
HID = 32
HEADS = 8
HC = HID * HEADS
HORIZON = 5

BLK = 256
GRID = N // BLK

HIGHEST = jax.lax.Precision.HIGHEST

ETOT = E + N
NC, NS = 2, 16
NSH, NG = 4, 4
GW = HC // NG
ESH = ETOT // (NC * NSH)
EC = 80
NCHUNK = ESH // EC


def _prep_weights(gp):
    W = gp['W']
    d = W.shape[0]
    att_src, att_dst = gp['att_src'], gp['att_dst']
    eye = jnp.eye(HEADS, 16, dtype=jnp.float32)
    A_s = (att_src[:, :, None] * eye[:, None, :]).reshape(HC, 16)
    A_d = (att_dst[:, :, None] * eye[:, None, :]).reshape(HC, 16)
    z = jnp.zeros((d, 128 - GW), jnp.float32)
    W4 = jnp.concatenate(
        [jnp.concatenate([W[:, g * GW:(g + 1) * GW], z], axis=1)
         for g in range(NG)], axis=1)
    zr = jnp.zeros((NG, 128 - GW, 16), jnp.float32)
    A_s4 = jnp.concatenate([A_s.reshape(NG, GW, 16), zr], axis=1).reshape(512, 16)
    A_d4 = jnp.concatenate([A_d.reshape(NG, GW, 16), zr], axis=1).reshape(512, 16)
    P = np.zeros((16, 512), np.float32)
    for g in range(NG):
        for k in range(16):
            P[k, 128 * g + GW + k] = 1.0
    return W4, A_s4, A_d4, jnp.asarray(P)


def _expand_mat():
    R = np.zeros((16, HC), np.float32)
    for h in range(HEADS):
        R[h, h * HID:(h + 1) * HID] = 0.25
    return jnp.asarray(R)


def _k1_body(x_ref, wenc_ref, benc_ref, lng_ref, lnb_ref, w4_ref, was_ref,
             wad_ref, p_ref, hh4_ref, adst_ref):
    h = jnp.dot(x_ref[...].astype(jnp.bfloat16),
                wenc_ref[...].astype(jnp.bfloat16),
                preferred_element_type=jnp.float32)
    h = jnp.maximum(h + benc_ref[...], 0.0)
    mu = jnp.mean(h, axis=-1, keepdims=True)
    var = jnp.mean((h - mu) ** 2, axis=-1, keepdims=True)
    h = (h - mu) * jax.lax.rsqrt(var + 1e-5) * lng_ref[...] + lnb_ref[...]
    hh4 = jnp.dot(h.astype(jnp.bfloat16), w4_ref[...].astype(jnp.bfloat16),
                  preferred_element_type=jnp.float32)
    asrc = jnp.dot(hh4, was_ref[...], preferred_element_type=jnp.float32,
                   precision=HIGHEST)
    hh4_ref[...] = hh4 + jnp.dot(asrc, p_ref[...],
                                 preferred_element_type=jnp.float32,
                                 precision=HIGHEST)
    adst_ref[...] = jnp.dot(hh4, wad_ref[...],
                            preferred_element_type=jnp.float32,
                            precision=HIGHEST)


def _encoder_prep(x, p, W4, WAs, WAd, Pm):
    full = lambda shp: pl.BlockSpec(shp, lambda i: (0, 0))
    return pl.pallas_call(
        _k1_body,
        grid=(GRID,),
        in_specs=[
            pl.BlockSpec((BLK, D_IN), lambda i: (i, 0)),
            full((D_IN, HID)), full((1, HID)), full((1, HID)), full((1, HID)),
            full((HID, 512)), full((512, 16)), full((512, 16)),
            full((16, 512)),
        ],
        out_specs=[
            pl.BlockSpec((BLK, 512), lambda i: (i, 0)),
            pl.BlockSpec((BLK, 16), lambda i: (i, 0)),
        ],
        out_shape=[
            jax.ShapeDtypeStruct((N, 512), jnp.float32),
            jax.ShapeDtypeStruct((N, 16), jnp.float32),
        ],
    )(x, p['enc_W'], p['enc_b'].reshape(1, HID), p['ln_g'].reshape(1, HID),
      p['ln_b'].reshape(1, HID), W4, WAs, WAd, Pm)


def _combined_h(msum_ref, dsum_ref, r_ref, bias_ref):
    m = jnp.sum(msum_ref[...], axis=0)
    num = jnp.concatenate(
        [m[g] + m[NG + g] + m[2 * NG + g] + m[3 * NG + g] for g in range(NG)],
        axis=-1)
    den16 = jnp.sum(dsum_ref[...], axis=(0, 1))
    den_e = jnp.dot(den16, r_ref[...], preferred_element_type=jnp.float32,
                    precision=HIGHEST)
    return jnp.maximum(num / (den_e + 1e-16) + bias_ref[...], 0.0)


def _combine_prep_body(msum_ref, dsum_ref, r_ref, bias_ref, gprev_ref,
                       w4_ref, was_ref, wad_ref, p_ref, hh4_ref, adst_ref,
                       g_ref, *, residual):
    g = _combined_h(msum_ref, dsum_ref, r_ref, bias_ref)
    if residual:
        g = g + gprev_ref[...]
    g_ref[...] = g
    hh4 = jnp.dot(g.astype(jnp.bfloat16), w4_ref[...].astype(jnp.bfloat16),
                  preferred_element_type=jnp.float32)
    asrc = jnp.dot(hh4, was_ref[...], preferred_element_type=jnp.float32,
                   precision=HIGHEST)
    hh4_ref[...] = hh4 + jnp.dot(asrc, p_ref[...],
                                 preferred_element_type=jnp.float32,
                                 precision=HIGHEST)
    adst_ref[...] = jnp.dot(hh4, wad_ref[...],
                            preferred_element_type=jnp.float32,
                            precision=HIGHEST)


def _combine_prep(msum, dsum, Rm, bias, gprev, W4, WAs, WAd, Pm, residual):
    full = lambda shp: pl.BlockSpec(shp, lambda i: tuple(0 for _ in shp))
    return pl.pallas_call(
        functools.partial(_combine_prep_body, residual=residual),
        grid=(GRID,),
        in_specs=[
            pl.BlockSpec((NC, NS, BLK, GW), lambda i: (0, 0, i, 0)),
            pl.BlockSpec((NC, NS, BLK, 16), lambda i: (0, 0, i, 0)),
            full((16, HC)), full((1, HC)),
            pl.BlockSpec((BLK, HC), lambda i: (i, 0)),
            full((HC, 512)), full((512, 16)), full((512, 16)),
            full((16, 512)),
        ],
        out_specs=[
            pl.BlockSpec((BLK, 512), lambda i: (i, 0)),
            pl.BlockSpec((BLK, 16), lambda i: (i, 0)),
            pl.BlockSpec((BLK, HC), lambda i: (i, 0)),
        ],
        out_shape=[
            jax.ShapeDtypeStruct((N, 512), jnp.float32),
            jax.ShapeDtypeStruct((N, 16), jnp.float32),
            jax.ShapeDtypeStruct((N, HC), jnp.float32),
        ],
    )(msum, dsum, Rm, bias.reshape(1, HC), gprev, W4, WAs, WAd, Pm)


def _final_body(msum_ref, dsum_ref, r_ref, bias_ref, gprev_ref, pw1_ref,
                pb1_ref, pw2_ref, pb2_ref, vw1_ref, vb1_ref, vw2_ref,
                vb2_ref, cwa_ref, cwb_ref, cb1_ref, price_ref, vol_ref,
                ca_ref, cbb_ref, h_ref):
    h = _combined_h(msum_ref, dsum_ref, r_ref, bias_ref) + gprev_ref[...]
    h_ref[...] = h
    hb = h.astype(jnp.bfloat16)
    t = jnp.maximum(jnp.dot(hb, pw1_ref[...].astype(jnp.bfloat16),
                            preferred_element_type=jnp.float32)
                    + pb1_ref[...], 0.0)
    price_ref[...] = jnp.dot(t.astype(jnp.bfloat16),
                             pw2_ref[...].astype(jnp.bfloat16),
                             preferred_element_type=jnp.float32) + pb2_ref[...]
    t = jnp.maximum(jnp.dot(hb, vw1_ref[...].astype(jnp.bfloat16),
                            preferred_element_type=jnp.float32)
                    + vb1_ref[...], 0.0)
    vol_ref[...] = jnp.dot(t.astype(jnp.bfloat16),
                           vw2_ref[...].astype(jnp.bfloat16),
                           preferred_element_type=jnp.float32) + vb2_ref[...]
    ca_ref[...] = jnp.dot(hb, cwa_ref[...].astype(jnp.bfloat16),
                          preferred_element_type=jnp.float32)
    cbb_ref[...] = jnp.dot(hb, cwb_ref[...].astype(jnp.bfloat16),
                           preferred_element_type=jnp.float32) + cb1_ref[...]


def _final_heads(msum, dsum, Rm, bias, gprev, p):
    full = lambda shp: pl.BlockSpec(shp, lambda i: tuple(0 for _ in shp))
    return pl.pallas_call(
        _final_body,
        grid=(GRID,),
        in_specs=[
            pl.BlockSpec((NC, NS, BLK, GW), lambda i: (0, 0, i, 0)),
            pl.BlockSpec((NC, NS, BLK, 16), lambda i: (0, 0, i, 0)),
            full((16, HC)), full((1, HC)),
            pl.BlockSpec((BLK, HC), lambda i: (i, 0)),
            full((HC, HID)), full((1, HID)), full((HID, HORIZON)),
            full((1, HORIZON)),
            full((HC, HID)), full((1, HID)), full((HID, HORIZON)),
            full((1, HORIZON)),
            full((HC, HID)), full((HC, HID)), full((1, HID)),
        ],
        out_specs=[
            pl.BlockSpec((BLK, HORIZON), lambda i: (i, 0)),
            pl.BlockSpec((BLK, HORIZON), lambda i: (i, 0)),
            pl.BlockSpec((BLK, HID), lambda i: (i, 0)),
            pl.BlockSpec((BLK, HID), lambda i: (i, 0)),
            pl.BlockSpec((BLK, HC), lambda i: (i, 0)),
        ],
        out_shape=[
            jax.ShapeDtypeStruct((N, HORIZON), jnp.float32),
            jax.ShapeDtypeStruct((N, HORIZON), jnp.float32),
            jax.ShapeDtypeStruct((N, HID), jnp.float32),
            jax.ShapeDtypeStruct((N, HID), jnp.float32),
            jax.ShapeDtypeStruct((N, HC), jnp.float32),
        ],
    )(msum, dsum, Rm, bias.reshape(1, HC), gprev,
      p['p_W1'], p['p_b1'].reshape(1, HID), p['p_W2'],
      p['p_b2'].reshape(1, HORIZON),
      p['v_W1'], p['v_b1'].reshape(1, HID), p['v_W2'],
      p['v_b2'].reshape(1, HORIZON),
      p['c_W1'][:HC], p['c_W1'][HC:], p['c_b1'].reshape(1, HID))


CORR_BI = 128


def _corr_body(ca_ref, cbt_ref, w2_ref, b2_ref, out_ref):
    acc = jnp.zeros((CORR_BI, N), jnp.float32)
    for k in range(HID):
        t = jnp.maximum(ca_ref[:, k:k + 1] + cbt_ref[k:k + 1, :], 0.0)
        t = t.astype(jnp.bfloat16).astype(jnp.float32)
        acc = acc + t * w2_ref[k]
    out_ref[...] = jnp.tanh(acc + b2_ref[0])


def _corr(ca, cbT, w2, b2):
    return pl.pallas_call(
        _corr_body,
        grid=(N // CORR_BI,),
        in_specs=[
            pl.BlockSpec((CORR_BI, HID), lambda i: (i, 0)),
            pl.BlockSpec((HID, N), lambda i: (0, 0)),
            pl.BlockSpec(memory_space=pltpu.SMEM),
            pl.BlockSpec(memory_space=pltpu.SMEM),
        ],
        out_specs=pl.BlockSpec((CORR_BI, N), lambda i: (i, 0)),
        out_shape=jax.ShapeDtypeStruct((N, N), jnp.float32),
    )(ca, cbT, w2, b2)


def _edge_body(pk_hbm, hh4_hbm, adst_hbm, zeros_hbm, msum_hbm, dsum_hbm,
               pkall, srcv0, srcv1, hhbuf0, hhbuf1, adt, acc, dacc,
               sem0, sem1):
    c = lax.axis_index("c")
    s = lax.axis_index("s")
    es = s // NG
    g = s % NG
    ebase = (c * NSH + es) * ESH

    pltpu.sync_copy(pk_hbm.at[pl.ds(ebase, ESH)], pkall)
    pltpu.sync_copy(adst_hbm, adt)
    pltpu.sync_copy(zeros_hbm, acc)
    pltpu.sync_copy(zeros_hbm.at[pl.ds(0, N * 16)], dacc)

    idx_lo = jnp.full((16,), 2 * g, jnp.int32)
    idx_hi = jnp.full((16,), 2 * g + 1, jnp.int32)

    def fetch(t, srcv, hhbuf, sem):
        for b in range(EC // 16):
            v = pkall[pl.ds(t * EC + b * 16, 16)]
            srcv[pl.ds(b * 16, 16)] = v & 65535
        return pltpu.async_copy(hh4_hbm.at[g].at[srcv], hhbuf, sem)

    def compute(t, hhbuf):
        def block16(jb, carry2):
            j0 = jb * 16
            dv16 = pkall[pl.ds(t * EC + j0, 16)] >> 16
            dv16t = dv16 * 16
            dv64 = dv16 * GW
            for r in range(16):
                j = j0 + r
                av = hhbuf[j, pl.ds(GW, 16)] + adt[pl.ds(dv16t[r], 16)]
                av = jnp.maximum(av, 0.2 * av)
                pv = jnp.exp(av)
                plsc.addupdate(dacc.at[pl.ds(dv16t[r], 16)], pv)
                blo = pv.at[idx_lo].get(mode='promise_in_bounds')
                bhi = pv.at[idx_hi].get(mode='promise_in_bounds')
                rb = dv64[r]
                plsc.addupdate(acc.at[pl.ds(rb, 16)],
                               hhbuf[j, pl.ds(0, 16)] * blo)
                plsc.addupdate(acc.at[pl.ds(rb + 16, 16)],
                               hhbuf[j, pl.ds(16, 16)] * blo)
                plsc.addupdate(acc.at[pl.ds(rb + 32, 16)],
                               hhbuf[j, pl.ds(32, 16)] * bhi)
                plsc.addupdate(acc.at[pl.ds(rb + 48, 16)],
                               hhbuf[j, pl.ds(48, 16)] * bhi)
            return carry2

        lax.fori_loop(0, EC // 16, block16, 0)

    fetch(0, srcv0, hhbuf0, sem0)

    def pair(u, carry):
        a = 2 * u
        fetch(a + 1, srcv1, hhbuf1, sem1)
        pltpu.make_async_copy(hh4_hbm.at[g].at[srcv0], hhbuf0, sem0).wait()
        compute(a, hhbuf0)
        nxt = jnp.where(a + 2 >= NCHUNK, 0, a + 2)
        fetch(nxt, srcv0, hhbuf0, sem0)
        pltpu.make_async_copy(hh4_hbm.at[g].at[srcv1], hhbuf1, sem1).wait()
        compute(a + 1, hhbuf1)
        return carry

    lax.fori_loop(0, NCHUNK // 2, pair, 0)
    pltpu.make_async_copy(hh4_hbm.at[g].at[srcv0], hhbuf0, sem0).wait()
    pltpu.sync_copy(acc, msum_hbm.at[c, s])
    pltpu.sync_copy(dacc, dsum_hbm.at[c, s])


@jax.jit
def _edge_phase_sc(pk, hh4, adst_flat, zeros_flat):
    mesh = plsc.VectorSubcoreMesh(core_axis_name="c", subcore_axis_name="s")
    fn = pl.kernel(
        _edge_body,
        out_type=[
            jax.ShapeDtypeStruct((NC, NS, N * GW), jnp.float32),
            jax.ShapeDtypeStruct((NC, NS, N * 16), jnp.float32),
        ],
        mesh=mesh,
        scratch_types=[
            pltpu.VMEM((ESH,), jnp.int32),
            pltpu.VMEM((EC,), jnp.int32),
            pltpu.VMEM((EC,), jnp.int32),
            pltpu.VMEM((EC, 128), jnp.float32),
            pltpu.VMEM((EC, 128), jnp.float32),
            pltpu.VMEM((N * 16,), jnp.float32),
            pltpu.VMEM((N * GW,), jnp.float32),
            pltpu.VMEM((N * 16,), jnp.float32),
            pltpu.SemaphoreType.DMA,
            pltpu.SemaphoreType.DMA,
        ],
    )
    return fn(pk, hh4, adst_flat, zeros_flat)


def _edge_phase(pk, hh512, adst16):
    hh4 = hh512.reshape(N, NG, 128).transpose(1, 0, 2)
    zeros_flat = jnp.zeros((N * GW,), jnp.float32)
    msum, dsum = _edge_phase_sc(pk, hh4, adst16.reshape(-1), zeros_flat)
    return msum.reshape(NC, NS, N, GW), dsum.reshape(NC, NS, N, 16)


def kernel(x, edge_index, params):
    p = params
    loop = jnp.arange(N, dtype=edge_index.dtype)
    src = jnp.concatenate([edge_index[0], loop])
    dst = jnp.concatenate([edge_index[1], loop])
    pk = src | (dst << 16)
    Rm = _expand_mat()

    W4, WAs, WAd, Pm = _prep_weights(p['gat'][0])
    hh512, adst16 = _encoder_prep(x, p, W4, WAs, WAd, Pm)
    msum, dsum = _edge_phase(pk, hh512, adst16)

    W4, WAs, WAd, Pm = _prep_weights(p['gat'][1])
    hh512, adst16, g1 = _combine_prep(
        msum, dsum, Rm, p['gat'][0]['bias'], jnp.zeros((N, HC), jnp.float32),
        W4, WAs, WAd, Pm, residual=False)
    msum, dsum = _edge_phase(pk, hh512, adst16)

    W4, WAs, WAd, Pm = _prep_weights(p['gat'][2])
    hh512, adst16, g2 = _combine_prep(
        msum, dsum, Rm, p['gat'][1]['bias'], g1, W4, WAs, WAd, Pm,
        residual=True)
    msum, dsum = _edge_phase(pk, hh512, adst16)

    price, vol, ca, cbb, h = _final_heads(msum, dsum, Rm, p['gat'][2]['bias'],
                                          g2, p)
    w2r = p['c_W2'][:, 0].astype(jnp.bfloat16).astype(jnp.float32)
    corr = _corr(ca, cbb.T, w2r, p['c_b2'])
    return (price, vol, corr, h)

# --- scband reference (transcript-rebuilt; emitter-appended) ---
"""Pipeline reference for scband-graph-neural-network-predictor-15642270892865 (READ-ONLY COPY).

The authoritative reference and input builder live on the scoring server;
editing this copy changes nothing except your own understanding.
"""

import jax, jax.numpy as jnp
import numpy as np

N = 1024
E = 65536
D_IN = 128
HID = 32
HEADS = 8
HC = HID * HEADS  # 256
HORIZON = 5


def _glorot(k, shape):
    fan_in = shape[0]
    return jax.random.normal(k, shape, dtype=jnp.float32) * (1.0 / np.sqrt(fan_in))


def setup_inputs(seed: int = 0) -> dict:
    key = jax.random.key(seed)
    ks = jax.random.split(key, 40)
    x = jax.random.normal(ks[0], (N, D_IN), dtype=jnp.float32)
    edge_index = jax.random.randint(ks[1], (2, E), 0, N, dtype=jnp.int32)
    gat = []
    for i in range(3):
        d_in = HID if i == 0 else HC
        gat.append({
            'W': _glorot(ks[2 + 4 * i], (d_in, HC)),
            'att_src': _glorot(ks[3 + 4 * i], (HEADS, HID)),
            'att_dst': _glorot(ks[4 + 4 * i], (HEADS, HID)),
            'bias': jnp.zeros((HC,), dtype=jnp.float32),
        })
    params = {
        'enc_W': _glorot(ks[20], (D_IN, HID)),
        'enc_b': jnp.zeros((HID,), jnp.float32),
        'ln_g': jnp.ones((HID,), jnp.float32),
        'ln_b': jnp.zeros((HID,), jnp.float32),
        'gat': gat,
        'p_W1': _glorot(ks[21], (HC, HID)), 'p_b1': jnp.zeros((HID,), jnp.float32),
        'p_W2': _glorot(ks[22], (HID, HORIZON)), 'p_b2': jnp.zeros((HORIZON,), jnp.float32),
        'v_W1': _glorot(ks[23], (HC, HID)), 'v_b1': jnp.zeros((HID,), jnp.float32),
        'v_W2': _glorot(ks[24], (HID, HORIZON)), 'v_b2': jnp.zeros((HORIZON,), jnp.float32),
        'c_W1': _glorot(ks[25], (2 * HC, HID)), 'c_b1': jnp.zeros((HID,), jnp.float32),
        'c_W2': _glorot(ks[26], (HID, 1)), 'c_b2': jnp.zeros((1,), jnp.float32),
    }
    return {'x': x, 'edge_index': edge_index, 'params': params}


def _gat_layer(h, src, dst, gp):
    hh = (h @ gp['W']).reshape(N, HEADS, HID)
    a_src = (hh * gp['att_src'][None]).sum(-1)  # [N, HEADS]
    a_dst = (hh * gp['att_dst'][None]).sum(-1)
    a = a_src[src] + a_dst[dst]  # [Etot, HEADS]
    a = jax.nn.leaky_relu(a, 0.2)
    amax = jax.ops.segment_max(a, dst, num_segments=N)
    a = jnp.exp(a - jax.lax.stop_gradient(amax)[dst])
    denom = jax.ops.segment_sum(a, dst, num_segments=N)
    a = a / (denom[dst] + 1e-16)
    msg = hh[src] * a[:, :, None]
    out = jax.ops.segment_sum(msg, dst, num_segments=N).reshape(N, HC)
    return out + gp['bias']


def _forward(x, edge_index, p):
    # node encoder: Linear -> ReLU -> LayerNorm
    h = x @ p['enc_W'] + p['enc_b']
    h = jax.nn.relu(h)
    mu = h.mean(-1, keepdims=True)
    var = ((h - mu) ** 2).mean(-1, keepdims=True)
    h = (h - mu) / jnp.sqrt(var + 1e-5) * p['ln_g'] + p['ln_b']
    # add self loops (PyG GATConv default)
    src0, dst0 = edge_index[0], edge_index[1]
    loop = jnp.arange(N, dtype=src0.dtype)
    src = jnp.concatenate([src0, loop])
    dst = jnp.concatenate([dst0, loop])
    for i, gp in enumerate(p['gat']):
        h_res = h
        h = _gat_layer(h, src, dst, gp)
        h = jax.nn.relu(h)
        if i > 0 and h.shape == h_res.shape:
            h = h + h_res
    # batch is None -> x_global = node embeddings
    price = jax.nn.relu(h @ p['p_W1'] + p['p_b1']) @ p['p_W2'] + p['p_b2']
    vol = jax.nn.relu(h @ p['v_W1'] + p['v_b1']) @ p['v_W2'] + p['v_b2']
    # pairwise correlation head: Linear(concat[h_i, h_j]) computed as split-weight sum
    # (mathematically identical to concatenation, avoids materializing [N,N,2*HC])
    ca = h @ p['c_W1'][:HC]   # contribution of x1 (row node)
    cb = h @ p['c_W1'][HC:]   # contribution of x2 (col node)
    h1 = jax.nn.relu(ca[:, None, :] + cb[None, :, :] + p['c_b1'])  # [N, N, HID]
    corr = jnp.tanh((h1 @ p['c_W2']).squeeze(-1) + p['c_b2'])  # [N, N]
    return (price, vol, corr, h)


def reference(x, edge_index, params):
    return _forward(x, edge_index, params)

if __name__ == "__main__":
    import jax
    _d = setup_inputs()
    print(jax.jit(kernel)(*tuple(_d.values())))

</pallas_src>

<mosaic_0001>
#map = affine_map<(d0, d1) -> (0)>
#map1 = affine_map<(d0, d1) -> (0, 0, 0)>
module attributes {stable_mosaic.version = 14 : i64} {
  func.func @_edge_body(%arg0: i32, %arg1: i32, %arg2: memref<66560xi32, #tpu.memory_space<hbm>>, %arg3: memref<4x1024x128xf32, #tpu.memory_space<hbm>>, %arg4: memref<16384xf32, #tpu.memory_space<hbm>>, %arg5: memref<65536xf32, #tpu.memory_space<hbm>>, %arg6: memref<2x16x65536xf32, #tpu.memory_space<hbm>>, %arg7: memref<2x16x16384xf32, #tpu.memory_space<hbm>>, %arg8: memref<8320xi32, #tpu.memory_space<vmem>>, %arg9: memref<80xi32, #tpu.memory_space<vmem>>, %arg10: memref<80xi32, #tpu.memory_space<vmem>>, %arg11: memref<80x128xf32, #tpu.memory_space<vmem>>, %arg12: memref<80x128xf32, #tpu.memory_space<vmem>>, %arg13: memref<16384xf32, #tpu.memory_space<vmem>>, %arg14: memref<65536xf32, #tpu.memory_space<vmem>>, %arg15: memref<16384xf32, #tpu.memory_space<vmem>>, %arg16: memref<!tpu.dma_semaphore, #tpu.memory_space<semaphore_mem>>, %arg17: memref<!tpu.dma_semaphore, #tpu.memory_space<semaphore_mem>>) attributes {dimension_semantics = [#tpu.dimension_semantics<core_parallel>, #tpu.dimension_semantics<subcore_parallel>], iteration_bounds = array<i64: 2, 16>, scalar_prefetch = 0 : i64, scratch_operands = 10 : i64, tpu.core_type = #tpu.core_type<sc_vector_subcore>, window_params = [{transform_indices = #map}, {transform_indices = #map1}, {transform_indices = #map}, {transform_indices = #map}, {transform_indices = #map1}, {transform_indices = #map1}]} {
    %jit3A = arith.constant 4 : i32
    %div3A = arith.divsi %arg1, %jit3A : i32
    %sign3A = arith.constant 0 : i32
    %sign3A_0 = arith.cmpi sgt, %arg1, %sign3A : i32
    %sign3A_1 = arith.extui %sign3A_0 : i1 to i32
    %sign3A_2 = arith.constant 0 : i32
    %sign3A_3 = arith.cmpi slt, %arg1, %sign3A_2 : i32
    %sign3A_4 = arith.extui %sign3A_3 : i1 to i32
    %sign3A_5 = arith.subi %sign3A_1, %sign3A_4 : i32
    %sign3A_6 = arith.constant 0 : i32
    %sign3A_7 = arith.cmpi sgt, %jit3A, %sign3A_6 : i32
    %sign3A_8 = arith.extui %sign3A_7 : i1 to i32
    %sign3A_9 = arith.constant 0 : i32
    %sign3A_10 = arith.cmpi slt, %jit3A, %sign3A_9 : i32
    %sign3A_11 = arith.extui %sign3A_10 : i1 to i32
    %sign3A_12 = arith.subi %sign3A_8, %sign3A_11 : i32
    %ne3A = arith.cmpi ne, %sign3A_5, %sign3A_12 : i32
    %rem3A = arith.remsi %arg1, %jit3A : i32
    %ne3A_13 = arith.constant 0 : i32
    %ne3A_14 = arith.cmpi ne, %rem3A, %ne3A_13 : i32
    %and3A = arith.andi %ne3A, %ne3A_14 : i1
    %sub3A = arith.constant 1 : i32
    %sub3A_15 = arith.subi %div3A, %sub3A : i32
    %select_n3A = arith.select %and3A, %sub3A_15, %div3A : i32
    %jit3A_16 = arith.constant 4 : i32
    %eq3A = arith.constant 0 : i32
    %eq3A_17 = arith.cmpi eq, %jit3A_16, %eq3A : i32
    %jit3A_18 = arith.constant 1 : i32
    %select_n3A_19 = arith.select %eq3A_17, %jit3A_18, %jit3A_16 : i32
    %rem3A_20 = arith.remsi %arg1, %select_n3A_19 : i32
    %ne3A_21 = arith.constant 0 : i32
    %ne3A_22 = arith.cmpi ne, %rem3A_20, %ne3A_21 : i32
    %lt3A = arith.constant 0 : i32
    %lt3A_23 = arith.cmpi slt, %rem3A_20, %lt3A : i32
    %lt3A_24 = arith.constant 0 : i32
    %lt3A_25 = arith.cmpi slt, %select_n3A_19, %lt3A_24 : i32
    %ne3A_26 = arith.xori %lt3A_23, %lt3A_25 : i1
    %and3A_27 = arith.andi %ne3A_26, %ne3A_22 : i1
    %add3A = arith.addi %rem3A_20, %select_n3A_19 : i32
    %select_n3A_28 = arith.select %and3A_27, %add3A, %rem3A_20 : i32
    %mul3A = arith.constant 4 : i32
    %mul3A_29 = arith.muli %arg0, %mul3A : i32
    %add3A_30 = arith.addi %mul3A_29, %select_n3A : i32
    %mul3A_31 = arith.constant 8320 : i32
    %mul3A_32 = arith.muli %add3A_30, %mul3A_31 : i32
    "tpu.region"() ({
      %run_scoped3A = tpu.sem_alloc : memref<!tpu.dma_semaphore, #tpu.memory_space<semaphore_mem>>
      %dma_start3A_105 = tpu.memref_slice %arg2[%mul3A_32] : memref<66560xi32, #tpu.memory_space<hbm>> -> memref<8320xi32, #tpu.memory_space<hbm>>
      %dma_start3A_106 = tpu.memref_slice %arg2[%mul3A_32] : memref<66560xi32, #tpu.memory_space<hbm>> -> memref<8320xi32, #tpu.memory_space<hbm>>
      tpu.enqueue_dma source(%dma_start3A_106 : memref<8320xi32, #tpu.memory_space<hbm>>) target(%arg8 : memref<8320xi32, #tpu.memory_space<vmem>>) target_semaphore(%run_scoped3A : memref<!tpu.dma_semaphore, #tpu.memory_space<semaphore_mem>>)
      %dma_wait3A_107 = tpu.memref_slice %arg2[%mul3A_32] : memref<66560xi32, #tpu.memory_space<hbm>> -> memref<8320xi32, #tpu.memory_space<hbm>>
      %dma_wait3A_108 = tpu.memref_slice %arg2[%mul3A_32] : memref<66560xi32, #tpu.memory_space<hbm>> -> memref<8320xi32, #tpu.memory_space<hbm>>
      tpu.wait_dma2 semaphore(%run_scoped3A : memref<!tpu.dma_semaphore, #tpu.memory_space<semaphore_mem>>) src(%dma_wait3A_108 : memref<8320xi32, #tpu.memory_space<hbm>>) dst(%arg8 : memref<8320xi32, #tpu.memory_space<vmem>>)
      tpu.yield
    }) : () -> ()
    "tpu.region"() ({
      %run_scoped3A = tpu.sem_alloc : memref<!tpu.dma_semaphore, #tpu.memory_space<semaphore_mem>>
      tpu.enqueue_dma source(%arg4 : memref<16384xf32, #tpu.memory_space<hbm>>) target(%arg13 : memref<16384xf32, #tpu.memory_space<vmem>>) target_semaphore(%run_scoped3A : memref<!tpu.dma_semaphore, #tpu.memory_space<semaphore_mem>>)
      tpu.wait_dma2 semaphore(%run_scoped3A : memref<!tpu.dma_semaphore, #tpu.memory_space<semaphore_mem>>) src(%arg4 : memref<16384xf32, #tpu.memory_space<hbm>>) dst(%arg13 : memref<16384xf32, #tpu.memory_space<vmem>>)
      tpu.yield
    }) : () -> ()
    "tpu.region"() ({
      %run_scoped3A = tpu.sem_alloc : memref<!tpu.dma_semaphore, #tpu.memory_space<semaphore_mem>>
      tpu.enqueue_dma source(%arg5 : memref<65536xf32, #tpu.memory_space<hbm>>) target(%arg14 : memref<65536xf32, #tpu.memory_space<vmem>>) target_semaphore(%run_scoped3A : memref<!tpu.dma_semaphore, #tpu.memory_space<semaphore_mem>>)
      tpu.wait_dma2 semaphore(%run_scoped3A : memref<!tpu.dma_semaphore, #tpu.memory_space<semaphore_mem>>) src(%arg5 : memref<65536xf32, #tpu.memory_space<hbm>>) dst(%arg14 : memref<65536xf32, #tpu.memory_space<vmem>>)
      tpu.yield
    }) : () -> ()
    "tpu.region"() ({
      %run_scoped3A = tpu.sem_alloc : memref<!tpu.dma_semaphore, #tpu.memory_space<semaphore_mem>>
      %dma_start3A_105 = arith.constant 0 : i32
      %dma_start3A_106 = tpu.memref_slice %arg5[%dma_start3A_105] : memref<65536xf32, #tpu.memory_space<hbm>> -> memref<16384xf32, #tpu.memory_space<hbm>>
      %dma_start3A_107 = arith.constant 0 : i32
      %dma_start3A_108 = tpu.memref_slice %arg5[%dma_start3A_107] : memref<65536xf32, #tpu.memory_space<hbm>> -> memref<16384xf32, #tpu.memory_space<hbm>>
      tpu.enqueue_dma source(%dma_start3A_108 : memref<16384xf32, #tpu.memory_space<hbm>>) target(%arg15 : memref<16384xf32, #tpu.memory_space<vmem>>) target_semaphore(%run_scoped3A : memref<!tpu.dma_semaphore, #tpu.memory_space<semaphore_mem>>)
      %dma_wait3A_109 = arith.constant 0 : i32
      %dma_wait3A_110 = tpu.memref_slice %arg5[%dma_wait3A_109] : memref<65536xf32, #tpu.memory_space<hbm>> -> memref<16384xf32, #tpu.memory_space<hbm>>
      %dma_wait3A_111 = arith.constant 0 : i32
      %dma_wait3A_112 = tpu.memref_slice %arg5[%dma_wait3A_111] : memref<65536xf32, #tpu.memory_space<hbm>> -> memref<16384xf32, #tpu.memory_space<hbm>>
      tpu.wait_dma2 semaphore(%run_scoped3A : memref<!tpu.dma_semaphore, #tpu.memory_space<semaphore_mem>>) src(%dma_wait3A_112 : memref<16384xf32, #tpu.memory_space<hbm>>) dst(%arg15 : memref<16384xf32, #tpu.memory_space<vmem>>)
      tpu.yield
    }) : () -> ()
    %mul3A_33 = arith.constant 2 : i32
    %mul3A_34 = arith.muli %mul3A_33, %select_n3A_28 : i32
    %broadcast_in_dim3A = vector.broadcast %mul3A_34 : i32 to vector<16xi32>
    %mul3A_35 = arith.constant 2 : i32
    %mul3A_36 = arith.muli %mul3A_35, %select_n3A_28 : i32
    %add3A_37 = arith.constant 1 : i32
    %add3A_38 = arith.addi %mul3A_36, %add3A_37 : i32
    %broadcast_in_dim3A_39 = vector.broadcast %add3A_38 : i32 to vector<16xi32>
    %get3A = arith.constant 0 : index
    %get3A_40 = tpu.vector_load %arg8[%get3A] {strides = array<i32>} : memref<8320xi32, #tpu.memory_space<vmem>>, vector<16xi32>,
    %get3A_41 = vector.shape_cast %get3A_40 : vector<16xi32> to vector<16xi32>
    %and3A_42 = arith.constant 65535 : i32
    %and3A_43 = vector.broadcast %and3A_42 : i32 to vector<16xi32>
    %and3A_44 = arith.andi %get3A_41, %and3A_43 : vector<16xi32>
    %swap3A = arith.constant 0 : index
    %swap3A_45 = tpu.vector_load %arg9[%swap3A] {strides = array<i32>} : memref<80xi32, #tpu.memory_space<vmem>>, vector<16xi32>,
    %swap3A_46 = vector.shape_cast %swap3A_45 : vector<16xi32> to vector<16xi32>
    %swap3A_47 = vector.shape_cast %and3A_44 : vector<16xi32> to vector<16xi32>
    tpu.vector_store %arg9[%swap3A], %swap3A_47 {strides = array<i32>} : memref<80xi32, #tpu.memory_space<vmem>>, vector<16xi32>,
    %get3A_48 = arith.constant 16 : index
    %get3A_49 = tpu.vector_load %arg8[%get3A_48] {strides = array<i32>} : memref<8320xi32, #tpu.memory_space<vmem>>, vector<16xi32>,
    %get3A_50 = vector.shape_cast %get3A_49 : vector<16xi32> to vector<16xi32>
    %and3A_51 = arith.constant 65535 : i32
    %and3A_52 = vector.broadcast %and3A_51 : i32 to vector<16xi32>
    %and3A_53 = arith.andi %get3A_50, %and3A_52 : vector<16xi32>
    %swap3A_54 = arith.constant 16 : index
    %swap3A_55 = tpu.vector_load %arg9[%swap3A_54] {strides = array<i32>} : memref<80xi32, #tpu.memory_space<vmem>>, vector<16xi32>,
    %swap3A_56 = vector.shape_cast %swap3A_55 : vector<16xi32> to vector<16xi32>
    %swap3A_57 = vector.shape_cast %and3A_53 : vector<16xi32> to vector<16xi32>
    tpu.vector_store %arg9[%swap3A_54], %swap3A_57 {strides = array<i32>} : memref<80xi32, #tpu.memory_space<vmem>>, vector<16xi32>,
    %get3A_58 = arith.constant 32 : index
    %get3A_59 = tpu.vector_load %arg8[%get3A_58] {strides = array<i32>} : memref<8320xi32, #tpu.memory_space<vmem>>, vector<16xi32>,
    %get3A_60 = vector.shape_cast %get3A_59 : vector<16xi32> to vector<16xi32>
    %and3A_61 = arith.constant 65535 : i32
    %and3A_62 = vector.broadcast %and3A_61 : i32 to vector<16xi32>
    %and3A_63 = arith.andi %get3A_60, %and3A_62 : vector<16xi32>
    %swap3A_64 = arith.constant 32 : index
    %swap3A_65 = tpu.vector_load %arg9[%swap3A_64] {strides = array<i32>} : memref<80xi32, #tpu.memory_space<vmem>>, vector<16xi32>,
    %swap3A_66 = vector.shape_cast %swap3A_65 : vector<16xi32> to vector<16xi32>
    %swap3A_67 = vector.shape_cast %and3A_63 : vector<16xi32> to vector<16xi32>
    tpu.vector_store %arg9[%swap3A_64], %swap3A_67 {strides = array<i32>} : memref<80xi32, #tpu.memory_space<vmem>>, vector<16xi32>,
    %get3A_68 = arith.constant 48 : index
    %get3A_69 = tpu.vector_load %arg8[%get3A_68] {strides = array<i32>} : memref<8320xi32, #tpu.memory_space<vmem>>, vector<16xi32>,
    %get3A_70 = vector.shape_cast %get3A_69 : vector<16xi32> to vector<16xi32>
    %and3A_71 = arith.constant 65535 : i32
    %and3A_72 = vector.broadcast %and3A_71 : i32 to vector<16xi32>
    %and3A_73 = arith.andi %get3A_70, %and3A_72 : vector<16xi32>
    %swap3A_74 = arith.constant 48 : index
    %swap3A_75 = tpu.vector_load %arg9[%swap3A_74] {strides = array<i32>} : memref<80xi32, #tpu.memory_space<vmem>>, vector<16xi32>,
    %swap3A_76 = vector.shape_cast %swap3A_75 : vector<16xi32> to vector<16xi32>
    %swap3A_77 = vector.shape_cast %and3A_73 : vector<16xi32> to vector<16xi32>
    tpu.vector_store %arg9[%swap3A_74], %swap3A_77 {strides = array<i32>} : memref<80xi32, #tpu.memory_space<vmem>>, vector<16xi32>,
    %get3A_78 = arith.constant 64 : index
    %get3A_79 = tpu.vector_load %arg8[%get3A_78] {strides = array<i32>} : memref<8320xi32, #tpu.memory_space<vmem>>, vector<16xi32>,
    %get3A_80 = vector.shape_cast %get3A_79 : vector<16xi32> to vector<16xi32>
    %and3A_81 = arith.constant 65535 : i32
    %and3A_82 = vector.broadcast %and3A_81 : i32 to vector<16xi32>
    %and3A_83 = arith.andi %get3A_80, %and3A_82 : vector<16xi32>
    %swap3A_84 = arith.constant 64 : index
    %swap3A_85 = tpu.vector_load %arg9[%swap3A_84] {strides = array<i32>} : memref<80xi32, #tpu.memory_space<vmem>>, vector<16xi32>,
    %swap3A_86 = vector.shape_cast %swap3A_85 : vector<16xi32> to vector<16xi32>
    %swap3A_87 = vector.shape_cast %and3A_83 : vector<16xi32> to vector<16xi32>
    tpu.vector_store %arg9[%swap3A_84], %swap3A_87 {strides = array<i32>} : memref<80xi32, #tpu.memory_space<vmem>>, vector<16xi32>,
    %dma_start3A = arith.constant 0 : i32
    %dma_start3A_88 = arith.constant 0 : i32
    %dma_start3A_89 = tpu.memref_slice %arg3[%select_n3A_28, %dma_start3A, %dma_start3A_88] : memref<4x1024x128xf32, #tpu.memory_space<hbm>> -> memref<1x1024x128xf32, #tpu.memory_space<hbm>>
    %dma_start3A_90 = tpu.memref_squeeze %dma_start3A_89 : memref<1x1024x128xf32, #tpu.memory_space<hbm>> -> memref<1024x128xf32, #tpu.memory_space<hbm>>
    %dma_start3A_91 = arith.constant 0 : i32
    %dma_start3A_92 = arith.constant 0 : i32
    %dma_start3A_93 = tpu.memref_slice %dma_start3A_90[%dma_start3A_91, %dma_start3A_92] : memref<1024x128xf32, #tpu.memory_space<hbm>> -> memref<1024x128xf32, #tpu.memory_space<hbm>>
    tpu.enqueue_indirect_dma source(%dma_start3A_93 : memref<1024x128xf32, #tpu.memory_space<hbm>>) target(%arg11 : memref<80x128xf32, #tpu.memory_space<vmem>>) offsets(%arg9 : memref<80xi32, #tpu.memory_space<vmem>>) semaphore(%arg16 : memref<!tpu.dma_semaphore, #tpu.memory_space<semaphore_mem>>)
    %scan3A = arith.constant 0 : i32
    %scan3A_94 = arith.constant 0 : i32
    %scan3A_95 = arith.constant 52 : i32
    %scan3A_96 = arith.addi %scan3A_94, %scan3A_95 : i32
    %scan3A_97 = arith.constant 1 : i32
    scf.for %scan3A_105 = %scan3A_94 to %scan3A_96 step %scan3A_97  : i32 {
      %mul3A_106 = arith.constant 2 : i32
      %mul3A_107 = arith.muli %mul3A_106, %scan3A_105 : i32
      %add3A_108 = arith.constant 1 : i32
      %add3A_109 = arith.addi %mul3A_107, %add3A_108 : i32
      %mul3A_110 = arith.constant 80 : i32
      %mul3A_111 = arith.muli %add3A_109, %mul3A_110 : i32
      %add3A_112 = arith.constant 0 : i32
      %add3A_113 = arith.addi %mul3A_111, %add3A_112 : i32
      %get3A_114 = arith.index_cast %add3A_113 : i32 to index
      %get3A_115 = tpu.vector_load %arg8[%get3A_114] {strides = array<i32>} : memref<8320xi32, #tpu.memory_space<vmem>>, vector<16xi32>,
      %get3A_116 = vector.shape_cast %get3A_115 : vector<16xi32> to vector<16xi32>
      %and3A_117 = arith.constant 65535 : i32
      %and3A_118 = vector.broadcast %and3A_117 : i32 to vector<16xi32>
      %and3A_119 = arith.andi %get3A_116, %and3A_118 : vector<16xi32>
      %swap3A_120 = arith.constant 0 : index
      %swap3A_121 = tpu.vector_load %arg10[%swap3A_120] {strides = array<i32>} : memref<80xi32, #tpu.memory_space<vmem>>, vector<16xi32>,
      %swap3A_122 = vector.shape_cast %swap3A_121 : vector<16xi32> to vector<16xi32>
      %swap3A_123 = vector.shape_cast %and3A_119 : vector<16xi32> to vector<16xi32>
      tpu.vector_store %arg10[%swap3A_120], %swap3A_123 {strides = array<i32>} : memref<80xi32, #tpu.memory_space<vmem>>, vector<16xi32>,
      %mul3A_124 = arith.constant 80 : i32
      %mul3A_125 = arith.muli %add3A_109, %mul3A_124 : i32
      %add3A_126 = arith.constant 16 : i32
      %add3A_127 = arith.addi %mul3A_125, %add3A_126 : i32
      %get3A_128 = arith.index_cast %add3A_127 : i32 to index
      %get3A_129 = tpu.vector_load %arg8[%get3A_128] {strides = array<i32>} : memref<8320xi32, #tpu.memory_space<vmem>>, vector<16xi32>,
      %get3A_130 = vector.shape_cast %get3A_129 : vector<16xi32> to vector<16xi32>
      %and3A_131 = arith.constant 65535 : i32
      %and3A_132 = vector.broadcast %and3A_131 : i32 to vector<16xi32>
      %and3A_133 = arith.andi %get3A_130, %and3A_132 : vector<16xi32>
      %swap3A_134 = arith.constant 16 : index
      %swap3A_135 = tpu.vector_load %arg10[%swap3A_134] {strides = array<i32>} : memref<80xi32, #tpu.memory_space<vmem>>, vector<16xi32>,
      %swap3A_136 = vector.shape_cast %swap3A_135 : vector<16xi32> to vector<16xi32>
      %swap3A_137 = vector.shape_cast %and3A_133 : vector<16xi32> to vector<16xi32>
      tpu.vector_store %arg10[%swap3A_134], %swap3A_137 {strides = array<i32>} : memref<80xi32, #tpu.memory_space<vmem>>, vector<16xi32>,
      %mul3A_138 = arith.constant 80 : i32
      %mul3A_139 = arith.muli %add3A_109, %mul3A_138 : i32
      %add3A_140 = arith.constant 32 : i32
      %add3A_141 = arith.addi %mul3A_139, %add3A_140 : i32
      %get3A_142 = arith.index_cast %add3A_141 : i32 to index
      %get3A_143 = tpu.vector_load %arg8[%get3A_142] {strides = array<i32>} : memref<8320xi32, #tpu.memory_space<vmem>>, vector<16xi32>,
      %get3A_144 = vector.shape_cast %get3A_143 : vector<16xi32> to vector<16xi32>
      %and3A_145 = arith.constant 65535 : i32
      %and3A_146 = vector.broadcast %and3A_145 : i32 to vector<16xi32>
      %and3A_147 = arith.andi %get3A_144, %and3A_146 : vector<16xi32>
      %swap3A_148 = arith.constant 32 : index
      %swap3A_149 = tpu.vector_load %arg10[%swap3A_148] {strides = array<i32>} : memref<80xi32, #tpu.memory_space<vmem>>, vector<16xi32>,
      %swap3A_150 = vector.shape_cast %swap3A_149 : vector<16xi32> to vector<16xi32>
      %swap3A_151 = vector.shape_cast %and3A_147 : vector<16xi32> to vector<16xi32>
      tpu.vector_store %arg10[%swap3A_148], %swap3A_151 {strides = array<i32>} : memref<80xi32, #tpu.memory_space<vmem>>, vector<16xi32>,
      %mul3A_152 = arith.constant 80 : i32
      %mul3A_153 = arith.muli %add3A_109, %mul3A_152 : i32
      %add3A_154 = arith.constant 48 : i32
      %add3A_155 = arith.addi %mul3A_153, %add3A_154 : i32
      %get3A_156 = arith.index_cast %add3A_155 : i32 to index
      %get3A_157 = tpu.vector_load %arg8[%get3A_156] {strides = array<i32>} : memref<8320xi32, #tpu.memory_space<vmem>>, vector<16xi32>,
      %get3A_158 = vector.shape_cast %get3A_157 : vector<16xi32> to vector<16xi32>
      %and3A_159 = arith.constant 65535 : i32
      %and3A_160 = vector.broadcast %and3A_159 : i32 to vector<16xi32>
      %and3A_161 = arith.andi %get3A_158, %and3A_160 : vector<16xi32>
      %swap3A_162 = arith.constant 48 : index
      %swap3A_163 = tpu.vector_load %arg10[%swap3A_162] {strides = array<i32>} : memref<80xi32, #tpu.memory_space<vmem>>, vector<16xi32>,
      %swap3A_164 = vector.shape_cast %swap3A_163 : vector<16xi32> to vector<16xi32>
      %swap3A_165 = vector.shape_cast %and3A_161 : vector<16xi32> to vector<16xi32>
      tpu.vector_store %arg10[%swap3A_162], %swap3A_165 {strides = array<i32>} : memref<80xi32, #tpu.memory_space<vmem>>, vector<16xi32>,
      %mul3A_166 = arith.constant 80 : i32
      %mul3A_167 = arith.muli %add3A_109, %mul3A_166 : i32
      %add3A_168 = arith.constant 64 : i32
      %add3A_169 = arith.addi %mul3A_167, %add3A_168 : i32
      %get3A_170 = arith.index_cast %add3A_169 : i32 to index
      %get3A_171 = tpu.vector_load %arg8[%get3A_170] {strides = array<i32>} : memref<8320xi32, #tpu.memory_space<vmem>>, vector<16xi32>,
      %get3A_172 = vector.shape_cast %get3A_171 : vector<16xi32> to vector<16xi32>
      %and3A_173 = arith.constant 65535 : i32
      %and3A_174 = vector.broadcast %and3A_173 : i32 to vector<16xi32>
      %and3A_175 = arith.andi %get3A_172, %and3A_174 : vector<16xi32>
      %swap3A_176 = arith.constant 64 : index
      %swap3A_177 = tpu.vector_load %arg10[%swap3A_176] {strides = array<i32>} : memref<80xi32, #tpu.memory_space<vmem>>, vector<16xi32>,
      %swap3A_178 = vector.shape_cast %swap3A_177 : vector<16xi32> to vector<16xi32>
      %swap3A_179 = vector.shape_cast %and3A_175 : vector<16xi32> to vector<16xi32>
      tpu.vector_store %arg10[%swap3A_176], %swap3A_179 {strides = array<i32>} : memref<80xi32, #tpu.memory_space<vmem>>, vector<16xi32>,
      %dma_start3A_180 = arith.constant 0 : i32
      %dma_start3A_181 = arith.constant 0 : i32
      %dma_start3A_182 = tpu.memref_slice %arg3[%select_n3A_28, %dma_start3A_180, %dma_start3A_181] : memref<4x1024x128xf32, #tpu.memory_space<hbm>> -> memref<1x1024x128xf32, #tpu.memory_space<hbm>>
      %dma_start3A_183 = tpu.memref_squeeze %dma_start3A_182 : memref<1x1024x128xf32, #tpu.memory_space<hbm>> -> memref<1024x128xf32, #tpu.memory_space<hbm>>
      %dma_start3A_184 = arith.constant 0 : i32
      %dma_start3A_185 = arith.constant 0 : i32
      %dma_start3A_186 = tpu.memref_slice %dma_start3A_183[%dma_start3A_184, %dma_start3A_185] : memref<1024x128xf32, #tpu.memory_space<hbm>> -> memref<1024x128xf32, #tpu.memory_space<hbm>>
      tpu.enqueue_indirect_dma source(%dma_start3A_186 : memref<1024x128xf32, #tpu.memory_space<hbm>>) target(%arg12 : memref<80x128xf32, #tpu.memory_space<vmem>>) offsets(%arg10 : memref<80xi32, #tpu.memory_space<vmem>>) semaphore(%arg17 : memref<!tpu.dma_semaphore, #tpu.memory_space<semaphore_mem>>)
      %dma_wait3A_187 = arith.constant 0 : i32
      %dma_wait3A_188 = arith.constant 0 : i32
      %dma_wait3A_189 = tpu.memref_slice %arg3[%select_n3A_28, %dma_wait3A_187, %dma_wait3A_188] : memref<4x1024x128xf32, #tpu.memory_space<hbm>> -> memref<1x1024x128xf32, #tpu.memory_space<hbm>>
      %dma_wait3A_190 = tpu.memref_squeeze %dma_wait3A_189 : memref<1x1024x128xf32, #tpu.memory_space<hbm>> -> memref<1024x128xf32, #tpu.memory_space<hbm>>
      %dma_wait3A_191 = arith.constant 0 : i32
      %dma_wait3A_192 = arith.constant 0 : i32
      %dma_wait3A_193 = tpu.memref_slice %dma_wait3A_190[%dma_wait3A_191, %dma_wait3A_192] : memref<1024x128xf32, #tpu.memory_space<hbm>> -> memref<1024x128xf32, #tpu.memory_space<hbm>>
      tpu.wait_indirect_dma semaphore(%arg16 : memref<!tpu.dma_semaphore, #tpu.memory_space<semaphore_mem>>) src(%dma_wait3A_193 : memref<1024x128xf32, #tpu.memory_space<hbm>>) dst(%arg11 : memref<80x128xf32, #tpu.memory_space<vmem>>)
      %scan3A_194 = arith.constant 0 : i32
      %scan3A_195 = arith.constant 0 : i32
      %scan3A_196 = arith.constant 5 : i32
      %scan3A_197 = arith.addi %scan3A_195, %scan3A_196 : i32
      %scan3A_198 = arith.constant 1 : i32
      scf.for %scan3A_299 = %scan3A_195 to %scan3A_197 step %scan3A_198  : i32 {
        %mul3A_300 = arith.constant 16 : i32
        %mul3A_301 = arith.muli %scan3A_299, %mul3A_300 : i32
        %mul3A_302 = arith.constant 80 : i32
        %mul3A_303 = arith.muli %mul3A_107, %mul3A_302 : i32
        %add3A_304 = arith.addi %mul3A_303, %mul3A_301 : i32
        %get3A_305 = arith.index_cast %add3A_304 : i32 to index
        %get3A_306 = tpu.vector_load %arg8[%get3A_305] {strides = array<i32>} : memref<8320xi32, #tpu.memory_space<vmem>>, vector<16xi32>,
        %get3A_307 = vector.shape_cast %get3A_306 : vector<16xi32> to vector<16xi32>
        %shift_right_arithmetic3A = arith.constant 16 : i32
        %shift_right_arithmetic3A_308 = vector.broadcast %shift_right_arithmetic3A : i32 to vector<16xi32>
        %shift_right_arithmetic3A_309 = arith.shrsi %get3A_307, %shift_right_arithmetic3A_308 : vector<16xi32>
        %mul3A_310 = arith.constant 16 : i32
        %mul3A_311 = vector.broadcast %mul3A_310 : i32 to vector<16xi32>
        %mul3A_312 = arith.muli %shift_right_arithmetic3A_309, %mul3A_311 : vector<16xi32>
        %mul3A_313 = arith.constant 64 : i32
        %mul3A_314 = vector.broadcast %mul3A_313 : i32 to vector<16xi32>
        %mul3A_315 = arith.muli %shift_right_arithmetic3A_309, %mul3A_314 : vector<16xi32>
        %add3A_316 = arith.constant 0 : i32
        %add3A_317 = arith.addi %mul3A_301, %add3A_316 : i32
        %get3A_318 = arith.index_cast %add3A_317 : i32 to index
        %get3A_319 = arith.constant 64 : index
        %get3A_320 = tpu.vector_load %arg11[%get3A_318, %get3A_319] {strides = array<i32>} : memref<80x128xf32, #tpu.memory_space<vmem>>, vector<1x16xf32>,
        %get3A_321 = vector.shape_cast %get3A_320 : vector<1x16xf32> to vector<16xf32>
        %slice3A = vector.extract_strided_slice %mul3A_312 {offsets = [0], sizes = [1], strides = [1]} : vector<16xi32> to vector<1xi32>
        %squeeze3A = vector.extract %slice3A[0] : i32 from vector<1xi32>
        %get3A_322 = arith.index_cast %squeeze3A : i32 to index
        %get3A_323 = tpu.vector_load %arg13[%get3A_322] {strides = array<i32>} : memref<16384xf32, #tpu.memory_space<vmem>>, vector<16xf32>,
        %get3A_324 = vector.shape_cast %get3A_323 : vector<16xf32> to vector<16xf32>
        %add3A_325 = arith.addf %get3A_321, %get3A_324 : vector<16xf32>
        %mul3A_326 = arith.constant 2.000000e-01 : f32
        %mul3A_327 = vector.broadcast %mul3A_326 : f32 to vector<16xf32>
        %mul3A_328 = arith.mulf %mul3A_327, %add3A_325 : vector<16xf32>
        %max3A = arith.maximumf %add3A_325, %mul3A_328 : vector<16xf32>
        %exp3A = math.exp %max3A : vector<16xf32>
        %slice3A_329 = vector.extract_strided_slice %mul3A_312 {offsets = [0], sizes = [1], strides = [1]} : vector<16xi32> to vector<1xi32>
        %squeeze3A_330 = vector.extract %slice3A_329[0] : i32 from vector<1xi32>
        %swap3A_331 = arith.index_cast %squeeze3A_330 : i32 to index
        %swap3A_332 = tpu.vector_load %arg15[%swap3A_331] {strides = array<i32>} : memref<16384xf32, #tpu.memory_space<vmem>>, vector<16xf32>,
        %swap3A_333 = vector.shape_cast %swap3A_332 : vector<16xf32> to vector<16xf32>
        %swap3A_334 = vector.shape_cast %exp3A : vector<16xf32> to vector<16xf32>
        tpu.vector_store %arg15[%swap3A_331], %swap3A_334 {add = true, strides = array<i32>} : memref<16384xf32, #tpu.memory_space<vmem>>, vector<16xf32>,
        %lt3A_335 = arith.constant 0 : i32
        %lt3A_336 = vector.broadcast %lt3A_335 : i32 to vector<16xi32>
        %lt3A_337 = arith.cmpi slt, %broadcast_in_dim3A, %lt3A_336 : vector<16xi32>
        %add3A_338 = arith.constant 16 : i32
        %add3A_339 = vector.broadcast %add3A_338 : i32 to vector<16xi32>
        %add3A_340 = arith.addi %broadcast_in_dim3A, %add3A_339 : vector<16xi32>
        %select_n3A_341 = arith.select %lt3A_337, %add3A_340, %broadcast_in_dim3A : vector<16xi1>, vector<16xi32>
        %broadcast_in_dim3A_342 = vector.shape_cast %select_n3A_341 : vector<16xi32> to vector<16x1xi32>
        %gather3A = vector.shape_cast %broadcast_in_dim3A_342 : vector<16x1xi32> to vector<16xi32>
        %gather3A_343 = tpu.dynamic_gather %exp3A[%gather3A] in [0] : vector<16xf32>, vector<16xi32> -> vector<16xf32>
        %lt3A_344 = arith.constant 0 : i32
        %lt3A_345 = vector.broadcast %lt3A_344 : i32 to vector<16xi32>
        %lt3A_346 = arith.cmpi slt, %broadcast_in_dim3A_39, %lt3A_345 : vector<16xi32>
        %add3A_347 = arith.constant 16 : i32
        %add3A_348 = vector.broadcast %add3A_347 : i32 to vector<16xi32>
        %add3A_349 = arith.addi %broadcast_in_dim3A_39, %add3A_348 : vector<16xi32>
        %select_n3A_350 = arith.select %lt3A_346, %add3A_349, %broadcast_in_dim3A_39 : vector<16xi1>, vector<16xi32>
        %broadcast_in_dim3A_351 = vector.shape_cast %select_n3A_350 : vector<16xi32> to vector<16x1xi32>
        %gather3A_352 = vector.shape_cast %broadcast_in_dim3A_351 : vector<16x1xi32> to vector<16xi32>
        %gather3A_353 = tpu.dynamic_gather %exp3A[%gather3A_352] in [0] : vector<16xf32>, vector<16xi32> -> vector<16xf32>
        %slice3A_354 = vector.extract_strided_slice %mul3A_315 {offsets = [0], sizes = [1], strides = [1]} : vector<16xi32> to vector<1xi32>
        %squeeze3A_355 = vector.extract %slice3A_354[0] : i32 from vector<1xi32>
        %get3A_356 = arith.index_cast %add3A_317 : i32 to index
        %get3A_357 = arith.constant 0 : index
        %get3A_358 = tpu.vector_load %arg11[%get3A_356, %get3A_357] {strides = array<i32>} : memref<80x128xf32, #tpu.memory_space<vmem>>, vector<1x16xf32>,
        %get3A_359 = vector.shape_cast %get3A_358 : vector<1x16xf32> to vector<16xf32>
        %mul3A_360 = arith.mulf %get3A_359, %gather3A_343 : vector<16xf32>
        %swap3A_361 = arith.index_cast %squeeze3A_355 : i32 to index
        %swap3A_362 = tpu.vector_load %arg14[%swap3A_361] {strides = array<i32>} : memref<65536xf32, #tpu.memory_space<vmem>>, vector<16xf32>,
        %swap3A_363 = vector.shape_cast %swap3A_362 : vector<16xf32> to vector<16xf32>
        %swap3A_364 = vector.shape_cast %mul3A_360 : vector<16xf32> to vector<16xf32>
        tpu.vector_store %arg14[%swap3A_361], %swap3A_364 {add = true, strides = array<i32>} : memref<65536xf32, #tpu.memory_space<vmem>>, vector<16xf32>,
        %add3A_365 = arith.constant 16 : i32
        %add3A_366 = arith.addi %squeeze3A_355, %add3A_365 : i32
        %get3A_367 = arith.index_cast %add3A_317 : i32 to index
        %get3A_368 = arith.constant 16 : index
        %get3A_369 = tpu.vector_load %arg11[%get3A_367, %get3A_368] {strides = array<i32>} : memref<80x128xf32, #tpu.memory_space<vmem>>, vector<1x16xf32>,
        %get3A_370 = vector.shape_cast %get3A_369 : vector<1x16xf32> to vector<16xf32>
        %mul3A_371 = arith.mulf %get3A_370, %gather3A_343 : vector<16xf32>
        %swap3A_372 = arith.index_cast %add3A_366 : i32 to index
        %swap3A_373 = tpu.vector_load %arg14[%swap3A_372] {strides = array<i32>} : memref<65536xf32, #tpu.memory_space<vmem>>, vector<16xf32>,
        %swap3A_374 = vector.shape_cast %swap3A_373 : vector<16xf32> to vector<16xf32>
        %swap3A_375 = vector.shape_cast %mul3A_371 : vector<16xf32> to vector<16xf32>
        tpu.vector_store %arg14[%swap3A_372], %swap3A_375 {add = true, strides = array<i32>} : memref<65536xf32, #tpu.memory_space<vmem>>, vector<16xf32>,
        %add3A_376 = arith.constant 32 : i32
        %add3A_377 = arith.addi %squeeze3A_355, %add3A_376 : i32
        %get3A_378 = arith.index_cast %add3A_317 : i32 to index
        %get3A_379 = arith.constant 32 : index
        %get3A_380 = tpu.vector_load %arg11[%get3A_378, %get3A_379] {strides = array<i32>} : memref<80x128xf32, #tpu.memory_space<vmem>>, vector<1x16xf32>,
        %get3A_381 = vector.shape_cast %get3A_380 : vector<1x16xf32> to vector<16xf32>
        %mul3A_382 = arith.mulf %get3A_381, %gather3A_353 : vector<16xf32>
        %swap3A_383 = arith.index_cast %add3A_377 : i32 to index
        %swap3A_384 = tpu.vector_load %arg14[%swap3A_383] {strides = array<i32>} : memref<65536xf32, #tpu.memory_space<vmem>>, vector<16xf32>,
        %swap3A_385 = vector.shape_cast %swap3A_384 : vector<16xf32> to vector<16xf32>
        %swap3A_386 = vector.shape_cast %mul3A_382 : vector<16xf32> to vector<16xf32>
        tpu.vector_store %arg14[%swap3A_383], %swap3A_386 {add = true, strides = array<i32>} : memref<65536xf32, #tpu.memory_space<vmem>>, vector<16xf32>,
        %add3A_387 = arith.constant 48 : i32
        %add3A_388 = arith.addi %squeeze3A_355, %add3A_387 : i32
        %get3A_389 = arith.index_cast %add3A_317 : i32 to index
        %get3A_390 = arith.constant 48 : index
        %get3A_391 = tpu.vector_load %arg11[%get3A_389, %get3A_390] {strides = array<i32>} : memref<80x128xf32, #tpu.memory_space<vmem>>, vector<1x16xf32>,
        %get3A_392 = vector.shape_cast %get3A_391 : vector<1x16xf32> to vector<16xf32>
        %mul3A_393 = arith.mulf %get3A_392, %gather3A_353 : vector<16xf32>
        %swap3A_394 = arith.index_cast %add3A_388 : i32 to index
        %swap3A_395 = tpu.vector_load %arg14[%swap3A_394] {strides = array<i32>} : memref<65536xf32, #tpu.memory_space<vmem>>, vector<16xf32>,
        %swap3A_396 = vector.shape_cast %swap3A_395 : vector<16xf32> to vector<16xf32>
        %swap3A_397 = vector.shape_cast %mul3A_393 : vector<16xf32> to vector<16xf32>
        tpu.vector_store %arg14[%swap3A_394], %swap3A_397 {add = true, strides = array<i32>} : memref<65536xf32, #tpu.memory_space<vmem>>, vector<16xf32>,
        %add3A_398 = arith.constant 1 : i32
        %add3A_399 = arith.addi %mul3A_301, %add3A_398 : i32
        %get3A_400 = arith.index_cast %add3A_399 : i32 to index
        %get3A_401 = arith.constant 64 : index
        %get3A_402 = tpu.vector_load %arg11[%get3A_400, %get3A_401] {strides = array<i32>} : memref<80x128xf32, #tpu.memory_space<vmem>>, vector<1x16xf32>,
        %get3A_403 = vector.shape_cast %get3A_402 : vector<1x16xf32> to vector<16xf32>
        %slice3A_404 = vector.extract_strided_slice %mul3A_312 {offsets = [1], sizes = [1], strides = [1]} : vector<16xi32> to vector<1xi32>
        %squeeze3A_405 = vector.extract %slice3A_404[0] : i32 from vector<1xi32>
        %get3A_406 = arith.index_cast %squeeze3A_405 : i32 to index
        %get3A_407 = tpu.vector_load %arg13[%get3A_406] {strides = array<i32>} : memref<16384xf32, #tpu.memory_space<vmem>>, vector<16xf32>,
        %get3A_408 = vector.shape_cast %get3A_407 : vector<16xf32> to vector<16xf32>
        %add3A_409 = arith.addf %get3A_403, %get3A_408 : vector<16xf32>
        %mul3A_410 = arith.constant 2.000000e-01 : f32
        %mul3A_411 = vector.broadcast %mul3A_410 : f32 to vector<16xf32>
        %mul3A_412 = arith.mulf %mul3A_411, %add3A_409 : vector<16xf32>
        %max3A_413 = arith.maximumf %add3A_409, %mul3A_412 : vector<16xf32>
        %exp3A_414 = math.exp %max3A_413 : vector<16xf32>
        %slice3A_415 = vector.extract_strided_slice %mul3A_312 {offsets = [1], sizes = [1], strides = [1]} : vector<16xi32> to vector<1xi32>
        %squeeze3A_416 = vector.extract %slice3A_415[0] : i32 from vector<1xi32>
        %swap3A_417 = arith.index_cast %squeeze3A_416 : i32 to index
        %swap3A_418 = tpu.vector_load %arg15[%swap3A_417] {strides = array<i32>} : memref<16384xf32, #tpu.memory_space<vmem>>, vector<16xf32>,
        %swap3A_419 = vector.shape_cast %swap3A_418 : vector<16xf32> to vector<16xf32>
        %swap3A_420 = vector.shape_cast %exp3A_414 : vector<16xf32> to vector<16xf32>
        tpu.vector_store %arg15[%swap3A_417], %swap3A_420 {add = true, strides = array<i32>} : memref<16384xf32, #tpu.memory_space<vmem>>, vector<16xf32>,
        %lt3A_421 = arith.constant 0 : i32
        %lt3A_422 = vector.broadcast %lt3A_421 : i32 to vector<16xi32>
        %lt3A_423 = arith.cmpi slt, %broadcast_in_dim3A, %lt3A_422 : vector<16xi32>
        %add3A_424 = arith.constant 16 : i32
        %add3A_425 = vector.broadcast %add3A_424 : i32 to vector<16xi32>
        %add3A_426 = arith.addi %broadcast_in_dim3A, %add3A_425 : vector<16xi32>
        %select_n3A_427 = arith.select %lt3A_423, %add3A_426, %broadcast_in_dim3A : vector<16xi1>, vector<16xi32>
        %broadcast_in_dim3A_428 = vector.shape_cast %select_n3A_427 : vector<16xi32> to vector<16x1xi32>
        %gather3A_429 = vector.shape_cast %broadcast_in_dim3A_428 : vector<16x1xi32> to vector<16xi32>
        %gather3A_430 = tpu.dynamic_gather %exp3A_414[%gather3A_429] in [0] : vector<16xf32>, vector<16xi32> -> vector<16xf32>
        %lt3A_431 = arith.constant 0 : i32
        %lt3A_432 = vector.broadcast %lt3A_431 : i32 to vector<16xi32>
        %lt3A_433 = arith.cmpi slt, %broadcast_in_dim3A_39, %lt3A_432 : vector<16xi32>
        %add3A_434 = arith.constant 16 : i32
        %add3A_435 = vector.broadcast %add3A_434 : i32 to vector<16xi32>
        %add3A_436 = arith.addi %broadcast_in_dim3A_39, %add3A_435 : vector<16xi32>
        %select_n3A_437 = arith.select %lt3A_433, %add3A_436, %broadcast_in_dim3A_39 : vector<16xi1>, vector<16xi32>
        %broadcast_in_dim3A_438 = vector.shape_cast %select_n3A_437 : vector<16xi32> to vector<16x1xi32>
        %gather3A_439 = vector.shape_cast %broadcast_in_dim3A_438 : vector<16x1xi32> to vector<16xi32>
        %gather3A_440 = tpu.dynamic_gather %exp3A_414[%gather3A_439] in [0] : vector<16xf32>, vector<16xi32> -> vector<16xf32>
        %slice3A_441 = vector.extract_strided_slice %mul3A_315 {offsets = [1], sizes = [1], strides = [1]} : vector<16xi32> to vector<1xi32>
        %squeeze3A_442 = vector.extract %slice3A_441[0] : i32 from vector<1xi32>
        %get3A_443 = arith.index_cast %add3A_399 : i32 to index
        %get3A_444 = arith.constant 0 : index
        %get3A_445 = tpu.vector_load %arg11[%get3A_443, %get3A_444] {strides = array<i32>} : memref<80x128xf32, #tpu.memory_space<vmem>>, vector<1x16xf32>,
        %get3A_446 = vector.shape_cast %get3A_445 : vector<1x16xf32> to vector<16xf32>
        %mul3A_447 = arith.mulf %get3A_446, %gather3A_430 : vector<16xf32>
        %swap3A_448 = arith.index_cast %squeeze3A_442 : i32 to index
        %swap3A_449 = tpu.vector_load %arg14[%swap3A_448] {strides = array<i32>} : memref<65536xf32, #tpu.memory_space<vmem>>, vector<16xf32>,
        %swap3A_450 = vector.shape_cast %swap3A_449 : vector<16xf32> to vector<16xf32>
        %swap3A_451 = vector.shape_cast %mul3A_447 : vector<16xf32> to vector<16xf32>
        tpu.vector_store %arg14[%swap3A_448], %swap3A_451 {add = true, strides = array<i32>} : memref<65536xf32, #tpu.memory_space<vmem>>, vector<16xf32>,
        %add3A_452 = arith.constant 16 : i32
        %add3A_453 = arith.addi %squeeze3A_442, %add3A_452 : i32
        %get3A_454 = arith.index_cast %add3A_399 : i32 to index
        %get3A_455 = arith.constant 16 : index
        %get3A_456 = tpu.vector_load %arg11[%get3A_454, %get3A_455] {strides = array<i32>} : memref<80x128xf32, #tpu.memory_space<vmem>>, vector<1x16xf32>,
        %get3A_457 = vector.shape_cast %get3A_456 : vector<1x16xf32> to vector<16xf32>
        %mul3A_458 = arith.mulf %get3A_457, %gather3A_430 : vector<16xf32>
        %swap3A_459 = arith.index_cast %add3A_453 : i32 to index
        %swap3A_460 = tpu.vector_load %arg14[%swap3A_459] {strides = array<i32>} : memref<65536xf32, #tpu.memory_space<vmem>>, vector<16xf32>,
        %swap3A_461 = vector.shape_cast %swap3A_460 : vector<16xf32> to vector<16xf32>
        %swap3A_462 = vector.shape_cast %mul3A_458 : vector<16xf32> to vector<16xf32>
        tpu.vector_store %arg14[%swap3A_459], %swap3A_462 {add = true, strides = array<i32>} : memref<65536xf32, #tpu.memory_space<vmem>>, vector<16xf32>,
        %add3A_463 = arith.constant 32 : i32
        %add3A_464 = arith.addi %squeeze3A_442, %add3A_463 : i32
        %get3A_465 = arith.index_cast %add3A_399 : i32 to index
        %get3A_466 = arith.constant 32 : index
        %get3A_467 = tpu.vector_load %arg11[%get3A_465, %get3A_466] {strides = array<i32>} : memref<80x128xf32, #tpu.memory_space<vmem>>, vector<1x16xf32>,
        %get3A_468 = vector.shape_cast %get3A_467 : vector<1x16xf32> to vector<16xf32>
        %mul3A_469 = arith.mulf %get3A_468, %gather3A_440 : vector<16xf32>
        %swap3A_470 = arith.index_cast %add3A_464 : i32 to index
        %swap3A_471 = tpu.vector_load %arg14[%swap3A_470] {strides = array<i32>} : memref<65536xf32, #tpu.memory_space<vmem>>, vector<16xf32>,
        %swap3A_472 = vector.shape_cast %swap3A_471 : vector<16xf32> to vector<16xf32>
        %swap3A_473 = vector.shape_cast %mul3A_469 : vector<16xf32> to vector<16xf32>
        tpu.vector_store %arg14[%swap3A_470], %swap3A_473 {add = true, strides = array<i32>} : memref<65536xf32, #tpu.memory_space<vmem>>, vector<16xf32>,
        %add3A_474 = arith.constant 48 : i32
        %add3A_475 = arith.addi %squeeze3A_442, %add3A_474 : i32
        %get3A_476 = arith.index_cast %add3A_399 : i32 to index
        %get3A_477 = arith.constant 48 : index
        %get3A_478 = tpu.vector_load %arg11[%get3A_476, %get3A_477] {strides = array<i32>} : memref<80x128xf32, #tpu.memory_space<vmem>>, vector<1x16xf32>,
        %get3A_479 = vector.shape_cast %get3A_478 : vector<1x16xf32> to vector<16xf32>
        %mul3A_480 = arith.mulf %get3A_479, %gather3A_440 : vector<16xf32>
        %swap3A_481 = arith.index_cast %add3A_475 : i32 to index
        %swap3A_482 = tpu.vector_load %arg14[%swap3A_481] {strides = array<i32>} : memref<65536xf32, #tpu.memory_space<vmem>>, vector<16xf32>,
        %swap3A_483 = vector.shape_cast %swap3A_482 : vector<16xf32> to vector<16xf32>
        %swap3A_484 = vector.shape_cast %mul3A_480 : vector<16xf32> to vector<16xf32>
        tpu.vector_store %arg14[%swap3A_481], %swap3A_484 {add = true, strides = array<i32>} : memref<65536xf32, #tpu.memory_space<vmem>>, vector<16xf32>,
        %add3A_485 = arith.constant 2 : i32
        %add3A_486 = arith.addi %mul3A_301, %add3A_485 : i32
        %get3A_487 = arith.index_cast %add3A_486 : i32 to index
        %get3A_488 = arith.constant 64 : index
        %get3A_489 = tpu.vector_load %arg11[%get3A_487, %get3A_488] {strides = array<i32>} : memref<80x128xf32, #tpu.memory_space<vmem>>, vector<1x16xf32>,
        %get3A_490 = vector.shape_cast %get3A_489 : vector<1x16xf32> to vector<16xf32>
        %slice3A_491 = vector.extract_strided_slice %mul3A_312 {offsets = [2], sizes = [1], strides = [1]} : vector<16xi32> to vector<1xi32>
        %squeeze3A_492 = vector.extract %slice3A_491[0] : i32 from vector<1xi32>
        %get3A_493 = arith.index_cast %squeeze3A_492 : i32 to index
        %get3A_494 = tpu.vector_load %arg13[%get3A_493] {strides = array<i32>} : memref<16384xf32, #tpu.memory_space<vmem>>, vector<16xf32>,
        %get3A_495 = vector.shape_cast %get3A_494 : vector<16xf32> to vector<16xf32>
        %add3A_496 = arith.addf %get3A_490, %get3A_495 : vector<16xf32>
        %mul3A_497 = arith.constant 2.000000e-01 : f32
        %mul3A_498 = vector.broadcast %mul3A_497 : f32 to vector<16xf32>
        %mul3A_499 = arith.mulf %mul3A_498, %add3A_496 : vector<16xf32>
        %max3A_500 = arith.maximumf %add3A_496, %mul3A_499 : vector<16xf32>
        %exp3A_501 = math.exp %max3A_500 : vector<16xf32>
        %slice3A_502 = vector.extract_strided_slice %mul3A_312 {offsets = [2], sizes = [1], strides = [1]} : vector<16xi32> to vector<1xi32>
        %squeeze3A_503 = vector.extract %slice3A_502[0] : i32 from vector<1xi32>
        %swap3A_504 = arith.index_cast %squeeze3A_503 : i32 to index
        %swap3A_505 = tpu.vector_load %arg15[%swap3A_504] {strides = array<i32>} : memref<16384xf32, #tpu.memory_space<vmem>>, vector<16xf32>,
        %swap3A_506 = vector.shape_cast %swap3A_505 : vector<16xf32> to vector<16xf32>
        %swap3A_507 = vector.shape_cast %exp3A_501 : vector<16xf32> to vector<16xf32>
        tpu.vector_store %arg15[%swap3A_504], %swap3A_507 {add = true, strides = array<i32>} : memref<16384xf32, #tpu.memory_space<vmem>>, vector<16xf32>,
        %lt3A_508 = arith.constant 0 : i32
        %lt3A_509 = vector.broadcast %lt3A_508 : i32 to vector<16xi32>
        %lt3A_510 = arith.cmpi slt, %broadcast_in_dim3A, %lt3A_509 : vector<16xi32>
        %add3A_511 = arith.constant 16 : i32
        %add3A_512 = vector.broadcast %add3A_511 : i32 to vector<16xi32>
        %add3A_513 = arith.addi %broadcast_in_dim3A, %add3A_512 : vector<16xi32>
        %select_n3A_514 = arith.select %lt3A_510, %add3A_513, %broadcast_in_dim3A : vector<16xi1>, vector<16xi32>
        %broadcast_in_dim3A_515 = vector.shape_cast %select_n3A_514 : vector<16xi32> to vector<16x1xi32>
        %gather3A_516 = vector.shape_cast %broadcast_in_dim3A_515 : vector<16x1xi32> to vector<16xi32>
        %gather3A_517 = tpu.dynamic_gather %exp3A_501[%gather3A_516] in [0] : vector<16xf32>, vector<16xi32> -> vector<16xf32>
        %lt3A_518 = arith.constant 0 : i32
        %lt3A_519 = vector.broadcast %lt3A_518 : i32 to vector<16xi32>
        %lt3A_520 = arith.cmpi slt, %broadcast_in_dim3A_39, %lt3A_519 : vector<16xi32>
        %add3A_521 = arith.constant 16 : i32
        %add3A_522 = vector.broadcast %add3A_521 : i32 to vector<16xi32>
        %add3A_523 = arith.addi %broadcast_in_dim3A_39, %add3A_522 : vector<16xi32>
        %select_n3A_524 = arith.select %lt3A_520, %add3A_523, %broadcast_in_dim3A_39 : vector<16xi1>, vector<16xi32>
        %broadcast_in_dim3A_525 = vector.shape_cast %select_n3A_524 : vector<16xi32> to vector<16x1xi32>
        %gather3A_526 = vector.shape_cast %broadcast_in_dim3A_525 : vector<16x1xi32> to vector<16xi32>
        %gather3A_527 = tpu.dynamic_gather %exp3A_501[%gather3A_526] in [0] : vector<16xf32>, vector<16xi32> -> vector<16xf32>
        %slice3A_528 = vector.extract_strided_slice %mul3A_315 {offsets = [2], sizes = [1], strides = [1]} : vector<16xi32> to vector<1xi32>
        %squeeze3A_529 = vector.extract %slice3A_528[0] : i32 from vector<1xi32>
        %get3A_530 = arith.index_cast %add3A_486 : i32 to index
        %get3A_531 = arith.constant 0 : index
        %get3A_532 = tpu.vector_load %arg11[%get3A_530, %get3A_531] {strides = array<i32>} : memref<80x128xf32, #tpu.memory_space<vmem>>, vector<1x16xf32>,
        %get3A_533 = vector.shape_cast %get3A_532 : vector<1x16xf32> to vector<16xf32>
        %mul3A_534 = arith.mulf %get3A_533, %gather3A_517 : vector<16xf32>
        %swap3A_535 = arith.index_cast %squeeze3A_529 : i32 to index
        %swap3A_536 = tpu.vector_load %arg14[%swap3A_535] {strides = array<i32>} : memref<65536xf32, #tpu.memory_space<vmem>>, vector<16xf32>,
        %swap3A_537 = vector.shape_cast %swap3A_536 : vector<16xf32> to vector<16xf32>
        %swap3A_538 = vector.shape_cast %mul3A_534 : vector<16xf32> to vector<16xf32>
        tpu.vector_store %arg14[%swap3A_535], %swap3A_538 {add = true, strides = array<i32>} : memref<65536xf32, #tpu.memory_space<vmem>>, vector<16xf32>,
        %add3A_539 = arith.constant 16 : i32
        %add3A_540 = arith.addi %squeeze3A_529, %add3A_539 : i32
        %get3A_541 = arith.index_cast %add3A_486 : i32 to index
        %get3A_542 = arith.constant 16 : index
        %get3A_543 = tpu.vector_load %arg11[%get3A_541, %get3A_542] {strides = array<i32>} : memref<80x128xf32, #tpu.memory_space<vmem>>, vector<1x16xf32>,
        %get3A_544 = vector.shape_cast %get3A_543 : vector<1x16xf32> to vector<16xf32>
        %mul3A_545 = arith.mulf %get3A_544, %gather3A_517 : vector<16xf32>
        %swap3A_546 = arith.index_cast %add3A_540 : i32 to index
        %swap3A_547 = tpu.vector_load %arg14[%swap3A_546] {strides = array<i32>} : memref<65536xf32, #tpu.memory_space<vmem>>, vector<16xf32>,
        %swap3A_548 = vector.shape_cast %swap3A_547 : vector<16xf32> to vector<16xf32>
        %swap3A_549 = vector.shape_cast %mul3A_545 : vector<16xf32> to vector<16xf32>
        tpu.vector_store %arg14[%swap3A_546], %swap3A_549 {add = true, strides = array<i32>} : memref<65536xf32, #tpu.memory_space<vmem>>, vector<16xf32>,
        %add3A_550 = arith.constant 32 : i32
        %add3A_551 = arith.addi %squeeze3A_529, %add3A_550 : i32
        %get3A_552 = arith.index_cast %add3A_486 : i32 to index
        %get3A_553 = arith.constant 32 : index
        %get3A_554 = tpu.vector_load %arg11[%get3A_552, %get3A_553] {strides = array<i32>} : memref<80x128xf32, #tpu.memory_space<vmem>>, vector<1x16xf32>,
        %get3A_555 = vector.shape_cast %get3A_554 : vector<1x16xf32> to vector<16xf32>
        %mul3A_556 = arith.mulf %get3A_555, %gather3A_527 : vector<16xf32>
        %swap3A_557 = arith.index_cast %add3A_551 : i32 to index
        %swap3A_558 = tpu.vector_load %arg14[%swap3A_557] {strides = array<i32>} : memref<65536xf32, #tpu.memory_space<vmem>>, vector<16xf32>,
        %swap3A_559 = vector.shape_cast %swap3A_558 : vector<16xf32> to vector<16xf32>
        %swap3A_560 = vector.shape_cast %mul3A_556 : vector<16xf32> to vector<16xf32>
        tpu.vector_store %arg14[%swap3A_557], %swap3A_560 {add = true, strides = array<i32>} : memref<65536xf32, #tpu.memory_space<vmem>>, vector<16xf32>,
        %add3A_561 = arith.constant 48 : i32
        %add3A_562 = arith.addi %squeeze3A_529, %add3A_561 : i32
        %get3A_563 = arith.index_cast %add3A_486 : i32 to index
        %get3A_564 = arith.constant 48 : index
        %get3A_565 = tpu.vector_load %arg11[%get3A_563, %get3A_564] {strides = array<i32>} : memref<80x128xf32, #tpu.memory_space<vmem>>, vector<1x16xf32>,
        %get3A_566 = vector.shape_cast %get3A_565 : vector<1x16xf32> to vector<16xf32>
        %mul3A_567 = arith.mulf %get3A_566, %gather3A_527 : vector<16xf32>
        %swap3A_568 = arith.index_cast %add3A_562 : i32 to index
        %swap3A_569 = tpu.vector_load %arg14[%swap3A_568] {strides = array<i32>} : memref<65536xf32, #tpu.memory_space<vmem>>, vector<16xf32>,
        %swap3A_570 = vector.shape_cast %swap3A_569 : vector<16xf32> to vector<16xf32>
        %swap3A_571 = vector.shape_cast %mul3A_567 : vector<16xf32> to vector<16xf32>
        tpu.vector_store %arg14[%swap3A_568], %swap3A_571 {add = true, strides = array<i32>} : memref<65536xf32, #tpu.memory_space<vmem>>, vector<16xf32>,
        %add3A_572 = arith.constant 3 : i32
        %add3A_573 = arith.addi %mul3A_301, %add3A_572 : i32
        %get3A_574 = arith.index_cast %add3A_573 : i32 to index
        %get3A_575 = arith.constant 64 : index
        %get3A_576 = tpu.vector_load %arg11[%get3A_574, %get3A_575] {strides = array<i32>} : memref<80x128xf32, #tpu.memory_space<vmem>>, vector<1x16xf32>,
        %get3A_577 = vector.shape_cast %get3A_576 : vector<1x16xf32> to vector<16xf32>
        %slice3A_578 = vector.extract_strided_slice %mul3A_312 {offsets = [3], sizes = [1], strides = [1]} : vector<16xi32> to vector<1xi32>
        %squeeze3A_579 = vector.extract %slice3A_578[0] : i32 from vector<1xi32>
        %get3A_580 = arith.index_cast %squeeze3A_579 : i32 to index
        %get3A_581 = tpu.vector_load %arg13[%get3A_580] {strides = array<i32>} : memref<16384xf32, #tpu.memory_space<vmem>>, vector<16xf32>,
        %get3A_582 = vector.shape_cast %get3A_581 : vector<16xf32> to vector<16xf32>
        %add3A_583 = arith.addf %get3A_577, %get3A_582 : vector<16xf32>
        %mul3A_584 = arith.constant 2.000000e-01 : f32
        %mul3A_585 = vector.broadcast %mul3A_584 : f32 to vector<16xf32>
        %mul3A_586 = arith.mulf %mul3A_585, %add3A_583 : vector<16xf32>
        %max3A_587 = arith.maximumf %add3A_583, %mul3A_586 : vector<16xf32>
        %exp3A_588 = math.exp %max3A_587 : vector<16xf32>
        %slice3A_589 = vector.extract_strided_slice %mul3A_312 {offsets = [3], sizes = [1], strides = [1]} : vector<16xi32> to vector<1xi32>
        %squeeze3A_590 = vector.extract %slice3A_589[0] : i32 from vector<1xi32>
        %swap3A_591 = arith.index_cast %squeeze3A_590 : i32 to index
        %swap3A_592 = tpu.vector_load %arg15[%swap3A_591] {strides = array<i32>} : memref<16384xf32, #tpu.memory_space<vmem>>, vector<16xf32>,
        %swap3A_593 = vector.shape_cast %swap3A_592 : vector<16xf32> to vector<16xf32>
        %swap3A_594 = vector.shape_cast %exp3A_588 : vector<16xf32> to vector<16xf32>
        tpu.vector_store %arg15[%swap3A_591], %swap3A_594 {add = true, strides = array<i32>} : memref<16384xf32, #tpu.memory_space<vmem>>, vector<16xf32>,
        %lt3A_595 = arith.constant 0 : i32
        %lt3A_596 = vector.broadcast %lt3A_595 : i32 to vector<16xi32>
        %lt3A_597 = arith.cmpi slt, %broadcast_in_dim3A, %lt3A_596 : vector<16xi32>
        %add3A_598 = arith.constant 16 : i32
        %add3A_599 = vector.broadcast %add3A_598 : i32 to vector<16xi32>
        %add3A_600 = arith.addi %broadcast_in_dim3A, %add3A_599 : vector<16xi32>
        %select_n3A_601 = arith.select %lt3A_597, %add3A_600, %broadcast_in_dim3A : vector<16xi1>, vector<16xi32>
        %broadcast_in_dim3A_602 = vector.shape_cast %select_n3A_601 : vector<16xi32> to vector<16x1xi32>
        %gather3A_603 = vector.shape_cast %broadcast_in_dim3A_602 : vector<16x1xi32> to vector<16xi32>
        %gather3A_604 = tpu.dynamic_gather %exp3A_588[%gather3A_603] in [0] : vector<16xf32>, vector<16xi32> -> vector<16xf32>
        %lt3A_605 = arith.constant 0 : i32
        %lt3A_606 = vector.broadcast %lt3A_605 : i32 to vector<16xi32>
        %lt3A_607 = arith.cmpi slt, %broadcast_in_dim3A_39, %lt3A_606 : vector<16xi32>
        %add3A_608 = arith.constant 16 : i32
        %add3A_609 = vector.broadcast %add3A_608 : i32 to vector<16xi32>
        %add3A_610 = arith.addi %broadcast_in_dim3A_39, %add3A_609 : vector<16xi32>
        %select_n3A_611 = arith.select %lt3A_607, %add3A_610, %broadcast_in_dim3A_39 : vector<16xi1>, vector<16xi32>
        %broadcast_in_dim3A_612 = vector.shape_cast %select_n3A_611 : vector<16xi32> to vector<16x1xi32>
        %gather3A_613 = vector.shape_cast %broadcast_in_dim3A_612 : vector<16x1xi32> to vector<16xi32>
        %gather3A_614 = tpu.dynamic_gather %exp3A_588[%gather3A_613] in [0] : vector<16xf32>, vector<16xi32> -> vector<16xf32>
        %slice3A_615 = vector.extract_strided_slice %mul3A_315 {offsets = [3], sizes = [1], strides = [1]} : vector<16xi32> to vector<1xi32>
        %squeeze3A_616 = vector.extract %slice3A_615[0] : i32 from vector<1xi32>
        %get3A_617 = arith.index_cast %add3A_573 : i32 to index
        %get3A_618 = arith.constant 0 : index
        %get3A_619 = tpu.vector_load %arg11[%get3A_617, %get3A_618] {strides = array<i32>} : memref<80x128xf32, #tpu.memory_space<vmem>>, vector<1x16xf32>,
        %get3A_620 = vector.shape_cast %get3A_619 : vector<1x16xf32> to vector<16xf32>
        %mul3A_621 = arith.mulf %get3A_620, %gather3A_604 : vector<16xf32>
        %swap3A_622 = arith.index_cast %squeeze3A_616 : i32 to index
        %swap3A_623 = tpu.vector_load %arg14[%swap3A_622] {strides = array<i32>} : memref<65536xf32, #tpu.memory_space<vmem>>, vector<16xf32>,
        %swap3A_624 = vector.shape_cast %swap3A_623 : vector<16xf32> to vector<16xf32>
        %swap3A_625 = vector.shape_cast %mul3A_621 : vector<16xf32> to vector<16xf32>
        tpu.vector_store %arg14[%swap3A_622], %swap3A_625 {add = true, strides = array<i32>} : memref<65536xf32, #tpu.memory_space<vmem>>, vector<16xf32>,
        %add3A_626 = arith.constant 16 : i32
        %add3A_627 = arith.addi %squeeze3A_616, %add3A_626 : i32
        %get3A_628 = arith.index_cast %add3A_573 : i32 to index
        %get3A_629 = arith.constant 16 : index
        %get3A_630 = tpu.vector_load %arg11[%get3A_628, %get3A_629] {strides = array<i32>} : memref<80x128xf32, #tpu.memory_space<vmem>>, vector<1x16xf32>,
        %get3A_631 = vector.shape_cast %get3A_630 : vector<1x16xf32> to vector<16xf32>
        %mul3A_632 = arith.mulf %get3A_631, %gather3A_604 : vector<16xf32>
        %swap3A_633 = arith.index_cast %add3A_627 : i32 to index
        %swap3A_634 = tpu.vector_load %arg14[%swap3A_633] {strides = array<i32>} : memref<65536xf32, #tpu.memory_space<vmem>>, vector<16xf32>,
        %swap3A_635 = vector.shape_cast %swap3A_634 : vector<16xf32> to vector<16xf32>
        %swap3A_636 = vector.shape_cast %mul3A_632 : vector<16xf32> to vector<16xf32>
        tpu.vector_store %arg14[%swap3A_633], %swap3A_636 {add = true, strides = array<i32>} : memref<65536xf32, #tpu.memory_space<vmem>>, vector<16xf32>,
        %add3A_637 = arith.constant 32 : i32
        %add3A_638 = arith.addi %squeeze3A_616, %add3A_637 : i32
        %get3A_639 = arith.index_cast %add3A_573 : i32 to index
        %get3A_640 = arith.constant 32 : index
        %get3A_641 = tpu.vector_load %arg11[%get3A_639, %get3A_640] {strides = array<i32>} : memref<80x128xf32, #tpu.memory_space<vmem>>, vector<1x16xf32>,
        %get3A_642 = vector.shape_cast %get3A_641 : vector<1x16xf32> to vector<16xf32>
        %mul3A_643 = arith.mulf %get3A_642, %gather3A_614 : vector<16xf32>
        %swap3A_644 = arith.index_cast %add3A_638 : i32 to index
        %swap3A_645 = tpu.vector_load %arg14[%swap3A_644] {strides = array<i32>} : memref<65536xf32, #tpu.memory_space<vmem>>, vector<16xf32>,
        %swap3A_646 = vector.shape_cast %swap3A_645 : vector<16xf32> to vector<16xf32>
        %swap3A_647 = vector.shape_cast %mul3A_643 : vector<16xf32> to vector<16xf32>
        tpu.vector_store %arg14[%swap3A_644], %swap3A_647 {add = true, strides = array<i32>} : memref<65536xf32, #tpu.memory_space<vmem>>, vector<16xf32>,
        %add3A_648 = arith.constant 48 : i32
        %add3A_649 = arith.addi %squeeze3A_616, %add3A_648 : i32
        %get3A_650 = arith.index_cast %add3A_573 : i32 to index
        %get3A_651 = arith.constant 48 : index
        %get3A_652 = tpu.vector_load %arg11[%get3A_650, %get3A_651] {strides = array<i32>} : memref<80x128xf32, #tpu.memory_space<vmem>>, vector<1x16xf32>,
        %get3A_653 = vector.shape_cast %get3A_652 : vector<1x16xf32> to vector<16xf32>
        %mul3A_654 = arith.mulf %get3A_653, %gather3A_614 : vector<16xf32>
        %swap3A_655 = arith.index_cast %add3A_649 : i32 to index
        %swap3A_656 = tpu.vector_load %arg14[%swap3A_655] {strides = array<i32>} : memref<65536xf32, #tpu.memory_space<vmem>>, vector<16xf32>,
        %swap3A_657 = vector.shape_cast %swap3A_656 : vector<16xf32> to vector<16xf32>
        %swap3A_658 = vector.shape_cast %mul3A_654 : vector<16xf32> to vector<16xf32>
        tpu.vector_store %arg14[%swap3A_655], %swap3A_658 {add = true, strides = array<i32>} : memref<65536xf32, #tpu.memory_space<vmem>>, vector<16xf32>,
        %add3A_659 = arith.constant 4 : i32
        %add3A_660 = arith.addi %mul3A_301, %add3A_659 : i32
        %get3A_661 = arith.index_cast %add3A_660 : i32 to index
        %get3A_662 = arith.constant 64 : index
        %get3A_663 = tpu.vector_load %arg11[%get3A_661, %get3A_662] {strides = array<i32>} : memref<80x128xf32, #tpu.memory_space<vmem>>, vector<1x16xf32>,
        %get3A_664 = vector.shape_cast %get3A_663 : vector<1x16xf32> to vector<16xf32>
        %slice3A_665 = vector.extract_strided_slice %mul3A_312 {offsets = [4], sizes = [1], strides = [1]} : vector<16xi32> to vector<1xi32>
        %squeeze3A_666 = vector.extract %slice3A_665[0] : i32 from vector<1xi32>
        %get3A_667 = arith.index_cast %squeeze3A_666 : i32 to index
        %get3A_668 = tpu.vector_load %arg13[%get3A_667] {strides = array<i32>} : memref<16384xf32, #tpu.memory_space<vmem>>, vector<16xf32>,
        %get3A_669 = vector.shape_cast %get3A_668 : vector<16xf32> to vector<16xf32>
        %add3A_670 = arith.addf %get3A_664, %get3A_669 : vector<16xf32>
        %mul3A_671 = arith.constant 2.000000e-01 : f32
        %mul3A_672 = vector.broadcast %mul3A_671 : f32 to vector<16xf32>
        %mul3A_673 = arith.mulf %mul3A_672, %add3A_670 : vector<16xf32>
        %max3A_674 = arith.maximumf %add3A_670, %mul3A_673 : vector<16xf32>
        %exp3A_675 = math.exp %max3A_674 : vector<16xf32>
        %slice3A_676 = vector.extract_strided_slice %mul3A_312 {offsets = [4], sizes = [1], strides = [1]} : vector<16xi32> to vector<1xi32>
        %squeeze3A_677 = vector.extract %slice3A_676[0] : i32 from vector<1xi32>
        %swap3A_678 = arith.index_cast %squeeze3A_677 : i32 to index
        %swap3A_679 = tpu.vector_load %arg15[%swap3A_678] {strides = array<i32>} : memref<16384xf32, #tpu.memory_space<vmem>>, vector<16xf32>,
        %swap3A_680 = vector.shape_cast %swap3A_679 : vector<16xf32> to vector<16xf32>
        %swap3A_681 = vector.shape_cast %exp3A_675 : vector<16xf32> to vector<16xf32>
        tpu.vector_store %arg15[%swap3A_678], %swap3A_681 {add = true, strides = array<i32>} : memref<16384xf32, #tpu.memory_space<vmem>>, vector<16xf32>,
        %lt3A_682 = arith.constant 0 : i32
        %lt3A_683 = vector.broadcast %lt3A_682 : i32 to vector<16xi32>
        %lt3A_684 = arith.cmpi slt, %broadcast_in_dim3A, %lt3A_683 : vector<16xi32>
        %add3A_685 = arith.constant 16 : i32
        %add3A_686 = vector.broadcast %add3A_685 : i32 to vector<16xi32>
        %add3A_687 = arith.addi %broadcast_in_dim3A, %add3A_686 : vector<16xi32>
        %select_n3A_688 = arith.select %lt3A_684, %add3A_687, %broadcast_in_dim3A : vector<16xi1>, vector<16xi32>
        %broadcast_in_dim3A_689 = vector.shape_cast %select_n3A_688 : vector<16xi32> to vector<16x1xi32>
        %gather3A_690 = vector.shape_cast %broadcast_in_dim3A_689 : vector<16x1xi32> to vector<16xi32>
        %gather3A_691 = tpu.dynamic_gather %exp3A_675[%gather3A_690] in [0] : vector<16xf32>, vector<16xi32> -> vector<16xf32>
        %lt3A_692 = arith.constant 0 : i32
        %lt3A_693 = vector.broadcast %lt3A_692 : i32 to vector<16xi32>
        %lt3A_694 = arith.cmpi slt, %broadcast_in_dim3A_39, %lt3A_693 : vector<16xi32>
        %add3A_695 = arith.constant 16 : i32
        %add3A_696 = vector.broadcast %add3A_695 : i32 to vector<16xi32>
        %add3A_697 = arith.addi %broadcast_in_dim3A_39, %add3A_696 : vector<16xi32>
        %select_n3A_698 = arith.select %lt3A_694, %add3A_697, %broadcast_in_dim3A_39 : vector<16xi1>, vector<16xi32>
        %broadcast_in_dim3A_699 = vector.shape_cast %select_n3A_698 : vector<16xi32> to vector<16x1xi32>
        %gather3A_700 = vector.shape_cast %broadcast_in_dim3A_699 : vector<16x1xi32> to vector<16xi32>
        %gather3A_701 = tpu.dynamic_gather %exp3A_675[%gather3A_700] in [0] : vector<16xf32>, vector<16xi32> -> vector<16xf32>
        %slice3A_702 = vector.extract_strided_slice %mul3A_315 {offsets = [4], sizes = [1], strides = [1]} : vector<16xi32> to vector<1xi32>
        %squeeze3A_703 = vector.extract %slice3A_702[0] : i32 from vector<1xi32>
        %get3A_704 = arith.index_cast %add3A_660 : i32 to index
        %get3A_705 = arith.constant 0 : index
        %get3A_706 = tpu.vector_load %arg11[%get3A_704, %get3A_705] {strides = array<i32>} : memref<80x128xf32, #tpu.memory_space<vmem>>, vector<1x16xf32>,
        %get3A_707 = vector.shape_cast %get3A_706 : vector<1x16xf32> to vector<16xf32>
        %mul3A_708 = arith.mulf %get3A_707, %gather3A_691 : vector<16xf32>
        %swap3A_709 = arith.index_cast %squeeze3A_703 : i32 to index
        %swap3A_710 = tpu.vector_load %arg14[%swap3A_709] {strides = array<i32>} : memref<65536xf32, #tpu.memory_space<vmem>>, vector<16xf32>,
        %swap3A_711 = vector.shape_cast %swap3A_710 : vector<16xf32> to vector<16xf32>
        %swap3A_712 = vector.shape_cast %mul3A_708 : vector<16xf32> to vector<16xf32>
        tpu.vector_store %arg14[%swap3A_709], %swap3A_712 {add = true, strides = array<i32>} : memref<65536xf32, #tpu.memory_space<vmem>>, vector<16xf32>,
        %add3A_713 = arith.constant 16 : i32
        %add3A_714 = arith.addi %squeeze3A_703, %add3A_713 : i32
        %get3A_715 = arith.index_cast %add3A_660 : i32 to index
        %get3A_716 = arith.constant 16 : index
        %get3A_717 = tpu.vector_load %arg11[%get3A_715, %get3A_716] {strides = array<i32>} : memref<80x128xf32, #tpu.memory_space<vmem>>, vector<1x16xf32>,
        %get3A_718 = vector.shape_cast %get3A_717 : vector<1x16xf32> to vector<16xf32>
        %mul3A_719 = arith.mulf %get3A_718, %gather3A_691 : vector<16xf32>
        %swap3A_720 = arith.index_cast %add3A_714 : i32 to index
        %swap3A_721 = tpu.vector_load %arg14[%swap3A_720] {strides = array<i32>} : memref<65536xf32, #tpu.memory_space<vmem>>, vector<16xf32>,
        %swap3A_722 = vector.shape_cast %swap3A_721 : vector<16xf32> to vector<16xf32>
        %swap3A_723 = vector.shape_cast %mul3A_719 : vector<16xf32> to vector<16xf32>
        tpu.vector_store %arg14[%swap3A_720], %swap3A_723 {add = true, strides = array<i32>} : memref<65536xf32, #tpu.memory_space<vmem>>, vector<16xf32>,
        %add3A_724 = arith.constant 32 : i32
        %add3A_725 = arith.addi %squeeze3A_703, %add3A_724 : i32
        %get3A_726 = arith.index_cast %add3A_660 : i32 to index
        %get3A_727 = arith.constant 32 : index
        %get3A_728 = tpu.vector_load %arg11[%get3A_726, %get3A_727] {strides = array<i32>} : memref<80x128xf32, #tpu.memory_space<vmem>>, vector<1x16xf32>,
        %get3A_729 = vector.shape_cast %get3A_728 : vector<1x16xf32> to vector<16xf32>
        %mul3A_730 = arith.mulf %get3A_729, %gather3A_701 : vector<16xf32>
        %swap3A_731 = arith.index_cast %add3A_725 : i32 to index
        %swap3A_732 = tpu.vector_load %arg14[%swap3A_731] {strides = array<i32>} : memref<65536xf32, #tpu.memory_space<vmem>>, vector<16xf32>,
        %swap3A_733 = vector.shape_cast %swap3A_732 : vector<16xf32> to vector<16xf32>
        %swap3A_734 = vector.shape_cast %mul3A_730 : vector<16xf32> to vector<16xf32>
        tpu.vector_store %arg14[%swap3A_731], %swap3A_734 {add = true, strides = array<i32>} : memref<65536xf32, #tpu.memory_space<vmem>>, vector<16xf32>,
        %add3A_735 = arith.constant 48 : i32
        %add3A_736 = arith.addi %squeeze3A_703, %add3A_735 : i32
        %get3A_737 = arith.index_cast %add3A_660 : i32 to index
        %get3A_738 = arith.constant 48 : index
        %get3A_739 = tpu.vector_load %arg11[%get3A_737, %get3A_738] {strides = array<i32>} : memref<80x128xf32, #tpu.memory_space<vmem>>, vector<1x16xf32>,
        %get3A_740 = vector.shape_cast %get3A_739 : vector<1x16xf32> to vector<16xf32>
        %mul3A_741 = arith.mulf %get3A_740, %gather3A_701 : vector<16xf32>
        %swap3A_742 = arith.index_cast %add3A_736 : i32 to index
        %swap3A_743 = tpu.vector_load %arg14[%swap3A_742] {strides = array<i32>} : memref<65536xf32, #tpu.memory_space<vmem>>, vector<16xf32>,
        %swap3A_744 = vector.shape_cast %swap3A_743 : vector<16xf32> to vector<16xf32>
        %swap3A_745 = vector.shape_cast %mul3A_741 : vector<16xf32> to vector<16xf32>
        tpu.vector_store %arg14[%swap3A_742], %swap3A_745 {add = true, strides = array<i32>} : memref<65536xf32, #tpu.memory_space<vmem>>, vector<16xf32>,
        %add3A_746 = arith.constant 5 : i32
        %add3A_747 = arith.addi %mul3A_301, %add3A_746 : i32
        %get3A_748 = arith.index_cast %add3A_747 : i32 to index
        %get3A_749 = arith.constant 64 : index
        %get3A_750 = tpu.vector_load %arg11[%get3A_748, %get3A_749] {strides = array<i32>} : memref<80x128xf32, #tpu.memory_space<vmem>>, vector<1x16xf32>,
        %get3A_751 = vector.shape_cast %get3A_750 : vector<1x16xf32> to vector<16xf32>
        %slice3A_752 = vector.extract_strided_slice %mul3A_312 {offsets = [5], sizes = [1], strides = [1]} : vector<16xi32> to vector<1xi32>
        %squeeze3A_753 = vector.extract %slice3A_752[0] : i32 from vector<1xi32>
        %get3A_754 = arith.index_cast %squeeze3A_753 : i32 to index
        %get3A_755 = tpu.vector_load %arg13[%get3A_754] {strides = array<i32>} : memref<16384xf32, #tpu.memory_space<vmem>>, vector<16xf32>,
        %get3A_756 = vector.shape_cast %get3A_755 : vector<16xf32> to vector<16xf32>
        %add3A_757 = arith.addf %get3A_751, %get3A_756 : vector<16xf32>
        %mul3A_758 = arith.constant 2.000000e-01 : f32
        %mul3A_759 = vector.broadcast %mul3A_758 : f32 to vector<16xf32>
        %mul3A_760 = arith.mulf %mul3A_759, %add3A_757 : vector<16xf32>
        %max3A_761 = arith.maximumf %add3A_757, %mul3A_760 : vector<16xf32>
        %exp3A_762 = math.exp %max3A_761 : vector<16xf32>
        %slice3A_763 = vector.extract_strided_slice %mul3A_312 {offsets = [5], sizes = [1], strides = [1]} : vector<16xi32> to vector<1xi32>
        %squeeze3A_764 = vector.extract %slice3A_763[0] : i32 from vector<1xi32>
        %swap3A_765 = arith.index_cast %squeeze3A_764 : i32 to index
        %swap3A_766 = tpu.vector_load %arg15[%swap3A_765] {strides = array<i32>} : memref<16384xf32, #tpu.memory_space<vmem>>, vector<16xf32>,
        %swap3A_767 = vector.shape_cast %swap3A_766 : vector<16xf32> to vector<16xf32>
        %swap3A_768 = vector.shape_cast %exp3A_762 : vector<16xf32> to vector<16xf32>
        tpu.vector_store %arg15[%swap3A_765], %swap3A_768 {add = true, strides = array<i32>} : memref<16384xf32, #tpu.memory_space<vmem>>, vector<16xf32>,
        %lt3A_769 = arith.constant 0 : i32
        %lt3A_770 = vector.broadcast %lt3A_769 : i32 to vector<16xi32>
        %lt3A_771 = arith.cmpi slt, %broadcast_in_dim3A, %lt3A_770 : vector<16xi32>
        %add3A_772 = arith.constant 16 : i32
        %add3A_773 = vector.broadcast %add3A_772 : i32 to vector<16xi32>
        %add3A_774 = arith.addi %broadcast_in_dim3A, %add3A_773 : vector<16xi32>
        %select_n3A_775 = arith.select %lt3A_771, %add3A_774, %broadcast_in_dim3A : vector<16xi1>, vector<16xi32>
        %broadcast_in_dim3A_776 = vector.shape_cast %select_n3A_775 : vector<16xi32> to vector<16x1xi32>
        %gather3A_777 = vector.shape_cast %broadcast_in_dim3A_776 : vector<16x1xi32> to vector<16xi32>
        %gather3A_778 = tpu.dynamic_gather %exp3A_762[%gather3A_777] in [0] : vector<16xf32>, vector<16xi32> -> vector<16xf32>
        %lt3A_779 = arith.constant 0 : i32
        %lt3A_780 = vector.broadcast %lt3A_779 : i32 to vector<16xi32>
        %lt3A_781 = arith.cmpi slt, %broadcast_in_dim3A_39, %lt3A_780 : vector<16xi32>
        %add3A_782 = arith.constant 16 : i32
        %add3A_783 = vector.broadcast %add3A_782 : i32 to vector<16xi32>
        %add3A_784 = arith.addi %broadcast_in_dim3A_39, %add3A_783 : vector<16xi32>
        %select_n3A_785 = arith.select %lt3A_781, %add3A_784, %broadcast_in_dim3A_39 : vector<16xi1>, vector<16xi32>
        %broadcast_in_dim3A_786 = vector.shape_cast %select_n3A_785 : vector<16xi32> to vector<16x1xi32>
        %gather3A_787 = vector.shape_cast %broadcast_in_dim3A_786 : vector<16x1xi32> to vector<16xi32>
        %gather3A_788 = tpu.dynamic_gather %exp3A_762[%gather3A_787] in [0] : vector<16xf32>, vector<16xi32> -> vector<16xf32>
        %slice3A_789 = vector.extract_strided_slice %mul3A_315 {offsets = [5], sizes = [1], strides = [1]} : vector<16xi32> to vector<1xi32>
        %squeeze3A_790 = vector.extract %slice3A_789[0] : i32 from vector<1xi32>
        %get3A_791 = arith.index_cast %add3A_747 : i32 to index
        %get3A_792 = arith.constant 0 : index
        %get3A_793 = tpu.vector_load %arg11[%get3A_791, %get3A_792] {strides = array<i32>} : memref<80x128xf32, #tpu.memory_space<vmem>>, vector<1x16xf32>,
        %get3A_794 = vector.shape_cast %get3A_793 : vector<1x16xf32> to vector<16xf32>
        %mul3A_795 = arith.mulf %get3A_794, %gather3A_778 : vector<16xf32>
        %swap3A_796 = arith.index_cast %squeeze3A_790 : i32 to index
        %swap3A_797 = tpu.vector_load %arg14[%swap3A_796] {strides = array<i32>} : memref<65536xf32, #tpu.memory_space<vmem>>, vector<16xf32>,
        %swap3A_798 = vector.shape_cast %swap3A_797 : vector<16xf32> to vector<16xf32>
        %swap3A_799 = vector.shape_cast %mul3A_795 : vector<16xf32> to vector<16xf32>
        tpu.vector_store %arg14[%swap3A_796], %swap3A_799 {add = true, strides = array<i32>} : memref<65536xf32, #tpu.memory_space<vmem>>, vector<16xf32>,
        %add3A_800 = arith.constant 16 : i32
        %add3A_801 = arith.addi %squeeze3A_790, %add3A_800 : i32
        %get3A_802 = arith.index_cast %add3A_747 : i32 to index
        %get3A_803 = arith.constant 16 : index
        %get3A_804 = tpu.vector_load %arg11[%get3A_802, %get3A_803] {strides = array<i32>} : memref<80x128xf32, #tpu.memory_space<vmem>>, vector<1x16xf32>,
        %get3A_805 = vector.shape_cast %get3A_804 : vector<1x16xf32> to vector<16xf32>
        %mul3A_806 = arith.mulf %get3A_805, %gather3A_778 : vector<16xf32>
        %swap3A_807 = arith.index_cast %add3A_801 : i32 to index
        %swap3A_808 = tpu.vector_load %arg14[%swap3A_807] {strides = array<i32>} : memref<65536xf32, #tpu.memory_space<vmem>>, vector<16xf32>,
        %swap3A_809 = vector.shape_cast %swap3A_808 : vector<16xf32> to vector<16xf32>
        %swap3A_810 = vector.shape_cast %mul3A_806 : vector<16xf32> to vector<16xf32>
        tpu.vector_store %arg14[%swap3A_807], %swap3A_810 {add = true, strides = array<i32>} : memref<65536xf32, #tpu.memory_space<vmem>>, vector<16xf32>,
        %add3A_811 = arith.constant 32 : i32
        %add3A_812 = arith.addi %squeeze3A_790, %add3A_811 : i32
        %get3A_813 = arith.index_cast %add3A_747 : i32 to index
        %get3A_814 = arith.constant 32 : index
        %get3A_815 = tpu.vector_load %arg11[%get3A_813, %get3A_814] {strides = array<i32>} : memref<80x128xf32, #tpu.memory_space<vmem>>, vector<1x16xf32>,
        %get3A_816 = vector.shape_cast %get3A_815 : vector<1x16xf32> to vector<16xf32>
        %mul3A_817 = arith.mulf %get3A_816, %gather3A_788 : vector<16xf32>
        %swap3A_818 = arith.index_cast %add3A_812 : i32 to index
        %swap3A_819 = tpu.vector_load %arg14[%swap3A_818] {strides = array<i32>} : memref<65536xf32, #tpu.memory_space<vmem>>, vector<16xf32>,
        %swap3A_820 = vector.shape_cast %swap3A_819 : vector<16xf32> to vector<16xf32>
        %swap3A_821 = vector.shape_cast %mul3A_817 : vector<16xf32> to vector<16xf32>
        tpu.vector_store %arg14[%swap3A_818], %swap3A_821 {add = true, strides = array<i32>} : memref<65536xf32, #tpu.memory_space<vmem>>, vector<16xf32>,
        %add3A_822 = arith.constant 48 : i32
        %add3A_823 = arith.addi %squeeze3A_790, %add3A_822 : i32
        %get3A_824 = arith.index_cast %add3A_747 : i32 to index
        %get3A_825 = arith.constant 48 : index
        %get3A_826 = tpu.vector_load %arg11[%get3A_824, %get3A_825] {strides = array<i32>} : memref<80x128xf32, #tpu.memory_space<vmem>>, vector<1x16xf32>,
        %get3A_827 = vector.shape_cast %get3A_826 : vector<1x16xf32> to vector<16xf32>
        %mul3A_828 = arith.mulf %get3A_827, %gather3A_788 : vector<16xf32>
        %swap3A_829 = arith.index_cast %add3A_823 : i32 to index
        %swap3A_830 = tpu.vector_load %arg14[%swap3A_829] {strides = array<i32>} : memref<65536xf32, #tpu.memory_space<vmem>>, vector<16xf32>,
        %swap3A_831 = vector.shape_cast %swap3A_830 : vector<16xf32> to vector<16xf32>
        %swap3A_832 = vector.shape_cast %mul3A_828 : vector<16xf32> to vector<16xf32>
        tpu.vector_store %arg14[%swap3A_829], %swap3A_832 {add = true, strides = array<i32>} : memref<65536xf32, #tpu.memory_space<vmem>>, vector<16xf32>,
        %add3A_833 = arith.constant 6 : i32
        %add3A_834 = arith.addi %mul3A_301, %add3A_833 : i32
        %get3A_835 = arith.index_cast %add3A_834 : i32 to index
        %get3A_836 = arith.constant 64 : index
        %get3A_837 = tpu.vector_load %arg11[%get3A_835, %get3A_836] {strides = array<i32>} : memref<80x128xf32, #tpu.memory_space<vmem>>, vector<1x16xf32>,
        %get3A_838 = vector.shape_cast %get3A_837 : vector<1x16xf32> to vector<16xf32>
        %slice3A_839 = vector.extract_strided_slice %mul3A_312 {offsets = [6], sizes = [1], strides = [1]} : vector<16xi32> to vector<1xi32>
        %squeeze3A_840 = vector.extract %slice3A_839[0] : i32 from vector<1xi32>
        %get3A_841 = arith.index_cast %squeeze3A_840 : i32 to index
        %get3A_842 = tpu.vector_load %arg13[%get3A_841] {strides = array<i32>} : memref<16384xf32, #tpu.memory_space<vmem>>, vector<16xf32>,
        %get3A_843 = vector.shape_cast %get3A_842 : vector<16xf32> to vector<16xf32>
        %add3A_844 = arith.addf %get3A_838, %get3A_843 : vector<16xf32>
        %mul3A_845 = arith.constant 2.000000e-01 : f32
        %mul3A_846 = vector.broadcast %mul3A_845 : f32 to vector<16xf32>
        %mul3A_847 = arith.mulf %mul3A_846, %add3A_844 : vector<16xf32>
        %max3A_848 = arith.maximumf %add3A_844, %mul3A_847 : vector<16xf32>
        %exp3A_849 = math.exp %max3A_848 : vector<16xf32>
        %slice3A_850 = vector.extract_strided_slice %mul3A_312 {offsets = [6], sizes = [1], strides = [1]} : vector<16xi32> to vector<1xi32>
        %squeeze3A_851 = vector.extract %slice3A_850[0] : i32 from vector<1xi32>
        %swap3A_852 = arith.index_cast %squeeze3A_851 : i32 to index
        %swap3A_853 = tpu.vector_load %arg15[%swap3A_852] {strides = array<i32>} : memref<16384xf32, #tpu.memory_space<vmem>>, vector<16xf32>,
        %swap3A_854 = vector.shape_cast %swap3A_853 : vector<16xf32> to vector<16xf32>
        %swap3A_855 = vector.shape_cast %exp3A_849 : vector<16xf32> to vector<16xf32>
        tpu.vector_store %arg15[%swap3A_852], %swap3A_855 {add = true, strides = array<i32>} : memref<16384xf32, #tpu.memory_space<vmem>>, vector<16xf32>,
        %lt3A_856 = arith.constant 0 : i32
        %lt3A_857 = vector.broadcast %lt3A_856 : i32 to vector<16xi32>
        %lt3A_858 = arith.cmpi slt, %broadcast_in_dim3A, %lt3A_857 : vector<16xi32>
        %add3A_859 = arith.constant 16 : i32
        %add3A_860 = vector.broadcast %add3A_859 : i32 to vector<16xi32>
        %add3A_861 = arith.addi %broadcast_in_dim3A, %add3A_860 : vector<16xi32>
        %select_n3A_862 = arith.select %lt3A_858, %add3A_861, %broadcast_in_dim3A : vector<16xi1>, vector<16xi32>
        %broadcast_in_dim3A_863 = vector.shape_cast %select_n3A_862 : vector<16xi32> to vector<16x1xi32>
        %gather3A_864 = vector.shape_cast %broadcast_in_dim3A_863 : vector<16x1xi32> to vector<16xi32>
        %gather3A_865 = tpu.dynamic_gather %exp3A_849[%gather3A_864] in [0] : vector<16xf32>, vector<16xi32> -> vector<16xf32>
        %lt3A_866 = arith.constant 0 : i32
        %lt3A_867 = vector.broadcast %lt3A_866 : i32 to vector<16xi32>
        %lt3A_868 = arith.cmpi slt, %broadcast_in_dim3A_39, %lt3A_867 : vector<16xi32>
        %add3A_869 = arith.constant 16 : i32
        %add3A_870 = vector.broadcast %add3A_869 : i32 to vector<16xi32>
        %add3A_871 = arith.addi %broadcast_in_dim3A_39, %add3A_870 : vector<16xi32>
        %select_n3A_872 = arith.select %lt3A_868, %add3A_871, %broadcast_in_dim3A_39 : vector<16xi1>, vector<16xi32>
        %broadcast_in_dim3A_873 = vector.shape_cast %select_n3A_872 : vector<16xi32> to vector<16x1xi32>
        %gather3A_874 = vector.shape_cast %broadcast_in_dim3A_873 : vector<16x1xi32> to vector<16xi32>
        %gather3A_875 = tpu.dynamic_gather %exp3A_849[%gather3A_874] in [0] : vector<16xf32>, vector<16xi32> -> vector<16xf32>
        %slice3A_876 = vector.extract_strided_slice %mul3A_315 {offsets = [6], sizes = [1], strides = [1]} : vector<16xi32> to vector<1xi32>
        %squeeze3A_877 = vector.extract %slice3A_876[0] : i32 from vector<1xi32>
        %get3A_878 = arith.index_cast %add3A_834 : i32 to index
        %get3A_879 = arith.constant 0 : index
        %get3A_880 = tpu.vector_load %arg11[%get3A_878, %get3A_879] {strides = array<i32>} : memref<80x128xf32, #tpu.memory_space<vmem>>, vector<1x16xf32>,
        %get3A_881 = vector.shape_cast %get3A_880 : vector<1x16xf32> to vector<16xf32>
        %mul3A_882 = arith.mulf %get3A_881, %gather3A_865 : vector<16xf32>
        %swap3A_883 = arith.index_cast %squeeze3A_877 : i32 to index
        %swap3A_884 = tpu.vector_load %arg14[%swap3A_883] {strides = array<i32>} : memref<65536xf32, #tpu.memory_space<vmem>>, vector<16xf32>,
        %swap3A_885 = vector.shape_cast %swap3A_884 : vector<16xf32> to vector<16xf32>
        %swap3A_886 = vector.shape_cast %mul3A_882 : vector<16xf32> to vector<16xf32>
        tpu.vector_store %arg14[%swap3A_883], %swap3A_886 {add = true, strides = array<i32>} : memref<65536xf32, #tpu.memory_space<vmem>>, vector<16xf32>,
        %add3A_887 = arith.constant 16 : i32
        %add3A_888 = arith.addi %squeeze3A_877, %add3A_887 : i32
        %get3A_889 = arith.index_cast %add3A_834 : i32 to index
        %get3A_890 = arith.constant 16 : index
        %get3A_891 = tpu.vector_load %arg11[%get3A_889, %get3A_890] {strides = array<i32>} : memref<80x128xf32, #tpu.memory_space<vmem>>, vector<1x16xf32>,
        %get3A_892 = vector.shape_cast %get3A_891 : vector<1x16xf32> to vector<16xf32>
        %mul3A_893 = arith.mulf %get3A_892, %gather3A_865 : vector<16xf32>
        %swap3A_894 = arith.index_cast %add3A_888 : i32 to index
        %swap3A_895 = tpu.vector_load %arg14[%swap3A_894] {strides = array<i32>} : memref<65536xf32, #tpu.memory_space<vmem>>, vector<16xf32>,
        %swap3A_896 = vector.shape_cast %swap3A_895 : vector<16xf32> to vector<16xf32>
        %swap3A_897 = vector.shape_cast %mul3A_893 : vector<16xf32> to vector<16xf32>
        tpu.vector_store %arg14[%swap3A_894], %swap3A_897 {add = true, strides = array<i32>} : memref<65536xf32, #tpu.memory_space<vmem>>, vector<16xf32>,
        %add3A_898 = arith.constant 32 : i32
        %add3A_899 = arith.addi %squeeze3A_877, %add3A_898 : i32
        %get3A_900 = arith.index_cast %add3A_834 : i32 to index
        %get3A_901 = arith.constant 32 : index
        %get3A_902 = tpu.vector_load %arg11[%get3A_900, %get3A_901] {strides = array<i32>} : memref<80x128xf32, #tpu.memory_space<vmem>>, vector<1x16xf32>,
        %get3A_903 = vector.shape_cast %get3A_902 : vector<1x16xf32> to vector<16xf32>
        %mul3A_904 = arith.mulf %get3A_903, %gather3A_875 : vector<16xf32>
        %swap3A_905 = arith.index_cast %add3A_899 : i32 to index
        %swap3A_906 = tpu.vector_load %arg14[%swap3A_905] {strides = array<i32>} : memref<65536xf32, #tpu.memory_space<vmem>>, vector<16xf32>,
        %swap3A_907 = vector.shape_cast %swap3A_906 : vector<16xf32> to vector<16xf32>
        %swap3A_908 = vector.shape_cast %mul3A_904 : vector<16xf32> to vector<16xf32>
        tpu.vector_store %arg14[%swap3A_905], %swap3A_908 {add = true, strides = array<i32>} : memref<65536xf32, #tpu.memory_space<vmem>>, vector<16xf32>,
        %add3A_909 = arith.constant 48 : i32
        %add3A_910 = arith.addi %squeeze3A_877, %add3A_909 : i32
        %get3A_911 = arith.index_cast %add3A_834 : i32 to index
        %get3A_912 = arith.constant 48 : index
        %get3A_913 = tpu.vector_load %arg11[%get3A_911, %get3A_912] {strides = array<i32>} : memref<80x128xf32, #tpu.memory_space<vmem>>, vector<1x16xf32>,
        %get3A_914 = vector.shape_cast %get3A_913 : vector<1x16xf32> to vector<16xf32>
        %mul3A_915 = arith.mulf %get3A_914, %gather3A_875 : vector<16xf32>
        %swap3A_916 = arith.index_cast %add3A_910 : i32 to index
        %swap3A_917 = tpu.vector_load %arg14[%swap3A_916] {strides = array<i32>} : memref<65536xf32, #tpu.memory_space<vmem>>, vector<16xf32>,
        %swap3A_918 = vector.shape_cast %swap3A_917 : vector<16xf32> to vector<16xf32>
        %swap3A_919 = vector.shape_cast %mul3A_915 : vector<16xf32> to vector<16xf32>
        tpu.vector_store %arg14[%swap3A_916], %swap3A_919 {add = true, strides = array<i32>} : memref<65536xf32, #tpu.memory_space<vmem>>, vector<16xf32>,
        %add3A_920 = arith.constant 7 : i32
        %add3A_921 = arith.addi %mul3A_301, %add3A_920 : i32
        %get3A_922 = arith.index_cast %add3A_921 : i32 to index
        %get3A_923 = arith.constant 64 : index
        %get3A_924 = tpu.vector_load %arg11[%get3A_922, %get3A_923] {strides = array<i32>} : memref<80x128xf32, #tpu.memory_space<vmem>>, vector<1x16xf32>,
        %get3A_925 = vector.shape_cast %get3A_924 : vector<1x16xf32> to vector<16xf32>
        %slice3A_926 = vector.extract_strided_slice %mul3A_312 {offsets = [7], sizes = [1], strides = [1]} : vector<16xi32> to vector<1xi32>
        %squeeze3A_927 = vector.extract %slice3A_926[0] : i32 from vector<1xi32>
        %get3A_928 = arith.index_cast %squeeze3A_927 : i32 to index
        %get3A_929 = tpu.vector_load %arg13[%get3A_928] {strides = array<i32>} : memref<16384xf32, #tpu.memory_space<vmem>>, vector<16xf32>,
        %get3A_930 = vector.shape_cast %get3A_929 : vector<16xf32> to vector<16xf32>
        %add3A_931 = arith.addf %get3A_925, %get3A_930 : vector<16xf32>
        %mul3A_932 = arith.constant 2.000000e-01 : f32
        %mul3A_933 = vector.broadcast %mul3A_932 : f32 to vector<16xf32>
        %mul3A_934 = arith.mulf %mul3A_933, %add3A_931 : vector<16xf32>
        %max3A_935 = arith.maximumf %add3A_931, %mul3A_934 : vector<16xf32>
        %exp3A_936 = math.exp %max3A_935 : vector<16xf32>
        %slice3A_937 = vector.extract_strided_slice %mul3A_312 {offsets = [7], sizes = [1], strides = [1]} : vector<16xi32> to vector<1xi32>
        %squeeze3A_938 = vector.extract %slice3A_937[0] : i32 from vector<1xi32>
        %swap3A_939 = arith.index_cast %squeeze3A_938 : i32 to index
        %swap3A_940 = tpu.vector_load %arg15[%swap3A_939] {strides = array<i32>} : memref<16384xf32, #tpu.memory_space<vmem>>, vector<16xf32>,
        %swap3A_941 = vector.shape_cast %swap3A_940 : vector<16xf32> to vector<16xf32>
        %swap3A_942 = vector.shape_cast %exp3A_936 : vector<16xf32> to vector<16xf32>
        tpu.vector_store %arg15[%swap3A_939], %swap3A_942 {add = true, strides = array<i32>} : memref<16384xf32, #tpu.memory_space<vmem>>, vector<16xf32>,
        %lt3A_943 = arith.constant 0 : i32
        %lt3A_944 = vector.broadcast %lt3A_943 : i32 to vector<16xi32>
        %lt3A_945 = arith.cmpi slt, %broadcast_in_dim3A, %lt3A_944 : vector<16xi32>
        %add3A_946 = arith.constant 16 : i32
        %add3A_947 = vector.broadcast %add3A_946 : i32 to vector<16xi32>
        %add3A_948 = arith.addi %broadcast_in_dim3A, %add3A_947 : vector<16xi32>
        %select_n3A_949 = arith.select %lt3A_945, %add3A_948, %broadcast_in_dim3A : vector<16xi1>, vector<16xi32>
        %broadcast_in_dim3A_950 = vector.shape_cast %select_n3A_949 : vector<16xi32> to vector<16x1xi32>
        %gather3A_951 = vector.shape_cast %broadcast_in_dim3A_950 : vector<16x1xi32> to vector<16xi32>
        %gather3A_952 = tpu.dynamic_gather %exp3A_936[%gather3A_951] in [0] : vector<16xf32>, vector<16xi32> -> vector<16xf32>
        %lt3A_953 = arith.constant 0 : i32
        %lt3A_954 = vector.broadcast %lt3A_953 : i32 to vector<16xi32>
        %lt3A_955 = arith.cmpi slt, %broadcast_in_dim3A_39, %lt3A_954 : vector<16xi32>
        %add3A_956 = arith.constant 16 : i32
        %add3A_957 = vector.broadcast %add3A_956 : i32 to vector<16xi32>
        %add3A_958 = arith.addi %broadcast_in_dim3A_39, %add3A_957 : vector<16xi32>
        %select_n3A_959 = arith.select %lt3A_955, %add3A_958, %broadcast_in_dim3A_39 : vector<16xi1>, vector<16xi32>
        %broadcast_in_dim3A_960 = vector.shape_cast %select_n3A_959 : vector<16xi32> to vector<16x1xi32>
        %gather3A_961 = vector.shape_cast %broadcast_in_dim3A_960 : vector<16x1xi32> to vector<16xi32>
        %gather3A_962 = tpu.dynamic_gather %exp3A_936[%gather3A_961] in [0] : vector<16xf32>, vector<16xi32> -> vector<16xf32>
        %slice3A_963 = vector.extract_strided_slice %mul3A_315 {offsets = [7], sizes = [1], strides = [1]} : vector<16xi32> to vector<1xi32>
        %squeeze3A_964 = vector.extract %slice3A_963[0] : i32 from vector<1xi32>
        %get3A_965 = arith.index_cast %add3A_921 : i32 to index
        %get3A_966 = arith.constant 0 : index
        %get3A_967 = tpu.vector_load %arg11[%get3A_965, %get3A_966] {strides = array<i32>} : memref<80x128xf32, #tpu.memory_space<vmem>>, vector<1x16xf32>,
        %get3A_968 = vector.shape_cast %get3A_967 : vector<1x16xf32> to vector<16xf32>
        %mul3A_969 = arith.mulf %get3A_968, %gather3A_952 : vector<16xf32>
        %swap3A_970 = arith.index_cast %squeeze3A_964 : i32 to index
        %swap3A_971 = tpu.vector_load %arg14[%swap3A_970] {strides = array<i32>} : memref<65536xf32, #tpu.memory_space<vmem>>, vector<16xf32>,
        %swap3A_972 = vector.shape_cast %swap3A_971 : vector<16xf32> to vector<16xf32>
        %swap3A_973 = vector.shape_cast %mul3A_969 : vector<16xf32> to vector<16xf32>
        tpu.vector_store %arg14[%swap3A_970], %swap3A_973 {add = true, strides = array<i32>} : memref<65536xf32, #tpu.memory_space<vmem>>, vector<16xf32>,
        %add3A_974 = arith.constant 16 : i32
        %add3A_975 = arith.addi %squeeze3A_964, %add3A_974 : i32
        %get3A_976 = arith.index_cast %add3A_921 : i32 to index
        %get3A_977 = arith.constant 16 : index
        %get3A_978 = tpu.vector_load %arg11[%get3A_976, %get3A_977] {strides = array<i32>} : memref<80x128xf32, #tpu.memory_space<vmem>>, vector<1x16xf32>,
        %get3A_979 = vector.shape_cast %get3A_978 : vector<1x16xf32> to vector<16xf32>
        %mul3A_980 = arith.mulf %get3A_979, %gather3A_952 : vector<16xf32>
        %swap3A_981 = arith.index_cast %add3A_975 : i32 to index
        %swap3A_982 = tpu.vector_load %arg14[%swap3A_981] {strides = array<i32>} : memref<65536xf32, #tpu.memory_space<vmem>>, vector<16xf32>,
        %swap3A_983 = vector.shape_cast %swap3A_982 : vector<16xf32> to vector<16xf32>
        %swap3A_984 = vector.shape_cast %mul3A_980 : vector<16xf32> to vector<16xf32>
        tpu.vector_store %arg14[%swap3A_981], %swap3A_984 {add = true, strides = array<i32>} : memref<65536xf32, #tpu.memory_space<vmem>>, vector<16xf32>,
        %add3A_985 = arith.constant 32 : i32
        %add3A_986 = arith.addi %squeeze3A_964, %add3A_985 : i32
        %get3A_987 = arith.index_cast %add3A_921 : i32 to index
        %get3A_988 = arith.constant 32 : index
        %get3A_989 = tpu.vector_load %arg11[%get3A_987, %get3A_988] {strides = array<i32>} : memref<80x128xf32, #tpu.memory_space<vmem>>, vector<1x16xf32>,
        %get3A_990 = vector.shape_cast %get3A_989 : vector<1x16xf32> to vector<16xf32>
        %mul3A_991 = arith.mulf %get3A_990, %gather3A_962 : vector<16xf32>
        %swap3A_992 = arith.index_cast %add3A_986 : i32 to index
        %swap3A_993 = tpu.vector_load %arg14[%swap3A_992] {strides = array<i32>} : memref<65536xf32, #tpu.memory_space<vmem>>, vector<16xf32>,
        %swap3A_994 = vector.shape_cast %swap3A_993 : vector<16xf32> to vector<16xf32>
        %swap3A_995 = vector.shape_cast %mul3A_991 : vector<16xf32> to vector<16xf32>
        tpu.vector_store %arg14[%swap3A_992], %swap3A_995 {add = true, strides = array<i32>} : memref<65536xf32, #tpu.memory_space<vmem>>, vector<16xf32>,
        %add3A_996 = arith.constant 48 : i32
        %add3A_997 = arith.addi %squeeze3A_964, %add3A_996 : i32
        %get3A_998 = arith.index_cast %add3A_921 : i32 to index
        %get3A_999 = arith.constant 48 : index
        %get3A_1000 = tpu.vector_load %arg11[%get3A_998, %get3A_999] {strides = array<i32>} : memref<80x128xf32, #tpu.memory_space<vmem>>, vector<1x16xf32>,
        %get3A_1001 = vector.shape_cast %get3A_1000 : vector<1x16xf32> to vector<16xf32>
        %mul3A_1002 = arith.mulf %get3A_1001, %gather3A_962 : vector<16xf32>
        %swap3A_1003 = arith.index_cast %add3A_997 : i32 to index
        %swap3A_1004 = tpu.vector_load %arg14[%swap3A_1003] {strides = array<i32>} : memref<65536xf32, #tpu.memory_space<vmem>>, vector<16xf32>,
        %swap3A_1005 = vector.shape_cast %swap3A_1004 : vector<16xf32> to vector<16xf32>
        %swap3A_1006 = vector.shape_cast %mul3A_1002 : vector<16xf32> to vector<16xf32>
        tpu.vector_store %arg14[%swap3A_1003], %swap3A_1006 {add = true, strides = array<i32>} : memref<65536xf32, #tpu.memory_space<vmem>>, vector<16xf32>,
        %add3A_1007 = arith.constant 8 : i32
        %add3A_1008 = arith.addi %mul3A_301, %add3A_1007 : i32
        %get3A_1009 = arith.index_cast %add3A_1008 : i32 to index
        %get3A_1010 = arith.constant 64 : index
        %get3A_1011 = tpu.vector_load %arg11[%get3A_1009, %get3A_1010] {strides = array<i32>} : memref<80x128xf32, #tpu.memory_space<vmem>>, vector<1x16xf32>,
        %get3A_1012 = vector.shape_cast %get3A_1011 : vector<1x16xf32> to vector<16xf32>
        %slice3A_1013 = vector.extract_strided_slice %mul3A_312 {offsets = [8], sizes = [1], strides = [1]} : vector<16xi32> to vector<1xi32>
        %squeeze3A_1014 = vector.extract %slice3A_1013[0] : i32 from vector<1xi32>
        %get3A_1015 = arith.index_cast %squeeze3A_1014 : i32 to index
        %get3A_1016 = tpu.vector_load %arg13[%get3A_1015] {strides = array<i32>} : memref<16384xf32, #tpu.memory_space<vmem>>, vector<16xf32>,
        %get3A_1017 = vector.shape_cast %get3A_1016 : vector<16xf32> to vector<16xf32>
        %add3A_1018 = arith.addf %get3A_1012, %get3A_1017 : vector<16xf32>
        %mul3A_1019 = arith.constant 2.000000e-01 : f32
        %mul3A_1020 = vector.broadcast %mul3A_1019 : f32 to vector<16xf32>
        %mul3A_1021 = arith.mulf %mul3A_1020, %add3A_1018 : vector<16xf32>
        %max3A_1022 = arith.maximumf %add3A_1018, %mul3A_1021 : vector<16xf32>
        %exp3A_1023 = math.exp %max3A_1022 : vector<16xf32>
        %slice3A_1024 = vector.extract_strided_slice %mul3A_312 {offsets = [8], sizes = [1], strides = [1]} : vector<16xi32> to vector<1xi32>
        %squeeze3A_1025 = vector.extract %slice3A_1024[0] : i32 from vector<1xi32>
        %swap3A_1026 = arith.index_cast %squeeze3A_1025 : i32 to index
        %swap3A_1027 = tpu.vector_load %arg15[%swap3A_1026] {strides = array<i32>} : memref<16384xf32, #tpu.memory_space<vmem>>, vector<16xf32>,
        %swap3A_1028 = vector.shape_cast %swap3A_1027 : vector<16xf32> to vector<16xf32>
        %swap3A_1029 = vector.shape_cast %exp3A_1023 : vector<16xf32> to vector<16xf32>
        tpu.vector_store %arg15[%swap3A_1026], %swap3A_1029 {add = true, strides = array<i32>} : memref<16384xf32, #tpu.memory_space<vmem>>, vector<16xf32>,
        %lt3A_1030 = arith.constant 0 : i32
        %lt3A_1031 = vector.broadcast %lt3A_1030 : i32 to vector<16xi32>
        %lt3A_1032 = arith.cmpi slt, %broadcast_in_dim3A, %lt3A_1031 : vector<16xi32>
        %add3A_1033 = arith.constant 16 : i32
        %add3A_1034 = vector.broadcast %add3A_1033 : i32 to vector<16xi32>
        %add3A_1035 = arith.addi %broadcast_in_dim3A, %add3A_1034 : vector<16xi32>
        %select_n3A_1036 = arith.select %lt3A_1032, %add3A_1035, %broadcast_in_dim3A : vector<16xi1>, vector<16xi32>
        %broadcast_in_dim3A_1037 = vector.shape_cast %select_n3A_1036 : vector<16xi32> to vector<16x1xi32>
        %gather3A_1038 = vector.shape_cast %broadcast_in_dim3A_1037 : vector<16x1xi32> to vector<16xi32>
        %gather3A_1039 = tpu.dynamic_gather %exp3A_1023[%gather3A_1038] in [0] : vector<16xf32>, vector<16xi32> -> vector<16xf32>
        %lt3A_1040 = arith.constant 0 : i32
        %lt3A_1041 = vector.broadcast %lt3A_1040 : i32 to vector<16xi32>
        %lt3A_1042 = arith.cmpi slt, %broadcast_in_dim3A_39, %lt3A_1041 : vector<16xi32>
        %add3A_1043 = arith.constant 16 : i32
        %add3A_1044 = vector.broadcast %add3A_1043 : i32 to vector<16xi32>
        %add3A_1045 = arith.addi %broadcast_in_dim3A_39, %add3A_1044 : vector<16xi32>
        %select_n3A_1046 = arith.select %lt3A_1042, %add3A_1045, %broadcast_in_dim3A_39 : vector<16xi1>, vector<16xi32>
        %broadcast_in_dim3A_1047 = vector.shape_cast %select_n3A_1046 : vector<16xi32> to vector<16x1xi32>
        %gather3A_1048 = vector.shape_cast %broadcast_in_dim3A_1047 : vector<16x1xi32> to vector<16xi32>
        %gather3A_1049 = tpu.dynamic_gather %exp3A_1023[%gather3A_1048] in [0] : vector<16xf32>, vector<16xi32> -> vector<16xf32>
        %slice3A_1050 = vector.extract_strided_slice %mul3A_315 {offsets = [8], sizes = [1], strides = [1]} : vector<16xi32> to vector<1xi32>
        %squeeze3A_1051 = vector.extract %slice3A_1050[0] : i32 from vector<1xi32>
        %get3A_1052 = arith.index_cast %add3A_1008 : i32 to index
        %get3A_1053 = arith.constant 0 : index
        %get3A_1054 = tpu.vector_load %arg11[%get3A_1052, %get3A_1053] {strides = array<i32>} : memref<80x128xf32, #tpu.memory_space<vmem>>, vector<1x16xf32>,
        %get3A_1055 = vector.shape_cast %get3A_1054 : vector<1x16xf32> to vector<16xf32>
        %mul3A_1056 = arith.mulf %get3A_1055, %gather3A_1039 : vector<16xf32>
        %swap3A_1057 = arith.index_cast %squeeze3A_1051 : i32 to index
        %swap3A_1058 = tpu.vector_load %arg14[%swap3A_1057] {strides = array<i32>} : memref<65536xf32, #tpu.memory_space<vmem>>, vector<16xf32>,
        %swap3A_1059 = vector.shape_cast %swap3A_1058 : vector<16xf32> to vector<16xf32>
        %swap3A_1060 = vector.shape_cast %mul3A_1056 : vector<16xf32> to vector<16xf32>
        tpu.vector_store %arg14[%swap3A_1057], %swap3A_1060 {add = true, strides = array<i32>} : memref<65536xf32, #tpu.memory_space<vmem>>, vector<16xf32>,
        %add3A_1061 = arith.constant 16 : i32
        %add3A_1062 = arith.addi %squeeze3A_1051, %add3A_1061 : i32
        %get3A_1063 = arith.index_cast %add3A_1008 : i32 to index
        %get3A_1064 = arith.constant 16 : index
        %get3A_1065 = tpu.vector_load %arg11[%get3A_1063, %get3A_1064] {strides = array<i32>} : memref<80x128xf32, #tpu.memory_space<vmem>>, vector<1x16xf32>,
        %get3A_1066 = vector.shape_cast %get3A_1065 : vector<1x16xf32> to vector<16xf32>
        %mul3A_1067 = arith.mulf %get3A_1066, %gather3A_1039 : vector<16xf32>
        %swap3A_1068 = arith.index_cast %add3A_1062 : i32 to index
        %swap3A_1069 = tpu.vector_load %arg14[%swap3A_1068] {strides = array<i32>} : memref<65536xf32, #tpu.memory_space<vmem>>, vector<16xf32>,
        %swap3A_1070 = vector.shape_cast %swap3A_1069 : vector<16xf32> to vector<16xf32>
        %swap3A_1071 = vector.shape_cast %mul3A_1067 : vector<16xf32> to vector<16xf32>
        tpu.vector_store %arg14[%swap3A_1068], %swap3A_1071 {add = true, strides = array<i32>} : memref<65536xf32, #tpu.memory_space<vmem>>, vector<16xf32>,
        %add3A_1072 = arith.constant 32 : i32
        %add3A_1073 = arith.addi %squeeze3A_1051, %add3A_1072 : i32
        %get3A_1074 = arith.index_cast %add3A_1008 : i32 to index
        %get3A_1075 = arith.constant 32 : index
        %get3A_1076 = tpu.vector_load %arg11[%get3A_1074, %get3A_1075] {strides = array<i32>} : memref<80x128xf32, #tpu.memory_space<vmem>>, vector<1x16xf32>,
        %get3A_1077 = vector.shape_cast %get3A_1076 : vector<1x16xf32> to vector<16xf32>
        %mul3A_1078 = arith.mulf %get3A_1077, %gather3A_1049 : vector<16xf32>
        %swap3A_1079 = arith.index_cast %add3A_1073 : i32 to index
        %swap3A_1080 = tpu.vector_load %arg14[%swap3A_1079] {strides = array<i32>} : memref<65536xf32, #tpu.memory_space<vmem>>, vector<16xf32>,
        %swap3A_1081 = vector.shape_cast %swap3A_1080 : vector<16xf32> to vector<16xf32>
        %swap3A_1082 = vector.shape_cast %mul3A_1078 : vector<16xf32> to vector<16xf32>
        tpu.vector_store %arg14[%swap3A_1079], %swap3A_1082 {add = true, strides = array<i32>} : memref<65536xf32, #tpu.memory_space<vmem>>, vector<16xf32>,
        %add3A_1083 = arith.constant 48 : i32
        %add3A_1084 = arith.addi %squeeze3A_1051, %add3A_1083 : i32
        %get3A_1085 = arith.index_cast %add3A_1008 : i32 to index
        %get3A_1086 = arith.constant 48 : index
        %get3A_1087 = tpu.vector_load %arg11[%get3A_1085, %get3A_1086] {strides = array<i32>} : memref<80x128xf32, #tpu.memory_space<vmem>>, vector<1x16xf32>,
        %get3A_1088 = vector.shape_cast %get3A_1087 : vector<1x16xf32> to vector<16xf32>
        %mul3A_1089 = arith.mulf %get3A_1088, %gather3A_1049 : vector<16xf32>
        %swap3A_1090 = arith.index_cast %add3A_1084 : i32 to index
        %swap3A_1091 = tpu.vector_load %arg14[%swap3A_1090] {strides = array<i32>} : memref<65536xf32, #tpu.memory_space<vmem>>, vector<16xf32>,
        %swap3A_1092 = vector.shape_cast %swap3A_1091 : vector<16xf32> to vector<16xf32>
        %swap3A_1093 = vector.shape_cast %mul3A_1089 : vector<16xf32> to vector<16xf32>
        tpu.vector_store %arg14[%swap3A_1090], %swap3A_1093 {add = true, strides = array<i32>} : memref<65536xf32, #tpu.memory_space<vmem>>, vector<16xf32>,
        %add3A_1094 = arith.constant 9 : i32
        %add3A_1095 = arith.addi %mul3A_301, %add3A_1094 : i32
        %get3A_1096 = arith.index_cast %add3A_1095 : i32 to index
        %get3A_1097 = arith.constant 64 : index
        %get3A_1098 = tpu.vector_load %arg11[%get3A_1096, %get3A_1097] {strides = array<i32>} : memref<80x128xf32, #tpu.memory_space<vmem>>, vector<1x16xf32>,
        %get3A_1099 = vector.shape_cast %get3A_1098 : vector<1x16xf32> to vector<16xf32>
        %slice3A_1100 = vector.extract_strided_slice %mul3A_312 {offsets = [9], sizes = [1], strides = [1]} : vector<16xi32> to vector<1xi32>
        %squeeze3A_1101 = vector.extract %slice3A_1100[0] : i32 from vector<1xi32>
        %get3A_1102 = arith.index_cast %squeeze3A_1101 : i32 to index
        %get3A_1103 = tpu.vector_load %arg13[%get3A_1102] {strides = array<i32>} : memref<16384xf32, #tpu.memory_space<vmem>>, vector<16xf32>,
        %get3A_1104 = vector.shape_cast %get3A_1103 : vector<16xf32> to vector<16xf32>
        %add3A_1105 = arith.addf %get3A_1099, %get3A_1104 : vector<16xf32>
        %mul3A_1106 = arith.constant 2.000000e-01 : f32
        %mul3A_1107 = vector.broadcast %mul3A_1106 : f32 to vector<16xf32>
        %mul3A_1108 = arith.mulf %mul3A_1107, %add3A_1105 : vector<16xf32>
        %max3A_1109 = arith.maximumf %add3A_1105, %mul3A_1108 : vector<16xf32>
        %exp3A_1110 = math.exp %max3A_1109 : vector<16xf32>
        %slice3A_1111 = vector.extract_strided_slice %mul3A_312 {offsets = [9], sizes = [1], strides = [1]} : vector<16xi32> to vector<1xi32>
        %squeeze3A_1112 = vector.extract %slice3A_1111[0] : i32 from vector<1xi32>
        %swap3A_1113 = arith.index_cast %squeeze3A_1112 : i32 to index
        %swap3A_1114 = tpu.vector_load %arg15[%swap3A_1113] {strides = array<i32>} : memref<16384xf32, #tpu.memory_space<vmem>>, vector<16xf32>,
        %swap3A_1115 = vector.shape_cast %swap3A_1114 : vector<16xf32> to vector<16xf32>
        %swap3A_1116 = vector.shape_cast %exp3A_1110 : vector<16xf32> to vector<16xf32>
        tpu.vector_store %arg15[%swap3A_1113], %swap3A_1116 {add = true, strides = array<i32>} : memref<16384xf32, #tpu.memory_space<vmem>>, vector<16xf32>,
        %lt3A_1117 = arith.constant 0 : i32
        %lt3A_1118 = vector.broadcast %lt3A_1117 : i32 to vector<16xi32>
        %lt3A_1119 = arith.cmpi slt, %broadcast_in_dim3A, %lt3A_1118 : vector<16xi32>
        %add3A_1120 = arith.constant 16 : i32
        %add3A_1121 = vector.broadcast %add3A_1120 : i32 to vector<16xi32>
        %add3A_1122 = arith.addi %broadcast_in_dim3A, %add3A_1121 : vector<16xi32>
        %select_n3A_1123 = arith.select %lt3A_1119, %add3A_1122, %broadcast_in_dim3A : vector<16xi1>, vector<16xi32>
        %broadcast_in_dim3A_1124 = vector.shape_cast %select_n3A_1123 : vector<16xi32> to vector<16x1xi32>
        %gather3A_1125 = vector.shape_cast %broadcast_in_dim3A_1124 : vector<16x1xi32> to vector<16xi32>
        %gather3A_1126 = tpu.dynamic_gather %exp3A_1110[%gather3A_1125] in [0] : vector<16xf32>, vector<16xi32> -> vector<16xf32>
        %lt3A_1127 = arith.constant 0 : i32
        %lt3A_1128 = vector.broadcast %lt3A_1127 : i32 to vector<16xi32>
        %lt3A_1129 = arith.cmpi slt, %broadcast_in_dim3A_39, %lt3A_1128 : vector<16xi32>
        %add3A_1130 = arith.constant 16 : i32
        %add3A_1131 = vector.broadcast %add3A_1130 : i32 to vector<16xi32>
        %add3A_1132 = arith.addi %broadcast_in_dim3A_39, %add3A_1131 : vector<16xi32>
        %select_n3A_1133 = arith.select %lt3A_1129, %add3A_1132, %broadcast_in_dim3A_39 : vector<16xi1>, vector<16xi32>
        %broadcast_in_dim3A_1134 = vector.shape_cast %select_n3A_1133 : vector<16xi32> to vector<16x1xi32>
        %gather3A_1135 = vector.shape_cast %broadcast_in_dim3A_1134 : vector<16x1xi32> to vector<16xi32>
        %gather3A_1136 = tpu.dynamic_gather %exp3A_1110[%gather3A_1135] in [0] : vector<16xf32>, vector<16xi32> -> vector<16xf32>
        %slice3A_1137 = vector.extract_strided_slice %mul3A_315 {offsets = [9], sizes = [1], strides = [1]} : vector<16xi32> to vector<1xi32>
        %squeeze3A_1138 = vector.extract %slice3A_1137[0] : i32 from vector<1xi32>
        %get3A_1139 = arith.index_cast %add3A_1095 : i32 to index
        %get3A_1140 = arith.constant 0 : index
        %get3A_1141 = tpu.vector_load %arg11[%get3A_1139, %get3A_1140] {strides = array<i32>} : memref<80x128xf32, #tpu.memory_space<vmem>>, vector<1x16xf32>,
        %get3A_1142 = vector.shape_cast %get3A_1141 : vector<1x16xf32> to vector<16xf32>
        %mul3A_1143 = arith.mulf %get3A_1142, %gather3A_1126 : vector<16xf32>
        %swap3A_1144 = arith.index_cast %squeeze3A_1138 : i32 to index
        %swap3A_1145 = tpu.vector_load %arg14[%swap3A_1144] {strides = array<i32>} : memref<65536xf32, #tpu.memory_space<vmem>>, vector<16xf32>,
        %swap3A_1146 = vector.shape_cast %swap3A_1145 : vector<16xf32> to vector<16xf32>
        %swap3A_1147 = vector.shape_cast %mul3A_1143 : vector<16xf32> to vector<16xf32>
        tpu.vector_store %arg14[%swap3A_1144], %swap3A_1147 {add = true, strides = array<i32>} : memref<65536xf32, #tpu.memory_space<vmem>>, vector<16xf32>,
        %add3A_1148 = arith.constant 16 : i32
        %add3A_1149 = arith.addi %squeeze3A_1138, %add3A_1148 : i32
        %get3A_1150 = arith.index_cast %add3A_1095 : i32 to index
        %get3A_1151 = arith.constant 16 : index
        %get3A_1152 = tpu.vector_load %arg11[%get3A_1150, %get3A_1151] {strides = array<i32>} : memref<80x128xf32, #tpu.memory_space<vmem>>, vector<1x16xf32>,
        %get3A_1153 = vector.shape_cast %get3A_1152 : vector<1x16xf32> to vector<16xf32>
        %mul3A_1154 = arith.mulf %get3A_1153, %gather3A_1126 : vector<16xf32>
        %swap3A_1155 = arith.index_cast %add3A_1149 : i32 to index
        %swap3A_1156 = tpu.vector_load %arg14[%swap3A_1155] {strides = array<i32>} : memref<65536xf32, #tpu.memory_space<vmem>>, vector<16xf32>,
        %swap3A_1157 = vector.shape_cast %swap3A_1156 : vector<16xf32> to vector<16xf32>
        %swap3A_1158 = vector.shape_cast %mul3A_1154 : vector<16xf32> to vector<16xf32>
        tpu.vector_store %arg14[%swap3A_1155], %swap3A_1158 {add = true, strides = array<i32>} : memref<65536xf32, #tpu.memory_space<vmem>>, vector<16xf32>,
        %add3A_1159 = arith.constant 32 : i32
        %add3A_1160 = arith.addi %squeeze3A_1138, %add3A_1159 : i32
        %get3A_1161 = arith.index_cast %add3A_1095 : i32 to index
        %get3A_1162 = arith.constant 32 : index
        %get3A_1163 = tpu.vector_load %arg11[%get3A_1161, %get3A_1162] {strides = array<i32>} : memref<80x128xf32, #tpu.memory_space<vmem>>, vector<1x16xf32>,
        %get3A_1164 = vector.shape_cast %get3A_1163 : vector<1x16xf32> to vector<16xf32>
        %mul3A_1165 = arith.mulf %get3A_1164, %gather3A_1136 : vector<16xf32>
        %swap3A_1166 = arith.index_cast %add3A_1160 : i32 to index
        %swap3A_1167 = tpu.vector_load %arg14[%swap3A_1166] {strides = array<i32>} : memref<65536xf32, #tpu.memory_space<vmem>>, vector<16xf32>,
        %swap3A_1168 = vector.shape_cast %swap3A_1167 : vector<16xf32> to vector<16xf32>
        %swap3A_1169 = vector.shape_cast %mul3A_1165 : vector<16xf32> to vector<16xf32>
        tpu.vector_store %arg14[%swap3A_1166], %swap3A_1169 {add = true, strides = array<i32>} : memref<65536xf32, #tpu.memory_space<vmem>>, vector<16xf32>,
        %add3A_1170 = arith.constant 48 : i32
        %add3A_1171 = arith.addi %squeeze3A_1138, %add3A_1170 : i32
        %get3A_1172 = arith.index_cast %add3A_1095 : i32 to index
        %get3A_1173 = arith.constant 48 : index
        %get3A_1174 = tpu.vector_load %arg11[%get3A_1172, %get3A_1173] {strides = array<i32>} : memref<80x128xf32, #tpu.memory_space<vmem>>, vector<1x16xf32>,
        %get3A_1175 = vector.shape_cast %get3A_1174 : vector<1x16xf32> to vector<16xf32>
        %mul3A_1176 = arith.mulf %get3A_1175, %gather3A_1136 : vector<16xf32>
        %swap3A_1177 = arith.index_cast %add3A_1171 : i32 to index
        %swap3A_1178 = tpu.vector_load %arg14[%swap3A_1177] {strides = array<i32>} : memref<65536xf32, #tpu.memory_space<vmem>>, vector<16xf32>,
        %swap3A_1179 = vector.shape_cast %swap3A_1178 : vector<16xf32> to vector<16xf32>
        %swap3A_1180 = vector.shape_cast %mul3A_1176 : vector<16xf32> to vector<16xf32>
        tpu.vector_store %arg14[%swap3A_1177], %swap3A_1180 {add = true, strides = array<i32>} : memref<65536xf32, #tpu.memory_space<vmem>>, vector<16xf32>,
        %add3A_1181 = arith.constant 10 : i32
        %add3A_1182 = arith.addi %mul3A_301, %add3A_1181 : i32
        %get3A_1183 = arith.index_cast %add3A_1182 : i32 to index
        %get3A_1184 = arith.constant 64 : index
        %get3A_1185 = tpu.vector_load %arg11[%get3A_1183, %get3A_1184] {strides = array<i32>} : memref<80x128xf32, #tpu.memory_space<vmem>>, vector<1x16xf32>,
        %get3A_1186 = vector.shape_cast %get3A_1185 : vector<1x16xf32> to vector<16xf32>
        %slice3A_1187 = vector.extract_strided_slice %mul3A_312 {offsets = [10], sizes = [1], strides = [1]} : vector<16xi32> to vector<1xi32>
        %squeeze3A_1188 = vector.extract %slice3A_1187[0] : i32 from vector<1xi32>
        %get3A_1189 = arith.index_cast %squeeze3A_1188 : i32 to index
        %get3A_1190 = tpu.vector_load %arg13[%get3A_1189] {strides = array<i32>} : memref<16384xf32, #tpu.memory_space<vmem>>, vector<16xf32>,
        %get3A_1191 = vector.shape_cast %get3A_1190 : vector<16xf32> to vector<16xf32>
        %add3A_1192 = arith.addf %get3A_1186, %get3A_1191 : vector<16xf32>
        %mul3A_1193 = arith.constant 2.000000e-01 : f32
        %mul3A_1194 = vector.broadcast %mul3A_1193 : f32 to vector<16xf32>
        %mul3A_1195 = arith.mulf %mul3A_1194, %add3A_1192 : vector<16xf32>
        %max3A_1196 = arith.maximumf %add3A_1192, %mul3A_1195 : vector<16xf32>
        %exp3A_1197 = math.exp %max3A_1196 : vector<16xf32>
        %slice3A_1198 = vector.extract_strided_slice %mul3A_312 {offsets = [10], sizes = [1], strides = [1]} : vector<16xi32> to vector<1xi32>
        %squeeze3A_1199 = vector.extract %slice3A_1198[0] : i32 from vector<1xi32>
        %swap3A_1200 = arith.index_cast %squeeze3A_1199 : i32 to index
        %swap3A_1201 = tpu.vector_load %arg15[%swap3A_1200] {strides = array<i32>} : memref<16384xf32, #tpu.memory_space<vmem>>, vector<16xf32>,
        %swap3A_1202 = vector.shape_cast %swap3A_1201 : vector<16xf32> to vector<16xf32>
        %swap3A_1203 = vector.shape_cast %exp3A_1197 : vector<16xf32> to vector<16xf32>
        tpu.vector_store %arg15[%swap3A_1200], %swap3A_1203 {add = true, strides = array<i32>} : memref<16384xf32, #tpu.memory_space<vmem>>, vector<16xf32>,
        %lt3A_1204 = arith.constant 0 : i32
        %lt3A_1205 = vector.broadcast %lt3A_1204 : i32 to vector<16xi32>
        %lt3A_1206 = arith.cmpi slt, %broadcast_in_dim3A, %lt3A_1205 : vector<16xi32>
        %add3A_1207 = arith.constant 16 : i32
        %add3A_1208 = vector.broadcast %add3A_1207 : i32 to vector<16xi32>
        %add3A_1209 = arith.addi %broadcast_in_dim3A, %add3A_1208 : vector<16xi32>
        %select_n3A_1210 = arith.select %lt3A_1206, %add3A_1209, %broadcast_in_dim3A : vector<16xi1>, vector<16xi32>
        %broadcast_in_dim3A_1211 = vector.shape_cast %select_n3A_1210 : vector<16xi32> to vector<16x1xi32>
        %gather3A_1212 = vector.shape_cast %broadcast_in_dim3A_1211 : vector<16x1xi32> to vector<16xi32>
        %gather3A_1213 = tpu.dynamic_gather %exp3A_1197[%gather3A_1212] in [0] : vector<16xf32>, vector<16xi32> -> vector<16xf32>
        %lt3A_1214 = arith.constant 0 : i32
        %lt3A_1215 = vector.broadcast %lt3A_1214 : i32 to vector<16xi32>
        %lt3A_1216 = arith.cmpi slt, %broadcast_in_dim3A_39, %lt3A_1215 : vector<16xi32>
        %add3A_1217 = arith.constant 16 : i32
        %add3A_1218 = vector.broadcast %add3A_1217 : i32 to vector<16xi32>
        %add3A_1219 = arith.addi %broadcast_in_dim3A_39, %add3A_1218 : vector<16xi32>
        %select_n3A_1220 = arith.select %lt3A_1216, %add3A_1219, %broadcast_in_dim3A_39 : vector<16xi1>, vector<16xi32>
        %broadcast_in_dim3A_1221 = vector.shape_cast %select_n3A_1220 : vector<16xi32> to vector<16x1xi32>
        %gather3A_1222 = vector.shape_cast %broadcast_in_dim3A_1221 : vector<16x1xi32> to vector<16xi32>
        %gather3A_1223 = tpu.dynamic_gather %exp3A_1197[%gather3A_1222] in [0] : vector<16xf32>, vector<16xi32> -> vector<16xf32>
        %slice3A_1224 = vector.extract_strided_slice %mul3A_315 {offsets = [10], sizes = [1], strides = [1]} : vector<16xi32> to vector<1xi32>
        %squeeze3A_1225 = vector.extract %slice3A_1224[0] : i32 from vector<1xi32>
        %get3A_1226 = arith.index_cast %add3A_1182 : i32 to index
        %get3A_1227 = arith.constant 0 : index
        %get3A_1228 = tpu.vector_load %arg11[%get3A_1226, %get3A_1227] {strides = array<i32>} : memref<80x128xf32, #tpu.memory_space<vmem>>, vector<1x16xf32>,
        %get3A_1229 = vector.shape_cast %get3A_1228 : vector<1x16xf32> to vector<16xf32>
        %mul3A_1230 = arith.mulf %get3A_1229, %gather3A_1213 : vector<16xf32>
        %swap3A_1231 = arith.index_cast %squeeze3A_1225 : i32 to index
        %swap3A_1232 = tpu.vector_load %arg14[%swap3A_1231] {strides = array<i32>} : memref<65536xf32, #tpu.memory_space<vmem>>, vector<16xf32>,
        %swap3A_1233 = vector.shape_cast %swap3A_1232 : vector<16xf32> to vector<16xf32>
        %swap3A_1234 = vector.shape_cast %mul3A_1230 : vector<16xf32> to vector<16xf32>
        tpu.vector_store %arg14[%swap3A_1231], %swap3A_1234 {add = true, strides = array<i32>} : memref<65536xf32, #tpu.memory_space<vmem>>, vector<16xf32>,
        %add3A_1235 = arith.constant 16 : i32
        %add3A_1236 = arith.addi %squeeze3A_1225, %add3A_1235 : i32
        %get3A_1237 = arith.index_cast %add3A_1182 : i32 to index
        %get3A_1238 = arith.constant 16 : index
        %get3A_1239 = tpu.vector_load %arg11[%get3A_1237, %get3A_1238] {strides = array<i32>} : memref<80x128xf32, #tpu.memory_space<vmem>>, vector<1x16xf32>,
        %get3A_1240 = vector.shape_cast %get3A_1239 : vector<1x16xf32> to vector<16xf32>
        %mul3A_1241 = arith.mulf %get3A_1240, %gather3A_1213 : vector<16xf32>
        %swap3A_1242 = arith.index_cast %add3A_1236 : i32 to index
        %swap3A_1243 = tpu.vector_load %arg14[%swap3A_1242] {strides = array<i32>} : memref<65536xf32, #tpu.memory_space<vmem>>, vector<16xf32>,
        %swap3A_1244 = vector.shape_cast %swap3A_1243 : vector<16xf32> to vector<16xf32>
        %swap3A_1245 = vector.shape_cast %mul3A_1241 : vector<16xf32> to vector<16xf32>
        tpu.vector_store %arg14[%swap3A_1242], %swap3A_1245 {add = true, strides = array<i32>} : memref<65536xf32, #tpu.memory_space<vmem>>, vector<16xf32>,
        %add3A_1246 = arith.constant 32 : i32
        %add3A_1247 = arith.addi %squeeze3A_1225, %add3A_1246 : i32
        %get3A_1248 = arith.index_cast %add3A_1182 : i32 to index
        %get3A_1249 = arith.constant 32 : index
        %get3A_1250 = tpu.vector_load %arg11[%get3A_1248, %get3A_1249] {strides = array<i32>} : memref<80x128xf32, #tpu.memory_space<vmem>>, vector<1x16xf32>,
        %get3A_1251 = vector.shape_cast %get3A_1250 : vector<1x16xf32> to vector<16xf32>
        %mul3A_1252 = arith.mulf %get3A_1251, %gather3A_1223 : vector<16xf32>
        %swap3A_1253 = arith.index_cast %add3A_1247 : i32 to index
        %swap3A_1254 = tpu.vector_load %arg14[%swap3A_1253] {strides = array<i32>} : memref<65536xf32, #tpu.memory_space<vmem>>, vector<16xf32>,
        %swap3A_1255 = vector.shape_cast %swap3A_1254 : vector<16xf32> to vector<16xf32>
        %swap3A_1256 = vector.shape_cast %mul3A_1252 : vector<16xf32> to vector<16xf32>
        tpu.vector_store %arg14[%swap3A_1253], %swap3A_1256 {add = true, strides = array<i32>} : memref<65536xf32, #tpu.memory_space<vmem>>, vector<16xf32>,
        %add3A_1257 = arith.constant 48 : i32
        %add3A_1258 = arith.addi %squeeze3A_1225, %add3A_1257 : i32
        %get3A_1259 = arith.index_cast %add3A_1182 : i32 to index
        %get3A_1260 = arith.constant 48 : index
        %get3A_1261 = tpu.vector_load %arg11[%get3A_1259, %get3A_1260] {strides = array<i32>} : memref<80x128xf32, #tpu.memory_space<vmem>>, vector<1x16xf32>,
        %get3A_1262 = vector.shape_cast %get3A_1261 : vector<1x16xf32> to vector<16xf32>
        %mul3A_1263 = arith.mulf %get3A_1262, %gather3A_1223 : vector<16xf32>
        %swap3A_1264 = arith.index_cast %add3A_1258 : i32 to index
        %swap3A_1265 = tpu.vector_load %arg14[%swap3A_1264] {strides = array<i32>} : memref<65536xf32, #tpu.memory_space<vmem>>, vector<16xf32>,
        %swap3A_1266 = vector.shape_cast %swap3A_1265 : vector<16xf32> to vector<16xf32>
        %swap3A_1267 = vector.shape_cast %mul3A_1263 : vector<16xf32> to vector<16xf32>
        tpu.vector_store %arg14[%swap3A_1264], %swap3A_1267 {add = true, strides = array<i32>} : memref<65536xf32, #tpu.memory_space<vmem>>, vector<16xf32>,
        %add3A_1268 = arith.constant 11 : i32
        %add3A_1269 = arith.addi %mul3A_301, %add3A_1268 : i32
        %get3A_1270 = arith.index_cast %add3A_1269 : i32 to index
        %get3A_1271 = arith.constant 64 : index
        %get3A_1272 = tpu.vector_load %arg11[%get3A_1270, %get3A_1271] {strides = array<i32>} : memref<80x128xf32, #tpu.memory_space<vmem>>, vector<1x16xf32>,
        %get3A_1273 = vector.shape_cast %get3A_1272 : vector<1x16xf32> to vector<16xf32>
        %slice3A_1274 = vector.extract_strided_slice %mul3A_312 {offsets = [11], sizes = [1], strides = [1]} : vector<16xi32> to vector<1xi32>
        %squeeze3A_1275 = vector.extract %slice3A_1274[0] : i32 from vector<1xi32>
        %get3A_1276 = arith.index_cast %squeeze3A_1275 : i32 to index
        %get3A_1277 = tpu.vector_load %arg13[%get3A_1276] {strides = array<i32>} : memref<16384xf32, #tpu.memory_space<vmem>>, vector<16xf32>,
        %get3A_1278 = vector.shape_cast %get3A_1277 : vector<16xf32> to vector<16xf32>
        %add3A_1279 = arith.addf %get3A_1273, %get3A_1278 : vector<16xf32>
        %mul3A_1280 = arith.constant 2.000000e-01 : f32
        %mul3A_1281 = vector.broadcast %mul3A_1280 : f32 to vector<16xf32>
        %mul3A_1282 = arith.mulf %mul3A_1281, %add3A_1279 : vector<16xf32>
        %max3A_1283 = arith.maximumf %add3A_1279, %mul3A_1282 : vector<16xf32>
        %exp3A_1284 = math.exp %max3A_1283 : vector<16xf32>
        %slice3A_1285 = vector.extract_strided_slice %mul3A_312 {offsets = [11], sizes = [1], strides = [1]} : vector<16xi32> to vector<1xi32>
        %squeeze3A_1286 = vector.extract %slice3A_1285[0] : i32 from vector<1xi32>
        %swap3A_1287 = arith.index_cast %squeeze3A_1286 : i32 to index
        %swap3A_1288 = tpu.vector_load %arg15[%swap3A_1287] {strides = array<i32>} : memref<16384xf32, #tpu.memory_space<vmem>>, vector<16xf32>,
        %swap3A_1289 = vector.shape_cast %swap3A_1288 : vector<16xf32> to vector<16xf32>
        %swap3A_1290 = vector.shape_cast %exp3A_1284 : vector<16xf32> to vector<16xf32>
        tpu.vector_store %arg15[%swap3A_1287], %swap3A_1290 {add = true, strides = array<i32>} : memref<16384xf32, #tpu.memory_space<vmem>>, vector<16xf32>,
        %lt3A_1291 = arith.constant 0 : i32
        %lt3A_1292 = vector.broadcast %lt3A_1291 : i32 to vector<16xi32>
        %lt3A_1293 = arith.cmpi slt, %broadcast_in_dim3A, %lt3A_1292 : vector<16xi32>
        %add3A_1294 = arith.constant 16 : i32
        %add3A_1295 = vector.broadcast %add3A_1294 : i32 to vector<16xi32>
        %add3A_1296 = arith.addi %broadcast_in_dim3A, %add3A_1295 : vector<16xi32>
        %select_n3A_1297 = arith.select %lt3A_1293, %add3A_1296, %broadcast_in_dim3A : vector<16xi1>, vector<16xi32>
        %broadcast_in_dim3A_1298 = vector.shape_cast %select_n3A_1297 : vector<16xi32> to vector<16x1xi32>
        %gather3A_1299 = vector.shape_cast %broadcast_in_dim3A_1298 : vector<16x1xi32> to vector<16xi32>
        %gather3A_1300 = tpu.dynamic_gather %exp3A_1284[%gather3A_1299] in [0] : vector<16xf32>, vector<16xi32> -> vector<16xf32>
        %lt3A_1301 = arith.constant 0 : i32
        %lt3A_1302 = vector.broadcast %lt3A_1301 : i32 to vector<16xi32>
        %lt3A_1303 = arith.cmpi slt, %broadcast_in_dim3A_39, %lt3A_1302 : vector<16xi32>
        %add3A_1304 = arith.constant 16 : i32
        %add3A_1305 = vector.broadcast %add3A_1304 : i32 to vector<16xi32>
        %add3A_1306 = arith.addi %broadcast_in_dim3A_39, %add3A_1305 : vector<16xi32>
        %select_n3A_1307 = arith.select %lt3A_1303, %add3A_1306, %broadcast_in_dim3A_39 : vector<16xi1>, vector<16xi32>
        %broadcast_in_dim3A_1308 = vector.shape_cast %select_n3A_1307 : vector<16xi32> to vector<16x1xi32>
        %gather3A_1309 = vector.shape_cast %broadcast_in_dim3A_1308 : vector<16x1xi32> to vector<16xi32>
        %gather3A_1310 = tpu.dynamic_gather %exp3A_1284[%gather3A_1309] in [0] : vector<16xf32>, vector<16xi32> -> vector<16xf32>
        %slice3A_1311 = vector.extract_strided_slice %mul3A_315 {offsets = [11], sizes = [1], strides = [1]} : vector<16xi32> to vector<1xi32>
        %squeeze3A_1312 = vector.extract %slice3A_1311[0] : i32 from vector<1xi32>
        %get3A_1313 = arith.index_cast %add3A_1269 : i32 to index
        %get3A_1314 = arith.constant 0 : index
        %get3A_1315 = tpu.vector_load %arg11[%get3A_1313, %get3A_1314] {strides = array<i32>} : memref<80x128xf32, #tpu.memory_space<vmem>>, vector<1x16xf32>,
        %get3A_1316 = vector.shape_cast %get3A_1315 : vector<1x16xf32> to vector<16xf32>
        %mul3A_1317 = arith.mulf %get3A_1316, %gather3A_1300 : vector<16xf32>
        %swap3A_1318 = arith.index_cast %squeeze3A_1312 : i32 to index
        %swap3A_1319 = tpu.vector_load %arg14[%swap3A_1318] {strides = array<i32>} : memref<65536xf32, #tpu.memory_space<vmem>>, vector<16xf32>,
        %swap3A_1320 = vector.shape_cast %swap3A_1319 : vector<16xf32> to vector<16xf32>
        %swap3A_1321 = vector.shape_cast %mul3A_1317 : vector<16xf32> to vector<16xf32>
        tpu.vector_store %arg14[%swap3A_1318], %swap3A_1321 {add = true, strides = array<i32>} : memref<65536xf32, #tpu.memory_space<vmem>>, vector<16xf32>,
        %add3A_1322 = arith.constant 16 : i32
        %add3A_1323 = arith.addi %squeeze3A_1312, %add3A_1322 : i32
        %get3A_1324 = arith.index_cast %add3A_1269 : i32 to index
        %get3A_1325 = arith.constant 16 : index
        %get3A_1326 = tpu.vector_load %arg11[%get3A_1324, %get3A_1325] {strides = array<i32>} : memref<80x128xf32, #tpu.memory_space<vmem>>, vector<1x16xf32>,
        %get3A_1327 = vector.shape_cast %get3A_1326 : vector<1x16xf32> to vector<16xf32>
        %mul3A_1328 = arith.mulf %get3A_1327, %gather3A_1300 : vector<16xf32>
        %swap3A_1329 = arith.index_cast %add3A_1323 : i32 to index
        %swap3A_1330 = tpu.vector_load %arg14[%swap3A_1329] {strides = array<i32>} : memref<65536xf32, #tpu.memory_space<vmem>>, vector<16xf32>,
        %swap3A_1331 = vector.shape_cast %swap3A_1330 : vector<16xf32> to vector<16xf32>
        %swap3A_1332 = vector.shape_cast %mul3A_1328 : vector<16xf32> to vector<16xf32>
        tpu.vector_store %arg14[%swap3A_1329], %swap3A_1332 {add = true, strides = array<i32>} : memref<65536xf32, #tpu.memory_space<vmem>>, vector<16xf32>,
        %add3A_1333 = arith.constant 32 : i32
        %add3A_1334 = arith.addi %squeeze3A_1312, %add3A_1333 : i32
        %get3A_1335 = arith.index_cast %add3A_1269 : i32 to index
        %get3A_1336 = arith.constant 32 : index
        %get3A_1337 = tpu.vector_load %arg11[%get3A_1335, %get3A_1336] {strides = array<i32>} : memref<80x128xf32, #tpu.memory_space<vmem>>, vector<1x16xf32>,
        %get3A_1338 = vector.shape_cast %get3A_1337 : vector<1x16xf32> to vector<16xf32>
        %mul3A_1339 = arith.mulf %get3A_1338, %gather3A_1310 : vector<16xf32>
        %swap3A_1340 = arith.index_cast %add3A_1334 : i32 to index
        %swap3A_1341 = tpu.vector_load %arg14[%swap3A_1340] {strides = array<i32>} : memref<65536xf32, #tpu.memory_space<vmem>>, vector<16xf32>,
        %swap3A_1342 = vector.shape_cast %swap3A_1341 : vector<16xf32> to vector<16xf32>
        %swap3A_1343 = vector.shape_cast %mul3A_1339 : vector<16xf32> to vector<16xf32>
        tpu.vector_store %arg14[%swap3A_1340], %swap3A_1343 {add = true, strides = array<i32>} : memref<65536xf32, #tpu.memory_space<vmem>>, vector<16xf32>,
        %add3A_1344 = arith.constant 48 : i32
        %add3A_1345 = arith.addi %squeeze3A_1312, %add3A_1344 : i32
        %get3A_1346 = arith.index_cast %add3A_1269 : i32 to index
        %get3A_1347 = arith.constant 48 : index
        %get3A_1348 = tpu.vector_load %arg11[%get3A_1346, %get3A_1347] {strides = array<i32>} : memref<80x128xf32, #tpu.memory_space<vmem>>, vector<1x16xf32>,
        %get3A_1349 = vector.shape_cast %get3A_1348 : vector<1x16xf32> to vector<16xf32>
        %mul3A_1350 = arith.mulf %get3A_1349, %gather3A_1310 : vector<16xf32>
        %swap3A_1351 = arith.index_cast %add3A_1345 : i32 to index
        %swap3A_1352 = tpu.vector_load %arg14[%swap3A_1351] {strides = array<i32>} : memref<65536xf32, #tpu.memory_space<vmem>>, vector<16xf32>,
        %swap3A_1353 = vector.shape_cast %swap3A_1352 : vector<16xf32> to vector<16xf32>
        %swap3A_1354 = vector.shape_cast %mul3A_1350 : vector<16xf32> to vector<16xf32>
        tpu.vector_store %arg14[%swap3A_1351], %swap3A_1354 {add = true, strides = array<i32>} : memref<65536xf32, #tpu.memory_space<vmem>>, vector<16xf32>,
        %add3A_1355 = arith.constant 12 : i32
        %add3A_1356 = arith.addi %mul3A_301, %add3A_1355 : i32
        %get3A_1357 = arith.index_cast %add3A_1356 : i32 to index
        %get3A_1358 = arith.constant 64 : index
        %get3A_1359 = tpu.vector_load %arg11[%get3A_1357, %get3A_1358] {strides = array<i32>} : memref<80x128xf32, #tpu.memory_space<vmem>>, vector<1x16xf32>,
        %get3A_1360 = vector.shape_cast %get3A_1359 : vector<1x16xf32> to vector<16xf32>
        %slice3A_1361 = vector.extract_strided_slice %mul3A_312 {offsets = [12], sizes = [1], strides = [1]} : vector<16xi32> to vector<1xi32>
        %squeeze3A_1362 = vector.extract %slice3A_1361[0] : i32 from vector<1xi32>
        %get3A_1363 = arith.index_cast %squeeze3A_1362 : i32 to index
        %get3A_1364 = tpu.vector_load %arg13[%get3A_1363] {strides = array<i32>} : memref<16384xf32, #tpu.memory_space<vmem>>, vector<16xf32>,
        %get3A_1365 = vector.shape_cast %get3A_1364 : vector<16xf32> to vector<16xf32>
        %add3A_1366 = arith.addf %get3A_1360, %get3A_1365 : vector<16xf32>
        %mul3A_1367 = arith.constant 2.000000e-01 : f32
        %mul3A_1368 = vector.broadcast %mul3A_1367 : f32 to vector<16xf32>
        %mul3A_1369 = arith.mulf %mul3A_1368, %add3A_1366 : vector<16xf32>
        %max3A_1370 = arith.maximumf %add3A_1366, %mul3A_1369 : vector<16xf32>
        %exp3A_1371 = math.exp %max3A_1370 : vector<16xf32>
        %slice3A_1372 = vector.extract_strided_slice %mul3A_312 {offsets = [12], sizes = [1], strides = [1]} : vector<16xi32> to vector<1xi32>
        %squeeze3A_1373 = vector.extract %slice3A_1372[0] : i32 from vector<1xi32>
        %swap3A_1374 = arith.index_cast %squeeze3A_1373 : i32 to index
        %swap3A_1375 = tpu.vector_load %arg15[%swap3A_1374] {strides = array<i32>} : memref<16384xf32, #tpu.memory_space<vmem>>, vector<16xf32>,
        %swap3A_1376 = vector.shape_cast %swap3A_1375 : vector<16xf32> to vector<16xf32>
        %swap3A_1377 = vector.shape_cast %exp3A_1371 : vector<16xf32> to vector<16xf32>
        tpu.vector_store %arg15[%swap3A_1374], %swap3A_1377 {add = true, strides = array<i32>} : memref<16384xf32, #tpu.memory_space<vmem>>, vector<16xf32>,
        %lt3A_1378 = arith.constant 0 : i32
        %lt3A_1379 = vector.broadcast %lt3A_1378 : i32 to vector<16xi32>
        %lt3A_1380 = arith.cmpi slt, %broadcast_in_dim3A, %lt3A_1379 : vector<16xi32>
        %add3A_1381 = arith.constant 16 : i32
        %add3A_1382 = vector.broadcast %add3A_1381 : i32 to vector<16xi32>
        %add3A_1383 = arith.addi %broadcast_in_dim3A, %add3A_1382 : vector<16xi32>
        %select_n3A_1384 = arith.select %lt3A_1380, %add3A_1383, %broadcast_in_dim3A : vector<16xi1>, vector<16xi32>
        %broadcast_in_dim3A_1385 = vector.shape_cast %select_n3A_1384 : vector<16xi32> to vector<16x1xi32>
        %gather3A_1386 = vector.shape_cast %broadcast_in_dim3A_1385 : vector<16x1xi32> to vector<16xi32>
        %gather3A_1387 = tpu.dynamic_gather %exp3A_1371[%gather3A_1386] in [0] : vector<16xf32>, vector<16xi32> -> vector<16xf32>
        %lt3A_1388 = arith.constant 0 : i32
        %lt3A_1389 = vector.broadcast %lt3A_1388 : i32 to vector<16xi32>
        %lt3A_1390 = arith.cmpi slt, %broadcast_in_dim3A_39, %lt3A_1389 : vector<16xi32>
        %add3A_1391 = arith.constant 16 : i32
        %add3A_1392 = vector.broadcast %add3A_1391 : i32 to vector<16xi32>
        %add3A_1393 = arith.addi %broadcast_in_dim3A_39, %add3A_1392 : vector<16xi32>
        %select_n3A_1394 = arith.select %lt3A_1390, %add3A_1393, %broadcast_in_dim3A_39 : vector<16xi1>, vector<16xi32>
        %broadcast_in_dim3A_1395 = vector.shape_cast %select_n3A_1394 : vector<16xi32> to vector<16x1xi32>
        %gather3A_1396 = vector.shape_cast %broadcast_in_dim3A_1395 : vector<16x1xi32> to vector<16xi32>
        %gather3A_1397 = tpu.dynamic_gather %exp3A_1371[%gather3A_1396] in [0] : vector<16xf32>, vector<16xi32> -> vector<16xf32>
        %slice3A_1398 = vector.extract_strided_slice %mul3A_315 {offsets = [12], sizes = [1], strides = [1]} : vector<16xi32> to vector<1xi32>
        %squeeze3A_1399 = vector.extract %slice3A_1398[0] : i32 from vector<1xi32>
        %get3A_1400 = arith.index_cast %add3A_1356 : i32 to index
        %get3A_1401 = arith.constant 0 : index
        %get3A_1402 = tpu.vector_load %arg11[%get3A_1400, %get3A_1401] {strides = array<i32>} : memref<80x128xf32, #tpu.memory_space<vmem>>, vector<1x16xf32>,
        %get3A_1403 = vector.shape_cast %get3A_1402 : vector<1x16xf32> to vector<16xf32>
        %mul3A_1404 = arith.mulf %get3A_1403, %gather3A_1387 : vector<16xf32>
        %swap3A_1405 = arith.index_cast %squeeze3A_1399 : i32 to index
        %swap3A_1406 = tpu.vector_load %arg14[%swap3A_1405] {strides = array<i32>} : memref<65536xf32, #tpu.memory_space<vmem>>, vector<16xf32>,
        %swap3A_1407 = vector.shape_cast %swap3A_1406 : vector<16xf32> to vector<16xf32>
        %swap3A_1408 = vector.shape_cast %mul3A_1404 : vector<16xf32> to vector<16xf32>
        tpu.vector_store %arg14[%swap3A_1405], %swap3A_1408 {add = true, strides = array<i32>} : memref<65536xf32, #tpu.memory_space<vmem>>, vector<16xf32>,
        %add3A_1409 = arith.constant 16 : i32
        %add3A_1410 = arith.addi %squeeze3A_1399, %add3A_1409 : i32
        %get3A_1411 = arith.index_cast %add3A_1356 : i32 to index
        %get3A_1412 = arith.constant 16 : index
        %get3A_1413 = tpu.vector_load %arg11[%get3A_1411, %get3A_1412] {strides = array<i32>} : memref<80x128xf32, #tpu.memory_space<vmem>>, vector<1x16xf32>,
        %get3A_1414 = vector.shape_cast %get3A_1413 : vector<1x16xf32> to vector<16xf32>
        %mul3A_1415 = arith.mulf %get3A_1414, %gather3A_1387 : vector<16xf32>
        %swap3A_1416 = arith.index_cast %add3A_1410 : i32 to index
        %swap3A_1417 = tpu.vector_load %arg14[%swap3A_1416] {strides = array<i32>} : memref<65536xf32, #tpu.memory_space<vmem>>, vector<16xf32>,
        %swap3A_1418 = vector.shape_cast %swap3A_1417 : vector<16xf32> to vector<16xf32>
        %swap3A_1419 = vector.shape_cast %mul3A_1415 : vector<16xf32> to vector<16xf32>
        tpu.vector_store %arg14[%swap3A_1416], %swap3A_1419 {add = true, strides = array<i32>} : memref<65536xf32, #tpu.memory_space<vmem>>, vector<16xf32>,
        %add3A_1420 = arith.constant 32 : i32
        %add3A_1421 = arith.addi %squeeze3A_1399, %add3A_1420 : i32
        %get3A_1422 = arith.index_cast %add3A_1356 : i32 to index
        %get3A_1423 = arith.constant 32 : index
        %get3A_1424 = tpu.vector_load %arg11[%get3A_1422, %get3A_1423] {strides = array<i32>} : memref<80x128xf32, #tpu.memory_space<vmem>>, vector<1x16xf32>,
        %get3A_1425 = vector.shape_cast %get3A_1424 : vector<1x16xf32> to vector<16xf32>
        %mul3A_1426 = arith.mulf %get3A_1425, %gather3A_1397 : vector<16xf32>
        %swap3A_1427 = arith.index_cast %add3A_1421 : i32 to index
        %swap3A_1428 = tpu.vector_load %arg14[%swap3A_1427] {strides = array<i32>} : memref<65536xf32, #tpu.memory_space<vmem>>, vector<16xf32>,
        %swap3A_1429 = vector.shape_cast %swap3A_1428 : vector<16xf32> to vector<16xf32>
        %swap3A_1430 = vector.shape_cast %mul3A_1426 : vector<16xf32> to vector<16xf32>
        tpu.vector_store %arg14[%swap3A_1427], %swap3A_1430 {add = true, strides = array<i32>} : memref<65536xf32, #tpu.memory_space<vmem>>, vector<16xf32>,
        %add3A_1431 = arith.constant 48 : i32
        %add3A_1432 = arith.addi %squeeze3A_1399, %add3A_1431 : i32
        %get3A_1433 = arith.index_cast %add3A_1356 : i32 to index
        %get3A_1434 = arith.constant 48 : index
        %get3A_1435 = tpu.vector_load %arg11[%get3A_1433, %get3A_1434] {strides = array<i32>} : memref<80x128xf32, #tpu.memory_space<vmem>>, vector<1x16xf32>,
        %get3A_1436 = vector.shape_cast %get3A_1435 : vector<1x16xf32> to vector<16xf32>
        %mul3A_1437 = arith.mulf %get3A_1436, %gather3A_1397 : vector<16xf32>
        %swap3A_1438 = arith.index_cast %add3A_1432 : i32 to index
        %swap3A_1439 = tpu.vector_load %arg14[%swap3A_1438] {strides = array<i32>} : memref<65536xf32, #tpu.memory_space<vmem>>, vector<16xf32>,
        %swap3A_1440 = vector.shape_cast %swap3A_1439 : vector<16xf32> to vector<16xf32>
        %swap3A_1441 = vector.shape_cast %mul3A_1437 : vector<16xf32> to vector<16xf32>
        tpu.vector_store %arg14[%swap3A_1438], %swap3A_1441 {add = true, strides = array<i32>} : memref<65536xf32, #tpu.memory_space<vmem>>, vector<16xf32>,
        %add3A_1442 = arith.constant 13 : i32
        %add3A_1443 = arith.addi %mul3A_301, %add3A_1442 : i32
        %get3A_1444 = arith.index_cast %add3A_1443 : i32 to index
        %get3A_1445 = arith.constant 64 : index
        %get3A_1446 = tpu.vector_load %arg11[%get3A_1444, %get3A_1445] {strides = array<i32>} : memref<80x128xf32, #tpu.memory_space<vmem>>, vector<1x16xf32>,
        %get3A_1447 = vector.shape_cast %get3A_1446 : vector<1x16xf32> to vector<16xf32>
        %slice3A_1448 = vector.extract_strided_slice %mul3A_312 {offsets = [13], sizes = [1], strides = [1]} : vector<16xi32> to vector<1xi32>
        %squeeze3A_1449 = vector.extract %slice3A_1448[0] : i32 from vector<1xi32>
        %get3A_1450 = arith.index_cast %squeeze3A_1449 : i32 to index
        %get3A_1451 = tpu.vector_load %arg13[%get3A_1450] {strides = array<i32>} : memref<16384xf32, #tpu.memory_space<vmem>>, vector<16xf32>,
        %get3A_1452 = vector.shape_cast %get3A_1451 : vector<16xf32> to vector<16xf32>
        %add3A_1453 = arith.addf %get3A_1447, %get3A_1452 : vector<16xf32>
        %mul3A_1454 = arith.constant 2.000000e-01 : f32
        %mul3A_1455 = vector.broadcast %mul3A_1454 : f32 to vector<16xf32>
        %mul3A_1456 = arith.mulf %mul3A_1455, %add3A_1453 : vector<16xf32>
        %max3A_1457 = arith.maximumf %add3A_1453, %mul3A_1456 : vector<16xf32>
        %exp3A_1458 = math.exp %max3A_1457 : vector<16xf32>
        %slice3A_1459 = vector.extract_strided_slice %mul3A_312 {offsets = [13], sizes = [1], strides = [1]} : vector<16xi32> to vector<1xi32>
        %squeeze3A_1460 = vector.extract %slice3A_1459[0] : i32 from vector<1xi32>
        %swap3A_1461 = arith.index_cast %squeeze3A_1460 : i32 to index
        %swap3A_1462 = tpu.vector_load %arg15[%swap3A_1461] {strides = array<i32>} : memref<16384xf32, #tpu.memory_space<vmem>>, vector<16xf32>,
        %swap3A_1463 = vector.shape_cast %swap3A_1462 : vector<16xf32> to vector<16xf32>
        %swap3A_1464 = vector.shape_cast %exp3A_1458 : vector<16xf32> to vector<16xf32>
        tpu.vector_store %arg15[%swap3A_1461], %swap3A_1464 {add = true, strides = array<i32>} : memref<16384xf32, #tpu.memory_space<vmem>>, vector<16xf32>,
        %lt3A_1465 = arith.constant 0 : i32
        %lt3A_1466 = vector.broadcast %lt3A_1465 : i32 to vector<16xi32>
        %lt3A_1467 = arith.cmpi slt, %broadcast_in_dim3A, %lt3A_1466 : vector<16xi32>
        %add3A_1468 = arith.constant 16 : i32
        %add3A_1469 = vector.broadcast %add3A_1468 : i32 to vector<16xi32>
        %add3A_1470 = arith.addi %broadcast_in_dim3A, %add3A_1469 : vector<16xi32>
        %select_n3A_1471 = arith.select %lt3A_1467, %add3A_1470, %broadcast_in_dim3A : vector<16xi1>, vector<16xi32>
        %broadcast_in_dim3A_1472 = vector.shape_cast %select_n3A_1471 : vector<16xi32> to vector<16x1xi32>
        %gather3A_1473 = vector.shape_cast %broadcast_in_dim3A_1472 : vector<16x1xi32> to vector<16xi32>
        %gather3A_1474 = tpu.dynamic_gather %exp3A_1458[%gather3A_1473] in [0] : vector<16xf32>, vector<16xi32> -> vector<16xf32>
        %lt3A_1475 = arith.constant 0 : i32
        %lt3A_1476 = vector.broadcast %lt3A_1475 : i32 to vector<16xi32>
        %lt3A_1477 = arith.cmpi slt, %broadcast_in_dim3A_39, %lt3A_1476 : vector<16xi32>
        %add3A_1478 = arith.constant 16 : i32
        %add3A_1479 = vector.broadcast %add3A_1478 : i32 to vector<16xi32>
        %add3A_1480 = arith.addi %broadcast_in_dim3A_39, %add3A_1479 : vector<16xi32>
        %select_n3A_1481 = arith.select %lt3A_1477, %add3A_1480, %broadcast_in_dim3A_39 : vector<16xi1>, vector<16xi32>
        %broadcast_in_dim3A_1482 = vector.shape_cast %select_n3A_1481 : vector<16xi32> to vector<16x1xi32>
        %gather3A_1483 = vector.shape_cast %broadcast_in_dim3A_1482 : vector<16x1xi32> to vector<16xi32>
        %gather3A_1484 = tpu.dynamic_gather %exp3A_1458[%gather3A_1483] in [0] : vector<16xf32>, vector<16xi32> -> vector<16xf32>
        %slice3A_1485 = vector.extract_strided_slice %mul3A_315 {offsets = [13], sizes = [1], strides = [1]} : vector<16xi32> to vector<1xi32>
        %squeeze3A_1486 = vector.extract %slice3A_1485[0] : i32 from vector<1xi32>
        %get3A_1487 = arith.index_cast %add3A_1443 : i32 to index
        %get3A_1488 = arith.constant 0 : index
        %get3A_1489 = tpu.vector_load %arg11[%get3A_1487, %get3A_1488] {strides = array<i32>} : memref<80x128xf32, #tpu.memory_space<vmem>>, vector<1x16xf32>,
        %get3A_1490 = vector.shape_cast %get3A_1489 : vector<1x16xf32> to vector<16xf32>
        %mul3A_1491 = arith.mulf %get3A_1490, %gather3A_1474 : vector<16xf32>
        %swap3A_1492 = arith.index_cast %squeeze3A_1486 : i32 to index
        %swap3A_1493 = tpu.vector_load %arg14[%swap3A_1492] {strides = array<i32>} : memref<65536xf32, #tpu.memory_space<vmem>>, vector<16xf32>,
        %swap3A_1494 = vector.shape_cast %swap3A_1493 : vector<16xf32> to vector<16xf32>
        %swap3A_1495 = vector.shape_cast %mul3A_1491 : vector<16xf32> to vector<16xf32>
        tpu.vector_store %arg14[%swap3A_1492], %swap3A_1495 {add = true, strides = array<i32>} : memref<65536xf32, #tpu.memory_space<vmem>>, vector<16xf32>,
        %add3A_1496 = arith.constant 16 : i32
        %add3A_1497 = arith.addi %squeeze3A_1486, %add3A_1496 : i32
        %get3A_1498 = arith.index_cast %add3A_1443 : i32 to index
        %get3A_1499 = arith.constant 16 : index
        %get3A_1500 = tpu.vector_load %arg11[%get3A_1498, %get3A_1499] {strides = array<i32>} : memref<80x128xf32, #tpu.memory_space<vmem>>, vector<1x16xf32>,
        %get3A_1501 = vector.shape_cast %get3A_1500 : vector<1x16xf32> to vector<16xf32>
        %mul3A_1502 = arith.mulf %get3A_1501, %gather3A_1474 : vector<16xf32>
        %swap3A_1503 = arith.index_cast %add3A_1497 : i32 to index
        %swap3A_1504 = tpu.vector_load %arg14[%swap3A_1503] {strides = array<i32>} : memref<65536xf32, #tpu.memory_space<vmem>>, vector<16xf32>,
        %swap3A_1505 = vector.shape_cast %swap3A_1504 : vector<16xf32> to vector<16xf32>
        %swap3A_1506 = vector.shape_cast %mul3A_1502 : vector<16xf32> to vector<16xf32>
        tpu.vector_store %arg14[%swap3A_1503], %swap3A_1506 {add = true, strides = array<i32>} : memref<65536xf32, #tpu.memory_space<vmem>>, vector<16xf32>,
        %add3A_1507 = arith.constant 32 : i32
        %add3A_1508 = arith.addi %squeeze3A_1486, %add3A_1507 : i32
        %get3A_1509 = arith.index_cast %add3A_1443 : i32 to index
        %get3A_1510 = arith.constant 32 : index
        %get3A_1511 = tpu.vector_load %arg11[%get3A_1509, %get3A_1510] {strides = array<i32>} : memref<80x128xf32, #tpu.memory_space<vmem>>, vector<1x16xf32>,
        %get3A_1512 = vector.shape_cast %get3A_1511 : vector<1x16xf32> to vector<16xf32>
        %mul3A_1513 = arith.mulf %get3A_1512, %gather3A_1484 : vector<16xf32>
        %swap3A_1514 = arith.index_cast %add3A_1508 : i32 to index
        %swap3A_1515 = tpu.vector_load %arg14[%swap3A_1514] {strides = array<i32>} : memref<65536xf32, #tpu.memory_space<vmem>>, vector<16xf32>,
        %swap3A_1516 = vector.shape_cast %swap3A_1515 : vector<16xf32> to vector<16xf32>
        %swap3A_1517 = vector.shape_cast %mul3A_1513 : vector<16xf32> to vector<16xf32>
        tpu.vector_store %arg14[%swap3A_1514], %swap3A_1517 {add = true, strides = array<i32>} : memref<65536xf32, #tpu.memory_space<vmem>>, vector<16xf32>,
        %add3A_1518 = arith.constant 48 : i32
        %add3A_1519 = arith.addi %squeeze3A_1486, %add3A_1518 : i32
        %get3A_1520 = arith.index_cast %add3A_1443 : i32 to index
        %get3A_1521 = arith.constant 48 : index
        %get3A_1522 = tpu.vector_load %arg11[%get3A_1520, %get3A_1521] {strides = array<i32>} : memref<80x128xf32, #tpu.memory_space<vmem>>, vector<1x16xf32>,
        %get3A_1523 = vector.shape_cast %get3A_1522 : vector<1x16xf32> to vector<16xf32>
        %mul3A_1524 = arith.mulf %get3A_1523, %gather3A_1484 : vector<16xf32>
        %swap3A_1525 = arith.index_cast %add3A_1519 : i32 to index
        %swap3A_1526 = tpu.vector_load %arg14[%swap3A_1525] {strides = array<i32>} : memref<65536xf32, #tpu.memory_space<vmem>>, vector<16xf32>,
        %swap3A_1527 = vector.shape_cast %swap3A_1526 : vector<16xf32> to vector<16xf32>
        %swap3A_1528 = vector.shape_cast %mul3A_1524 : vector<16xf32> to vector<16xf32>
        tpu.vector_store %arg14[%swap3A_1525], %swap3A_1528 {add = true, strides = array<i32>} : memref<65536xf32, #tpu.memory_space<vmem>>, vector<16xf32>,
        %add3A_1529 = arith.constant 14 : i32
        %add3A_1530 = arith.addi %mul3A_301, %add3A_1529 : i32
        %get3A_1531 = arith.index_cast %add3A_1530 : i32 to index
        %get3A_1532 = arith.constant 64 : index
        %get3A_1533 = tpu.vector_load %arg11[%get3A_1531, %get3A_1532] {strides = array<i32>} : memref<80x128xf32, #tpu.memory_space<vmem>>, vector<1x16xf32>,
        %get3A_1534 = vector.shape_cast %get3A_1533 : vector<1x16xf32> to vector<16xf32>
        %slice3A_1535 = vector.extract_strided_slice %mul3A_312 {offsets = [14], sizes = [1], strides = [1]} : vector<16xi32> to vector<1xi32>
        %squeeze3A_1536 = vector.extract %slice3A_1535[0] : i32 from vector<1xi32>
        %get3A_1537 = arith.index_cast %squeeze3A_1536 : i32 to index
        %get3A_1538 = tpu.vector_load %arg13[%get3A_1537] {strides = array<i32>} : memref<16384xf32, #tpu.memory_space<vmem>>, vector<16xf32>,
        %get3A_1539 = vector.shape_cast %get3A_1538 : vector<16xf32> to vector<16xf32>
        %add3A_1540 = arith.addf %get3A_1534, %get3A_1539 : vector<16xf32>
        %mul3A_1541 = arith.constant 2.000000e-01 : f32
        %mul3A_1542 = vector.broadcast %mul3A_1541 : f32 to vector<16xf32>
        %mul3A_1543 = arith.mulf %mul3A_1542, %add3A_1540 : vector<16xf32>
        %max3A_1544 = arith.maximumf %add3A_1540, %mul3A_1543 : vector<16xf32>
        %exp3A_1545 = math.exp %max3A_1544 : vector<16xf32>
        %slice3A_1546 = vector.extract_strided_slice %mul3A_312 {offsets = [14], sizes = [1], strides = [1]} : vector<16xi32> to vector<1xi32>
        %squeeze3A_1547 = vector.extract %slice3A_1546[0] : i32 from vector<1xi32>
        %swap3A_1548 = arith.index_cast %squeeze3A_1547 : i32 to index
        %swap3A_1549 = tpu.vector_load %arg15[%swap3A_1548] {strides = array<i32>} : memref<16384xf32, #tpu.memory_space<vmem>>, vector<16xf32>,
        %swap3A_1550 = vector.shape_cast %swap3A_1549 : vector<16xf32> to vector<16xf32>
        %swap3A_1551 = vector.shape_cast %exp3A_1545 : vector<16xf32> to vector<16xf32>
        tpu.vector_store %arg15[%swap3A_1548], %swap3A_1551 {add = true, strides = array<i32>} : memref<16384xf32, #tpu.memory_space<vmem>>, vector<16xf32>,
        %lt3A_1552 = arith.constant 0 : i32
        %lt3A_1553 = vector.broadcast %lt3A_1552 : i32 to vector<16xi32>
        %lt3A_1554 = arith.cmpi slt, %broadcast_in_dim3A, %lt3A_1553 : vector<16xi32>
        %add3A_1555 = arith.constant 16 : i32
        %add3A_1556 = vector.broadcast %add3A_1555 : i32 to vector<16xi32>
        %add3A_1557 = arith.addi %broadcast_in_dim3A, %add3A_1556 : vector<16xi32>
        %select_n3A_1558 = arith.select %lt3A_1554, %add3A_1557, %broadcast_in_dim3A : vector<16xi1>, vector<16xi32>
        %broadcast_in_dim3A_1559 = vector.shape_cast %select_n3A_1558 : vector<16xi32> to vector<16x1xi32>
        %gather3A_1560 = vector.shape_cast %broadcast_in_dim3A_1559 : vector<16x1xi32> to vector<16xi32>
        %gather3A_1561 = tpu.dynamic_gather %exp3A_1545[%gather3A_1560] in [0] : vector<16xf32>, vector<16xi32> -> vector<16xf32>
        %lt3A_1562 = arith.constant 0 : i32
        %lt3A_1563 = vector.broadcast %lt3A_1562 : i32 to vector<16xi32>
        %lt3A_1564 = arith.cmpi slt, %broadcast_in_dim3A_39, %lt3A_1563 : vector<16xi32>
        %add3A_1565 = arith.constant 16 : i32
        %add3A_1566 = vector.broadcast %add3A_1565 : i32 to vector<16xi32>
        %add3A_1567 = arith.addi %broadcast_in_dim3A_39, %add3A_1566 : vector<16xi32>
        %select_n3A_1568 = arith.select %lt3A_1564, %add3A_1567, %broadcast_in_dim3A_39 : vector<16xi1>, vector<16xi32>
        %broadcast_in_dim3A_1569 = vector.shape_cast %select_n3A_1568 : vector<16xi32> to vector<16x1xi32>
        %gather3A_1570 = vector.shape_cast %broadcast_in_dim3A_1569 : vector<16x1xi32> to vector<16xi32>
        %gather3A_1571 = tpu.dynamic_gather %exp3A_1545[%gather3A_1570] in [0] : vector<16xf32>, vector<16xi32> -> vector<16xf32>
        %slice3A_1572 = vector.extract_strided_slice %mul3A_315 {offsets = [14], sizes = [1], strides = [1]} : vector<16xi32> to vector<1xi32>
        %squeeze3A_1573 = vector.extract %slice3A_1572[0] : i32 from vector<1xi32>
        %get3A_1574 = arith.index_cast %add3A_1530 : i32 to index
        %get3A_1575 = arith.constant 0 : index
        %get3A_1576 = tpu.vector_load %arg11[%get3A_1574, %get3A_1575] {strides = array<i32>} : memref<80x128xf32, #tpu.memory_space<vmem>>, vector<1x16xf32>,
        %get3A_1577 = vector.shape_cast %get3A_1576 : vector<1x16xf32> to vector<16xf32>
        %mul3A_1578 = arith.mulf %get3A_1577, %gather3A_1561 : vector<16xf32>
        %swap3A_1579 = arith.index_cast %squeeze3A_1573 : i32 to index
        %swap3A_1580 = tpu.vector_load %arg14[%swap3A_1579] {strides = array<i32>} : memref<65536xf32, #tpu.memory_space<vmem>>, vector<16xf32>,
        %swap3A_1581 = vector.shape_cast %swap3A_1580 : vector<16xf32> to vector<16xf32>
        %swap3A_1582 = vector.shape_cast %mul3A_1578 : vector<16xf32> to vector<16xf32>
        tpu.vector_store %arg14[%swap3A_1579], %swap3A_1582 {add = true, strides = array<i32>} : memref<65536xf32, #tpu.memory_space<vmem>>, vector<16xf32>,
        %add3A_1583 = arith.constant 16 : i32
        %add3A_1584 = arith.addi %squeeze3A_1573, %add3A_1583 : i32
        %get3A_1585 = arith.index_cast %add3A_1530 : i32 to index
        %get3A_1586 = arith.constant 16 : index
        %get3A_1587 = tpu.vector_load %arg11[%get3A_1585, %get3A_1586] {strides = array<i32>} : memref<80x128xf32, #tpu.memory_space<vmem>>, vector<1x16xf32>,
        %get3A_1588 = vector.shape_cast %get3A_1587 : vector<1x16xf32> to vector<16xf32>
        %mul3A_1589 = arith.mulf %get3A_1588, %gather3A_1561 : vector<16xf32>
        %swap3A_1590 = arith.index_cast %add3A_1584 : i32 to index
        %swap3A_1591 = tpu.vector_load %arg14[%swap3A_1590] {strides = array<i32>} : memref<65536xf32, #tpu.memory_space<vmem>>, vector<16xf32>,
        %swap3A_1592 = vector.shape_cast %swap3A_1591 : vector<16xf32> to vector<16xf32>
        %swap3A_1593 = vector.shape_cast %mul3A_1589 : vector<16xf32> to vector<16xf32>
        tpu.vector_store %arg14[%swap3A_1590], %swap3A_1593 {add = true, strides = array<i32>} : memref<65536xf32, #tpu.memory_space<vmem>>, vector<16xf32>,
        %add3A_1594 = arith.constant 32 : i32
        %add3A_1595 = arith.addi %squeeze3A_1573, %add3A_1594 : i32
        %get3A_1596 = arith.index_cast %add3A_1530 : i32 to index
        %get3A_1597 = arith.constant 32 : index
        %get3A_1598 = tpu.vector_load %arg11[%get3A_1596, %get3A_1597] {strides = array<i32>} : memref<80x128xf32, #tpu.memory_space<vmem>>, vector<1x16xf32>,
        %get3A_1599 = vector.shape_cast %get3A_1598 : vector<1x16xf32> to vector<16xf32>
        %mul3A_1600 = arith.mulf %get3A_1599, %gather3A_1571 : vector<16xf32>
        %swap3A_1601 = arith.index_cast %add3A_1595 : i32 to index
        %swap3A_1602 = tpu.vector_load %arg14[%swap3A_1601] {strides = array<i32>} : memref<65536xf32, #tpu.memory_space<vmem>>, vector<16xf32>,
        %swap3A_1603 = vector.shape_cast %swap3A_1602 : vector<16xf32> to vector<16xf32>
        %swap3A_1604 = vector.shape_cast %mul3A_1600 : vector<16xf32> to vector<16xf32>
        tpu.vector_store %arg14[%swap3A_1601], %swap3A_1604 {add = true, strides = array<i32>} : memref<65536xf32, #tpu.memory_space<vmem>>, vector<16xf32>,
        %add3A_1605 = arith.constant 48 : i32
        %add3A_1606 = arith.addi %squeeze3A_1573, %add3A_1605 : i32
        %get3A_1607 = arith.index_cast %add3A_1530 : i32 to index
        %get3A_1608 = arith.constant 48 : index
        %get3A_1609 = tpu.vector_load %arg11[%get3A_1607, %get3A_1608] {strides = array<i32>} : memref<80x128xf32, #tpu.memory_space<vmem>>, vector<1x16xf32>,
        %get3A_1610 = vector.shape_cast %get3A_1609 : vector<1x16xf32> to vector<16xf32>
        %mul3A_1611 = arith.mulf %get3A_1610, %gather3A_1571 : vector<16xf32>
        %swap3A_1612 = arith.index_cast %add3A_1606 : i32 to index
        %swap3A_1613 = tpu.vector_load %arg14[%swap3A_1612] {strides = array<i32>} : memref<65536xf32, #tpu.memory_space<vmem>>, vector<16xf32>,
        %swap3A_1614 = vector.shape_cast %swap3A_1613 : vector<16xf32> to vector<16xf32>
        %swap3A_1615 = vector.shape_cast %mul3A_1611 : vector<16xf32> to vector<16xf32>
        tpu.vector_store %arg14[%swap3A_1612], %swap3A_1615 {add = true, strides = array<i32>} : memref<65536xf32, #tpu.memory_space<vmem>>, vector<16xf32>,
        %add3A_1616 = arith.constant 15 : i32
        %add3A_1617 = arith.addi %mul3A_301, %add3A_1616 : i32
        %get3A_1618 = arith.index_cast %add3A_1617 : i32 to index
        %get3A_1619 = arith.constant 64 : index
        %get3A_1620 = tpu.vector_load %arg11[%get3A_1618, %get3A_1619] {strides = array<i32>} : memref<80x128xf32, #tpu.memory_space<vmem>>, vector<1x16xf32>,
        %get3A_1621 = vector.shape_cast %get3A_1620 : vector<1x16xf32> to vector<16xf32>
        %slice3A_1622 = vector.extract_strided_slice %mul3A_312 {offsets = [15], sizes = [1], strides = [1]} : vector<16xi32> to vector<1xi32>
        %squeeze3A_1623 = vector.extract %slice3A_1622[0] : i32 from vector<1xi32>
        %get3A_1624 = arith.index_cast %squeeze3A_1623 : i32 to index
        %get3A_1625 = tpu.vector_load %arg13[%get3A_1624] {strides = array<i32>} : memref<16384xf32, #tpu.memory_space<vmem>>, vector<16xf32>,
        %get3A_1626 = vector.shape_cast %get3A_1625 : vector<16xf32> to vector<16xf32>
        %add3A_1627 = arith.addf %get3A_1621, %get3A_1626 : vector<16xf32>
        %mul3A_1628 = arith.constant 2.000000e-01 : f32
        %mul3A_1629 = vector.broadcast %mul3A_1628 : f32 to vector<16xf32>
        %mul3A_1630 = arith.mulf %mul3A_1629, %add3A_1627 : vector<16xf32>
        %max3A_1631 = arith.maximumf %add3A_1627, %mul3A_1630 : vector<16xf32>
        %exp3A_1632 = math.exp %max3A_1631 : vector<16xf32>
        %slice3A_1633 = vector.extract_strided_slice %mul3A_312 {offsets = [15], sizes = [1], strides = [1]} : vector<16xi32> to vector<1xi32>
        %squeeze3A_1634 = vector.extract %slice3A_1633[0] : i32 from vector<1xi32>
        %swap3A_1635 = arith.index_cast %squeeze3A_1634 : i32 to index
        %swap3A_1636 = tpu.vector_load %arg15[%swap3A_1635] {strides = array<i32>} : memref<16384xf32, #tpu.memory_space<vmem>>, vector<16xf32>,
        %swap3A_1637 = vector.shape_cast %swap3A_1636 : vector<16xf32> to vector<16xf32>
        %swap3A_1638 = vector.shape_cast %exp3A_1632 : vector<16xf32> to vector<16xf32>
        tpu.vector_store %arg15[%swap3A_1635], %swap3A_1638 {add = true, strides = array<i32>} : memref<16384xf32, #tpu.memory_space<vmem>>, vector<16xf32>,
        %lt3A_1639 = arith.constant 0 : i32
        %lt3A_1640 = vector.broadcast %lt3A_1639 : i32 to vector<16xi32>
        %lt3A_1641 = arith.cmpi slt, %broadcast_in_dim3A, %lt3A_1640 : vector<16xi32>
        %add3A_1642 = arith.constant 16 : i32
        %add3A_1643 = vector.broadcast %add3A_1642 : i32 to vector<16xi32>
        %add3A_1644 = arith.addi %broadcast_in_dim3A, %add3A_1643 : vector<16xi32>
        %select_n3A_1645 = arith.select %lt3A_1641, %add3A_1644, %broadcast_in_dim3A : vector<16xi1>, vector<16xi32>
        %broadcast_in_dim3A_1646 = vector.shape_cast %select_n3A_1645 : vector<16xi32> to vector<16x1xi32>
        %gather3A_1647 = vector.shape_cast %broadcast_in_dim3A_1646 : vector<16x1xi32> to vector<16xi32>
        %gather3A_1648 = tpu.dynamic_gather %exp3A_1632[%gather3A_1647] in [0] : vector<16xf32>, vector<16xi32> -> vector<16xf32>
        %lt3A_1649 = arith.constant 0 : i32
        %lt3A_1650 = vector.broadcast %lt3A_1649 : i32 to vector<16xi32>
        %lt3A_1651 = arith.cmpi slt, %broadcast_in_dim3A_39, %lt3A_1650 : vector<16xi32>
        %add3A_1652 = arith.constant 16 : i32
        %add3A_1653 = vector.broadcast %add3A_1652 : i32 to vector<16xi32>
        %add3A_1654 = arith.addi %broadcast_in_dim3A_39, %add3A_1653 : vector<16xi32>
        %select_n3A_1655 = arith.select %lt3A_1651, %add3A_1654, %broadcast_in_dim3A_39 : vector<16xi1>, vector<16xi32>
        %broadcast_in_dim3A_1656 = vector.shape_cast %select_n3A_1655 : vector<16xi32> to vector<16x1xi32>
        %gather3A_1657 = vector.shape_cast %broadcast_in_dim3A_1656 : vector<16x1xi32> to vector<16xi32>
        %gather3A_1658 = tpu.dynamic_gather %exp3A_1632[%gather3A_1657] in [0] : vector<16xf32>, vector<16xi32> -> vector<16xf32>
        %slice3A_1659 = vector.extract_strided_slice %mul3A_315 {offsets = [15], sizes = [1], strides = [1]} : vector<16xi32> to vector<1xi32>
        %squeeze3A_1660 = vector.extract %slice3A_1659[0] : i32 from vector<1xi32>
        %get3A_1661 = arith.index_cast %add3A_1617 : i32 to index
        %get3A_1662 = arith.constant 0 : index
        %get3A_1663 = tpu.vector_load %arg11[%get3A_1661, %get3A_1662] {strides = array<i32>} : memref<80x128xf32, #tpu.memory_space<vmem>>, vector<1x16xf32>,
        %get3A_1664 = vector.shape_cast %get3A_1663 : vector<1x16xf32> to vector<16xf32>
        %mul3A_1665 = arith.mulf %get3A_1664, %gather3A_1648 : vector<16xf32>
        %swap3A_1666 = arith.index_cast %squeeze3A_1660 : i32 to index
        %swap3A_1667 = tpu.vector_load %arg14[%swap3A_1666] {strides = array<i32>} : memref<65536xf32, #tpu.memory_space<vmem>>, vector<16xf32>,
        %swap3A_1668 = vector.shape_cast %swap3A_1667 : vector<16xf32> to vector<16xf32>
        %swap3A_1669 = vector.shape_cast %mul3A_1665 : vector<16xf32> to vector<16xf32>
        tpu.vector_store %arg14[%swap3A_1666], %swap3A_1669 {add = true, strides = array<i32>} : memref<65536xf32, #tpu.memory_space<vmem>>, vector<16xf32>,
        %add3A_1670 = arith.constant 16 : i32
        %add3A_1671 = arith.addi %squeeze3A_1660, %add3A_1670 : i32
        %get3A_1672 = arith.index_cast %add3A_1617 : i32 to index
        %get3A_1673 = arith.constant 16 : index
        %get3A_1674 = tpu.vector_load %arg11[%get3A_1672, %get3A_1673] {strides = array<i32>} : memref<80x128xf32, #tpu.memory_space<vmem>>, vector<1x16xf32>,
        %get3A_1675 = vector.shape_cast %get3A_1674 : vector<1x16xf32> to vector<16xf32>
        %mul3A_1676 = arith.mulf %get3A_1675, %gather3A_1648 : vector<16xf32>
        %swap3A_1677 = arith.index_cast %add3A_1671 : i32 to index
        %swap3A_1678 = tpu.vector_load %arg14[%swap3A_1677] {strides = array<i32>} : memref<65536xf32, #tpu.memory_space<vmem>>, vector<16xf32>,
        %swap3A_1679 = vector.shape_cast %swap3A_1678 : vector<16xf32> to vector<16xf32>
        %swap3A_1680 = vector.shape_cast %mul3A_1676 : vector<16xf32> to vector<16xf32>
        tpu.vector_store %arg14[%swap3A_1677], %swap3A_1680 {add = true, strides = array<i32>} : memref<65536xf32, #tpu.memory_space<vmem>>, vector<16xf32>,
        %add3A_1681 = arith.constant 32 : i32
        %add3A_1682 = arith.addi %squeeze3A_1660, %add3A_1681 : i32
        %get3A_1683 = arith.index_cast %add3A_1617 : i32 to index
        %get3A_1684 = arith.constant 32 : index
        %get3A_1685 = tpu.vector_load %arg11[%get3A_1683, %get3A_1684] {strides = array<i32>} : memref<80x128xf32, #tpu.memory_space<vmem>>, vector<1x16xf32>,
        %get3A_1686 = vector.shape_cast %get3A_1685 : vector<1x16xf32> to vector<16xf32>
        %mul3A_1687 = arith.mulf %get3A_1686, %gather3A_1658 : vector<16xf32>
        %swap3A_1688 = arith.index_cast %add3A_1682 : i32 to index
        %swap3A_1689 = tpu.vector_load %arg14[%swap3A_1688] {strides = array<i32>} : memref<65536xf32, #tpu.memory_space<vmem>>, vector<16xf32>,
        %swap3A_1690 = vector.shape_cast %swap3A_1689 : vector<16xf32> to vector<16xf32>
        %swap3A_1691 = vector.shape_cast %mul3A_1687 : vector<16xf32> to vector<16xf32>
        tpu.vector_store %arg14[%swap3A_1688], %swap3A_1691 {add = true, strides = array<i32>} : memref<65536xf32, #tpu.memory_space<vmem>>, vector<16xf32>,
        %add3A_1692 = arith.constant 48 : i32
        %add3A_1693 = arith.addi %squeeze3A_1660, %add3A_1692 : i32
        %get3A_1694 = arith.index_cast %add3A_1617 : i32 to index
        %get3A_1695 = arith.constant 48 : index
        %get3A_1696 = tpu.vector_load %arg11[%get3A_1694, %get3A_1695] {strides = array<i32>} : memref<80x128xf32, #tpu.memory_space<vmem>>, vector<1x16xf32>,
        %get3A_1697 = vector.shape_cast %get3A_1696 : vector<1x16xf32> to vector<16xf32>
        %mul3A_1698 = arith.mulf %get3A_1697, %gather3A_1658 : vector<16xf32>
        %swap3A_1699 = arith.index_cast %add3A_1693 : i32 to index
        %swap3A_1700 = tpu.vector_load %arg14[%swap3A_1699] {strides = array<i32>} : memref<65536xf32, #tpu.memory_space<vmem>>, vector<16xf32>,
        %swap3A_1701 = vector.shape_cast %swap3A_1700 : vector<16xf32> to vector<16xf32>
        %swap3A_1702 = vector.shape_cast %mul3A_1698 : vector<16xf32> to vector<16xf32>
        tpu.vector_store %arg14[%swap3A_1699], %swap3A_1702 {add = true, strides = array<i32>} : memref<65536xf32, #tpu.memory_space<vmem>>, vector<16xf32>,
      }
      %scan3A_199 = arith.constant 5 : i32
      %add3A_200 = arith.constant 2 : i32
      %add3A_201 = arith.addi %mul3A_107, %add3A_200 : i32
      %ge3A = arith.constant 104 : i32
      %ge3A_202 = arith.cmpi sge, %add3A_201, %ge3A : i32
      %add3A_203 = arith.constant 2 : i32
      %add3A_204 = arith.addi %mul3A_107, %add3A_203 : i32
      %jit3A_205 = arith.constant 0 : i32
      %select_n3A_206 = arith.select %ge3A_202, %jit3A_205, %add3A_204 : i32
      %mul3A_207 = arith.constant 80 : i32
      %mul3A_208 = arith.muli %select_n3A_206, %mul3A_207 : i32
      %add3A_209 = arith.constant 0 : i32
      %add3A_210 = arith.addi %mul3A_208, %add3A_209 : i32
      %get3A_211 = arith.index_cast %add3A_210 : i32 to index
      %get3A_212 = tpu.vector_load %arg8[%get3A_211] {strides = array<i32>} : memref<8320xi32, #tpu.memory_space<vmem>>, vector<16xi32>,
      %get3A_213 = vector.shape_cast %get3A_212 : vector<16xi32> to vector<16xi32>
      %and3A_214 = arith.constant 65535 : i32
      %and3A_215 = vector.broadcast %and3A_214 : i32 to vector<16xi32>
      %and3A_216 = arith.andi %get3A_213, %and3A_215 : vector<16xi32>
      %swap3A_217 = arith.constant 0 : index
      %swap3A_218 = tpu.vector_load %arg9[%swap3A_217] {strides = array<i32>} : memref<80xi32, #tpu.memory_space<vmem>>, vector<16xi32>,
      %swap3A_219 = vector.shape_cast %swap3A_218 : vector<16xi32> to vector<16xi32>
      %swap3A_220 = vector.shape_cast %and3A_216 : vector<16xi32> to vector<16xi32>
      tpu.vector_store %arg9[%swap3A_217], %swap3A_220 {strides = array<i32>} : memref<80xi32, #tpu.memory_space<vmem>>, vector<16xi32>,
      %mul3A_221 = arith.constant 80 : i32
      %mul3A_222 = arith.muli %select_n3A_206, %mul3A_221 : i32
      %add3A_223 = arith.constant 16 : i32
      %add3A_224 = arith.addi %mul3A_222, %add3A_223 : i32
      %get3A_225 = arith.index_cast %add3A_224 : i32 to index
      %get3A_226 = tpu.vector_load %arg8[%get3A_225] {strides = array<i32>} : memref<8320xi32, #tpu.memory_space<vmem>>, vector<16xi32>,
      %get3A_227 = vector.shape_cast %get3A_226 : vector<16xi32> to vector<16xi32>
      %and3A_228 = arith.constant 65535 : i32
      %and3A_229 = vector.broadcast %and3A_228 : i32 to vector<16xi32>
      %and3A_230 = arith.andi %get3A_227, %and3A_229 : vector<16xi32>
      %swap3A_231 = arith.constant 16 : index
      %swap3A_232 = tpu.vector_load %arg9[%swap3A_231] {strides = array<i32>} : memref<80xi32, #tpu.memory_space<vmem>>, vector<16xi32>,
      %swap3A_233 = vector.shape_cast %swap3A_232 : vector<16xi32> to vector<16xi32>
      %swap3A_234 = vector.shape_cast %and3A_230 : vector<16xi32> to vector<16xi32>
      tpu.vector_store %arg9[%swap3A_231], %swap3A_234 {strides = array<i32>} : memref<80xi32, #tpu.memory_space<vmem>>, vector<16xi32>,
      %mul3A_235 = arith.constant 80 : i32
      %mul3A_236 = arith.muli %select_n3A_206, %mul3A_235 : i32
      %add3A_237 = arith.constant 32 : i32
      %add3A_238 = arith.addi %mul3A_236, %add3A_237 : i32
      %get3A_239 = arith.index_cast %add3A_238 : i32 to index
      %get3A_240 = tpu.vector_load %arg8[%get3A_239] {strides = array<i32>} : memref<8320xi32, #tpu.memory_space<vmem>>, vector<16xi32>,
      %get3A_241 = vector.shape_cast %get3A_240 : vector<16xi32> to vector<16xi32>
      %and3A_242 = arith.constant 65535 : i32
      %and3A_243 = vector.broadcast %and3A_242 : i32 to vector<16xi32>
      %and3A_244 = arith.andi %get3A_241, %and3A_243 : vector<16xi32>
      %swap3A_245 = arith.constant 32 : index
      %swap3A_246 = tpu.vector_load %arg9[%swap3A_245] {strides = array<i32>} : memref<80xi32, #tpu.memory_space<vmem>>, vector<16xi32>,
      %swap3A_247 = vector.shape_cast %swap3A_246 : vector<16xi32> to vector<16xi32>
      %swap3A_248 = vector.shape_cast %and3A_244 : vector<16xi32> to vector<16xi32>
      tpu.vector_store %arg9[%swap3A_245], %swap3A_248 {strides = array<i32>} : memref<80xi32, #tpu.memory_space<vmem>>, vector<16xi32>,
      %mul3A_249 = arith.constant 80 : i32
      %mul3A_250 = arith.muli %select_n3A_206, %mul3A_249 : i32
      %add3A_251 = arith.constant 48 : i32
      %add3A_252 = arith.addi %mul3A_250, %add3A_251 : i32
      %get3A_253 = arith.index_cast %add3A_252 : i32 to index
      %get3A_254 = tpu.vector_load %arg8[%get3A_253] {strides = array<i32>} : memref<8320xi32, #tpu.memory_space<vmem>>, vector<16xi32>,
      %get3A_255 = vector.shape_cast %get3A_254 : vector<16xi32> to vector<16xi32>
      %and3A_256 = arith.constant 65535 : i32
      %and3A_257 = vector.broadcast %and3A_256 : i32 to vector<16xi32>
      %and3A_258 = arith.andi %get3A_255, %and3A_257 : vector<16xi32>
      %swap3A_259 = arith.constant 48 : index
      %swap3A_260 = tpu.vector_load %arg9[%swap3A_259] {strides = array<i32>} : memref<80xi32, #tpu.memory_space<vmem>>, vector<16xi32>,
      %swap3A_261 = vector.shape_cast %swap3A_260 : vector<16xi32> to vector<16xi32>
      %swap3A_262 = vector.shape_cast %and3A_258 : vector<16xi32> to vector<16xi32>
      tpu.vector_store %arg9[%swap3A_259], %swap3A_262 {strides = array<i32>} : memref<80xi32, #tpu.memory_space<vmem>>, vector<16xi32>,
      %mul3A_263 = arith.constant 80 : i32
      %mul3A_264 = arith.muli %select_n3A_206, %mul3A_263 : i32
      %add3A_265 = arith.constant 64 : i32
      %add3A_266 = arith.addi %mul3A_264, %add3A_265 : i32
      %get3A_267 = arith.index_cast %add3A_266 : i32 to index
      %get3A_268 = tpu.vector_load %arg8[%get3A_267] {strides = array<i32>} : memref<8320xi32, #tpu.memory_space<vmem>>, vector<16xi32>,
      %get3A_269 = vector.shape_cast %get3A_268 : vector<16xi32> to vector<16xi32>
      %and3A_270 = arith.constant 65535 : i32
      %and3A_271 = vector.broadcast %and3A_270 : i32 to vector<16xi32>
      %and3A_272 = arith.andi %get3A_269, %and3A_271 : vector<16xi32>
      %swap3A_273 = arith.constant 64 : index
      %swap3A_274 = tpu.vector_load %arg9[%swap3A_273] {strides = array<i32>} : memref<80xi32, #tpu.memory_space<vmem>>, vector<16xi32>,
      %swap3A_275 = vector.shape_cast %swap3A_274 : vector<16xi32> to vector<16xi32>
      %swap3A_276 = vector.shape_cast %and3A_272 : vector<16xi32> to vector<16xi32>
      tpu.vector_store %arg9[%swap3A_273], %swap3A_276 {strides = array<i32>} : memref<80xi32, #tpu.memory_space<vmem>>, vector<16xi32>,
      %dma_start3A_277 = arith.constant 0 : i32
      %dma_start3A_278 = arith.constant 0 : i32
      %dma_start3A_279 = tpu.memref_slice %arg3[%select_n3A_28, %dma_start3A_277, %dma_start3A_278] : memref<4x1024x128xf32, #tpu.memory_space<hbm>> -> memref<1x1024x128xf32, #tpu.memory_space<hbm>>
      %dma_start3A_280 = tpu.memref_squeeze %dma_start3A_279 : memref<1x1024x128xf32, #tpu.memory_space<hbm>> -> memref<1024x128xf32, #tpu.memory_space<hbm>>
      %dma_start3A_281 = arith.constant 0 : i32
      %dma_start3A_282 = arith.constant 0 : i32
      %dma_start3A_283 = tpu.memref_slice %dma_start3A_280[%dma_start3A_281, %dma_start3A_282] : memref<1024x128xf32, #tpu.memory_space<hbm>> -> memref<1024x128xf32, #tpu.memory_space<hbm>>
      tpu.enqueue_indirect_dma source(%dma_start3A_283 : memref<1024x128xf32, #tpu.memory_space<hbm>>) target(%arg11 : memref<80x128xf32, #tpu.memory_space<vmem>>) offsets(%arg9 : memref<80xi32, #tpu.memory_space<vmem>>) semaphore(%arg16 : memref<!tpu.dma_semaphore, #tpu.memory_space<semaphore_mem>>)
      %dma_wait3A_284 = arith.constant 0 : i32
      %dma_wait3A_285 = arith.constant 0 : i32
      %dma_wait3A_286 = tpu.memref_slice %arg3[%select_n3A_28, %dma_wait3A_284, %dma_wait3A_285] : memref<4x1024x128xf32, #tpu.memory_space<hbm>> -> memref<1x1024x128xf32, #tpu.memory_space<hbm>>
      %dma_wait3A_287 = tpu.memref_squeeze %dma_wait3A_286 : memref<1x1024x128xf32, #tpu.memory_space<hbm>> -> memref<1024x128xf32, #tpu.memory_space<hbm>>
      %dma_wait3A_288 = arith.constant 0 : i32
      %dma_wait3A_289 = arith.constant 0 : i32
      %dma_wait3A_290 = tpu.memref_slice %dma_wait3A_287[%dma_wait3A_288, %dma_wait3A_289] : memref<1024x128xf32, #tpu.memory_space<hbm>> -> memref<1024x128xf32, #tpu.memory_space<hbm>>
      tpu.wait_indirect_dma semaphore(%arg17 : memref<!tpu.dma_semaphore, #tpu.memory_space<semaphore_mem>>) src(%dma_wait3A_290 : memref<1024x128xf32, #tpu.memory_space<hbm>>) dst(%arg12 : memref<80x128xf32, #tpu.memory_space<vmem>>)
      %add3A_291 = arith.constant 1 : i32
      %add3A_292 = arith.addi %mul3A_107, %add3A_291 : i32
      %scan3A_293 = arith.constant 0 : i32
      %scan3A_294 = arith.constant 0 : i32
      %scan3A_295 = arith.constant 5 : i32
      %scan3A_296 = arith.addi %scan3A_294, %scan3A_295 : i32
      %scan3A_297 = arith.constant 1 : i32
      scf.for %scan3A_299 = %scan3A_294 to %scan3A_296 step %scan3A_297  : i32 {
        %mul3A_300 = arith.constant 16 : i32
        %mul3A_301 = arith.muli %scan3A_299, %mul3A_300 : i32
        %mul3A_302 = arith.constant 80 : i32
        %mul3A_303 = arith.muli %add3A_292, %mul3A_302 : i32
        %add3A_304 = arith.addi %mul3A_303, %mul3A_301 : i32
        %get3A_305 = arith.index_cast %add3A_304 : i32 to index
        %get3A_306 = tpu.vector_load %arg8[%get3A_305] {strides = array<i32>} : memref<8320xi32, #tpu.memory_space<vmem>>, vector<16xi32>,
        %get3A_307 = vector.shape_cast %get3A_306 : vector<16xi32> to vector<16xi32>
        %shift_right_arithmetic3A = arith.constant 16 : i32
        %shift_right_arithmetic3A_308 = vector.broadcast %shift_right_arithmetic3A : i32 to vector<16xi32>
        %shift_right_arithmetic3A_309 = arith.shrsi %get3A_307, %shift_right_arithmetic3A_308 : vector<16xi32>
        %mul3A_310 = arith.constant 16 : i32
        %mul3A_311 = vector.broadcast %mul3A_310 : i32 to vector<16xi32>
        %mul3A_312 = arith.muli %shift_right_arithmetic3A_309, %mul3A_311 : vector<16xi32>
        %mul3A_313 = arith.constant 64 : i32
        %mul3A_314 = vector.broadcast %mul3A_313 : i32 to vector<16xi32>
        %mul3A_315 = arith.muli %shift_right_arithmetic3A_309, %mul3A_314 : vector<16xi32>
        %add3A_316 = arith.constant 0 : i32
        %add3A_317 = arith.addi %mul3A_301, %add3A_316 : i32
        %get3A_318 = arith.index_cast %add3A_317 : i32 to index
        %get3A_319 = arith.constant 64 : index
        %get3A_320 = tpu.vector_load %arg12[%get3A_318, %get3A_319] {strides = array<i32>} : memref<80x128xf32, #tpu.memory_space<vmem>>, vector<1x16xf32>,
        %get3A_321 = vector.shape_cast %get3A_320 : vector<1x16xf32> to vector<16xf32>
        %slice3A = vector.extract_strided_slice %mul3A_312 {offsets = [0], sizes = [1], strides = [1]} : vector<16xi32> to vector<1xi32>
        %squeeze3A = vector.extract %slice3A[0] : i32 from vector<1xi32>
        %get3A_322 = arith.index_cast %squeeze3A : i32 to index
        %get3A_323 = tpu.vector_load %arg13[%get3A_322] {strides = array<i32>} : memref<16384xf32, #tpu.memory_space<vmem>>, vector<16xf32>,
        %get3A_324 = vector.shape_cast %get3A_323 : vector<16xf32> to vector<16xf32>
        %add3A_325 = arith.addf %get3A_321, %get3A_324 : vector<16xf32>
        %mul3A_326 = arith.constant 2.000000e-01 : f32
        %mul3A_327 = vector.broadcast %mul3A_326 : f32 to vector<16xf32>
        %mul3A_328 = arith.mulf %mul3A_327, %add3A_325 : vector<16xf32>
        %max3A = arith.maximumf %add3A_325, %mul3A_328 : vector<16xf32>
        %exp3A = math.exp %max3A : vector<16xf32>
        %slice3A_329 = vector.extract_strided_slice %mul3A_312 {offsets = [0], sizes = [1], strides = [1]} : vector<16xi32> to vector<1xi32>
        %squeeze3A_330 = vector.extract %slice3A_329[0] : i32 from vector<1xi32>
        %swap3A_331 = arith.index_cast %squeeze3A_330 : i32 to index
        %swap3A_332 = tpu.vector_load %arg15[%swap3A_331] {strides = array<i32>} : memref<16384xf32, #tpu.memory_space<vmem>>, vector<16xf32>,
        %swap3A_333 = vector.shape_cast %swap3A_332 : vector<16xf32> to vector<16xf32>
        %swap3A_334 = vector.shape_cast %exp3A : vector<16xf32> to vector<16xf32>
        tpu.vector_store %arg15[%swap3A_331], %swap3A_334 {add = true, strides = array<i32>} : memref<16384xf32, #tpu.memory_space<vmem>>, vector<16xf32>,
        %lt3A_335 = arith.constant 0 : i32
        %lt3A_336 = vector.broadcast %lt3A_335 : i32 to vector<16xi32>
        %lt3A_337 = arith.cmpi slt, %broadcast_in_dim3A, %lt3A_336 : vector<16xi32>
        %add3A_338 = arith.constant 16 : i32
        %add3A_339 = vector.broadcast %add3A_338 : i32 to vector<16xi32>
        %add3A_340 = arith.addi %broadcast_in_dim3A, %add3A_339 : vector<16xi32>
        %select_n3A_341 = arith.select %lt3A_337, %add3A_340, %broadcast_in_dim3A : vector<16xi1>, vector<16xi32>
        %broadcast_in_dim3A_342 = vector.shape_cast %select_n3A_341 : vector<16xi32> to vector<16x1xi32>
        %gather3A = vector.shape_cast %broadcast_in_dim3A_342 : vector<16x1xi32> to vector<16xi32>
        %gather3A_343 = tpu.dynamic_gather %exp3A[%gather3A] in [0] : vector<16xf32>, vector<16xi32> -> vector<16xf32>
        %lt3A_344 = arith.constant 0 : i32
        %lt3A_345 = vector.broadcast %lt3A_344 : i32 to vector<16xi32>
        %lt3A_346 = arith.cmpi slt, %broadcast_in_dim3A_39, %lt3A_345 : vector<16xi32>
        %add3A_347 = arith.constant 16 : i32
        %add3A_348 = vector.broadcast %add3A_347 : i32 to vector<16xi32>
        %add3A_349 = arith.addi %broadcast_in_dim3A_39, %add3A_348 : vector<16xi32>
        %select_n3A_350 = arith.select %lt3A_346, %add3A_349, %broadcast_in_dim3A_39 : vector<16xi1>, vector<16xi32>
        %broadcast_in_dim3A_351 = vector.shape_cast %select_n3A_350 : vector<16xi32> to vector<16x1xi32>
        %gather3A_352 = vector.shape_cast %broadcast_in_dim3A_351 : vector<16x1xi32> to vector<16xi32>
        %gather3A_353 = tpu.dynamic_gather %exp3A[%gather3A_352] in [0] : vector<16xf32>, vector<16xi32> -> vector<16xf32>
        %slice3A_354 = vector.extract_strided_slice %mul3A_315 {offsets = [0], sizes = [1], strides = [1]} : vector<16xi32> to vector<1xi32>
        %squeeze3A_355 = vector.extract %slice3A_354[0] : i32 from vector<1xi32>
        %get3A_356 = arith.index_cast %add3A_317 : i32 to index
        %get3A_357 = arith.constant 0 : index
        %get3A_358 = tpu.vector_load %arg12[%get3A_356, %get3A_357] {strides = array<i32>} : memref<80x128xf32, #tpu.memory_space<vmem>>, vector<1x16xf32>,
        %get3A_359 = vector.shape_cast %get3A_358 : vector<1x16xf32> to vector<16xf32>
        %mul3A_360 = arith.mulf %get3A_359, %gather3A_343 : vector<16xf32>
        %swap3A_361 = arith.index_cast %squeeze3A_355 : i32 to index
        %swap3A_362 = tpu.vector_load %arg14[%swap3A_361] {strides = array<i32>} : memref<65536xf32, #tpu.memory_space<vmem>>, vector<16xf32>,
        %swap3A_363 = vector.shape_cast %swap3A_362 : vector<16xf32> to vector<16xf32>
        %swap3A_364 = vector.shape_cast %mul3A_360 : vector<16xf32> to vector<16xf32>
        tpu.vector_store %arg14[%swap3A_361], %swap3A_364 {add = true, strides = array<i32>} : memref<65536xf32, #tpu.memory_space<vmem>>, vector<16xf32>,
        %add3A_365 = arith.constant 16 : i32
        %add3A_366 = arith.addi %squeeze3A_355, %add3A_365 : i32
        %get3A_367 = arith.index_cast %add3A_317 : i32 to index
        %get3A_368 = arith.constant 16 : index
        %get3A_369 = tpu.vector_load %arg12[%get3A_367, %get3A_368] {strides = array<i32>} : memref<80x128xf32, #tpu.memory_space<vmem>>, vector<1x16xf32>,
        %get3A_370 = vector.shape_cast %get3A_369 : vector<1x16xf32> to vector<16xf32>
        %mul3A_371 = arith.mulf %get3A_370, %gather3A_343 : vector<16xf32>
        %swap3A_372 = arith.index_cast %add3A_366 : i32 to index
        %swap3A_373 = tpu.vector_load %arg14[%swap3A_372] {strides = array<i32>} : memref<65536xf32, #tpu.memory_space<vmem>>, vector<16xf32>,
        %swap3A_374 = vector.shape_cast %swap3A_373 : vector<16xf32> to vector<16xf32>
        %swap3A_375 = vector.shape_cast %mul3A_371 : vector<16xf32> to vector<16xf32>
        tpu.vector_store %arg14[%swap3A_372], %swap3A_375 {add = true, strides = array<i32>} : memref<65536xf32, #tpu.memory_space<vmem>>, vector<16xf32>,
        %add3A_376 = arith.constant 32 : i32
        %add3A_377 = arith.addi %squeeze3A_355, %add3A_376 : i32
        %get3A_378 = arith.index_cast %add3A_317 : i32 to index
        %get3A_379 = arith.constant 32 : index
        %get3A_380 = tpu.vector_load %arg12[%get3A_378, %get3A_379] {strides = array<i32>} : memref<80x128xf32, #tpu.memory_space<vmem>>, vector<1x16xf32>,
        %get3A_381 = vector.shape_cast %get3A_380 : vector<1x16xf32> to vector<16xf32>
        %mul3A_382 = arith.mulf %get3A_381, %gather3A_353 : vector<16xf32>
        %swap3A_383 = arith.index_cast %add3A_377 : i32 to index
        %swap3A_384 = tpu.vector_load %arg14[%swap3A_383] {strides = array<i32>} : memref<65536xf32, #tpu.memory_space<vmem>>, vector<16xf32>,
        %swap3A_385 = vector.shape_cast %swap3A_384 : vector<16xf32> to vector<16xf32>
        %swap3A_386 = vector.shape_cast %mul3A_382 : vector<16xf32> to vector<16xf32>
        tpu.vector_store %arg14[%swap3A_383], %swap3A_386 {add = true, strides = array<i32>} : memref<65536xf32, #tpu.memory_space<vmem>>, vector<16xf32>,
        %add3A_387 = arith.constant 48 : i32
        %add3A_388 = arith.addi %squeeze3A_355, %add3A_387 : i32
        %get3A_389 = arith.index_cast %add3A_317 : i32 to index
        %get3A_390 = arith.constant 48 : index
        %get3A_391 = tpu.vector_load %arg12[%get3A_389, %get3A_390] {strides = array<i32>} : memref<80x128xf32, #tpu.memory_space<vmem>>, vector<1x16xf32>,
        %get3A_392 = vector.shape_cast %get3A_391 : vector<1x16xf32> to vector<16xf32>
        %mul3A_393 = arith.mulf %get3A_392, %gather3A_353 : vector<16xf32>
        %swap3A_394 = arith.index_cast %add3A_388 : i32 to index
        %swap3A_395 = tpu.vector_load %arg14[%swap3A_394] {strides = array<i32>} : memref<65536xf32, #tpu.memory_space<vmem>>, vector<16xf32>,
        %swap3A_396 = vector.shape_cast %swap3A_395 : vector<16xf32> to vector<16xf32>
        %swap3A_397 = vector.shape_cast %mul3A_393 : vector<16xf32> to vector<16xf32>
        tpu.vector_store %arg14[%swap3A_394], %swap3A_397 {add = true, strides = array<i32>} : memref<65536xf32, #tpu.memory_space<vmem>>, vector<16xf32>,
        %add3A_398 = arith.constant 1 : i32
        %add3A_399 = arith.addi %mul3A_301, %add3A_398 : i32
        %get3A_400 = arith.index_cast %add3A_399 : i32 to index
        %get3A_401 = arith.constant 64 : index
        %get3A_402 = tpu.vector_load %arg12[%get3A_400, %get3A_401] {strides = array<i32>} : memref<80x128xf32, #tpu.memory_space<vmem>>, vector<1x16xf32>,
        %get3A_403 = vector.shape_cast %get3A_402 : vector<1x16xf32> to vector<16xf32>
        %slice3A_404 = vector.extract_strided_slice %mul3A_312 {offsets = [1], sizes = [1], strides = [1]} : vector<16xi32> to vector<1xi32>
        %squeeze3A_405 = vector.extract %slice3A_404[0] : i32 from vector<1xi32>
        %get3A_406 = arith.index_cast %squeeze3A_405 : i32 to index
        %get3A_407 = tpu.vector_load %arg13[%get3A_406] {strides = array<i32>} : memref<16384xf32, #tpu.memory_space<vmem>>, vector<16xf32>,
        %get3A_408 = vector.shape_cast %get3A_407 : vector<16xf32> to vector<16xf32>
        %add3A_409 = arith.addf %get3A_403, %get3A_408 : vector<16xf32>
        %mul3A_410 = arith.constant 2.000000e-01 : f32
        %mul3A_411 = vector.broadcast %mul3A_410 : f32 to vector<16xf32>
        %mul3A_412 = arith.mulf %mul3A_411, %add3A_409 : vector<16xf32>
        %max3A_413 = arith.maximumf %add3A_409, %mul3A_412 : vector<16xf32>
        %exp3A_414 = math.exp %max3A_413 : vector<16xf32>
        %slice3A_415 = vector.extract_strided_slice %mul3A_312 {offsets = [1], sizes = [1], strides = [1]} : vector<16xi32> to vector<1xi32>
        %squeeze3A_416 = vector.extract %slice3A_415[0] : i32 from vector<1xi32>
        %swap3A_417 = arith.index_cast %squeeze3A_416 : i32 to index
        %swap3A_418 = tpu.vector_load %arg15[%swap3A_417] {strides = array<i32>} : memref<16384xf32, #tpu.memory_space<vmem>>, vector<16xf32>,
        %swap3A_419 = vector.shape_cast %swap3A_418 : vector<16xf32> to vector<16xf32>
        %swap3A_420 = vector.shape_cast %exp3A_414 : vector<16xf32> to vector<16xf32>
        tpu.vector_store %arg15[%swap3A_417], %swap3A_420 {add = true, strides = array<i32>} : memref<16384xf32, #tpu.memory_space<vmem>>, vector<16xf32>,
        %lt3A_421 = arith.constant 0 : i32
        %lt3A_422 = vector.broadcast %lt3A_421 : i32 to vector<16xi32>
        %lt3A_423 = arith.cmpi slt, %broadcast_in_dim3A, %lt3A_422 : vector<16xi32>
        %add3A_424 = arith.constant 16 : i32
        %add3A_425 = vector.broadcast %add3A_424 : i32 to vector<16xi32>
        %add3A_426 = arith.addi %broadcast_in_dim3A, %add3A_425 : vector<16xi32>
        %select_n3A_427 = arith.select %lt3A_423, %add3A_426, %broadcast_in_dim3A : vector<16xi1>, vector<16xi32>
        %broadcast_in_dim3A_428 = vector.shape_cast %select_n3A_427 : vector<16xi32> to vector<16x1xi32>
        %gather3A_429 = vector.shape_cast %broadcast_in_dim3A_428 : vector<16x1xi32> to vector<16xi32>
        %gather3A_430 = tpu.dynamic_gather %exp3A_414[%gather3A_429] in [0] : vector<16xf32>, vector<16xi32> -> vector<16xf32>
        %lt3A_431 = arith.constant 0 : i32
        %lt3A_432 = vector.broadcast %lt3A_431 : i32 to vector<16xi32>
        %lt3A_433 = arith.cmpi slt, %broadcast_in_dim3A_39, %lt3A_432 : vector<16xi32>
        %add3A_434 = arith.constant 16 : i32
        %add3A_435 = vector.broadcast %add3A_434 : i32 to vector<16xi32>
        %add3A_436 = arith.addi %broadcast_in_dim3A_39, %add3A_435 : vector<16xi32>
        %select_n3A_437 = arith.select %lt3A_433, %add3A_436, %broadcast_in_dim3A_39 : vector<16xi1>, vector<16xi32>
        %broadcast_in_dim3A_438 = vector.shape_cast %select_n3A_437 : vector<16xi32> to vector<16x1xi32>
        %gather3A_439 = vector.shape_cast %broadcast_in_dim3A_438 : vector<16x1xi32> to vector<16xi32>
        %gather3A_440 = tpu.dynamic_gather %exp3A_414[%gather3A_439] in [0] : vector<16xf32>, vector<16xi32> -> vector<16xf32>
        %slice3A_441 = vector.extract_strided_slice %mul3A_315 {offsets = [1], sizes = [1], strides = [1]} : vector<16xi32> to vector<1xi32>
        %squeeze3A_442 = vector.extract %slice3A_441[0] : i32 from vector<1xi32>
        %get3A_443 = arith.index_cast %add3A_399 : i32 to index
        %get3A_444 = arith.constant 0 : index
        %get3A_445 = tpu.vector_load %arg12[%get3A_443, %get3A_444] {strides = array<i32>} : memref<80x128xf32, #tpu.memory_space<vmem>>, vector<1x16xf32>,
        %get3A_446 = vector.shape_cast %get3A_445 : vector<1x16xf32> to vector<16xf32>
        %mul3A_447 = arith.mulf %get3A_446, %gather3A_430 : vector<16xf32>
        %swap3A_448 = arith.index_cast %squeeze3A_442 : i32 to index
        %swap3A_449 = tpu.vector_load %arg14[%swap3A_448] {strides = array<i32>} : memref<65536xf32, #tpu.memory_space<vmem>>, vector<16xf32>,
        %swap3A_450 = vector.shape_cast %swap3A_449 : vector<16xf32> to vector<16xf32>
        %swap3A_451 = vector.shape_cast %mul3A_447 : vector<16xf32> to vector<16xf32>
        tpu.vector_store %arg14[%swap3A_448], %swap3A_451 {add = true, strides = array<i32>} : memref<65536xf32, #tpu.memory_space<vmem>>, vector<16xf32>,
        %add3A_452 = arith.constant 16 : i32
        %add3A_453 = arith.addi %squeeze3A_442, %add3A_452 : i32
        %get3A_454 = arith.index_cast %add3A_399 : i32 to index
        %get3A_455 = arith.constant 16 : index
        %get3A_456 = tpu.vector_load %arg12[%get3A_454, %get3A_455] {strides = array<i32>} : memref<80x128xf32, #tpu.memory_space<vmem>>, vector<1x16xf32>,
        %get3A_457 = vector.shape_cast %get3A_456 : vector<1x16xf32> to vector<16xf32>
        %mul3A_458 = arith.mulf %get3A_457, %gather3A_430 : vector<16xf32>
        %swap3A_459 = arith.index_cast %add3A_453 : i32 to index
        %swap3A_460 = tpu.vector_load %arg14[%swap3A_459] {strides = array<i32>} : memref<65536xf32, #tpu.memory_space<vmem>>, vector<16xf32>,
        %swap3A_461 = vector.shape_cast %swap3A_460 : vector<16xf32> to vector<16xf32>
        %swap3A_462 = vector.shape_cast %mul3A_458 : vector<16xf32> to vector<16xf32>
        tpu.vector_store %arg14[%swap3A_459], %swap3A_462 {add = true, strides = array<i32>} : memref<65536xf32, #tpu.memory_space<vmem>>, vector<16xf32>,
        %add3A_463 = arith.constant 32 : i32
        %add3A_464 = arith.addi %squeeze3A_442, %add3A_463 : i32
        %get3A_465 = arith.index_cast %add3A_399 : i32 to index
        %get3A_466 = arith.constant 32 : index
        %get3A_467 = tpu.vector_load %arg12[%get3A_465, %get3A_466] {strides = array<i32>} : memref<80x128xf32, #tpu.memory_space<vmem>>, vector<1x16xf32>,
        %get3A_468 = vector.shape_cast %get3A_467 : vector<1x16xf32> to vector<16xf32>
        %mul3A_469 = arith.mulf %get3A_468, %gather3A_440 : vector<16xf32>
        %swap3A_470 = arith.index_cast %add3A_464 : i32 to index
        %swap3A_471 = tpu.vector_load %arg14[%swap3A_470] {strides = array<i32>} : memref<65536xf32, #tpu.memory_space<vmem>>, vector<16xf32>,
        %swap3A_472 = vector.shape_cast %swap3A_471 : vector<16xf32> to vector<16xf32>
        %swap3A_473 = vector.shape_cast %mul3A_469 : vector<16xf32> to vector<16xf32>
        tpu.vector_store %arg14[%swap3A_470], %swap3A_473 {add = true, strides = array<i32>} : memref<65536xf32, #tpu.memory_space<vmem>>, vector<16xf32>,
        %add3A_474 = arith.constant 48 : i32
        %add3A_475 = arith.addi %squeeze3A_442, %add3A_474 : i32
        %get3A_476 = arith.index_cast %add3A_399 : i32 to index
        %get3A_477 = arith.constant 48 : index
        %get3A_478 = tpu.vector_load %arg12[%get3A_476, %get3A_477] {strides = array<i32>} : memref<80x128xf32, #tpu.memory_space<vmem>>, vector<1x16xf32>,
        %get3A_479 = vector.shape_cast %get3A_478 : vector<1x16xf32> to vector<16xf32>
        %mul3A_480 = arith.mulf %get3A_479, %gather3A_440 : vector<16xf32>
        %swap3A_481 = arith.index_cast %add3A_475 : i32 to index
        %swap3A_482 = tpu.vector_load %arg14[%swap3A_481] {strides = array<i32>} : memref<65536xf32, #tpu.memory_space<vmem>>, vector<16xf32>,
        %swap3A_483 = vector.shape_cast %swap3A_482 : vector<16xf32> to vector<16xf32>
        %swap3A_484 = vector.shape_cast %mul3A_480 : vector<16xf32> to vector<16xf32>
        tpu.vector_store %arg14[%swap3A_481], %swap3A_484 {add = true, strides = array<i32>} : memref<65536xf32, #tpu.memory_space<vmem>>, vector<16xf32>,
        %add3A_485 = arith.constant 2 : i32
        %add3A_486 = arith.addi %mul3A_301, %add3A_485 : i32
        %get3A_487 = arith.index_cast %add3A_486 : i32 to index
        %get3A_488 = arith.constant 64 : index
        %get3A_489 = tpu.vector_load %arg12[%get3A_487, %get3A_488] {strides = array<i32>} : memref<80x128xf32, #tpu.memory_space<vmem>>, vector<1x16xf32>,
        %get3A_490 = vector.shape_cast %get3A_489 : vector<1x16xf32> to vector<16xf32>
        %slice3A_491 = vector.extract_strided_slice %mul3A_312 {offsets = [2], sizes = [1], strides = [1]} : vector<16xi32> to vector<1xi32>
        %squeeze3A_492 = vector.extract %slice3A_491[0] : i32 from vector<1xi32>
        %get3A_493 = arith.index_cast %squeeze3A_492 : i32 to index
        %get3A_494 = tpu.vector_load %arg13[%get3A_493] {strides = array<i32>} : memref<16384xf32, #tpu.memory_space<vmem>>, vector<16xf32>,
        %get3A_495 = vector.shape_cast %get3A_494 : vector<16xf32> to vector<16xf32>
        %add3A_496 = arith.addf %get3A_490, %get3A_495 : vector<16xf32>
        %mul3A_497 = arith.constant 2.000000e-01 : f32
        %mul3A_498 = vector.broadcast %mul3A_497 : f32 to vector<16xf32>
        %mul3A_499 = arith.mulf %mul3A_498, %add3A_496 : vector<16xf32>
        %max3A_500 = arith.maximumf %add3A_496, %mul3A_499 : vector<16xf32>
        %exp3A_501 = math.exp %max3A_500 : vector<16xf32>
        %slice3A_502 = vector.extract_strided_slice %mul3A_312 {offsets = [2], sizes = [1], strides = [1]} : vector<16xi32> to vector<1xi32>
        %squeeze3A_503 = vector.extract %slice3A_502[0] : i32 from vector<1xi32>
        %swap3A_504 = arith.index_cast %squeeze3A_503 : i32 to index
        %swap3A_505 = tpu.vector_load %arg15[%swap3A_504] {strides = array<i32>} : memref<16384xf32, #tpu.memory_space<vmem>>, vector<16xf32>,
        %swap3A_506 = vector.shape_cast %swap3A_505 : vector<16xf32> to vector<16xf32>
        %swap3A_507 = vector.shape_cast %exp3A_501 : vector<16xf32> to vector<16xf32>
        tpu.vector_store %arg15[%swap3A_504], %swap3A_507 {add = true, strides = array<i32>} : memref<16384xf32, #tpu.memory_space<vmem>>, vector<16xf32>,
        %lt3A_508 = arith.constant 0 : i32
        %lt3A_509 = vector.broadcast %lt3A_508 : i32 to vector<16xi32>
        %lt3A_510 = arith.cmpi slt, %broadcast_in_dim3A, %lt3A_509 : vector<16xi32>
        %add3A_511 = arith.constant 16 : i32
        %add3A_512 = vector.broadcast %add3A_511 : i32 to vector<16xi32>
        %add3A_513 = arith.addi %broadcast_in_dim3A, %add3A_512 : vector<16xi32>
        %select_n3A_514 = arith.select %lt3A_510, %add3A_513, %broadcast_in_dim3A : vector<16xi1>, vector<16xi32>
        %broadcast_in_dim3A_515 = vector.shape_cast %select_n3A_514 : vector<16xi32> to vector<16x1xi32>
        %gather3A_516 = vector.shape_cast %broadcast_in_dim3A_515 : vector<16x1xi32> to vector<16xi32>
        %gather3A_517 = tpu.dynamic_gather %exp3A_501[%gather3A_516] in [0] : vector<16xf32>, vector<16xi32> -> vector<16xf32>
        %lt3A_518 = arith.constant 0 : i32
        %lt3A_519 = vector.broadcast %lt3A_518 : i32 to vector<16xi32>
        %lt3A_520 = arith.cmpi slt, %broadcast_in_dim3A_39, %lt3A_519 : vector<16xi32>
        %add3A_521 = arith.constant 16 : i32
        %add3A_522 = vector.broadcast %add3A_521 : i32 to vector<16xi32>
        %add3A_523 = arith.addi %broadcast_in_dim3A_39, %add3A_522 : vector<16xi32>
        %select_n3A_524 = arith.select %lt3A_520, %add3A_523, %broadcast_in_dim3A_39 : vector<16xi1>, vector<16xi32>
        %broadcast_in_dim3A_525 = vector.shape_cast %select_n3A_524 : vector<16xi32> to vector<16x1xi32>
        %gather3A_526 = vector.shape_cast %broadcast_in_dim3A_525 : vector<16x1xi32> to vector<16xi32>
        %gather3A_527 = tpu.dynamic_gather %exp3A_501[%gather3A_526] in [0] : vector<16xf32>, vector<16xi32> -> vector<16xf32>
        %slice3A_528 = vector.extract_strided_slice %mul3A_315 {offsets = [2], sizes = [1], strides = [1]} : vector<16xi32> to vector<1xi32>
        %squeeze3A_529 = vector.extract %slice3A_528[0] : i32 from vector<1xi32>
        %get3A_530 = arith.index_cast %add3A_486 : i32 to index
        %get3A_531 = arith.constant 0 : index
        %get3A_532 = tpu.vector_load %arg12[%get3A_530, %get3A_531] {strides = array<i32>} : memref<80x128xf32, #tpu.memory_space<vmem>>, vector<1x16xf32>,
        %get3A_533 = vector.shape_cast %get3A_532 : vector<1x16xf32> to vector<16xf32>
        %mul3A_534 = arith.mulf %get3A_533, %gather3A_517 : vector<16xf32>
        %swap3A_535 = arith.index_cast %squeeze3A_529 : i32 to index
        %swap3A_536 = tpu.vector_load %arg14[%swap3A_535] {strides = array<i32>} : memref<65536xf32, #tpu.memory_space<vmem>>, vector<16xf32>,
        %swap3A_537 = vector.shape_cast %swap3A_536 : vector<16xf32> to vector<16xf32>
        %swap3A_538 = vector.shape_cast %mul3A_534 : vector<16xf32> to vector<16xf32>
        tpu.vector_store %arg14[%swap3A_535], %swap3A_538 {add = true, strides = array<i32>} : memref<65536xf32, #tpu.memory_space<vmem>>, vector<16xf32>,
        %add3A_539 = arith.constant 16 : i32
        %add3A_540 = arith.addi %squeeze3A_529, %add3A_539 : i32
        %get3A_541 = arith.index_cast %add3A_486 : i32 to index
        %get3A_542 = arith.constant 16 : index
        %get3A_543 = tpu.vector_load %arg12[%get3A_541, %get3A_542] {strides = array<i32>} : memref<80x128xf32, #tpu.memory_space<vmem>>, vector<1x16xf32>,
        %get3A_544 = vector.shape_cast %get3A_543 : vector<1x16xf32> to vector<16xf32>
        %mul3A_545 = arith.mulf %get3A_544, %gather3A_517 : vector<16xf32>
        %swap3A_546 = arith.index_cast %add3A_540 : i32 to index
        %swap3A_547 = tpu.vector_load %arg14[%swap3A_546] {strides = array<i32>} : memref<65536xf32, #tpu.memory_space<vmem>>, vector<16xf32>,
        %swap3A_548 = vector.shape_cast %swap3A_547 : vector<16xf32> to vector<16xf32>
        %swap3A_549 = vector.shape_cast %mul3A_545 : vector<16xf32> to vector<16xf32>
        tpu.vector_store %arg14[%swap3A_546], %swap3A_549 {add = true, strides = array<i32>} : memref<65536xf32, #tpu.memory_space<vmem>>, vector<16xf32>,
        %add3A_550 = arith.constant 32 : i32
        %add3A_551 = arith.addi %squeeze3A_529, %add3A_550 : i32
        %get3A_552 = arith.index_cast %add3A_486 : i32 to index
        %get3A_553 = arith.constant 32 : index
        %get3A_554 = tpu.vector_load %arg12[%get3A_552, %get3A_553] {strides = array<i32>} : memref<80x128xf32, #tpu.memory_space<vmem>>, vector<1x16xf32>,
        %get3A_555 = vector.shape_cast %get3A_554 : vector<1x16xf32> to vector<16xf32>
        %mul3A_556 = arith.mulf %get3A_555, %gather3A_527 : vector<16xf32>
        %swap3A_557 = arith.index_cast %add3A_551 : i32 to index
        %swap3A_558 = tpu.vector_load %arg14[%swap3A_557] {strides = array<i32>} : memref<65536xf32, #tpu.memory_space<vmem>>, vector<16xf32>,
        %swap3A_559 = vector.shape_cast %swap3A_558 : vector<16xf32> to vector<16xf32>
        %swap3A_560 = vector.shape_cast %mul3A_556 : vector<16xf32> to vector<16xf32>
        tpu.vector_store %arg14[%swap3A_557], %swap3A_560 {add = true, strides = array<i32>} : memref<65536xf32, #tpu.memory_space<vmem>>, vector<16xf32>,
        %add3A_561 = arith.constant 48 : i32
        %add3A_562 = arith.addi %squeeze3A_529, %add3A_561 : i32
        %get3A_563 = arith.index_cast %add3A_486 : i32 to index
        %get3A_564 = arith.constant 48 : index
        %get3A_565 = tpu.vector_load %arg12[%get3A_563, %get3A_564] {strides = array<i32>} : memref<80x128xf32, #tpu.memory_space<vmem>>, vector<1x16xf32>,
        %get3A_566 = vector.shape_cast %get3A_565 : vector<1x16xf32> to vector<16xf32>
        %mul3A_567 = arith.mulf %get3A_566, %gather3A_527 : vector<16xf32>
        %swap3A_568 = arith.index_cast %add3A_562 : i32 to index
        %swap3A_569 = tpu.vector_load %arg14[%swap3A_568] {strides = array<i32>} : memref<65536xf32, #tpu.memory_space<vmem>>, vector<16xf32>,
        %swap3A_570 = vector.shape_cast %swap3A_569 : vector<16xf32> to vector<16xf32>
        %swap3A_571 = vector.shape_cast %mul3A_567 : vector<16xf32> to vector<16xf32>
        tpu.vector_store %arg14[%swap3A_568], %swap3A_571 {add = true, strides = array<i32>} : memref<65536xf32, #tpu.memory_space<vmem>>, vector<16xf32>,
        %add3A_572 = arith.constant 3 : i32
        %add3A_573 = arith.addi %mul3A_301, %add3A_572 : i32
        %get3A_574 = arith.index_cast %add3A_573 : i32 to index
        %get3A_575 = arith.constant 64 : index
        %get3A_576 = tpu.vector_load %arg12[%get3A_574, %get3A_575] {strides = array<i32>} : memref<80x128xf32, #tpu.memory_space<vmem>>, vector<1x16xf32>,
        %get3A_577 = vector.shape_cast %get3A_576 : vector<1x16xf32> to vector<16xf32>
        %slice3A_578 = vector.extract_strided_slice %mul3A_312 {offsets = [3], sizes = [1], strides = [1]} : vector<16xi32> to vector<1xi32>
        %squeeze3A_579 = vector.extract %slice3A_578[0] : i32 from vector<1xi32>
        %get3A_580 = arith.index_cast %squeeze3A_579 : i32 to index
        %get3A_581 = tpu.vector_load %arg13[%get3A_580] {strides = array<i32>} : memref<16384xf32, #tpu.memory_space<vmem>>, vector<16xf32>,
        %get3A_582 = vector.shape_cast %get3A_581 : vector<16xf32> to vector<16xf32>
        %add3A_583 = arith.addf %get3A_577, %get3A_582 : vector<16xf32>
        %mul3A_584 = arith.constant 2.000000e-01 : f32
        %mul3A_585 = vector.broadcast %mul3A_584 : f32 to vector<16xf32>
        %mul3A_586 = arith.mulf %mul3A_585, %add3A_583 : vector<16xf32>
        %max3A_587 = arith.maximumf %add3A_583, %mul3A_586 : vector<16xf32>
        %exp3A_588 = math.exp %max3A_587 : vector<16xf32>
        %slice3A_589 = vector.extract_strided_slice %mul3A_312 {offsets = [3], sizes = [1], strides = [1]} : vector<16xi32> to vector<1xi32>
        %squeeze3A_590 = vector.extract %slice3A_589[0] : i32 from vector<1xi32>
        %swap3A_591 = arith.index_cast %squeeze3A_590 : i32 to index
        %swap3A_592 = tpu.vector_load %arg15[%swap3A_591] {strides = array<i32>} : memref<16384xf32, #tpu.memory_space<vmem>>, vector<16xf32>,
        %swap3A_593 = vector.shape_cast %swap3A_592 : vector<16xf32> to vector<16xf32>
        %swap3A_594 = vector.shape_cast %exp3A_588 : vector<16xf32> to vector<16xf32>
        tpu.vector_store %arg15[%swap3A_591], %swap3A_594 {add = true, strides = array<i32>} : memref<16384xf32, #tpu.memory_space<vmem>>, vector<16xf32>,
        %lt3A_595 = arith.constant 0 : i32
        %lt3A_596 = vector.broadcast %lt3A_595 : i32 to vector<16xi32>
        %lt3A_597 = arith.cmpi slt, %broadcast_in_dim3A, %lt3A_596 : vector<16xi32>
        %add3A_598 = arith.constant 16 : i32
        %add3A_599 = vector.broadcast %add3A_598 : i32 to vector<16xi32>
        %add3A_600 = arith.addi %broadcast_in_dim3A, %add3A_599 : vector<16xi32>
        %select_n3A_601 = arith.select %lt3A_597, %add3A_600, %broadcast_in_dim3A : vector<16xi1>, vector<16xi32>
        %broadcast_in_dim3A_602 = vector.shape_cast %select_n3A_601 : vector<16xi32> to vector<16x1xi32>
        %gather3A_603 = vector.shape_cast %broadcast_in_dim3A_602 : vector<16x1xi32> to vector<16xi32>
        %gather3A_604 = tpu.dynamic_gather %exp3A_588[%gather3A_603] in [0] : vector<16xf32>, vector<16xi32> -> vector<16xf32>
        %lt3A_605 = arith.constant 0 : i32
        %lt3A_606 = vector.broadcast %lt3A_605 : i32 to vector<16xi32>
        %lt3A_607 = arith.cmpi slt, %broadcast_in_dim3A_39, %lt3A_606 : vector<16xi32>
        %add3A_608 = arith.constant 16 : i32
        %add3A_609 = vector.broadcast %add3A_608 : i32 to vector<16xi32>
        %add3A_610 = arith.addi %broadcast_in_dim3A_39, %add3A_609 : vector<16xi32>
        %select_n3A_611 = arith.select %lt3A_607, %add3A_610, %broadcast_in_dim3A_39 : vector<16xi1>, vector<16xi32>
        %broadcast_in_dim3A_612 = vector.shape_cast %select_n3A_611 : vector<16xi32> to vector<16x1xi32>
        %gather3A_613 = vector.shape_cast %broadcast_in_dim3A_612 : vector<16x1xi32> to vector<16xi32>
        %gather3A_614 = tpu.dynamic_gather %exp3A_588[%gather3A_613] in [0] : vector<16xf32>, vector<16xi32> -> vector<16xf32>
        %slice3A_615 = vector.extract_strided_slice %mul3A_315 {offsets = [3], sizes = [1], strides = [1]} : vector<16xi32> to vector<1xi32>
        %squeeze3A_616 = vector.extract %slice3A_615[0] : i32 from vector<1xi32>
        %get3A_617 = arith.index_cast %add3A_573 : i32 to index
        %get3A_618 = arith.constant 0 : index
        %get3A_619 = tpu.vector_load %arg12[%get3A_617, %get3A_618] {strides = array<i32>} : memref<80x128xf32, #tpu.memory_space<vmem>>, vector<1x16xf32>,
        %get3A_620 = vector.shape_cast %get3A_619 : vector<1x16xf32> to vector<16xf32>
        %mul3A_621 = arith.mulf %get3A_620, %gather3A_604 : vector<16xf32>
        %swap3A_622 = arith.index_cast %squeeze3A_616 : i32 to index
        %swap3A_623 = tpu.vector_load %arg14[%swap3A_622] {strides = array<i32>} : memref<65536xf32, #tpu.memory_space<vmem>>, vector<16xf32>,
        %swap3A_624 = vector.shape_cast %swap3A_623 : vector<16xf32> to vector<16xf32>
        %swap3A_625 = vector.shape_cast %mul3A_621 : vector<16xf32> to vector<16xf32>
        tpu.vector_store %arg14[%swap3A_622], %swap3A_625 {add = true, strides = array<i32>} : memref<65536xf32, #tpu.memory_space<vmem>>, vector<16xf32>,
        %add3A_626 = arith.constant 16 : i32
        %add3A_627 = arith.addi %squeeze3A_616, %add3A_626 : i32
        %get3A_628 = arith.index_cast %add3A_573 : i32 to index
        %get3A_629 = arith.constant 16 : index
        %get3A_630 = tpu.vector_load %arg12[%get3A_628, %get3A_629] {strides = array<i32>} : memref<80x128xf32, #tpu.memory_space<vmem>>, vector<1x16xf32>,
        %get3A_631 = vector.shape_cast %get3A_630 : vector<1x16xf32> to vector<16xf32>
        %mul3A_632 = arith.mulf %get3A_631, %gather3A_604 : vector<16xf32>
        %swap3A_633 = arith.index_cast %add3A_627 : i32 to index
        %swap3A_634 = tpu.vector_load %arg14[%swap3A_633] {strides = array<i32>} : memref<65536xf32, #tpu.memory_space<vmem>>, vector<16xf32>,
        %swap3A_635 = vector.shape_cast %swap3A_634 : vector<16xf32> to vector<16xf32>
        %swap3A_636 = vector.shape_cast %mul3A_632 : vector<16xf32> to vector<16xf32>
        tpu.vector_store %arg14[%swap3A_633], %swap3A_636 {add = true, strides = array<i32>} : memref<65536xf32, #tpu.memory_space<vmem>>, vector<16xf32>,
        %add3A_637 = arith.constant 32 : i32
        %add3A_638 = arith.addi %squeeze3A_616, %add3A_637 : i32
        %get3A_639 = arith.index_cast %add3A_573 : i32 to index
        %get3A_640 = arith.constant 32 : index
        %get3A_641 = tpu.vector_load %arg12[%get3A_639, %get3A_640] {strides = array<i32>} : memref<80x128xf32, #tpu.memory_space<vmem>>, vector<1x16xf32>,
        %get3A_642 = vector.shape_cast %get3A_641 : vector<1x16xf32> to vector<16xf32>
        %mul3A_643 = arith.mulf %get3A_642, %gather3A_614 : vector<16xf32>
        %swap3A_644 = arith.index_cast %add3A_638 : i32 to index
        %swap3A_645 = tpu.vector_load %arg14[%swap3A_644] {strides = array<i32>} : memref<65536xf32, #tpu.memory_space<vmem>>, vector<16xf32>,
        %swap3A_646 = vector.shape_cast %swap3A_645 : vector<16xf32> to vector<16xf32>
        %swap3A_647 = vector.shape_cast %mul3A_643 : vector<16xf32> to vector<16xf32>
        tpu.vector_store %arg14[%swap3A_644], %swap3A_647 {add = true, strides = array<i32>} : memref<65536xf32, #tpu.memory_space<vmem>>, vector<16xf32>,
        %add3A_648 = arith.constant 48 : i32
        %add3A_649 = arith.addi %squeeze3A_616, %add3A_648 : i32
        %get3A_650 = arith.index_cast %add3A_573 : i32 to index
        %get3A_651 = arith.constant 48 : index
        %get3A_652 = tpu.vector_load %arg12[%get3A_650, %get3A_651] {strides = array<i32>} : memref<80x128xf32, #tpu.memory_space<vmem>>, vector<1x16xf32>,
        %get3A_653 = vector.shape_cast %get3A_652 : vector<1x16xf32> to vector<16xf32>
        %mul3A_654 = arith.mulf %get3A_653, %gather3A_614 : vector<16xf32>
        %swap3A_655 = arith.index_cast %add3A_649 : i32 to index
        %swap3A_656 = tpu.vector_load %arg14[%swap3A_655] {strides = array<i32>} : memref<65536xf32, #tpu.memory_space<vmem>>, vector<16xf32>,
        %swap3A_657 = vector.shape_cast %swap3A_656 : vector<16xf32> to vector<16xf32>
        %swap3A_658 = vector.shape_cast %mul3A_654 : vector<16xf32> to vector<16xf32>
        tpu.vector_store %arg14[%swap3A_655], %swap3A_658 {add = true, strides = array<i32>} : memref<65536xf32, #tpu.memory_space<vmem>>, vector<16xf32>,
        %add3A_659 = arith.constant 4 : i32
        %add3A_660 = arith.addi %mul3A_301, %add3A_659 : i32
        %get3A_661 = arith.index_cast %add3A_660 : i32 to index
        %get3A_662 = arith.constant 64 : index
        %get3A_663 = tpu.vector_load %arg12[%get3A_661, %get3A_662] {strides = array<i32>} : memref<80x128xf32, #tpu.memory_space<vmem>>, vector<1x16xf32>,
        %get3A_664 = vector.shape_cast %get3A_663 : vector<1x16xf32> to vector<16xf32>
        %slice3A_665 = vector.extract_strided_slice %mul3A_312 {offsets = [4], sizes = [1], strides = [1]} : vector<16xi32> to vector<1xi32>
        %squeeze3A_666 = vector.extract %slice3A_665[0] : i32 from vector<1xi32>
        %get3A_667 = arith.index_cast %squeeze3A_666 : i32 to index
        %get3A_668 = tpu.vector_load %arg13[%get3A_667] {strides = array<i32>} : memref<16384xf32, #tpu.memory_space<vmem>>, vector<16xf32>,
        %get3A_669 = vector.shape_cast %get3A_668 : vector<16xf32> to vector<16xf32>
        %add3A_670 = arith.addf %get3A_664, %get3A_669 : vector<16xf32>
        %mul3A_671 = arith.constant 2.000000e-01 : f32
        %mul3A_672 = vector.broadcast %mul3A_671 : f32 to vector<16xf32>
        %mul3A_673 = arith.mulf %mul3A_672, %add3A_670 : vector<16xf32>
        %max3A_674 = arith.maximumf %add3A_670, %mul3A_673 : vector<16xf32>
        %exp3A_675 = math.exp %max3A_674 : vector<16xf32>
        %slice3A_676 = vector.extract_strided_slice %mul3A_312 {offsets = [4], sizes = [1], strides = [1]} : vector<16xi32> to vector<1xi32>
        %squeeze3A_677 = vector.extract %slice3A_676[0] : i32 from vector<1xi32>
        %swap3A_678 = arith.index_cast %squeeze3A_677 : i32 to index
        %swap3A_679 = tpu.vector_load %arg15[%swap3A_678] {strides = array<i32>} : memref<16384xf32, #tpu.memory_space<vmem>>, vector<16xf32>,
        %swap3A_680 = vector.shape_cast %swap3A_679 : vector<16xf32> to vector<16xf32>
        %swap3A_681 = vector.shape_cast %exp3A_675 : vector<16xf32> to vector<16xf32>
        tpu.vector_store %arg15[%swap3A_678], %swap3A_681 {add = true, strides = array<i32>} : memref<16384xf32, #tpu.memory_space<vmem>>, vector<16xf32>,
        %lt3A_682 = arith.constant 0 : i32
        %lt3A_683 = vector.broadcast %lt3A_682 : i32 to vector<16xi32>
        %lt3A_684 = arith.cmpi slt, %broadcast_in_dim3A, %lt3A_683 : vector<16xi32>
        %add3A_685 = arith.constant 16 : i32
        %add3A_686 = vector.broadcast %add3A_685 : i32 to vector<16xi32>
        %add3A_687 = arith.addi %broadcast_in_dim3A, %add3A_686 : vector<16xi32>
        %select_n3A_688 = arith.select %lt3A_684, %add3A_687, %broadcast_in_dim3A : vector<16xi1>, vector<16xi32>
        %broadcast_in_dim3A_689 = vector.shape_cast %select_n3A_688 : vector<16xi32> to vector<16x1xi32>
        %gather3A_690 = vector.shape_cast %broadcast_in_dim3A_689 : vector<16x1xi32> to vector<16xi32>
        %gather3A_691 = tpu.dynamic_gather %exp3A_675[%gather3A_690] in [0] : vector<16xf32>, vector<16xi32> -> vector<16xf32>
        %lt3A_692 = arith.constant 0 : i32
        %lt3A_693 = vector.broadcast %lt3A_692 : i32 to vector<16xi32>
        %lt3A_694 = arith.cmpi slt, %broadcast_in_dim3A_39, %lt3A_693 : vector<16xi32>
        %add3A_695 = arith.constant 16 : i32
        %add3A_696 = vector.broadcast %add3A_695 : i32 to vector<16xi32>
        %add3A_697 = arith.addi %broadcast_in_dim3A_39, %add3A_696 : vector<16xi32>
        %select_n3A_698 = arith.select %lt3A_694, %add3A_697, %broadcast_in_dim3A_39 : vector<16xi1>, vector<16xi32>
        %broadcast_in_dim3A_699 = vector.shape_cast %select_n3A_698 : vector<16xi32> to vector<16x1xi32>
        %gather3A_700 = vector.shape_cast %broadcast_in_dim3A_699 : vector<16x1xi32> to vector<16xi32>
        %gather3A_701 = tpu.dynamic_gather %exp3A_675[%gather3A_700] in [0] : vector<16xf32>, vector<16xi32> -> vector<16xf32>
        %slice3A_702 = vector.extract_strided_slice %mul3A_315 {offsets = [4], sizes = [1], strides = [1]} : vector<16xi32> to vector<1xi32>
        %squeeze3A_703 = vector.extract %slice3A_702[0] : i32 from vector<1xi32>
        %get3A_704 = arith.index_cast %add3A_660 : i32 to index
        %get3A_705 = arith.constant 0 : index
        %get3A_706 = tpu.vector_load %arg12[%get3A_704, %get3A_705] {strides = array<i32>} : memref<80x128xf32, #tpu.memory_space<vmem>>, vector<1x16xf32>,
        %get3A_707 = vector.shape_cast %get3A_706 : vector<1x16xf32> to vector<16xf32>
        %mul3A_708 = arith.mulf %get3A_707, %gather3A_691 : vector<16xf32>
        %swap3A_709 = arith.index_cast %squeeze3A_703 : i32 to index
        %swap3A_710 = tpu.vector_load %arg14[%swap3A_709] {strides = array<i32>} : memref<65536xf32, #tpu.memory_space<vmem>>, vector<16xf32>,
        %swap3A_711 = vector.shape_cast %swap3A_710 : vector<16xf32> to vector<16xf32>
        %swap3A_712 = vector.shape_cast %mul3A_708 : vector<16xf32> to vector<16xf32>
        tpu.vector_store %arg14[%swap3A_709], %swap3A_712 {add = true, strides = array<i32>} : memref<65536xf32, #tpu.memory_space<vmem>>, vector<16xf32>,
        %add3A_713 = arith.constant 16 : i32
        %add3A_714 = arith.addi %squeeze3A_703, %add3A_713 : i32
        %get3A_715 = arith.index_cast %add3A_660 : i32 to index
        %get3A_716 = arith.constant 16 : index
        %get3A_717 = tpu.vector_load %arg12[%get3A_715, %get3A_716] {strides = array<i32>} : memref<80x128xf32, #tpu.memory_space<vmem>>, vector<1x16xf32>,
        %get3A_718 = vector.shape_cast %get3A_717 : vector<1x16xf32> to vector<16xf32>
        %mul3A_719 = arith.mulf %get3A_718, %gather3A_691 : vector<16xf32>
        %swap3A_720 = arith.index_cast %add3A_714 : i32 to index
        %swap3A_721 = tpu.vector_load %arg14[%swap3A_720] {strides = array<i32>} : memref<65536xf32, #tpu.memory_space<vmem>>, vector<16xf32>,
        %swap3A_722 = vector.shape_cast %swap3A_721 : vector<16xf32> to vector<16xf32>
        %swap3A_723 = vector.shape_cast %mul3A_719 : vector<16xf32> to vector<16xf32>
        tpu.vector_store %arg14[%swap3A_720], %swap3A_723 {add = true, strides = array<i32>} : memref<65536xf32, #tpu.memory_space<vmem>>, vector<16xf32>,
        %add3A_724 = arith.constant 32 : i32
        %add3A_725 = arith.addi %squeeze3A_703, %add3A_724 : i32
        %get3A_726 = arith.index_cast %add3A_660 : i32 to index
        %get3A_727 = arith.constant 32 : index
        %get3A_728 = tpu.vector_load %arg12[%get3A_726, %get3A_727] {strides = array<i32>} : memref<80x128xf32, #tpu.memory_space<vmem>>, vector<1x16xf32>,
        %get3A_729 = vector.shape_cast %get3A_728 : vector<1x16xf32> to vector<16xf32>
        %mul3A_730 = arith.mulf %get3A_729, %gather3A_701 : vector<16xf32>
        %swap3A_731 = arith.index_cast %add3A_725 : i32 to index
        %swap3A_732 = tpu.vector_load %arg14[%swap3A_731] {strides = array<i32>} : memref<65536xf32, #tpu.memory_space<vmem>>, vector<16xf32>,
        %swap3A_733 = vector.shape_cast %swap3A_732 : vector<16xf32> to vector<16xf32>
        %swap3A_734 = vector.shape_cast %mul3A_730 : vector<16xf32> to vector<16xf32>
        tpu.vector_store %arg14[%swap3A_731], %swap3A_734 {add = true, strides = array<i32>} : memref<65536xf32, #tpu.memory_space<vmem>>, vector<16xf32>,
        %add3A_735 = arith.constant 48 : i32
        %add3A_736 = arith.addi %squeeze3A_703, %add3A_735 : i32
        %get3A_737 = arith.index_cast %add3A_660 : i32 to index
        %get3A_738 = arith.constant 48 : index
        %get3A_739 = tpu.vector_load %arg12[%get3A_737, %get3A_738] {strides = array<i32>} : memref<80x128xf32, #tpu.memory_space<vmem>>, vector<1x16xf32>,
        %get3A_740 = vector.shape_cast %get3A_739 : vector<1x16xf32> to vector<16xf32>
        %mul3A_741 = arith.mulf %get3A_740, %gather3A_701 : vector<16xf32>
        %swap3A_742 = arith.index_cast %add3A_736 : i32 to index
        %swap3A_743 = tpu.vector_load %arg14[%swap3A_742] {strides = array<i32>} : memref<65536xf32, #tpu.memory_space<vmem>>, vector<16xf32>,
        %swap3A_744 = vector.shape_cast %swap3A_743 : vector<16xf32> to vector<16xf32>
        %swap3A_745 = vector.shape_cast %mul3A_741 : vector<16xf32> to vector<16xf32>
        tpu.vector_store %arg14[%swap3A_742], %swap3A_745 {add = true, strides = array<i32>} : memref<65536xf32, #tpu.memory_space<vmem>>, vector<16xf32>,
        %add3A_746 = arith.constant 5 : i32
        %add3A_747 = arith.addi %mul3A_301, %add3A_746 : i32
        %get3A_748 = arith.index_cast %add3A_747 : i32 to index
        %get3A_749 = arith.constant 64 : index
        %get3A_750 = tpu.vector_load %arg12[%get3A_748, %get3A_749] {strides = array<i32>} : memref<80x128xf32, #tpu.memory_space<vmem>>, vector<1x16xf32>,
        %get3A_751 = vector.shape_cast %get3A_750 : vector<1x16xf32> to vector<16xf32>
        %slice3A_752 = vector.extract_strided_slice %mul3A_312 {offsets = [5], sizes = [1], strides = [1]} : vector<16xi32> to vector<1xi32>
        %squeeze3A_753 = vector.extract %slice3A_752[0] : i32 from vector<1xi32>
        %get3A_754 = arith.index_cast %squeeze3A_753 : i32 to index
        %get3A_755 = tpu.vector_load %arg13[%get3A_754] {strides = array<i32>} : memref<16384xf32, #tpu.memory_space<vmem>>, vector<16xf32>,
        %get3A_756 = vector.shape_cast %get3A_755 : vector<16xf32> to vector<16xf32>
        %add3A_757 = arith.addf %get3A_751, %get3A_756 : vector<16xf32>
        %mul3A_758 = arith.constant 2.000000e-01 : f32
        %mul3A_759 = vector.broadcast %mul3A_758 : f32 to vector<16xf32>
        %mul3A_760 = arith.mulf %mul3A_759, %add3A_757 : vector<16xf32>
        %max3A_761 = arith.maximumf %add3A_757, %mul3A_760 : vector<16xf32>
        %exp3A_762 = math.exp %max3A_761 : vector<16xf32>
        %slice3A_763 = vector.extract_strided_slice %mul3A_312 {offsets = [5], sizes = [1], strides = [1]} : vector<16xi32> to vector<1xi32>
        %squeeze3A_764 = vector.extract %slice3A_763[0] : i32 from vector<1xi32>
        %swap3A_765 = arith.index_cast %squeeze3A_764 : i32 to index
        %swap3A_766 = tpu.vector_load %arg15[%swap3A_765] {strides = array<i32>} : memref<16384xf32, #tpu.memory_space<vmem>>, vector<16xf32>,
        %swap3A_767 = vector.shape_cast %swap3A_766 : vector<16xf32> to vector<16xf32>
        %swap3A_768 = vector.shape_cast %exp3A_762 : vector<16xf32> to vector<16xf32>
        tpu.vector_store %arg15[%swap3A_765], %swap3A_768 {add = true, strides = array<i32>} : memref<16384xf32, #tpu.memory_space<vmem>>, vector<16xf32>,
        %lt3A_769 = arith.constant 0 : i32
        %lt3A_770 = vector.broadcast %lt3A_769 : i32 to vector<16xi32>
        %lt3A_771 = arith.cmpi slt, %broadcast_in_dim3A, %lt3A_770 : vector<16xi32>
        %add3A_772 = arith.constant 16 : i32
        %add3A_773 = vector.broadcast %add3A_772 : i32 to vector<16xi32>
        %add3A_774 = arith.addi %broadcast_in_dim3A, %add3A_773 : vector<16xi32>
        %select_n3A_775 = arith.select %lt3A_771, %add3A_774, %broadcast_in_dim3A : vector<16xi1>, vector<16xi32>
        %broadcast_in_dim3A_776 = vector.shape_cast %select_n3A_775 : vector<16xi32> to vector<16x1xi32>
        %gather3A_777 = vector.shape_cast %broadcast_in_dim3A_776 : vector<16x1xi32> to vector<16xi32>
        %gather3A_778 = tpu.dynamic_gather %exp3A_762[%gather3A_777] in [0] : vector<16xf32>, vector<16xi32> -> vector<16xf32>
        %lt3A_779 = arith.constant 0 : i32
        %lt3A_780 = vector.broadcast %lt3A_779 : i32 to vector<16xi32>
        %lt3A_781 = arith.cmpi slt, %broadcast_in_dim3A_39, %lt3A_780 : vector<16xi32>
        %add3A_782 = arith.constant 16 : i32
        %add3A_783 = vector.broadcast %add3A_782 : i32 to vector<16xi32>
        %add3A_784 = arith.addi %broadcast_in_dim3A_39, %add3A_783 : vector<16xi32>
        %select_n3A_785 = arith.select %lt3A_781, %add3A_784, %broadcast_in_dim3A_39 : vector<16xi1>, vector<16xi32>
        %broadcast_in_dim3A_786 = vector.shape_cast %select_n3A_785 : vector<16xi32> to vector<16x1xi32>
        %gather3A_787 = vector.shape_cast %broadcast_in_dim3A_786 : vector<16x1xi32> to vector<16xi32>
        %gather3A_788 = tpu.dynamic_gather %exp3A_762[%gather3A_787] in [0] : vector<16xf32>, vector<16xi32> -> vector<16xf32>
        %slice3A_789 = vector.extract_strided_slice %mul3A_315 {offsets = [5], sizes = [1], strides = [1]} : vector<16xi32> to vector<1xi32>
        %squeeze3A_790 = vector.extract %slice3A_789[0] : i32 from vector<1xi32>
        %get3A_791 = arith.index_cast %add3A_747 : i32 to index
        %get3A_792 = arith.constant 0 : index
        %get3A_793 = tpu.vector_load %arg12[%get3A_791, %get3A_792] {strides = array<i32>} : memref<80x128xf32, #tpu.memory_space<vmem>>, vector<1x16xf32>,
        %get3A_794 = vector.shape_cast %get3A_793 : vector<1x16xf32> to vector<16xf32>
        %mul3A_795 = arith.mulf %get3A_794, %gather3A_778 : vector<16xf32>
        %swap3A_796 = arith.index_cast %squeeze3A_790 : i32 to index
        %swap3A_797 = tpu.vector_load %arg14[%swap3A_796] {strides = array<i32>} : memref<65536xf32, #tpu.memory_space<vmem>>, vector<16xf32>,
        %swap3A_798 = vector.shape_cast %swap3A_797 : vector<16xf32> to vector<16xf32>
        %swap3A_799 = vector.shape_cast %mul3A_795 : vector<16xf32> to vector<16xf32>
        tpu.vector_store %arg14[%swap3A_796], %swap3A_799 {add = true, strides = array<i32>} : memref<65536xf32, #tpu.memory_space<vmem>>, vector<16xf32>,
        %add3A_800 = arith.constant 16 : i32
        %add3A_801 = arith.addi %squeeze3A_790, %add3A_800 : i32
        %get3A_802 = arith.index_cast %add3A_747 : i32 to index
        %get3A_803 = arith.constant 16 : index
        %get3A_804 = tpu.vector_load %arg12[%get3A_802, %get3A_803] {strides = array<i32>} : memref<80x128xf32, #tpu.memory_space<vmem>>, vector<1x16xf32>,
        %get3A_805 = vector.shape_cast %get3A_804 : vector<1x16xf32> to vector<16xf32>
        %mul3A_806 = arith.mulf %get3A_805, %gather3A_778 : vector<16xf32>
        %swap3A_807 = arith.index_cast %add3A_801 : i32 to index
        %swap3A_808 = tpu.vector_load %arg14[%swap3A_807] {strides = array<i32>} : memref<65536xf32, #tpu.memory_space<vmem>>, vector<16xf32>,
        %swap3A_809 = vector.shape_cast %swap3A_808 : vector<16xf32> to vector<16xf32>
        %swap3A_810 = vector.shape_cast %mul3A_806 : vector<16xf32> to vector<16xf32>
        tpu.vector_store %arg14[%swap3A_807], %swap3A_810 {add = true, strides = array<i32>} : memref<65536xf32, #tpu.memory_space<vmem>>, vector<16xf32>,
        %add3A_811 = arith.constant 32 : i32
        %add3A_812 = arith.addi %squeeze3A_790, %add3A_811 : i32
        %get3A_813 = arith.index_cast %add3A_747 : i32 to index
        %get3A_814 = arith.constant 32 : index
        %get3A_815 = tpu.vector_load %arg12[%get3A_813, %get3A_814] {strides = array<i32>} : memref<80x128xf32, #tpu.memory_space<vmem>>, vector<1x16xf32>,
        %get3A_816 = vector.shape_cast %get3A_815 : vector<1x16xf32> to vector<16xf32>
        %mul3A_817 = arith.mulf %get3A_816, %gather3A_788 : vector<16xf32>
        %swap3A_818 = arith.index_cast %add3A_812 : i32 to index
        %swap3A_819 = tpu.vector_load %arg14[%swap3A_818] {strides = array<i32>} : memref<65536xf32, #tpu.memory_space<vmem>>, vector<16xf32>,
        %swap3A_820 = vector.shape_cast %swap3A_819 : vector<16xf32> to vector<16xf32>
        %swap3A_821 = vector.shape_cast %mul3A_817 : vector<16xf32> to vector<16xf32>
        tpu.vector_store %arg14[%swap3A_818], %swap3A_821 {add = true, strides = array<i32>} : memref<65536xf32, #tpu.memory_space<vmem>>, vector<16xf32>,
        %add3A_822 = arith.constant 48 : i32
        %add3A_823 = arith.addi %squeeze3A_790, %add3A_822 : i32
        %get3A_824 = arith.index_cast %add3A_747 : i32 to index
        %get3A_825 = arith.constant 48 : index
        %get3A_826 = tpu.vector_load %arg12[%get3A_824, %get3A_825] {strides = array<i32>} : memref<80x128xf32, #tpu.memory_space<vmem>>, vector<1x16xf32>,
        %get3A_827 = vector.shape_cast %get3A_826 : vector<1x16xf32> to vector<16xf32>
        %mul3A_828 = arith.mulf %get3A_827, %gather3A_788 : vector<16xf32>
        %swap3A_829 = arith.index_cast %add3A_823 : i32 to index
        %swap3A_830 = tpu.vector_load %arg14[%swap3A_829] {strides = array<i32>} : memref<65536xf32, #tpu.memory_space<vmem>>, vector<16xf32>,
        %swap3A_831 = vector.shape_cast %swap3A_830 : vector<16xf32> to vector<16xf32>
        %swap3A_832 = vector.shape_cast %mul3A_828 : vector<16xf32> to vector<16xf32>
        tpu.vector_store %arg14[%swap3A_829], %swap3A_832 {add = true, strides = array<i32>} : memref<65536xf32, #tpu.memory_space<vmem>>, vector<16xf32>,
        %add3A_833 = arith.constant 6 : i32
        %add3A_834 = arith.addi %mul3A_301, %add3A_833 : i32
        %get3A_835 = arith.index_cast %add3A_834 : i32 to index
        %get3A_836 = arith.constant 64 : index
        %get3A_837 = tpu.vector_load %arg12[%get3A_835, %get3A_836] {strides = array<i32>} : memref<80x128xf32, #tpu.memory_space<vmem>>, vector<1x16xf32>,
        %get3A_838 = vector.shape_cast %get3A_837 : vector<1x16xf32> to vector<16xf32>
        %slice3A_839 = vector.extract_strided_slice %mul3A_312 {offsets = [6], sizes = [1], strides = [1]} : vector<16xi32> to vector<1xi32>
        %squeeze3A_840 = vector.extract %slice3A_839[0] : i32 from vector<1xi32>
        %get3A_841 = arith.index_cast %squeeze3A_840 : i32 to index
        %get3A_842 = tpu.vector_load %arg13[%get3A_841] {strides = array<i32>} : memref<16384xf32, #tpu.memory_space<vmem>>, vector<16xf32>,
        %get3A_843 = vector.shape_cast %get3A_842 : vector<16xf32> to vector<16xf32>
        %add3A_844 = arith.addf %get3A_838, %get3A_843 : vector<16xf32>
        %mul3A_845 = arith.constant 2.000000e-01 : f32
        %mul3A_846 = vector.broadcast %mul3A_845 : f32 to vector<16xf32>
        %mul3A_847 = arith.mulf %mul3A_846, %add3A_844 : vector<16xf32>
        %max3A_848 = arith.maximumf %add3A_844, %mul3A_847 : vector<16xf32>
        %exp3A_849 = math.exp %max3A_848 : vector<16xf32>
        %slice3A_850 = vector.extract_strided_slice %mul3A_312 {offsets = [6], sizes = [1], strides = [1]} : vector<16xi32> to vector<1xi32>
        %squeeze3A_851 = vector.extract %slice3A_850[0] : i32 from vector<1xi32>
        %swap3A_852 = arith.index_cast %squeeze3A_851 : i32 to index
        %swap3A_853 = tpu.vector_load %arg15[%swap3A_852] {strides = array<i32>} : memref<16384xf32, #tpu.memory_space<vmem>>, vector<16xf32>,
        %swap3A_854 = vector.shape_cast %swap3A_853 : vector<16xf32> to vector<16xf32>
        %swap3A_855 = vector.shape_cast %exp3A_849 : vector<16xf32> to vector<16xf32>
        tpu.vector_store %arg15[%swap3A_852], %swap3A_855 {add = true, strides = array<i32>} : memref<16384xf32, #tpu.memory_space<vmem>>, vector<16xf32>,
        %lt3A_856 = arith.constant 0 : i32
        %lt3A_857 = vector.broadcast %lt3A_856 : i32 to vector<16xi32>
        %lt3A_858 = arith.cmpi slt, %broadcast_in_dim3A, %lt3A_857 : vector<16xi32>
        %add3A_859 = arith.constant 16 : i32
        %add3A_860 = vector.broadcast %add3A_859 : i32 to vector<16xi32>
        %add3A_861 = arith.addi %broadcast_in_dim3A, %add3A_860 : vector<16xi32>
        %select_n3A_862 = arith.select %lt3A_858, %add3A_861, %broadcast_in_dim3A : vector<16xi1>, vector<16xi32>
        %broadcast_in_dim3A_863 = vector.shape_cast %select_n3A_862 : vector<16xi32> to vector<16x1xi32>
        %gather3A_864 = vector.shape_cast %broadcast_in_dim3A_863 : vector<16x1xi32> to vector<16xi32>
        %gather3A_865 = tpu.dynamic_gather %exp3A_849[%gather3A_864] in [0] : vector<16xf32>, vector<16xi32> -> vector<16xf32>
        %lt3A_866 = arith.constant 0 : i32
        %lt3A_867 = vector.broadcast %lt3A_866 : i32 to vector<16xi32>
        %lt3A_868 = arith.cmpi slt, %broadcast_in_dim3A_39, %lt3A_867 : vector<16xi32>
        %add3A_869 = arith.constant 16 : i32
        %add3A_870 = vector.broadcast %add3A_869 : i32 to vector<16xi32>
        %add3A_871 = arith.addi %broadcast_in_dim3A_39, %add3A_870 : vector<16xi32>
        %select_n3A_872 = arith.select %lt3A_868, %add3A_871, %broadcast_in_dim3A_39 : vector<16xi1>, vector<16xi32>
        %broadcast_in_dim3A_873 = vector.shape_cast %select_n3A_872 : vector<16xi32> to vector<16x1xi32>
        %gather3A_874 = vector.shape_cast %broadcast_in_dim3A_873 : vector<16x1xi32> to vector<16xi32>
        %gather3A_875 = tpu.dynamic_gather %exp3A_849[%gather3A_874] in [0] : vector<16xf32>, vector<16xi32> -> vector<16xf32>
        %slice3A_876 = vector.extract_strided_slice %mul3A_315 {offsets = [6], sizes = [1], strides = [1]} : vector<16xi32> to vector<1xi32>
        %squeeze3A_877 = vector.extract %slice3A_876[0] : i32 from vector<1xi32>
        %get3A_878 = arith.index_cast %add3A_834 : i32 to index
        %get3A_879 = arith.constant 0 : index
        %get3A_880 = tpu.vector_load %arg12[%get3A_878, %get3A_879] {strides = array<i32>} : memref<80x128xf32, #tpu.memory_space<vmem>>, vector<1x16xf32>,
        %get3A_881 = vector.shape_cast %get3A_880 : vector<1x16xf32> to vector<16xf32>
        %mul3A_882 = arith.mulf %get3A_881, %gather3A_865 : vector<16xf32>
        %swap3A_883 = arith.index_cast %squeeze3A_877 : i32 to index
        %swap3A_884 = tpu.vector_load %arg14[%swap3A_883] {strides = array<i32>} : memref<65536xf32, #tpu.memory_space<vmem>>, vector<16xf32>,
        %swap3A_885 = vector.shape_cast %swap3A_884 : vector<16xf32> to vector<16xf32>
        %swap3A_886 = vector.shape_cast %mul3A_882 : vector<16xf32> to vector<16xf32>
        tpu.vector_store %arg14[%swap3A_883], %swap3A_886 {add = true, strides = array<i32>} : memref<65536xf32, #tpu.memory_space<vmem>>, vector<16xf32>,
        %add3A_887 = arith.constant 16 : i32
        %add3A_888 = arith.addi %squeeze3A_877, %add3A_887 : i32
        %get3A_889 = arith.index_cast %add3A_834 : i32 to index
        %get3A_890 = arith.constant 16 : index
        %get3A_891 = tpu.vector_load %arg12[%get3A_889, %get3A_890] {strides = array<i32>} : memref<80x128xf32, #tpu.memory_space<vmem>>, vector<1x16xf32>,
        %get3A_892 = vector.shape_cast %get3A_891 : vector<1x16xf32> to vector<16xf32>
        %mul3A_893 = arith.mulf %get3A_892, %gather3A_865 : vector<16xf32>
        %swap3A_894 = arith.index_cast %add3A_888 : i32 to index
        %swap3A_895 = tpu.vector_load %arg14[%swap3A_894] {strides = array<i32>} : memref<65536xf32, #tpu.memory_space<vmem>>, vector<16xf32>,
        %swap3A_896 = vector.shape_cast %swap3A_895 : vector<16xf32> to vector<16xf32>
        %swap3A_897 = vector.shape_cast %mul3A_893 : vector<16xf32> to vector<16xf32>
        tpu.vector_store %arg14[%swap3A_894], %swap3A_897 {add = true, strides = array<i32>} : memref<65536xf32, #tpu.memory_space<vmem>>, vector<16xf32>,
        %add3A_898 = arith.constant 32 : i32
        %add3A_899 = arith.addi %squeeze3A_877, %add3A_898 : i32
        %get3A_900 = arith.index_cast %add3A_834 : i32 to index
        %get3A_901 = arith.constant 32 : index
        %get3A_902 = tpu.vector_load %arg12[%get3A_900, %get3A_901] {strides = array<i32>} : memref<80x128xf32, #tpu.memory_space<vmem>>, vector<1x16xf32>,
        %get3A_903 = vector.shape_cast %get3A_902 : vector<1x16xf32> to vector<16xf32>
        %mul3A_904 = arith.mulf %get3A_903, %gather3A_875 : vector<16xf32>
        %swap3A_905 = arith.index_cast %add3A_899 : i32 to index
        %swap3A_906 = tpu.vector_load %arg14[%swap3A_905] {strides = array<i32>} : memref<65536xf32, #tpu.memory_space<vmem>>, vector<16xf32>,
        %swap3A_907 = vector.shape_cast %swap3A_906 : vector<16xf32> to vector<16xf32>
        %swap3A_908 = vector.shape_cast %mul3A_904 : vector<16xf32> to vector<16xf32>
        tpu.vector_store %arg14[%swap3A_905], %swap3A_908 {add = true, strides = array<i32>} : memref<65536xf32, #tpu.memory_space<vmem>>, vector<16xf32>,
        %add3A_909 = arith.constant 48 : i32
        %add3A_910 = arith.addi %squeeze3A_877, %add3A_909 : i32
        %get3A_911 = arith.index_cast %add3A_834 : i32 to index
        %get3A_912 = arith.constant 48 : index
        %get3A_913 = tpu.vector_load %arg12[%get3A_911, %get3A_912] {strides = array<i32>} : memref<80x128xf32, #tpu.memory_space<vmem>>, vector<1x16xf32>,
        %get3A_914 = vector.shape_cast %get3A_913 : vector<1x16xf32> to vector<16xf32>
        %mul3A_915 = arith.mulf %get3A_914, %gather3A_875 : vector<16xf32>
        %swap3A_916 = arith.index_cast %add3A_910 : i32 to index
        %swap3A_917 = tpu.vector_load %arg14[%swap3A_916] {strides = array<i32>} : memref<65536xf32, #tpu.memory_space<vmem>>, vector<16xf32>,
        %swap3A_918 = vector.shape_cast %swap3A_917 : vector<16xf32> to vector<16xf32>
        %swap3A_919 = vector.shape_cast %mul3A_915 : vector<16xf32> to vector<16xf32>
        tpu.vector_store %arg14[%swap3A_916], %swap3A_919 {add = true, strides = array<i32>} : memref<65536xf32, #tpu.memory_space<vmem>>, vector<16xf32>,
        %add3A_920 = arith.constant 7 : i32
        %add3A_921 = arith.addi %mul3A_301, %add3A_920 : i32
        %get3A_922 = arith.index_cast %add3A_921 : i32 to index
        %get3A_923 = arith.constant 64 : index
        %get3A_924 = tpu.vector_load %arg12[%get3A_922, %get3A_923] {strides = array<i32>} : memref<80x128xf32, #tpu.memory_space<vmem>>, vector<1x16xf32>,
        %get3A_925 = vector.shape_cast %get3A_924 : vector<1x16xf32> to vector<16xf32>
        %slice3A_926 = vector.extract_strided_slice %mul3A_312 {offsets = [7], sizes = [1], strides = [1]} : vector<16xi32> to vector<1xi32>
        %squeeze3A_927 = vector.extract %slice3A_926[0] : i32 from vector<1xi32>
        %get3A_928 = arith.index_cast %squeeze3A_927 : i32 to index
        %get3A_929 = tpu.vector_load %arg13[%get3A_928] {strides = array<i32>} : memref<16384xf32, #tpu.memory_space<vmem>>, vector<16xf32>,
        %get3A_930 = vector.shape_cast %get3A_929 : vector<16xf32> to vector<16xf32>
        %add3A_931 = arith.addf %get3A_925, %get3A_930 : vector<16xf32>
        %mul3A_932 = arith.constant 2.000000e-01 : f32
        %mul3A_933 = vector.broadcast %mul3A_932 : f32 to vector<16xf32>
        %mul3A_934 = arith.mulf %mul3A_933, %add3A_931 : vector<16xf32>
        %max3A_935 = arith.maximumf %add3A_931, %mul3A_934 : vector<16xf32>
        %exp3A_936 = math.exp %max3A_935 : vector<16xf32>
        %slice3A_937 = vector.extract_strided_slice %mul3A_312 {offsets = [7], sizes = [1], strides = [1]} : vector<16xi32> to vector<1xi32>
        %squeeze3A_938 = vector.extract %slice3A_937[0] : i32 from vector<1xi32>
        %swap3A_939 = arith.index_cast %squeeze3A_938 : i32 to index
        %swap3A_940 = tpu.vector_load %arg15[%swap3A_939] {strides = array<i32>} : memref<16384xf32, #tpu.memory_space<vmem>>, vector<16xf32>,
        %swap3A_941 = vector.shape_cast %swap3A_940 : vector<16xf32> to vector<16xf32>
        %swap3A_942 = vector.shape_cast %exp3A_936 : vector<16xf32> to vector<16xf32>
        tpu.vector_store %arg15[%swap3A_939], %swap3A_942 {add = true, strides = array<i32>} : memref<16384xf32, #tpu.memory_space<vmem>>, vector<16xf32>,
        %lt3A_943 = arith.constant 0 : i32
        %lt3A_944 = vector.broadcast %lt3A_943 : i32 to vector<16xi32>
        %lt3A_945 = arith.cmpi slt, %broadcast_in_dim3A, %lt3A_944 : vector<16xi32>
        %add3A_946 = arith.constant 16 : i32
        %add3A_947 = vector.broadcast %add3A_946 : i32 to vector<16xi32>
        %add3A_948 = arith.addi %broadcast_in_dim3A, %add3A_947 : vector<16xi32>
        %select_n3A_949 = arith.select %lt3A_945, %add3A_948, %broadcast_in_dim3A : vector<16xi1>, vector<16xi32>
        %broadcast_in_dim3A_950 = vector.shape_cast %select_n3A_949 : vector<16xi32> to vector<16x1xi32>
        %gather3A_951 = vector.shape_cast %broadcast_in_dim3A_950 : vector<16x1xi32> to vector<16xi32>
        %gather3A_952 = tpu.dynamic_gather %exp3A_936[%gather3A_951] in [0] : vector<16xf32>, vector<16xi32> -> vector<16xf32>
        %lt3A_953 = arith.constant 0 : i32
        %lt3A_954 = vector.broadcast %lt3A_953 : i32 to vector<16xi32>
        %lt3A_955 = arith.cmpi slt, %broadcast_in_dim3A_39, %lt3A_954 : vector<16xi32>
        %add3A_956 = arith.constant 16 : i32
        %add3A_957 = vector.broadcast %add3A_956 : i32 to vector<16xi32>
        %add3A_958 = arith.addi %broadcast_in_dim3A_39, %add3A_957 : vector<16xi32>
        %select_n3A_959 = arith.select %lt3A_955, %add3A_958, %broadcast_in_dim3A_39 : vector<16xi1>, vector<16xi32>
        %broadcast_in_dim3A_960 = vector.shape_cast %select_n3A_959 : vector<16xi32> to vector<16x1xi32>
        %gather3A_961 = vector.shape_cast %broadcast_in_dim3A_960 : vector<16x1xi32> to vector<16xi32>
        %gather3A_962 = tpu.dynamic_gather %exp3A_936[%gather3A_961] in [0] : vector<16xf32>, vector<16xi32> -> vector<16xf32>
        %slice3A_963 = vector.extract_strided_slice %mul3A_315 {offsets = [7], sizes = [1], strides = [1]} : vector<16xi32> to vector<1xi32>
        %squeeze3A_964 = vector.extract %slice3A_963[0] : i32 from vector<1xi32>
        %get3A_965 = arith.index_cast %add3A_921 : i32 to index
        %get3A_966 = arith.constant 0 : index
        %get3A_967 = tpu.vector_load %arg12[%get3A_965, %get3A_966] {strides = array<i32>} : memref<80x128xf32, #tpu.memory_space<vmem>>, vector<1x16xf32>,
        %get3A_968 = vector.shape_cast %get3A_967 : vector<1x16xf32> to vector<16xf32>
        %mul3A_969 = arith.mulf %get3A_968, %gather3A_952 : vector<16xf32>
        %swap3A_970 = arith.index_cast %squeeze3A_964 : i32 to index
        %swap3A_971 = tpu.vector_load %arg14[%swap3A_970] {strides = array<i32>} : memref<65536xf32, #tpu.memory_space<vmem>>, vector<16xf32>,
        %swap3A_972 = vector.shape_cast %swap3A_971 : vector<16xf32> to vector<16xf32>
        %swap3A_973 = vector.shape_cast %mul3A_969 : vector<16xf32> to vector<16xf32>
        tpu.vector_store %arg14[%swap3A_970], %swap3A_973 {add = true, strides = array<i32>} : memref<65536xf32, #tpu.memory_space<vmem>>, vector<16xf32>,
        %add3A_974 = arith.constant 16 : i32
        %add3A_975 = arith.addi %squeeze3A_964, %add3A_974 : i32
        %get3A_976 = arith.index_cast %add3A_921 : i32 to index
        %get3A_977 = arith.constant 16 : index
        %get3A_978 = tpu.vector_load %arg12[%get3A_976, %get3A_977] {strides = array<i32>} : memref<80x128xf32, #tpu.memory_space<vmem>>, vector<1x16xf32>,
        %get3A_979 = vector.shape_cast %get3A_978 : vector<1x16xf32> to vector<16xf32>
        %mul3A_980 = arith.mulf %get3A_979, %gather3A_952 : vector<16xf32>
        %swap3A_981 = arith.index_cast %add3A_975 : i32 to index
        %swap3A_982 = tpu.vector_load %arg14[%swap3A_981] {strides = array<i32>} : memref<65536xf32, #tpu.memory_space<vmem>>, vector<16xf32>,
        %swap3A_983 = vector.shape_cast %swap3A_982 : vector<16xf32> to vector<16xf32>
        %swap3A_984 = vector.shape_cast %mul3A_980 : vector<16xf32> to vector<16xf32>
        tpu.vector_store %arg14[%swap3A_981], %swap3A_984 {add = true, strides = array<i32>} : memref<65536xf32, #tpu.memory_space<vmem>>, vector<16xf32>,
        %add3A_985 = arith.constant 32 : i32
        %add3A_986 = arith.addi %squeeze3A_964, %add3A_985 : i32
        %get3A_987 = arith.index_cast %add3A_921 : i32 to index
        %get3A_988 = arith.constant 32 : index
        %get3A_989 = tpu.vector_load %arg12[%get3A_987, %get3A_988] {strides = array<i32>} : memref<80x128xf32, #tpu.memory_space<vmem>>, vector<1x16xf32>,
        %get3A_990 = vector.shape_cast %get3A_989 : vector<1x16xf32> to vector<16xf32>
        %mul3A_991 = arith.mulf %get3A_990, %gather3A_962 : vector<16xf32>
        %swap3A_992 = arith.index_cast %add3A_986 : i32 to index
        %swap3A_993 = tpu.vector_load %arg14[%swap3A_992] {strides = array<i32>} : memref<65536xf32, #tpu.memory_space<vmem>>, vector<16xf32>,
        %swap3A_994 = vector.shape_cast %swap3A_993 : vector<16xf32> to vector<16xf32>
        %swap3A_995 = vector.shape_cast %mul3A_991 : vector<16xf32> to vector<16xf32>
        tpu.vector_store %arg14[%swap3A_992], %swap3A_995 {add = true, strides = array<i32>} : memref<65536xf32, #tpu.memory_space<vmem>>, vector<16xf32>,
        %add3A_996 = arith.constant 48 : i32
        %add3A_997 = arith.addi %squeeze3A_964, %add3A_996 : i32
        %get3A_998 = arith.index_cast %add3A_921 : i32 to index
        %get3A_999 = arith.constant 48 : index
        %get3A_1000 = tpu.vector_load %arg12[%get3A_998, %get3A_999] {strides = array<i32>} : memref<80x128xf32, #tpu.memory_space<vmem>>, vector<1x16xf32>,
        %get3A_1001 = vector.shape_cast %get3A_1000 : vector<1x16xf32> to vector<16xf32>
        %mul3A_1002 = arith.mulf %get3A_1001, %gather3A_962 : vector<16xf32>
        %swap3A_1003 = arith.index_cast %add3A_997 : i32 to index
        %swap3A_1004 = tpu.vector_load %arg14[%swap3A_1003] {strides = array<i32>} : memref<65536xf32, #tpu.memory_space<vmem>>, vector<16xf32>,
        %swap3A_1005 = vector.shape_cast %swap3A_1004 : vector<16xf32> to vector<16xf32>
        %swap3A_1006 = vector.shape_cast %mul3A_1002 : vector<16xf32> to vector<16xf32>
        tpu.vector_store %arg14[%swap3A_1003], %swap3A_1006 {add = true, strides = array<i32>} : memref<65536xf32, #tpu.memory_space<vmem>>, vector<16xf32>,
        %add3A_1007 = arith.constant 8 : i32
        %add3A_1008 = arith.addi %mul3A_301, %add3A_1007 : i32
        %get3A_1009 = arith.index_cast %add3A_1008 : i32 to index
        %get3A_1010 = arith.constant 64 : index
        %get3A_1011 = tpu.vector_load %arg12[%get3A_1009, %get3A_1010] {strides = array<i32>} : memref<80x128xf32, #tpu.memory_space<vmem>>, vector<1x16xf32>,
        %get3A_1012 = vector.shape_cast %get3A_1011 : vector<1x16xf32> to vector<16xf32>
        %slice3A_1013 = vector.extract_strided_slice %mul3A_312 {offsets = [8], sizes = [1], strides = [1]} : vector<16xi32> to vector<1xi32>
        %squeeze3A_1014 = vector.extract %slice3A_1013[0] : i32 from vector<1xi32>
        %get3A_1015 = arith.index_cast %squeeze3A_1014 : i32 to index
        %get3A_1016 = tpu.vector_load %arg13[%get3A_1015] {strides = array<i32>} : memref<16384xf32, #tpu.memory_space<vmem>>, vector<16xf32>,
        %get3A_1017 = vector.shape_cast %get3A_1016 : vector<16xf32> to vector<16xf32>
        %add3A_1018 = arith.addf %get3A_1012, %get3A_1017 : vector<16xf32>
        %mul3A_1019 = arith.constant 2.000000e-01 : f32
        %mul3A_1020 = vector.broadcast %mul3A_1019 : f32 to vector<16xf32>
        %mul3A_1021 = arith.mulf %mul3A_1020, %add3A_1018 : vector<16xf32>
        %max3A_1022 = arith.maximumf %add3A_1018, %mul3A_1021 : vector<16xf32>
        %exp3A_1023 = math.exp %max3A_1022 : vector<16xf32>
        %slice3A_1024 = vector.extract_strided_slice %mul3A_312 {offsets = [8], sizes = [1], strides = [1]} : vector<16xi32> to vector<1xi32>
        %squeeze3A_1025 = vector.extract %slice3A_1024[0] : i32 from vector<1xi32>
        %swap3A_1026 = arith.index_cast %squeeze3A_1025 : i32 to index
        %swap3A_1027 = tpu.vector_load %arg15[%swap3A_1026] {strides = array<i32>} : memref<16384xf32, #tpu.memory_space<vmem>>, vector<16xf32>,
        %swap3A_1028 = vector.shape_cast %swap3A_1027 : vector<16xf32> to vector<16xf32>
        %swap3A_1029 = vector.shape_cast %exp3A_1023 : vector<16xf32> to vector<16xf32>
        tpu.vector_store %arg15[%swap3A_1026], %swap3A_1029 {add = true, strides = array<i32>} : memref<16384xf32, #tpu.memory_space<vmem>>, vector<16xf32>,
        %lt3A_1030 = arith.constant 0 : i32
        %lt3A_1031 = vector.broadcast %lt3A_1030 : i32 to vector<16xi32>
        %lt3A_1032 = arith.cmpi slt, %broadcast_in_dim3A, %lt3A_1031 : vector<16xi32>
        %add3A_1033 = arith.constant 16 : i32
        %add3A_1034 = vector.broadcast %add3A_1033 : i32 to vector<16xi32>
        %add3A_1035 = arith.addi %broadcast_in_dim3A, %add3A_1034 : vector<16xi32>
        %select_n3A_1036 = arith.select %lt3A_1032, %add3A_1035, %broadcast_in_dim3A : vector<16xi1>, vector<16xi32>
        %broadcast_in_dim3A_1037 = vector.shape_cast %select_n3A_1036 : vector<16xi32> to vector<16x1xi32>
        %gather3A_1038 = vector.shape_cast %broadcast_in_dim3A_1037 : vector<16x1xi32> to vector<16xi32>
        %gather3A_1039 = tpu.dynamic_gather %exp3A_1023[%gather3A_1038] in [0] : vector<16xf32>, vector<16xi32> -> vector<16xf32>
        %lt3A_1040 = arith.constant 0 : i32
        %lt3A_1041 = vector.broadcast %lt3A_1040 : i32 to vector<16xi32>
        %lt3A_1042 = arith.cmpi slt, %broadcast_in_dim3A_39, %lt3A_1041 : vector<16xi32>
        %add3A_1043 = arith.constant 16 : i32
        %add3A_1044 = vector.broadcast %add3A_1043 : i32 to vector<16xi32>
        %add3A_1045 = arith.addi %broadcast_in_dim3A_39, %add3A_1044 : vector<16xi32>
        %select_n3A_1046 = arith.select %lt3A_1042, %add3A_1045, %broadcast_in_dim3A_39 : vector<16xi1>, vector<16xi32>
        %broadcast_in_dim3A_1047 = vector.shape_cast %select_n3A_1046 : vector<16xi32> to vector<16x1xi32>
        %gather3A_1048 = vector.shape_cast %broadcast_in_dim3A_1047 : vector<16x1xi32> to vector<16xi32>
        %gather3A_1049 = tpu.dynamic_gather %exp3A_1023[%gather3A_1048] in [0] : vector<16xf32>, vector<16xi32> -> vector<16xf32>
        %slice3A_1050 = vector.extract_strided_slice %mul3A_315 {offsets = [8], sizes = [1], strides = [1]} : vector<16xi32> to vector<1xi32>
        %squeeze3A_1051 = vector.extract %slice3A_1050[0] : i32 from vector<1xi32>
        %get3A_1052 = arith.index_cast %add3A_1008 : i32 to index
        %get3A_1053 = arith.constant 0 : index
        %get3A_1054 = tpu.vector_load %arg12[%get3A_1052, %get3A_1053] {strides = array<i32>} : memref<80x128xf32, #tpu.memory_space<vmem>>, vector<1x16xf32>,
        %get3A_1055 = vector.shape_cast %get3A_1054 : vector<1x16xf32> to vector<16xf32>
        %mul3A_1056 = arith.mulf %get3A_1055, %gather3A_1039 : vector<16xf32>
        %swap3A_1057 = arith.index_cast %squeeze3A_1051 : i32 to index
        %swap3A_1058 = tpu.vector_load %arg14[%swap3A_1057] {strides = array<i32>} : memref<65536xf32, #tpu.memory_space<vmem>>, vector<16xf32>,
        %swap3A_1059 = vector.shape_cast %swap3A_1058 : vector<16xf32> to vector<16xf32>
        %swap3A_1060 = vector.shape_cast %mul3A_1056 : vector<16xf32> to vector<16xf32>
        tpu.vector_store %arg14[%swap3A_1057], %swap3A_1060 {add = true, strides = array<i32>} : memref<65536xf32, #tpu.memory_space<vmem>>, vector<16xf32>,
        %add3A_1061 = arith.constant 16 : i32
        %add3A_1062 = arith.addi %squeeze3A_1051, %add3A_1061 : i32
        %get3A_1063 = arith.index_cast %add3A_1008 : i32 to index
        %get3A_1064 = arith.constant 16 : index
        %get3A_1065 = tpu.vector_load %arg12[%get3A_1063, %get3A_1064] {strides = array<i32>} : memref<80x128xf32, #tpu.memory_space<vmem>>, vector<1x16xf32>,
        %get3A_1066 = vector.shape_cast %get3A_1065 : vector<1x16xf32> to vector<16xf32>
        %mul3A_1067 = arith.mulf %get3A_1066, %gather3A_1039 : vector<16xf32>
        %swap3A_1068 = arith.index_cast %add3A_1062 : i32 to index
        %swap3A_1069 = tpu.vector_load %arg14[%swap3A_1068] {strides = array<i32>} : memref<65536xf32, #tpu.memory_space<vmem>>, vector<16xf32>,
        %swap3A_1070 = vector.shape_cast %swap3A_1069 : vector<16xf32> to vector<16xf32>
        %swap3A_1071 = vector.shape_cast %mul3A_1067 : vector<16xf32> to vector<16xf32>
        tpu.vector_store %arg14[%swap3A_1068], %swap3A_1071 {add = true, strides = array<i32>} : memref<65536xf32, #tpu.memory_space<vmem>>, vector<16xf32>,
        %add3A_1072 = arith.constant 32 : i32
        %add3A_1073 = arith.addi %squeeze3A_1051, %add3A_1072 : i32
        %get3A_1074 = arith.index_cast %add3A_1008 : i32 to index
        %get3A_1075 = arith.constant 32 : index
        %get3A_1076 = tpu.vector_load %arg12[%get3A_1074, %get3A_1075] {strides = array<i32>} : memref<80x128xf32, #tpu.memory_space<vmem>>, vector<1x16xf32>,
        %get3A_1077 = vector.shape_cast %get3A_1076 : vector<1x16xf32> to vector<16xf32>
        %mul3A_1078 = arith.mulf %get3A_1077, %gather3A_1049 : vector<16xf32>
        %swap3A_1079 = arith.index_cast %add3A_1073 : i32 to index
        %swap3A_1080 = tpu.vector_load %arg14[%swap3A_1079] {strides = array<i32>} : memref<65536xf32, #tpu.memory_space<vmem>>, vector<16xf32>,
        %swap3A_1081 = vector.shape_cast %swap3A_1080 : vector<16xf32> to vector<16xf32>
        %swap3A_1082 = vector.shape_cast %mul3A_1078 : vector<16xf32> to vector<16xf32>
        tpu.vector_store %arg14[%swap3A_1079], %swap3A_1082 {add = true, strides = array<i32>} : memref<65536xf32, #tpu.memory_space<vmem>>, vector<16xf32>,
        %add3A_1083 = arith.constant 48 : i32
        %add3A_1084 = arith.addi %squeeze3A_1051, %add3A_1083 : i32
        %get3A_1085 = arith.index_cast %add3A_1008 : i32 to index
        %get3A_1086 = arith.constant 48 : index
        %get3A_1087 = tpu.vector_load %arg12[%get3A_1085, %get3A_1086] {strides = array<i32>} : memref<80x128xf32, #tpu.memory_space<vmem>>, vector<1x16xf32>,
        %get3A_1088 = vector.shape_cast %get3A_1087 : vector<1x16xf32> to vector<16xf32>
        %mul3A_1089 = arith.mulf %get3A_1088, %gather3A_1049 : vector<16xf32>
        %swap3A_1090 = arith.index_cast %add3A_1084 : i32 to index
        %swap3A_1091 = tpu.vector_load %arg14[%swap3A_1090] {strides = array<i32>} : memref<65536xf32, #tpu.memory_space<vmem>>, vector<16xf32>,
        %swap3A_1092 = vector.shape_cast %swap3A_1091 : vector<16xf32> to vector<16xf32>
        %swap3A_1093 = vector.shape_cast %mul3A_1089 : vector<16xf32> to vector<16xf32>
        tpu.vector_store %arg14[%swap3A_1090], %swap3A_1093 {add = true, strides = array<i32>} : memref<65536xf32, #tpu.memory_space<vmem>>, vector<16xf32>,
        %add3A_1094 = arith.constant 9 : i32
        %add3A_1095 = arith.addi %mul3A_301, %add3A_1094 : i32
        %get3A_1096 = arith.index_cast %add3A_1095 : i32 to index
        %get3A_1097 = arith.constant 64 : index
        %get3A_1098 = tpu.vector_load %arg12[%get3A_1096, %get3A_1097] {strides = array<i32>} : memref<80x128xf32, #tpu.memory_space<vmem>>, vector<1x16xf32>,
        %get3A_1099 = vector.shape_cast %get3A_1098 : vector<1x16xf32> to vector<16xf32>
        %slice3A_1100 = vector.extract_strided_slice %mul3A_312 {offsets = [9], sizes = [1], strides = [1]} : vector<16xi32> to vector<1xi32>
        %squeeze3A_1101 = vector.extract %slice3A_1100[0] : i32 from vector<1xi32>
        %get3A_1102 = arith.index_cast %squeeze3A_1101 : i32 to index
        %get3A_1103 = tpu.vector_load %arg13[%get3A_1102] {strides = array<i32>} : memref<16384xf32, #tpu.memory_space<vmem>>, vector<16xf32>,
        %get3A_1104 = vector.shape_cast %get3A_1103 : vector<16xf32> to vector<16xf32>
        %add3A_1105 = arith.addf %get3A_1099, %get3A_1104 : vector<16xf32>
        %mul3A_1106 = arith.constant 2.000000e-01 : f32
        %mul3A_1107 = vector.broadcast %mul3A_1106 : f32 to vector<16xf32>
        %mul3A_1108 = arith.mulf %mul3A_1107, %add3A_1105 : vector<16xf32>
        %max3A_1109 = arith.maximumf %add3A_1105, %mul3A_1108 : vector<16xf32>
        %exp3A_1110 = math.exp %max3A_1109 : vector<16xf32>
        %slice3A_1111 = vector.extract_strided_slice %mul3A_312 {offsets = [9], sizes = [1], strides = [1]} : vector<16xi32> to vector<1xi32>
        %squeeze3A_1112 = vector.extract %slice3A_1111[0] : i32 from vector<1xi32>
        %swap3A_1113 = arith.index_cast %squeeze3A_1112 : i32 to index
        %swap3A_1114 = tpu.vector_load %arg15[%swap3A_1113] {strides = array<i32>} : memref<16384xf32, #tpu.memory_space<vmem>>, vector<16xf32>,
        %swap3A_1115 = vector.shape_cast %swap3A_1114 : vector<16xf32> to vector<16xf32>
        %swap3A_1116 = vector.shape_cast %exp3A_1110 : vector<16xf32> to vector<16xf32>
        tpu.vector_store %arg15[%swap3A_1113], %swap3A_1116 {add = true, strides = array<i32>} : memref<16384xf32, #tpu.memory_space<vmem>>, vector<16xf32>,
        %lt3A_1117 = arith.constant 0 : i32
        %lt3A_1118 = vector.broadcast %lt3A_1117 : i32 to vector<16xi32>
        %lt3A_1119 = arith.cmpi slt, %broadcast_in_dim3A, %lt3A_1118 : vector<16xi32>
        %add3A_1120 = arith.constant 16 : i32
        %add3A_1121 = vector.broadcast %add3A_1120 : i32 to vector<16xi32>
        %add3A_1122 = arith.addi %broadcast_in_dim3A, %add3A_1121 : vector<16xi32>
        %select_n3A_1123 = arith.select %lt3A_1119, %add3A_1122, %broadcast_in_dim3A : vector<16xi1>, vector<16xi32>
        %broadcast_in_dim3A_1124 = vector.shape_cast %select_n3A_1123 : vector<16xi32> to vector<16x1xi32>
        %gather3A_1125 = vector.shape_cast %broadcast_in_dim3A_1124 : vector<16x1xi32> to vector<16xi32>
        %gather3A_1126 = tpu.dynamic_gather %exp3A_1110[%gather3A_1125] in [0] : vector<16xf32>, vector<16xi32> -> vector<16xf32>
        %lt3A_1127 = arith.constant 0 : i32
        %lt3A_1128 = vector.broadcast %lt3A_1127 : i32 to vector<16xi32>
        %lt3A_1129 = arith.cmpi slt, %broadcast_in_dim3A_39, %lt3A_1128 : vector<16xi32>
        %add3A_1130 = arith.constant 16 : i32
        %add3A_1131 = vector.broadcast %add3A_1130 : i32 to vector<16xi32>
        %add3A_1132 = arith.addi %broadcast_in_dim3A_39, %add3A_1131 : vector<16xi32>
        %select_n3A_1133 = arith.select %lt3A_1129, %add3A_1132, %broadcast_in_dim3A_39 : vector<16xi1>, vector<16xi32>
        %broadcast_in_dim3A_1134 = vector.shape_cast %select_n3A_1133 : vector<16xi32> to vector<16x1xi32>
        %gather3A_1135 = vector.shape_cast %broadcast_in_dim3A_1134 : vector<16x1xi32> to vector<16xi32>
        %gather3A_1136 = tpu.dynamic_gather %exp3A_1110[%gather3A_1135] in [0] : vector<16xf32>, vector<16xi32> -> vector<16xf32>
        %slice3A_1137 = vector.extract_strided_slice %mul3A_315 {offsets = [9], sizes = [1], strides = [1]} : vector<16xi32> to vector<1xi32>
        %squeeze3A_1138 = vector.extract %slice3A_1137[0] : i32 from vector<1xi32>
        %get3A_1139 = arith.index_cast %add3A_1095 : i32 to index
        %get3A_1140 = arith.constant 0 : index
        %get3A_1141 = tpu.vector_load %arg12[%get3A_1139, %get3A_1140] {strides = array<i32>} : memref<80x128xf32, #tpu.memory_space<vmem>>, vector<1x16xf32>,
        %get3A_1142 = vector.shape_cast %get3A_1141 : vector<1x16xf32> to vector<16xf32>
        %mul3A_1143 = arith.mulf %get3A_1142, %gather3A_1126 : vector<16xf32>
        %swap3A_1144 = arith.index_cast %squeeze3A_1138 : i32 to index
        %swap3A_1145 = tpu.vector_load %arg14[%swap3A_1144] {strides = array<i32>} : memref<65536xf32, #tpu.memory_space<vmem>>, vector<16xf32>,
        %swap3A_1146 = vector.shape_cast %swap3A_1145 : vector<16xf32> to vector<16xf32>
        %swap3A_1147 = vector.shape_cast %mul3A_1143 : vector<16xf32> to vector<16xf32>
        tpu.vector_store %arg14[%swap3A_1144], %swap3A_1147 {add = true, strides = array<i32>} : memref<65536xf32, #tpu.memory_space<vmem>>, vector<16xf32>,
        %add3A_1148 = arith.constant 16 : i32
        %add3A_1149 = arith.addi %squeeze3A_1138, %add3A_1148 : i32
        %get3A_1150 = arith.index_cast %add3A_1095 : i32 to index
        %get3A_1151 = arith.constant 16 : index
        %get3A_1152 = tpu.vector_load %arg12[%get3A_1150, %get3A_1151] {strides = array<i32>} : memref<80x128xf32, #tpu.memory_space<vmem>>, vector<1x16xf32>,
        %get3A_1153 = vector.shape_cast %get3A_1152 : vector<1x16xf32> to vector<16xf32>
        %mul3A_1154 = arith.mulf %get3A_1153, %gather3A_1126 : vector<16xf32>
        %swap3A_1155 = arith.index_cast %add3A_1149 : i32 to index
        %swap3A_1156 = tpu.vector_load %arg14[%swap3A_1155] {strides = array<i32>} : memref<65536xf32, #tpu.memory_space<vmem>>, vector<16xf32>,
        %swap3A_1157 = vector.shape_cast %swap3A_1156 : vector<16xf32> to vector<16xf32>
        %swap3A_1158 = vector.shape_cast %mul3A_1154 : vector<16xf32> to vector<16xf32>
        tpu.vector_store %arg14[%swap3A_1155], %swap3A_1158 {add = true, strides = array<i32>} : memref<65536xf32, #tpu.memory_space<vmem>>, vector<16xf32>,
        %add3A_1159 = arith.constant 32 : i32
        %add3A_1160 = arith.addi %squeeze3A_1138, %add3A_1159 : i32
        %get3A_1161 = arith.index_cast %add3A_1095 : i32 to index
        %get3A_1162 = arith.constant 32 : index
        %get3A_1163 = tpu.vector_load %arg12[%get3A_1161, %get3A_1162] {strides = array<i32>} : memref<80x128xf32, #tpu.memory_space<vmem>>, vector<1x16xf32>,
        %get3A_1164 = vector.shape_cast %get3A_1163 : vector<1x16xf32> to vector<16xf32>
        %mul3A_1165 = arith.mulf %get3A_1164, %gather3A_1136 : vector<16xf32>
        %swap3A_1166 = arith.index_cast %add3A_1160 : i32 to index
        %swap3A_1167 = tpu.vector_load %arg14[%swap3A_1166] {strides = array<i32>} : memref<65536xf32, #tpu.memory_space<vmem>>, vector<16xf32>,
        %swap3A_1168 = vector.shape_cast %swap3A_1167 : vector<16xf32> to vector<16xf32>
        %swap3A_1169 = vector.shape_cast %mul3A_1165 : vector<16xf32> to vector<16xf32>
        tpu.vector_store %arg14[%swap3A_1166], %swap3A_1169 {add = true, strides = array<i32>} : memref<65536xf32, #tpu.memory_space<vmem>>, vector<16xf32>,
        %add3A_1170 = arith.constant 48 : i32
        %add3A_1171 = arith.addi %squeeze3A_1138, %add3A_1170 : i32
        %get3A_1172 = arith.index_cast %add3A_1095 : i32 to index
        %get3A_1173 = arith.constant 48 : index
        %get3A_1174 = tpu.vector_load %arg12[%get3A_1172, %get3A_1173] {strides = array<i32>} : memref<80x128xf32, #tpu.memory_space<vmem>>, vector<1x16xf32>,
        %get3A_1175 = vector.shape_cast %get3A_1174 : vector<1x16xf32> to vector<16xf32>
        %mul3A_1176 = arith.mulf %get3A_1175, %gather3A_1136 : vector<16xf32>
        %swap3A_1177 = arith.index_cast %add3A_1171 : i32 to index
        %swap3A_1178 = tpu.vector_load %arg14[%swap3A_1177] {strides = array<i32>} : memref<65536xf32, #tpu.memory_space<vmem>>, vector<16xf32>,
        %swap3A_1179 = vector.shape_cast %swap3A_1178 : vector<16xf32> to vector<16xf32>
        %swap3A_1180 = vector.shape_cast %mul3A_1176 : vector<16xf32> to vector<16xf32>
        tpu.vector_store %arg14[%swap3A_1177], %swap3A_1180 {add = true, strides = array<i32>} : memref<65536xf32, #tpu.memory_space<vmem>>, vector<16xf32>,
        %add3A_1181 = arith.constant 10 : i32
        %add3A_1182 = arith.addi %mul3A_301, %add3A_1181 : i32
        %get3A_1183 = arith.index_cast %add3A_1182 : i32 to index
        %get3A_1184 = arith.constant 64 : index
        %get3A_1185 = tpu.vector_load %arg12[%get3A_1183, %get3A_1184] {strides = array<i32>} : memref<80x128xf32, #tpu.memory_space<vmem>>, vector<1x16xf32>,
        %get3A_1186 = vector.shape_cast %get3A_1185 : vector<1x16xf32> to vector<16xf32>
        %slice3A_1187 = vector.extract_strided_slice %mul3A_312 {offsets = [10], sizes = [1], strides = [1]} : vector<16xi32> to vector<1xi32>
        %squeeze3A_1188 = vector.extract %slice3A_1187[0] : i32 from vector<1xi32>
        %get3A_1189 = arith.index_cast %squeeze3A_1188 : i32 to index
        %get3A_1190 = tpu.vector_load %arg13[%get3A_1189] {strides = array<i32>} : memref<16384xf32, #tpu.memory_space<vmem>>, vector<16xf32>,
        %get3A_1191 = vector.shape_cast %get3A_1190 : vector<16xf32> to vector<16xf32>
        %add3A_1192 = arith.addf %get3A_1186, %get3A_1191 : vector<16xf32>
        %mul3A_1193 = arith.constant 2.000000e-01 : f32
        %mul3A_1194 = vector.broadcast %mul3A_1193 : f32 to vector<16xf32>
        %mul3A_1195 = arith.mulf %mul3A_1194, %add3A_1192 : vector<16xf32>
        %max3A_1196 = arith.maximumf %add3A_1192, %mul3A_1195 : vector<16xf32>
        %exp3A_1197 = math.exp %max3A_1196 : vector<16xf32>
        %slice3A_1198 = vector.extract_strided_slice %mul3A_312 {offsets = [10], sizes = [1], strides = [1]} : vector<16xi32> to vector<1xi32>
        %squeeze3A_1199 = vector.extract %slice3A_1198[0] : i32 from vector<1xi32>
        %swap3A_1200 = arith.index_cast %squeeze3A_1199 : i32 to index
        %swap3A_1201 = tpu.vector_load %arg15[%swap3A_1200] {strides = array<i32>} : memref<16384xf32, #tpu.memory_space<vmem>>, vector<16xf32>,
        %swap3A_1202 = vector.shape_cast %swap3A_1201 : vector<16xf32> to vector<16xf32>
        %swap3A_1203 = vector.shape_cast %exp3A_1197 : vector<16xf32> to vector<16xf32>
        tpu.vector_store %arg15[%swap3A_1200], %swap3A_1203 {add = true, strides = array<i32>} : memref<16384xf32, #tpu.memory_space<vmem>>, vector<16xf32>,
        %lt3A_1204 = arith.constant 0 : i32
        %lt3A_1205 = vector.broadcast %lt3A_1204 : i32 to vector<16xi32>
        %lt3A_1206 = arith.cmpi slt, %broadcast_in_dim3A, %lt3A_1205 : vector<16xi32>
        %add3A_1207 = arith.constant 16 : i32
        %add3A_1208 = vector.broadcast %add3A_1207 : i32 to vector<16xi32>
        %add3A_1209 = arith.addi %broadcast_in_dim3A, %add3A_1208 : vector<16xi32>
        %select_n3A_1210 = arith.select %lt3A_1206, %add3A_1209, %broadcast_in_dim3A : vector<16xi1>, vector<16xi32>
        %broadcast_in_dim3A_1211 = vector.shape_cast %select_n3A_1210 : vector<16xi32> to vector<16x1xi32>
        %gather3A_1212 = vector.shape_cast %broadcast_in_dim3A_1211 : vector<16x1xi32> to vector<16xi32>
        %gather3A_1213 = tpu.dynamic_gather %exp3A_1197[%gather3A_1212] in [0] : vector<16xf32>, vector<16xi32> -> vector<16xf32>
        %lt3A_1214 = arith.constant 0 : i32
        %lt3A_1215 = vector.broadcast %lt3A_1214 : i32 to vector<16xi32>
        %lt3A_1216 = arith.cmpi slt, %broadcast_in_dim3A_39, %lt3A_1215 : vector<16xi32>
        %add3A_1217 = arith.constant 16 : i32
        %add3A_1218 = vector.broadcast %add3A_1217 : i32 to vector<16xi32>
        %add3A_1219 = arith.addi %broadcast_in_dim3A_39, %add3A_1218 : vector<16xi32>
        %select_n3A_1220 = arith.select %lt3A_1216, %add3A_1219, %broadcast_in_dim3A_39 : vector<16xi1>, vector<16xi32>
        %broadcast_in_dim3A_1221 = vector.shape_cast %select_n3A_1220 : vector<16xi32> to vector<16x1xi32>
        %gather3A_1222 = vector.shape_cast %broadcast_in_dim3A_1221 : vector<16x1xi32> to vector<16xi32>
        %gather3A_1223 = tpu.dynamic_gather %exp3A_1197[%gather3A_1222] in [0] : vector<16xf32>, vector<16xi32> -> vector<16xf32>
        %slice3A_1224 = vector.extract_strided_slice %mul3A_315 {offsets = [10], sizes = [1], strides = [1]} : vector<16xi32> to vector<1xi32>
        %squeeze3A_1225 = vector.extract %slice3A_1224[0] : i32 from vector<1xi32>
        %get3A_1226 = arith.index_cast %add3A_1182 : i32 to index
        %get3A_1227 = arith.constant 0 : index
        %get3A_1228 = tpu.vector_load %arg12[%get3A_1226, %get3A_1227] {strides = array<i32>} : memref<80x128xf32, #tpu.memory_space<vmem>>, vector<1x16xf32>,
        %get3A_1229 = vector.shape_cast %get3A_1228 : vector<1x16xf32> to vector<16xf32>
        %mul3A_1230 = arith.mulf %get3A_1229, %gather3A_1213 : vector<16xf32>
        %swap3A_1231 = arith.index_cast %squeeze3A_1225 : i32 to index
        %swap3A_1232 = tpu.vector_load %arg14[%swap3A_1231] {strides = array<i32>} : memref<65536xf32, #tpu.memory_space<vmem>>, vector<16xf32>,
        %swap3A_1233 = vector.shape_cast %swap3A_1232 : vector<16xf32> to vector<16xf32>
        %swap3A_1234 = vector.shape_cast %mul3A_1230 : vector<16xf32> to vector<16xf32>
        tpu.vector_store %arg14[%swap3A_1231], %swap3A_1234 {add = true, strides = array<i32>} : memref<65536xf32, #tpu.memory_space<vmem>>, vector<16xf32>,
        %add3A_1235 = arith.constant 16 : i32
        %add3A_1236 = arith.addi %squeeze3A_1225, %add3A_1235 : i32
        %get3A_1237 = arith.index_cast %add3A_1182 : i32 to index
        %get3A_1238 = arith.constant 16 : index
        %get3A_1239 = tpu.vector_load %arg12[%get3A_1237, %get3A_1238] {strides = array<i32>} : memref<80x128xf32, #tpu.memory_space<vmem>>, vector<1x16xf32>,
        %get3A_1240 = vector.shape_cast %get3A_1239 : vector<1x16xf32> to vector<16xf32>
        %mul3A_1241 = arith.mulf %get3A_1240, %gather3A_1213 : vector<16xf32>
        %swap3A_1242 = arith.index_cast %add3A_1236 : i32 to index
        %swap3A_1243 = tpu.vector_load %arg14[%swap3A_1242] {strides = array<i32>} : memref<65536xf32, #tpu.memory_space<vmem>>, vector<16xf32>,
        %swap3A_1244 = vector.shape_cast %swap3A_1243 : vector<16xf32> to vector<16xf32>
        %swap3A_1245 = vector.shape_cast %mul3A_1241 : vector<16xf32> to vector<16xf32>
        tpu.vector_store %arg14[%swap3A_1242], %swap3A_1245 {add = true, strides = array<i32>} : memref<65536xf32, #tpu.memory_space<vmem>>, vector<16xf32>,
        %add3A_1246 = arith.constant 32 : i32
        %add3A_1247 = arith.addi %squeeze3A_1225, %add3A_1246 : i32
        %get3A_1248 = arith.index_cast %add3A_1182 : i32 to index
        %get3A_1249 = arith.constant 32 : index
        %get3A_1250 = tpu.vector_load %arg12[%get3A_1248, %get3A_1249] {strides = array<i32>} : memref<80x128xf32, #tpu.memory_space<vmem>>, vector<1x16xf32>,
        %get3A_1251 = vector.shape_cast %get3A_1250 : vector<1x16xf32> to vector<16xf32>
        %mul3A_1252 = arith.mulf %get3A_1251, %gather3A_1223 : vector<16xf32>
        %swap3A_1253 = arith.index_cast %add3A_1247 : i32 to index
        %swap3A_1254 = tpu.vector_load %arg14[%swap3A_1253] {strides = array<i32>} : memref<65536xf32, #tpu.memory_space<vmem>>, vector<16xf32>,
        %swap3A_1255 = vector.shape_cast %swap3A_1254 : vector<16xf32> to vector<16xf32>
        %swap3A_1256 = vector.shape_cast %mul3A_1252 : vector<16xf32> to vector<16xf32>
        tpu.vector_store %arg14[%swap3A_1253], %swap3A_1256 {add = true, strides = array<i32>} : memref<65536xf32, #tpu.memory_space<vmem>>, vector<16xf32>,
        %add3A_1257 = arith.constant 48 : i32
        %add3A_1258 = arith.addi %squeeze3A_1225, %add3A_1257 : i32
        %get3A_1259 = arith.index_cast %add3A_1182 : i32 to index
        %get3A_1260 = arith.constant 48 : index
        %get3A_1261 = tpu.vector_load %arg12[%get3A_1259, %get3A_1260] {strides = array<i32>} : memref<80x128xf32, #tpu.memory_space<vmem>>, vector<1x16xf32>,
        %get3A_1262 = vector.shape_cast %get3A_1261 : vector<1x16xf32> to vector<16xf32>
        %mul3A_1263 = arith.mulf %get3A_1262, %gather3A_1223 : vector<16xf32>
        %swap3A_1264 = arith.index_cast %add3A_1258 : i32 to index
        %swap3A_1265 = tpu.vector_load %arg14[%swap3A_1264] {strides = array<i32>} : memref<65536xf32, #tpu.memory_space<vmem>>, vector<16xf32>,
        %swap3A_1266 = vector.shape_cast %swap3A_1265 : vector<16xf32> to vector<16xf32>
        %swap3A_1267 = vector.shape_cast %mul3A_1263 : vector<16xf32> to vector<16xf32>
        tpu.vector_store %arg14[%swap3A_1264], %swap3A_1267 {add = true, strides = array<i32>} : memref<65536xf32, #tpu.memory_space<vmem>>, vector<16xf32>,
        %add3A_1268 = arith.constant 11 : i32
        %add3A_1269 = arith.addi %mul3A_301, %add3A_1268 : i32
        %get3A_1270 = arith.index_cast %add3A_1269 : i32 to index
        %get3A_1271 = arith.constant 64 : index
        %get3A_1272 = tpu.vector_load %arg12[%get3A_1270, %get3A_1271] {strides = array<i32>} : memref<80x128xf32, #tpu.memory_space<vmem>>, vector<1x16xf32>,
        %get3A_1273 = vector.shape_cast %get3A_1272 : vector<1x16xf32> to vector<16xf32>
        %slice3A_1274 = vector.extract_strided_slice %mul3A_312 {offsets = [11], sizes = [1], strides = [1]} : vector<16xi32> to vector<1xi32>
        %squeeze3A_1275 = vector.extract %slice3A_1274[0] : i32 from vector<1xi32>
        %get3A_1276 = arith.index_cast %squeeze3A_1275 : i32 to index
        %get3A_1277 = tpu.vector_load %arg13[%get3A_1276] {strides = array<i32>} : memref<16384xf32, #tpu.memory_space<vmem>>, vector<16xf32>,
        %get3A_1278 = vector.shape_cast %get3A_1277 : vector<16xf32> to vector<16xf32>
        %add3A_1279 = arith.addf %get3A_1273, %get3A_1278 : vector<16xf32>
        %mul3A_1280 = arith.constant 2.000000e-01 : f32
        %mul3A_1281 = vector.broadcast %mul3A_1280 : f32 to vector<16xf32>
        %mul3A_1282 = arith.mulf %mul3A_1281, %add3A_1279 : vector<16xf32>
        %max3A_1283 = arith.maximumf %add3A_1279, %mul3A_1282 : vector<16xf32>
        %exp3A_1284 = math.exp %max3A_1283 : vector<16xf32>
        %slice3A_1285 = vector.extract_strided_slice %mul3A_312 {offsets = [11], sizes = [1], strides = [1]} : vector<16xi32> to vector<1xi32>
        %squeeze3A_1286 = vector.extract %slice3A_1285[0] : i32 from vector<1xi32>
        %swap3A_1287 = arith.index_cast %squeeze3A_1286 : i32 to index
        %swap3A_1288 = tpu.vector_load %arg15[%swap3A_1287] {strides = array<i32>} : memref<16384xf32, #tpu.memory_space<vmem>>, vector<16xf32>,
        %swap3A_1289 = vector.shape_cast %swap3A_1288 : vector<16xf32> to vector<16xf32>
        %swap3A_1290 = vector.shape_cast %exp3A_1284 : vector<16xf32> to vector<16xf32>
        tpu.vector_store %arg15[%swap3A_1287], %swap3A_1290 {add = true, strides = array<i32>} : memref<16384xf32, #tpu.memory_space<vmem>>, vector<16xf32>,
        %lt3A_1291 = arith.constant 0 : i32
        %lt3A_1292 = vector.broadcast %lt3A_1291 : i32 to vector<16xi32>
        %lt3A_1293 = arith.cmpi slt, %broadcast_in_dim3A, %lt3A_1292 : vector<16xi32>
        %add3A_1294 = arith.constant 16 : i32
        %add3A_1295 = vector.broadcast %add3A_1294 : i32 to vector<16xi32>
        %add3A_1296 = arith.addi %broadcast_in_dim3A, %add3A_1295 : vector<16xi32>
        %select_n3A_1297 = arith.select %lt3A_1293, %add3A_1296, %broadcast_in_dim3A : vector<16xi1>, vector<16xi32>
        %broadcast_in_dim3A_1298 = vector.shape_cast %select_n3A_1297 : vector<16xi32> to vector<16x1xi32>
        %gather3A_1299 = vector.shape_cast %broadcast_in_dim3A_1298 : vector<16x1xi32> to vector<16xi32>
        %gather3A_1300 = tpu.dynamic_gather %exp3A_1284[%gather3A_1299] in [0] : vector<16xf32>, vector<16xi32> -> vector<16xf32>
        %lt3A_1301 = arith.constant 0 : i32
        %lt3A_1302 = vector.broadcast %lt3A_1301 : i32 to vector<16xi32>
        %lt3A_1303 = arith.cmpi slt, %broadcast_in_dim3A_39, %lt3A_1302 : vector<16xi32>
        %add3A_1304 = arith.constant 16 : i32
        %add3A_1305 = vector.broadcast %add3A_1304 : i32 to vector<16xi32>
        %add3A_1306 = arith.addi %broadcast_in_dim3A_39, %add3A_1305 : vector<16xi32>
        %select_n3A_1307 = arith.select %lt3A_1303, %add3A_1306, %broadcast_in_dim3A_39 : vector<16xi1>, vector<16xi32>
        %broadcast_in_dim3A_1308 = vector.shape_cast %select_n3A_1307 : vector<16xi32> to vector<16x1xi32>
        %gather3A_1309 = vector.shape_cast %broadcast_in_dim3A_1308 : vector<16x1xi32> to vector<16xi32>
        %gather3A_1310 = tpu.dynamic_gather %exp3A_1284[%gather3A_1309] in [0] : vector<16xf32>, vector<16xi32> -> vector<16xf32>
        %slice3A_1311 = vector.extract_strided_slice %mul3A_315 {offsets = [11], sizes = [1], strides = [1]} : vector<16xi32> to vector<1xi32>
        %squeeze3A_1312 = vector.extract %slice3A_1311[0] : i32 from vector<1xi32>
        %get3A_1313 = arith.index_cast %add3A_1269 : i32 to index
        %get3A_1314 = arith.constant 0 : index
        %get3A_1315 = tpu.vector_load %arg12[%get3A_1313, %get3A_1314] {strides = array<i32>} : memref<80x128xf32, #tpu.memory_space<vmem>>, vector<1x16xf32>,
        %get3A_1316 = vector.shape_cast %get3A_1315 : vector<1x16xf32> to vector<16xf32>
        %mul3A_1317 = arith.mulf %get3A_1316, %gather3A_1300 : vector<16xf32>
        %swap3A_1318 = arith.index_cast %squeeze3A_1312 : i32 to index
        %swap3A_1319 = tpu.vector_load %arg14[%swap3A_1318] {strides = array<i32>} : memref<65536xf32, #tpu.memory_space<vmem>>, vector<16xf32>,
        %swap3A_1320 = vector.shape_cast %swap3A_1319 : vector<16xf32> to vector<16xf32>
        %swap3A_1321 = vector.shape_cast %mul3A_1317 : vector<16xf32> to vector<16xf32>
        tpu.vector_store %arg14[%swap3A_1318], %swap3A_1321 {add = true, strides = array<i32>} : memref<65536xf32, #tpu.memory_space<vmem>>, vector<16xf32>,
        %add3A_1322 = arith.constant 16 : i32
        %add3A_1323 = arith.addi %squeeze3A_1312, %add3A_1322 : i32
        %get3A_1324 = arith.index_cast %add3A_1269 : i32 to index
        %get3A_1325 = arith.constant 16 : index
        %get3A_1326 = tpu.vector_load %arg12[%get3A_1324, %get3A_1325] {strides = array<i32>} : memref<80x128xf32, #tpu.memory_space<vmem>>, vector<1x16xf32>,
        %get3A_1327 = vector.shape_cast %get3A_1326 : vector<1x16xf32> to vector<16xf32>
        %mul3A_1328 = arith.mulf %get3A_1327, %gather3A_1300 : vector<16xf32>
        %swap3A_1329 = arith.index_cast %add3A_1323 : i32 to index
        %swap3A_1330 = tpu.vector_load %arg14[%swap3A_1329] {strides = array<i32>} : memref<65536xf32, #tpu.memory_space<vmem>>, vector<16xf32>,
        %swap3A_1331 = vector.shape_cast %swap3A_1330 : vector<16xf32> to vector<16xf32>
        %swap3A_1332 = vector.shape_cast %mul3A_1328 : vector<16xf32> to vector<16xf32>
        tpu.vector_store %arg14[%swap3A_1329], %swap3A_1332 {add = true, strides = array<i32>} : memref<65536xf32, #tpu.memory_space<vmem>>, vector<16xf32>,
        %add3A_1333 = arith.constant 32 : i32
        %add3A_1334 = arith.addi %squeeze3A_1312, %add3A_1333 : i32
        %get3A_1335 = arith.index_cast %add3A_1269 : i32 to index
        %get3A_1336 = arith.constant 32 : index
        %get3A_1337 = tpu.vector_load %arg12[%get3A_1335, %get3A_1336] {strides = array<i32>} : memref<80x128xf32, #tpu.memory_space<vmem>>, vector<1x16xf32>,
        %get3A_1338 = vector.shape_cast %get3A_1337 : vector<1x16xf32> to vector<16xf32>
        %mul3A_1339 = arith.mulf %get3A_1338, %gather3A_1310 : vector<16xf32>
        %swap3A_1340 = arith.index_cast %add3A_1334 : i32 to index
        %swap3A_1341 = tpu.vector_load %arg14[%swap3A_1340] {strides = array<i32>} : memref<65536xf32, #tpu.memory_space<vmem>>, vector<16xf32>,
        %swap3A_1342 = vector.shape_cast %swap3A_1341 : vector<16xf32> to vector<16xf32>
        %swap3A_1343 = vector.shape_cast %mul3A_1339 : vector<16xf32> to vector<16xf32>
        tpu.vector_store %arg14[%swap3A_1340], %swap3A_1343 {add = true, strides = array<i32>} : memref<65536xf32, #tpu.memory_space<vmem>>, vector<16xf32>,
        %add3A_1344 = arith.constant 48 : i32
        %add3A_1345 = arith.addi %squeeze3A_1312, %add3A_1344 : i32
        %get3A_1346 = arith.index_cast %add3A_1269 : i32 to index
        %get3A_1347 = arith.constant 48 : index
        %get3A_1348 = tpu.vector_load %arg12[%get3A_1346, %get3A_1347] {strides = array<i32>} : memref<80x128xf32, #tpu.memory_space<vmem>>, vector<1x16xf32>,
        %get3A_1349 = vector.shape_cast %get3A_1348 : vector<1x16xf32> to vector<16xf32>
        %mul3A_1350 = arith.mulf %get3A_1349, %gather3A_1310 : vector<16xf32>
        %swap3A_1351 = arith.index_cast %add3A_1345 : i32 to index
        %swap3A_1352 = tpu.vector_load %arg14[%swap3A_1351] {strides = array<i32>} : memref<65536xf32, #tpu.memory_space<vmem>>, vector<16xf32>,
        %swap3A_1353 = vector.shape_cast %swap3A_1352 : vector<16xf32> to vector<16xf32>
        %swap3A_1354 = vector.shape_cast %mul3A_1350 : vector<16xf32> to vector<16xf32>
        tpu.vector_store %arg14[%swap3A_1351], %swap3A_1354 {add = true, strides = array<i32>} : memref<65536xf32, #tpu.memory_space<vmem>>, vector<16xf32>,
        %add3A_1355 = arith.constant 12 : i32
        %add3A_1356 = arith.addi %mul3A_301, %add3A_1355 : i32
        %get3A_1357 = arith.index_cast %add3A_1356 : i32 to index
        %get3A_1358 = arith.constant 64 : index
        %get3A_1359 = tpu.vector_load %arg12[%get3A_1357, %get3A_1358] {strides = array<i32>} : memref<80x128xf32, #tpu.memory_space<vmem>>, vector<1x16xf32>,
        %get3A_1360 = vector.shape_cast %get3A_1359 : vector<1x16xf32> to vector<16xf32>
        %slice3A_1361 = vector.extract_strided_slice %mul3A_312 {offsets = [12], sizes = [1], strides = [1]} : vector<16xi32> to vector<1xi32>
        %squeeze3A_1362 = vector.extract %slice3A_1361[0] : i32 from vector<1xi32>
        %get3A_1363 = arith.index_cast %squeeze3A_1362 : i32 to index
        %get3A_1364 = tpu.vector_load %arg13[%get3A_1363] {strides = array<i32>} : memref<16384xf32, #tpu.memory_space<vmem>>, vector<16xf32>,
        %get3A_1365 = vector.shape_cast %get3A_1364 : vector<16xf32> to vector<16xf32>
        %add3A_1366 = arith.addf %get3A_1360, %get3A_1365 : vector<16xf32>
        %mul3A_1367 = arith.constant 2.000000e-01 : f32
        %mul3A_1368 = vector.broadcast %mul3A_1367 : f32 to vector<16xf32>
        %mul3A_1369 = arith.mulf %mul3A_1368, %add3A_1366 : vector<16xf32>
        %max3A_1370 = arith.maximumf %add3A_1366, %mul3A_1369 : vector<16xf32>
        %exp3A_1371 = math.exp %max3A_1370 : vector<16xf32>
        %slice3A_1372 = vector.extract_strided_slice %mul3A_312 {offsets = [12], sizes = [1], strides = [1]} : vector<16xi32> to vector<1xi32>
        %squeeze3A_1373 = vector.extract %slice3A_1372[0] : i32 from vector<1xi32>
        %swap3A_1374 = arith.index_cast %squeeze3A_1373 : i32 to index
        %swap3A_1375 = tpu.vector_load %arg15[%swap3A_1374] {strides = array<i32>} : memref<16384xf32, #tpu.memory_space<vmem>>, vector<16xf32>,
        %swap3A_1376 = vector.shape_cast %swap3A_1375 : vector<16xf32> to vector<16xf32>
        %swap3A_1377 = vector.shape_cast %exp3A_1371 : vector<16xf32> to vector<16xf32>
        tpu.vector_store %arg15[%swap3A_1374], %swap3A_1377 {add = true, strides = array<i32>} : memref<16384xf32, #tpu.memory_space<vmem>>, vector<16xf32>,
        %lt3A_1378 = arith.constant 0 : i32
        %lt3A_1379 = vector.broadcast %lt3A_1378 : i32 to vector<16xi32>
        %lt3A_1380 = arith.cmpi slt, %broadcast_in_dim3A, %lt3A_1379 : vector<16xi32>
        %add3A_1381 = arith.constant 16 : i32
        %add3A_1382 = vector.broadcast %add3A_1381 : i32 to vector<16xi32>
        %add3A_1383 = arith.addi %broadcast_in_dim3A, %add3A_1382 : vector<16xi32>
        %select_n3A_1384 = arith.select %lt3A_1380, %add3A_1383, %broadcast_in_dim3A : vector<16xi1>, vector<16xi32>
        %broadcast_in_dim3A_1385 = vector.shape_cast %select_n3A_1384 : vector<16xi32> to vector<16x1xi32>
        %gather3A_1386 = vector.shape_cast %broadcast_in_dim3A_1385 : vector<16x1xi32> to vector<16xi32>
        %gather3A_1387 = tpu.dynamic_gather %exp3A_1371[%gather3A_1386] in [0] : vector<16xf32>, vector<16xi32> -> vector<16xf32>
        %lt3A_1388 = arith.constant 0 : i32
        %lt3A_1389 = vector.broadcast %lt3A_1388 : i32 to vector<16xi32>
        %lt3A_1390 = arith.cmpi slt, %broadcast_in_dim3A_39, %lt3A_1389 : vector<16xi32>
        %add3A_1391 = arith.constant 16 : i32
        %add3A_1392 = vector.broadcast %add3A_1391 : i32 to vector<16xi32>
        %add3A_1393 = arith.addi %broadcast_in_dim3A_39, %add3A_1392 : vector<16xi32>
        %select_n3A_1394 = arith.select %lt3A_1390, %add3A_1393, %broadcast_in_dim3A_39 : vector<16xi1>, vector<16xi32>
        %broadcast_in_dim3A_1395 = vector.shape_cast %select_n3A_1394 : vector<16xi32> to vector<16x1xi32>
        %gather3A_1396 = vector.shape_cast %broadcast_in_dim3A_1395 : vector<16x1xi32> to vector<16xi32>
        %gather3A_1397 = tpu.dynamic_gather %exp3A_1371[%gather3A_1396] in [0] : vector<16xf32>, vector<16xi32> -> vector<16xf32>
        %slice3A_1398 = vector.extract_strided_slice %mul3A_315 {offsets = [12], sizes = [1], strides = [1]} : vector<16xi32> to vector<1xi32>
        %squeeze3A_1399 = vector.extract %slice3A_1398[0] : i32 from vector<1xi32>
        %get3A_1400 = arith.index_cast %add3A_1356 : i32 to index
        %get3A_1401 = arith.constant 0 : index
        %get3A_1402 = tpu.vector_load %arg12[%get3A_1400, %get3A_1401] {strides = array<i32>} : memref<80x128xf32, #tpu.memory_space<vmem>>, vector<1x16xf32>,
        %get3A_1403 = vector.shape_cast %get3A_1402 : vector<1x16xf32> to vector<16xf32>
        %mul3A_1404 = arith.mulf %get3A_1403, %gather3A_1387 : vector<16xf32>
        %swap3A_1405 = arith.index_cast %squeeze3A_1399 : i32 to index
        %swap3A_1406 = tpu.vector_load %arg14[%swap3A_1405] {strides = array<i32>} : memref<65536xf32, #tpu.memory_space<vmem>>, vector<16xf32>,
        %swap3A_1407 = vector.shape_cast %swap3A_1406 : vector<16xf32> to vector<16xf32>
        %swap3A_1408 = vector.shape_cast %mul3A_1404 : vector<16xf32> to vector<16xf32>
        tpu.vector_store %arg14[%swap3A_1405], %swap3A_1408 {add = true, strides = array<i32>} : memref<65536xf32, #tpu.memory_space<vmem>>, vector<16xf32>,
        %add3A_1409 = arith.constant 16 : i32
        %add3A_1410 = arith.addi %squeeze3A_1399, %add3A_1409 : i32
        %get3A_1411 = arith.index_cast %add3A_1356 : i32 to index
        %get3A_1412 = arith.constant 16 : index
        %get3A_1413 = tpu.vector_load %arg12[%get3A_1411, %get3A_1412] {strides = array<i32>} : memref<80x128xf32, #tpu.memory_space<vmem>>, vector<1x16xf32>,
        %get3A_1414 = vector.shape_cast %get3A_1413 : vector<1x16xf32> to vector<16xf32>
        %mul3A_1415 = arith.mulf %get3A_1414, %gather3A_1387 : vector<16xf32>
        %swap3A_1416 = arith.index_cast %add3A_1410 : i32 to index
        %swap3A_1417 = tpu.vector_load %arg14[%swap3A_1416] {strides = array<i32>} : memref<65536xf32, #tpu.memory_space<vmem>>, vector<16xf32>,
        %swap3A_1418 = vector.shape_cast %swap3A_1417 : vector<16xf32> to vector<16xf32>
        %swap3A_1419 = vector.shape_cast %mul3A_1415 : vector<16xf32> to vector<16xf32>
        tpu.vector_store %arg14[%swap3A_1416], %swap3A_1419 {add = true, strides = array<i32>} : memref<65536xf32, #tpu.memory_space<vmem>>, vector<16xf32>,
        %add3A_1420 = arith.constant 32 : i32
        %add3A_1421 = arith.addi %squeeze3A_1399, %add3A_1420 : i32
        %get3A_1422 = arith.index_cast %add3A_1356 : i32 to index
        %get3A_1423 = arith.constant 32 : index
        %get3A_1424 = tpu.vector_load %arg12[%get3A_1422, %get3A_1423] {strides = array<i32>} : memref<80x128xf32, #tpu.memory_space<vmem>>, vector<1x16xf32>,
        %get3A_1425 = vector.shape_cast %get3A_1424 : vector<1x16xf32> to vector<16xf32>
        %mul3A_1426 = arith.mulf %get3A_1425, %gather3A_1397 : vector<16xf32>
        %swap3A_1427 = arith.index_cast %add3A_1421 : i32 to index
        %swap3A_1428 = tpu.vector_load %arg14[%swap3A_1427] {strides = array<i32>} : memref<65536xf32, #tpu.memory_space<vmem>>, vector<16xf32>,
        %swap3A_1429 = vector.shape_cast %swap3A_1428 : vector<16xf32> to vector<16xf32>
        %swap3A_1430 = vector.shape_cast %mul3A_1426 : vector<16xf32> to vector<16xf32>
        tpu.vector_store %arg14[%swap3A_1427], %swap3A_1430 {add = true, strides = array<i32>} : memref<65536xf32, #tpu.memory_space<vmem>>, vector<16xf32>,
        %add3A_1431 = arith.constant 48 : i32
        %add3A_1432 = arith.addi %squeeze3A_1399, %add3A_1431 : i32
        %get3A_1433 = arith.index_cast %add3A_1356 : i32 to index
        %get3A_1434 = arith.constant 48 : index
        %get3A_1435 = tpu.vector_load %arg12[%get3A_1433, %get3A_1434] {strides = array<i32>} : memref<80x128xf32, #tpu.memory_space<vmem>>, vector<1x16xf32>,
        %get3A_1436 = vector.shape_cast %get3A_1435 : vector<1x16xf32> to vector<16xf32>
        %mul3A_1437 = arith.mulf %get3A_1436, %gather3A_1397 : vector<16xf32>
        %swap3A_1438 = arith.index_cast %add3A_1432 : i32 to index
        %swap3A_1439 = tpu.vector_load %arg14[%swap3A_1438] {strides = array<i32>} : memref<65536xf32, #tpu.memory_space<vmem>>, vector<16xf32>,
        %swap3A_1440 = vector.shape_cast %swap3A_1439 : vector<16xf32> to vector<16xf32>
        %swap3A_1441 = vector.shape_cast %mul3A_1437 : vector<16xf32> to vector<16xf32>
        tpu.vector_store %arg14[%swap3A_1438], %swap3A_1441 {add = true, strides = array<i32>} : memref<65536xf32, #tpu.memory_space<vmem>>, vector<16xf32>,
        %add3A_1442 = arith.constant 13 : i32
        %add3A_1443 = arith.addi %mul3A_301, %add3A_1442 : i32
        %get3A_1444 = arith.index_cast %add3A_1443 : i32 to index
        %get3A_1445 = arith.constant 64 : index
        %get3A_1446 = tpu.vector_load %arg12[%get3A_1444, %get3A_1445] {strides = array<i32>} : memref<80x128xf32, #tpu.memory_space<vmem>>, vector<1x16xf32>,
        %get3A_1447 = vector.shape_cast %get3A_1446 : vector<1x16xf32> to vector<16xf32>
        %slice3A_1448 = vector.extract_strided_slice %mul3A_312 {offsets = [13], sizes = [1], strides = [1]} : vector<16xi32> to vector<1xi32>
        %squeeze3A_1449 = vector.extract %slice3A_1448[0] : i32 from vector<1xi32>
        %get3A_1450 = arith.index_cast %squeeze3A_1449 : i32 to index
        %get3A_1451 = tpu.vector_load %arg13[%get3A_1450] {strides = array<i32>} : memref<16384xf32, #tpu.memory_space<vmem>>, vector<16xf32>,
        %get3A_1452 = vector.shape_cast %get3A_1451 : vector<16xf32> to vector<16xf32>
        %add3A_1453 = arith.addf %get3A_1447, %get3A_1452 : vector<16xf32>
        %mul3A_1454 = arith.constant 2.000000e-01 : f32
        %mul3A_1455 = vector.broadcast %mul3A_1454 : f32 to vector<16xf32>
        %mul3A_1456 = arith.mulf %mul3A_1455, %add3A_1453 : vector<16xf32>
        %max3A_1457 = arith.maximumf %add3A_1453, %mul3A_1456 : vector<16xf32>
        %exp3A_1458 = math.exp %max3A_1457 : vector<16xf32>
        %slice3A_1459 = vector.extract_strided_slice %mul3A_312 {offsets = [13], sizes = [1], strides = [1]} : vector<16xi32> to vector<1xi32>
        %squeeze3A_1460 = vector.extract %slice3A_1459[0] : i32 from vector<1xi32>
        %swap3A_1461 = arith.index_cast %squeeze3A_1460 : i32 to index
        %swap3A_1462 = tpu.vector_load %arg15[%swap3A_1461] {strides = array<i32>} : memref<16384xf32, #tpu.memory_space<vmem>>, vector<16xf32>,
        %swap3A_1463 = vector.shape_cast %swap3A_1462 : vector<16xf32> to vector<16xf32>
        %swap3A_1464 = vector.shape_cast %exp3A_1458 : vector<16xf32> to vector<16xf32>
        tpu.vector_store %arg15[%swap3A_1461], %swap3A_1464 {add = true, strides = array<i32>} : memref<16384xf32, #tpu.memory_space<vmem>>, vector<16xf32>,
        %lt3A_1465 = arith.constant 0 : i32
        %lt3A_1466 = vector.broadcast %lt3A_1465 : i32 to vector<16xi32>
        %lt3A_1467 = arith.cmpi slt, %broadcast_in_dim3A, %lt3A_1466 : vector<16xi32>
        %add3A_1468 = arith.constant 16 : i32
        %add3A_1469 = vector.broadcast %add3A_1468 : i32 to vector<16xi32>
        %add3A_1470 = arith.addi %broadcast_in_dim3A, %add3A_1469 : vector<16xi32>
        %select_n3A_1471 = arith.select %lt3A_1467, %add3A_1470, %broadcast_in_dim3A : vector<16xi1>, vector<16xi32>
        %broadcast_in_dim3A_1472 = vector.shape_cast %select_n3A_1471 : vector<16xi32> to vector<16x1xi32>
        %gather3A_1473 = vector.shape_cast %broadcast_in_dim3A_1472 : vector<16x1xi32> to vector<16xi32>
        %gather3A_1474 = tpu.dynamic_gather %exp3A_1458[%gather3A_1473] in [0] : vector<16xf32>, vector<16xi32> -> vector<16xf32>
        %lt3A_1475 = arith.constant 0 : i32
        %lt3A_1476 = vector.broadcast %lt3A_1475 : i32 to vector<16xi32>
        %lt3A_1477 = arith.cmpi slt, %broadcast_in_dim3A_39, %lt3A_1476 : vector<16xi32>
        %add3A_1478 = arith.constant 16 : i32
        %add3A_1479 = vector.broadcast %add3A_1478 : i32 to vector<16xi32>
        %add3A_1480 = arith.addi %broadcast_in_dim3A_39, %add3A_1479 : vector<16xi32>
        %select_n3A_1481 = arith.select %lt3A_1477, %add3A_1480, %broadcast_in_dim3A_39 : vector<16xi1>, vector<16xi32>
        %broadcast_in_dim3A_1482 = vector.shape_cast %select_n3A_1481 : vector<16xi32> to vector<16x1xi32>
        %gather3A_1483 = vector.shape_cast %broadcast_in_dim3A_1482 : vector<16x1xi32> to vector<16xi32>
        %gather3A_1484 = tpu.dynamic_gather %exp3A_1458[%gather3A_1483] in [0] : vector<16xf32>, vector<16xi32> -> vector<16xf32>
        %slice3A_1485 = vector.extract_strided_slice %mul3A_315 {offsets = [13], sizes = [1], strides = [1]} : vector<16xi32> to vector<1xi32>
        %squeeze3A_1486 = vector.extract %slice3A_1485[0] : i32 from vector<1xi32>
        %get3A_1487 = arith.index_cast %add3A_1443 : i32 to index
        %get3A_1488 = arith.constant 0 : index
        %get3A_1489 = tpu.vector_load %arg12[%get3A_1487, %get3A_1488] {strides = array<i32>} : memref<80x128xf32, #tpu.memory_space<vmem>>, vector<1x16xf32>,
        %get3A_1490 = vector.shape_cast %get3A_1489 : vector<1x16xf32> to vector<16xf32>
        %mul3A_1491 = arith.mulf %get3A_1490, %gather3A_1474 : vector<16xf32>
        %swap3A_1492 = arith.index_cast %squeeze3A_1486 : i32 to index
        %swap3A_1493 = tpu.vector_load %arg14[%swap3A_1492] {strides = array<i32>} : memref<65536xf32, #tpu.memory_space<vmem>>, vector<16xf32>,
        %swap3A_1494 = vector.shape_cast %swap3A_1493 : vector<16xf32> to vector<16xf32>
        %swap3A_1495 = vector.shape_cast %mul3A_1491 : vector<16xf32> to vector<16xf32>
        tpu.vector_store %arg14[%swap3A_1492], %swap3A_1495 {add = true, strides = array<i32>} : memref<65536xf32, #tpu.memory_space<vmem>>, vector<16xf32>,
        %add3A_1496 = arith.constant 16 : i32
        %add3A_1497 = arith.addi %squeeze3A_1486, %add3A_1496 : i32
        %get3A_1498 = arith.index_cast %add3A_1443 : i32 to index
        %get3A_1499 = arith.constant 16 : index
        %get3A_1500 = tpu.vector_load %arg12[%get3A_1498, %get3A_1499] {strides = array<i32>} : memref<80x128xf32, #tpu.memory_space<vmem>>, vector<1x16xf32>,
        %get3A_1501 = vector.shape_cast %get3A_1500 : vector<1x16xf32> to vector<16xf32>
        %mul3A_1502 = arith.mulf %get3A_1501, %gather3A_1474 : vector<16xf32>
        %swap3A_1503 = arith.index_cast %add3A_1497 : i32 to index
        %swap3A_1504 = tpu.vector_load %arg14[%swap3A_1503] {strides = array<i32>} : memref<65536xf32, #tpu.memory_space<vmem>>, vector<16xf32>,
        %swap3A_1505 = vector.shape_cast %swap3A_1504 : vector<16xf32> to vector<16xf32>
        %swap3A_1506 = vector.shape_cast %mul3A_1502 : vector<16xf32> to vector<16xf32>
        tpu.vector_store %arg14[%swap3A_1503], %swap3A_1506 {add = true, strides = array<i32>} : memref<65536xf32, #tpu.memory_space<vmem>>, vector<16xf32>,
        %add3A_1507 = arith.constant 32 : i32
        %add3A_1508 = arith.addi %squeeze3A_1486, %add3A_1507 : i32
        %get3A_1509 = arith.index_cast %add3A_1443 : i32 to index
        %get3A_1510 = arith.constant 32 : index
        %get3A_1511 = tpu.vector_load %arg12[%get3A_1509, %get3A_1510] {strides = array<i32>} : memref<80x128xf32, #tpu.memory_space<vmem>>, vector<1x16xf32>,
        %get3A_1512 = vector.shape_cast %get3A_1511 : vector<1x16xf32> to vector<16xf32>
        %mul3A_1513 = arith.mulf %get3A_1512, %gather3A_1484 : vector<16xf32>
        %swap3A_1514 = arith.index_cast %add3A_1508 : i32 to index
        %swap3A_1515 = tpu.vector_load %arg14[%swap3A_1514] {strides = array<i32>} : memref<65536xf32, #tpu.memory_space<vmem>>, vector<16xf32>,
        %swap3A_1516 = vector.shape_cast %swap3A_1515 : vector<16xf32> to vector<16xf32>
        %swap3A_1517 = vector.shape_cast %mul3A_1513 : vector<16xf32> to vector<16xf32>
        tpu.vector_store %arg14[%swap3A_1514], %swap3A_1517 {add = true, strides = array<i32>} : memref<65536xf32, #tpu.memory_space<vmem>>, vector<16xf32>,
        %add3A_1518 = arith.constant 48 : i32
        %add3A_1519 = arith.addi %squeeze3A_1486, %add3A_1518 : i32
        %get3A_1520 = arith.index_cast %add3A_1443 : i32 to index
        %get3A_1521 = arith.constant 48 : index
        %get3A_1522 = tpu.vector_load %arg12[%get3A_1520, %get3A_1521] {strides = array<i32>} : memref<80x128xf32, #tpu.memory_space<vmem>>, vector<1x16xf32>,
        %get3A_1523 = vector.shape_cast %get3A_1522 : vector<1x16xf32> to vector<16xf32>
        %mul3A_1524 = arith.mulf %get3A_1523, %gather3A_1484 : vector<16xf32>
        %swap3A_1525 = arith.index_cast %add3A_1519 : i32 to index
        %swap3A_1526 = tpu.vector_load %arg14[%swap3A_1525] {strides = array<i32>} : memref<65536xf32, #tpu.memory_space<vmem>>, vector<16xf32>,
        %swap3A_1527 = vector.shape_cast %swap3A_1526 : vector<16xf32> to vector<16xf32>
        %swap3A_1528 = vector.shape_cast %mul3A_1524 : vector<16xf32> to vector<16xf32>
        tpu.vector_store %arg14[%swap3A_1525], %swap3A_1528 {add = true, strides = array<i32>} : memref<65536xf32, #tpu.memory_space<vmem>>, vector<16xf32>,
        %add3A_1529 = arith.constant 14 : i32
        %add3A_1530 = arith.addi %mul3A_301, %add3A_1529 : i32
        %get3A_1531 = arith.index_cast %add3A_1530 : i32 to index
        %get3A_1532 = arith.constant 64 : index
        %get3A_1533 = tpu.vector_load %arg12[%get3A_1531, %get3A_1532] {strides = array<i32>} : memref<80x128xf32, #tpu.memory_space<vmem>>, vector<1x16xf32>,
        %get3A_1534 = vector.shape_cast %get3A_1533 : vector<1x16xf32> to vector<16xf32>
        %slice3A_1535 = vector.extract_strided_slice %mul3A_312 {offsets = [14], sizes = [1], strides = [1]} : vector<16xi32> to vector<1xi32>
        %squeeze3A_1536 = vector.extract %slice3A_1535[0] : i32 from vector<1xi32>
        %get3A_1537 = arith.index_cast %squeeze3A_1536 : i32 to index
        %get3A_1538 = tpu.vector_load %arg13[%get3A_1537] {strides = array<i32>} : memref<16384xf32, #tpu.memory_space<vmem>>, vector<16xf32>,
        %get3A_1539 = vector.shape_cast %get3A_1538 : vector<16xf32> to vector<16xf32>
        %add3A_1540 = arith.addf %get3A_1534, %get3A_1539 : vector<16xf32>
        %mul3A_1541 = arith.constant 2.000000e-01 : f32
        %mul3A_1542 = vector.broadcast %mul3A_1541 : f32 to vector<16xf32>
        %mul3A_1543 = arith.mulf %mul3A_1542, %add3A_1540 : vector<16xf32>
        %max3A_1544 = arith.maximumf %add3A_1540, %mul3A_1543 : vector<16xf32>
        %exp3A_1545 = math.exp %max3A_1544 : vector<16xf32>
        %slice3A_1546 = vector.extract_strided_slice %mul3A_312 {offsets = [14], sizes = [1], strides = [1]} : vector<16xi32> to vector<1xi32>
        %squeeze3A_1547 = vector.extract %slice3A_1546[0] : i32 from vector<1xi32>
        %swap3A_1548 = arith.index_cast %squeeze3A_1547 : i32 to index
        %swap3A_1549 = tpu.vector_load %arg15[%swap3A_1548] {strides = array<i32>} : memref<16384xf32, #tpu.memory_space<vmem>>, vector<16xf32>,
        %swap3A_1550 = vector.shape_cast %swap3A_1549 : vector<16xf32> to vector<16xf32>
        %swap3A_1551 = vector.shape_cast %exp3A_1545 : vector<16xf32> to vector<16xf32>
        tpu.vector_store %arg15[%swap3A_1548], %swap3A_1551 {add = true, strides = array<i32>} : memref<16384xf32, #tpu.memory_space<vmem>>, vector<16xf32>,
        %lt3A_1552 = arith.constant 0 : i32
        %lt3A_1553 = vector.broadcast %lt3A_1552 : i32 to vector<16xi32>
        %lt3A_1554 = arith.cmpi slt, %broadcast_in_dim3A, %lt3A_1553 : vector<16xi32>
        %add3A_1555 = arith.constant 16 : i32
        %add3A_1556 = vector.broadcast %add3A_1555 : i32 to vector<16xi32>
        %add3A_1557 = arith.addi %broadcast_in_dim3A, %add3A_1556 : vector<16xi32>
        %select_n3A_1558 = arith.select %lt3A_1554, %add3A_1557, %broadcast_in_dim3A : vector<16xi1>, vector<16xi32>
        %broadcast_in_dim3A_1559 = vector.shape_cast %select_n3A_1558 : vector<16xi32> to vector<16x1xi32>
        %gather3A_1560 = vector.shape_cast %broadcast_in_dim3A_1559 : vector<16x1xi32> to vector<16xi32>
        %gather3A_1561 = tpu.dynamic_gather %exp3A_1545[%gather3A_1560] in [0] : vector<16xf32>, vector<16xi32> -> vector<16xf32>
        %lt3A_1562 = arith.constant 0 : i32
        %lt3A_1563 = vector.broadcast %lt3A_1562 : i32 to vector<16xi32>
        %lt3A_1564 = arith.cmpi slt, %broadcast_in_dim3A_39, %lt3A_1563 : vector<16xi32>
        %add3A_1565 = arith.constant 16 : i32
        %add3A_1566 = vector.broadcast %add3A_1565 : i32 to vector<16xi32>
        %add3A_1567 = arith.addi %broadcast_in_dim3A_39, %add3A_1566 : vector<16xi32>
        %select_n3A_1568 = arith.select %lt3A_1564, %add3A_1567, %broadcast_in_dim3A_39 : vector<16xi1>, vector<16xi32>
        %broadcast_in_dim3A_1569 = vector.shape_cast %select_n3A_1568 : vector<16xi32> to vector<16x1xi32>
        %gather3A_1570 = vector.shape_cast %broadcast_in_dim3A_1569 : vector<16x1xi32> to vector<16xi32>
        %gather3A_1571 = tpu.dynamic_gather %exp3A_1545[%gather3A_1570] in [0] : vector<16xf32>, vector<16xi32> -> vector<16xf32>
        %slice3A_1572 = vector.extract_strided_slice %mul3A_315 {offsets = [14], sizes = [1], strides = [1]} : vector<16xi32> to vector<1xi32>
        %squeeze3A_1573 = vector.extract %slice3A_1572[0] : i32 from vector<1xi32>
        %get3A_1574 = arith.index_cast %add3A_1530 : i32 to index
        %get3A_1575 = arith.constant 0 : index
        %get3A_1576 = tpu.vector_load %arg12[%get3A_1574, %get3A_1575] {strides = array<i32>} : memref<80x128xf32, #tpu.memory_space<vmem>>, vector<1x16xf32>,
        %get3A_1577 = vector.shape_cast %get3A_1576 : vector<1x16xf32> to vector<16xf32>
        %mul3A_1578 = arith.mulf %get3A_1577, %gather3A_1561 : vector<16xf32>
        %swap3A_1579 = arith.index_cast %squeeze3A_1573 : i32 to index
        %swap3A_1580 = tpu.vector_load %arg14[%swap3A_1579] {strides = array<i32>} : memref<65536xf32, #tpu.memory_space<vmem>>, vector<16xf32>,
        %swap3A_1581 = vector.shape_cast %swap3A_1580 : vector<16xf32> to vector<16xf32>
        %swap3A_1582 = vector.shape_cast %mul3A_1578 : vector<16xf32> to vector<16xf32>
        tpu.vector_store %arg14[%swap3A_1579], %swap3A_1582 {add = true, strides = array<i32>} : memref<65536xf32, #tpu.memory_space<vmem>>, vector<16xf32>,
        %add3A_1583 = arith.constant 16 : i32
        %add3A_1584 = arith.addi %squeeze3A_1573, %add3A_1583 : i32
        %get3A_1585 = arith.index_cast %add3A_1530 : i32 to index
        %get3A_1586 = arith.constant 16 : index
        %get3A_1587 = tpu.vector_load %arg12[%get3A_1585, %get3A_1586] {strides = array<i32>} : memref<80x128xf32, #tpu.memory_space<vmem>>, vector<1x16xf32>,
        %get3A_1588 = vector.shape_cast %get3A_1587 : vector<1x16xf32> to vector<16xf32>
        %mul3A_1589 = arith.mulf %get3A_1588, %gather3A_1561 : vector<16xf32>
        %swap3A_1590 = arith.index_cast %add3A_1584 : i32 to index
        %swap3A_1591 = tpu.vector_load %arg14[%swap3A_1590] {strides = array<i32>} : memref<65536xf32, #tpu.memory_space<vmem>>, vector<16xf32>,
        %swap3A_1592 = vector.shape_cast %swap3A_1591 : vector<16xf32> to vector<16xf32>
        %swap3A_1593 = vector.shape_cast %mul3A_1589 : vector<16xf32> to vector<16xf32>
        tpu.vector_store %arg14[%swap3A_1590], %swap3A_1593 {add = true, strides = array<i32>} : memref<65536xf32, #tpu.memory_space<vmem>>, vector<16xf32>,
        %add3A_1594 = arith.constant 32 : i32
        %add3A_1595 = arith.addi %squeeze3A_1573, %add3A_1594 : i32
        %get3A_1596 = arith.index_cast %add3A_1530 : i32 to index
        %get3A_1597 = arith.constant 32 : index
        %get3A_1598 = tpu.vector_load %arg12[%get3A_1596, %get3A_1597] {strides = array<i32>} : memref<80x128xf32, #tpu.memory_space<vmem>>, vector<1x16xf32>,
        %get3A_1599 = vector.shape_cast %get3A_1598 : vector<1x16xf32> to vector<16xf32>
        %mul3A_1600 = arith.mulf %get3A_1599, %gather3A_1571 : vector<16xf32>
        %swap3A_1601 = arith.index_cast %add3A_1595 : i32 to index
        %swap3A_1602 = tpu.vector_load %arg14[%swap3A_1601] {strides = array<i32>} : memref<65536xf32, #tpu.memory_space<vmem>>, vector<16xf32>,
        %swap3A_1603 = vector.shape_cast %swap3A_1602 : vector<16xf32> to vector<16xf32>
        %swap3A_1604 = vector.shape_cast %mul3A_1600 : vector<16xf32> to vector<16xf32>
        tpu.vector_store %arg14[%swap3A_1601], %swap3A_1604 {add = true, strides = array<i32>} : memref<65536xf32, #tpu.memory_space<vmem>>, vector<16xf32>,
        %add3A_1605 = arith.constant 48 : i32
        %add3A_1606 = arith.addi %squeeze3A_1573, %add3A_1605 : i32
        %get3A_1607 = arith.index_cast %add3A_1530 : i32 to index
        %get3A_1608 = arith.constant 48 : index
        %get3A_1609 = tpu.vector_load %arg12[%get3A_1607, %get3A_1608] {strides = array<i32>} : memref<80x128xf32, #tpu.memory_space<vmem>>, vector<1x16xf32>,
        %get3A_1610 = vector.shape_cast %get3A_1609 : vector<1x16xf32> to vector<16xf32>
        %mul3A_1611 = arith.mulf %get3A_1610, %gather3A_1571 : vector<16xf32>
        %swap3A_1612 = arith.index_cast %add3A_1606 : i32 to index
        %swap3A_1613 = tpu.vector_load %arg14[%swap3A_1612] {strides = array<i32>} : memref<65536xf32, #tpu.memory_space<vmem>>, vector<16xf32>,
        %swap3A_1614 = vector.shape_cast %swap3A_1613 : vector<16xf32> to vector<16xf32>
        %swap3A_1615 = vector.shape_cast %mul3A_1611 : vector<16xf32> to vector<16xf32>
        tpu.vector_store %arg14[%swap3A_1612], %swap3A_1615 {add = true, strides = array<i32>} : memref<65536xf32, #tpu.memory_space<vmem>>, vector<16xf32>,
        %add3A_1616 = arith.constant 15 : i32
        %add3A_1617 = arith.addi %mul3A_301, %add3A_1616 : i32
        %get3A_1618 = arith.index_cast %add3A_1617 : i32 to index
        %get3A_1619 = arith.constant 64 : index
        %get3A_1620 = tpu.vector_load %arg12[%get3A_1618, %get3A_1619] {strides = array<i32>} : memref<80x128xf32, #tpu.memory_space<vmem>>, vector<1x16xf32>,
        %get3A_1621 = vector.shape_cast %get3A_1620 : vector<1x16xf32> to vector<16xf32>
        %slice3A_1622 = vector.extract_strided_slice %mul3A_312 {offsets = [15], sizes = [1], strides = [1]} : vector<16xi32> to vector<1xi32>
        %squeeze3A_1623 = vector.extract %slice3A_1622[0] : i32 from vector<1xi32>
        %get3A_1624 = arith.index_cast %squeeze3A_1623 : i32 to index
        %get3A_1625 = tpu.vector_load %arg13[%get3A_1624] {strides = array<i32>} : memref<16384xf32, #tpu.memory_space<vmem>>, vector<16xf32>,
        %get3A_1626 = vector.shape_cast %get3A_1625 : vector<16xf32> to vector<16xf32>
        %add3A_1627 = arith.addf %get3A_1621, %get3A_1626 : vector<16xf32>
        %mul3A_1628 = arith.constant 2.000000e-01 : f32
        %mul3A_1629 = vector.broadcast %mul3A_1628 : f32 to vector<16xf32>
        %mul3A_1630 = arith.mulf %mul3A_1629, %add3A_1627 : vector<16xf32>
        %max3A_1631 = arith.maximumf %add3A_1627, %mul3A_1630 : vector<16xf32>
        %exp3A_1632 = math.exp %max3A_1631 : vector<16xf32>
        %slice3A_1633 = vector.extract_strided_slice %mul3A_312 {offsets = [15], sizes = [1], strides = [1]} : vector<16xi32> to vector<1xi32>
        %squeeze3A_1634 = vector.extract %slice3A_1633[0] : i32 from vector<1xi32>
        %swap3A_1635 = arith.index_cast %squeeze3A_1634 : i32 to index
        %swap3A_1636 = tpu.vector_load %arg15[%swap3A_1635] {strides = array<i32>} : memref<16384xf32, #tpu.memory_space<vmem>>, vector<16xf32>,
        %swap3A_1637 = vector.shape_cast %swap3A_1636 : vector<16xf32> to vector<16xf32>
        %swap3A_1638 = vector.shape_cast %exp3A_1632 : vector<16xf32> to vector<16xf32>
        tpu.vector_store %arg15[%swap3A_1635], %swap3A_1638 {add = true, strides = array<i32>} : memref<16384xf32, #tpu.memory_space<vmem>>, vector<16xf32>,
        %lt3A_1639 = arith.constant 0 : i32
        %lt3A_1640 = vector.broadcast %lt3A_1639 : i32 to vector<16xi32>
        %lt3A_1641 = arith.cmpi slt, %broadcast_in_dim3A, %lt3A_1640 : vector<16xi32>
        %add3A_1642 = arith.constant 16 : i32
        %add3A_1643 = vector.broadcast %add3A_1642 : i32 to vector<16xi32>
        %add3A_1644 = arith.addi %broadcast_in_dim3A, %add3A_1643 : vector<16xi32>
        %select_n3A_1645 = arith.select %lt3A_1641, %add3A_1644, %broadcast_in_dim3A : vector<16xi1>, vector<16xi32>
        %broadcast_in_dim3A_1646 = vector.shape_cast %select_n3A_1645 : vector<16xi32> to vector<16x1xi32>
        %gather3A_1647 = vector.shape_cast %broadcast_in_dim3A_1646 : vector<16x1xi32> to vector<16xi32>
        %gather3A_1648 = tpu.dynamic_gather %exp3A_1632[%gather3A_1647] in [0] : vector<16xf32>, vector<16xi32> -> vector<16xf32>
        %lt3A_1649 = arith.constant 0 : i32
        %lt3A_1650 = vector.broadcast %lt3A_1649 : i32 to vector<16xi32>
        %lt3A_1651 = arith.cmpi slt, %broadcast_in_dim3A_39, %lt3A_1650 : vector<16xi32>
        %add3A_1652 = arith.constant 16 : i32
        %add3A_1653 = vector.broadcast %add3A_1652 : i32 to vector<16xi32>
        %add3A_1654 = arith.addi %broadcast_in_dim3A_39, %add3A_1653 : vector<16xi32>
        %select_n3A_1655 = arith.select %lt3A_1651, %add3A_1654, %broadcast_in_dim3A_39 : vector<16xi1>, vector<16xi32>
        %broadcast_in_dim3A_1656 = vector.shape_cast %select_n3A_1655 : vector<16xi32> to vector<16x1xi32>
        %gather3A_1657 = vector.shape_cast %broadcast_in_dim3A_1656 : vector<16x1xi32> to vector<16xi32>
        %gather3A_1658 = tpu.dynamic_gather %exp3A_1632[%gather3A_1657] in [0] : vector<16xf32>, vector<16xi32> -> vector<16xf32>
        %slice3A_1659 = vector.extract_strided_slice %mul3A_315 {offsets = [15], sizes = [1], strides = [1]} : vector<16xi32> to vector<1xi32>
        %squeeze3A_1660 = vector.extract %slice3A_1659[0] : i32 from vector<1xi32>
        %get3A_1661 = arith.index_cast %add3A_1617 : i32 to index
        %get3A_1662 = arith.constant 0 : index
        %get3A_1663 = tpu.vector_load %arg12[%get3A_1661, %get3A_1662] {strides = array<i32>} : memref<80x128xf32, #tpu.memory_space<vmem>>, vector<1x16xf32>,
        %get3A_1664 = vector.shape_cast %get3A_1663 : vector<1x16xf32> to vector<16xf32>
        %mul3A_1665 = arith.mulf %get3A_1664, %gather3A_1648 : vector<16xf32>
        %swap3A_1666 = arith.index_cast %squeeze3A_1660 : i32 to index
        %swap3A_1667 = tpu.vector_load %arg14[%swap3A_1666] {strides = array<i32>} : memref<65536xf32, #tpu.memory_space<vmem>>, vector<16xf32>,
        %swap3A_1668 = vector.shape_cast %swap3A_1667 : vector<16xf32> to vector<16xf32>
        %swap3A_1669 = vector.shape_cast %mul3A_1665 : vector<16xf32> to vector<16xf32>
        tpu.vector_store %arg14[%swap3A_1666], %swap3A_1669 {add = true, strides = array<i32>} : memref<65536xf32, #tpu.memory_space<vmem>>, vector<16xf32>,
        %add3A_1670 = arith.constant 16 : i32
        %add3A_1671 = arith.addi %squeeze3A_1660, %add3A_1670 : i32
        %get3A_1672 = arith.index_cast %add3A_1617 : i32 to index
        %get3A_1673 = arith.constant 16 : index
        %get3A_1674 = tpu.vector_load %arg12[%get3A_1672, %get3A_1673] {strides = array<i32>} : memref<80x128xf32, #tpu.memory_space<vmem>>, vector<1x16xf32>,
        %get3A_1675 = vector.shape_cast %get3A_1674 : vector<1x16xf32> to vector<16xf32>
        %mul3A_1676 = arith.mulf %get3A_1675, %gather3A_1648 : vector<16xf32>
        %swap3A_1677 = arith.index_cast %add3A_1671 : i32 to index
        %swap3A_1678 = tpu.vector_load %arg14[%swap3A_1677] {strides = array<i32>} : memref<65536xf32, #tpu.memory_space<vmem>>, vector<16xf32>,
        %swap3A_1679 = vector.shape_cast %swap3A_1678 : vector<16xf32> to vector<16xf32>
        %swap3A_1680 = vector.shape_cast %mul3A_1676 : vector<16xf32> to vector<16xf32>
        tpu.vector_store %arg14[%swap3A_1677], %swap3A_1680 {add = true, strides = array<i32>} : memref<65536xf32, #tpu.memory_space<vmem>>, vector<16xf32>,
        %add3A_1681 = arith.constant 32 : i32
        %add3A_1682 = arith.addi %squeeze3A_1660, %add3A_1681 : i32
        %get3A_1683 = arith.index_cast %add3A_1617 : i32 to index
        %get3A_1684 = arith.constant 32 : index
        %get3A_1685 = tpu.vector_load %arg12[%get3A_1683, %get3A_1684] {strides = array<i32>} : memref<80x128xf32, #tpu.memory_space<vmem>>, vector<1x16xf32>,
        %get3A_1686 = vector.shape_cast %get3A_1685 : vector<1x16xf32> to vector<16xf32>
        %mul3A_1687 = arith.mulf %get3A_1686, %gather3A_1658 : vector<16xf32>
        %swap3A_1688 = arith.index_cast %add3A_1682 : i32 to index
        %swap3A_1689 = tpu.vector_load %arg14[%swap3A_1688] {strides = array<i32>} : memref<65536xf32, #tpu.memory_space<vmem>>, vector<16xf32>,
        %swap3A_1690 = vector.shape_cast %swap3A_1689 : vector<16xf32> to vector<16xf32>
        %swap3A_1691 = vector.shape_cast %mul3A_1687 : vector<16xf32> to vector<16xf32>
        tpu.vector_store %arg14[%swap3A_1688], %swap3A_1691 {add = true, strides = array<i32>} : memref<65536xf32, #tpu.memory_space<vmem>>, vector<16xf32>,
        %add3A_1692 = arith.constant 48 : i32
        %add3A_1693 = arith.addi %squeeze3A_1660, %add3A_1692 : i32
        %get3A_1694 = arith.index_cast %add3A_1617 : i32 to index
        %get3A_1695 = arith.constant 48 : index
        %get3A_1696 = tpu.vector_load %arg12[%get3A_1694, %get3A_1695] {strides = array<i32>} : memref<80x128xf32, #tpu.memory_space<vmem>>, vector<1x16xf32>,
        %get3A_1697 = vector.shape_cast %get3A_1696 : vector<1x16xf32> to vector<16xf32>
        %mul3A_1698 = arith.mulf %get3A_1697, %gather3A_1658 : vector<16xf32>
        %swap3A_1699 = arith.index_cast %add3A_1693 : i32 to index
        %swap3A_1700 = tpu.vector_load %arg14[%swap3A_1699] {strides = array<i32>} : memref<65536xf32, #tpu.memory_space<vmem>>, vector<16xf32>,
        %swap3A_1701 = vector.shape_cast %swap3A_1700 : vector<16xf32> to vector<16xf32>
        %swap3A_1702 = vector.shape_cast %mul3A_1698 : vector<16xf32> to vector<16xf32>
        tpu.vector_store %arg14[%swap3A_1699], %swap3A_1702 {add = true, strides = array<i32>} : memref<65536xf32, #tpu.memory_space<vmem>>, vector<16xf32>,
      }
      %scan3A_298 = arith.constant 5 : i32
    }
    %scan3A_98 = arith.constant 52 : i32
    %dma_wait3A = arith.constant 0 : i32
    %dma_wait3A_99 = arith.constant 0 : i32
    %dma_wait3A_100 = tpu.memref_slice %arg3[%select_n3A_28, %dma_wait3A, %dma_wait3A_99] : memref<4x1024x128xf32, #tpu.memory_space<hbm>> -> memref<1x1024x128xf32, #tpu.memory_space<hbm>>
    %dma_wait3A_101 = tpu.memref_squeeze %dma_wait3A_100 : memref<1x1024x128xf32, #tpu.memory_space<hbm>> -> memref<1024x128xf32, #tpu.memory_space<hbm>>
    %dma_wait3A_102 = arith.constant 0 : i32
    %dma_wait3A_103 = arith.constant 0 : i32
    %dma_wait3A_104 = tpu.memref_slice %dma_wait3A_101[%dma_wait3A_102, %dma_wait3A_103] : memref<1024x128xf32, #tpu.memory_space<hbm>> -> memref<1024x128xf32, #tpu.memory_space<hbm>>
    tpu.wait_indirect_dma semaphore(%arg16 : memref<!tpu.dma_semaphore, #tpu.memory_space<semaphore_mem>>) src(%dma_wait3A_104 : memref<1024x128xf32, #tpu.memory_space<hbm>>) dst(%arg11 : memref<80x128xf32, #tpu.memory_space<vmem>>)
    "tpu.region"() ({
      %run_scoped3A = tpu.sem_alloc : memref<!tpu.dma_semaphore, #tpu.memory_space<semaphore_mem>>
      %dma_start3A_105 = arith.constant 0 : i32
      %dma_start3A_106 = tpu.memref_slice %arg6[%arg0, %arg1, %dma_start3A_105] : memref<2x16x65536xf32, #tpu.memory_space<hbm>> -> memref<1x1x65536xf32, #tpu.memory_space<hbm>>
      %dma_start3A_107 = tpu.memref_squeeze %dma_start3A_106 : memref<1x1x65536xf32, #tpu.memory_space<hbm>> -> memref<65536xf32, #tpu.memory_space<hbm>>
      %dma_start3A_108 = arith.constant 0 : i32
      %dma_start3A_109 = tpu.memref_slice %arg6[%arg0, %arg1, %dma_start3A_108] : memref<2x16x65536xf32, #tpu.memory_space<hbm>> -> memref<1x1x65536xf32, #tpu.memory_space<hbm>>
      %dma_start3A_110 = tpu.memref_squeeze %dma_start3A_109 : memref<1x1x65536xf32, #tpu.memory_space<hbm>> -> memref<65536xf32, #tpu.memory_space<hbm>>
      tpu.enqueue_dma source(%arg14 : memref<65536xf32, #tpu.memory_space<vmem>>) target(%dma_start3A_110 : memref<65536xf32, #tpu.memory_space<hbm>>) target_semaphore(%run_scoped3A : memref<!tpu.dma_semaphore, #tpu.memory_space<semaphore_mem>>)
      %dma_wait3A_111 = arith.constant 0 : i32
      %dma_wait3A_112 = tpu.memref_slice %arg6[%arg0, %arg1, %dma_wait3A_111] : memref<2x16x65536xf32, #tpu.memory_space<hbm>> -> memref<1x1x65536xf32, #tpu.memory_space<hbm>>
      %dma_wait3A_113 = tpu.memref_squeeze %dma_wait3A_112 : memref<1x1x65536xf32, #tpu.memory_space<hbm>> -> memref<65536xf32, #tpu.memory_space<hbm>>
      %dma_wait3A_114 = arith.constant 0 : i32
      %dma_wait3A_115 = tpu.memref_slice %arg6[%arg0, %arg1, %dma_wait3A_114] : memref<2x16x65536xf32, #tpu.memory_space<hbm>> -> memref<1x1x65536xf32, #tpu.memory_space<hbm>>
      %dma_wait3A_116 = tpu.memref_squeeze %dma_wait3A_115 : memref<1x1x65536xf32, #tpu.memory_space<hbm>> -> memref<65536xf32, #tpu.memory_space<hbm>>
      tpu.wait_dma2 semaphore(%run_scoped3A : memref<!tpu.dma_semaphore, #tpu.memory_space<semaphore_mem>>) src(%arg14 : memref<65536xf32, #tpu.memory_space<vmem>>) dst(%dma_wait3A_116 : memref<65536xf32, #tpu.memory_space<hbm>>)
      tpu.yield
    }) : () -> ()
    "tpu.region"() ({
      %run_scoped3A = tpu.sem_alloc : memref<!tpu.dma_semaphore, #tpu.memory_space<semaphore_mem>>
      %dma_start3A_105 = arith.constant 0 : i32
      %dma_start3A_106 = tpu.memref_slice %arg7[%arg0, %arg1, %dma_start3A_105] : memref<2x16x16384xf32, #tpu.memory_space<hbm>> -> memref<1x1x16384xf32, #tpu.memory_space<hbm>>
      %dma_start3A_107 = tpu.memref_squeeze %dma_start3A_106 : memref<1x1x16384xf32, #tpu.memory_space<hbm>> -> memref<16384xf32, #tpu.memory_space<hbm>>
      %dma_start3A_108 = arith.constant 0 : i32
      %dma_start3A_109 = tpu.memref_slice %arg7[%arg0, %arg1, %dma_start3A_108] : memref<2x16x16384xf32, #tpu.memory_space<hbm>> -> memref<1x1x16384xf32, #tpu.memory_space<hbm>>
      %dma_start3A_110 = tpu.memref_squeeze %dma_start3A_109 : memref<1x1x16384xf32, #tpu.memory_space<hbm>> -> memref<16384xf32, #tpu.memory_space<hbm>>
      tpu.enqueue_dma source(%arg15 : memref<16384xf32, #tpu.memory_space<vmem>>) target(%dma_start3A_110 : memref<16384xf32, #tpu.memory_space<hbm>>) target_semaphore(%run_scoped3A : memref<!tpu.dma_semaphore, #tpu.memory_space<semaphore_mem>>)
      %dma_wait3A_111 = arith.constant 0 : i32
      %dma_wait3A_112 = tpu.memref_slice %arg7[%arg0, %arg1, %dma_wait3A_111] : memref<2x16x16384xf32, #tpu.memory_space<hbm>> -> memref<1x1x16384xf32, #tpu.memory_space<hbm>>
      %dma_wait3A_113 = tpu.memref_squeeze %dma_wait3A_112 : memref<1x1x16384xf32, #tpu.memory_space<hbm>> -> memref<16384xf32, #tpu.memory_space<hbm>>
      %dma_wait3A_114 = arith.constant 0 : i32
      %dma_wait3A_115 = tpu.memref_slice %arg7[%arg0, %arg1, %dma_wait3A_114] : memref<2x16x16384xf32, #tpu.memory_space<hbm>> -> memref<1x1x16384xf32, #tpu.memory_space<hbm>>
      %dma_wait3A_116 = tpu.memref_squeeze %dma_wait3A_115 : memref<1x1x16384xf32, #tpu.memory_space<hbm>> -> memref<16384xf32, #tpu.memory_space<hbm>>
      tpu.wait_dma2 semaphore(%run_scoped3A : memref<!tpu.dma_semaphore, #tpu.memory_space<semaphore_mem>>) src(%arg15 : memref<16384xf32, #tpu.memory_space<vmem>>) dst(%dma_wait3A_116 : memref<16384xf32, #tpu.memory_space<hbm>>)
      tpu.yield
    }) : () -> ()
    return
  }
}

</mosaic_0001>

<sc_bundles>
// kernel: _edge_phase_sc.3.cloned.1.call-start
scs
__scs_entry_jumppad:
0x0: {  	(pc) =	sbr.rel $0x88, $3  }
0x1: {  	(tag) =	ssettag $0x0;
	lr =	simm.s32 $0x1  }
0x2: {  	[smem:$0x3F9D] =	sst lr;
	_ =	strace $0xD0000000  }
0x3: {  	_ = 	snop  }
0x4: {  	_ = 	snop  }
0x5: {  	_ = 	snop  }
0x6: {  	_ = 	snop  }
0x7: {  	_ = 	snop  }
__scs_overlays_trampoline_lowered:
0x8: {  	[smem:$0x3FAC] =	sst s0  }
0x9: {  	[smem:$0x3FAD] =	sst s1  }
0xa: {  	[smem:$0x3FAE] =	sst s2  }
0xb: {  	[smem:$0x3FAF] =	sst s3  }
0xc: {  	[smem:$0x3FB0] =	sst s4  }
0xd: {  	[smem:$0x3FB1] =	sst s5  }
0xe: {  	[smem:$0x3FB2] =	sst s6  }
0xf: {  	[smem:$0x3FB3] =	sst s7  }
0x10: {  	[smem:$0x3FB4] =	sst s8  }
0x11: {  	[smem:$0x3FB5] =	sst s9;
	s0 =	simm.s32 @!p0 $0x0  }
0x12: {  	s1 =	sld [smem:$0x3F9B];
	s0 =	simm.s32 @p0 $0x1  }
0x13: {  	[smem:$0x3FB6] =	sst s0;
	s0 =	simm.s32 @!p1 $0x0  }
0x14: {  	s2 =	sld [smem:$0x3F9A];
	s0 =	simm.s32 @p1 $0x1  }
0x15: {  	[smem:$0x3FB7] =	sst s0;
	s0 =	simm.s32 @!p2 $0x0  }
0x16: {  	s3 =	sld [smem:$0x3FDB];
	s0 =	simm.s32 @p2 $0x1  }
0x17: {  	s4 =	simm.s32 $0x1BF5;
	[smem:$0x3FB9] =	sst s0  }
0x18: {  	s0 =	sld [smem:$0x3F9C];
	_ =	swait.ge [sflag:s4], $0x0  }
0x19: {  	s7 =	sld [smem:$0x3F9D]  }
0x1a: {  	s8 =	sadd.s32 $0xFFFFE003, lr  }
0x1b: {  	s9 =	sadd.s32 $0xFFFFFEF7, lr;
	s5 =	simm.s32 $0xFFFFFFFF;
	p2 =	slt.u32 s8, $0xFFFFF086  }
0x1c: {  	p1 =	slt.u32 s9, $0xF7A;
	s5 =	simm.s32 @!p2 $0x0  }
0x1d: {  	s5 =	simm.s32 @p1 $0x1;
	p0 =	seq.s32 s7, s2  }
0x1e: {  	s7 =	smul.u32 @!p0 $0xF7A, s2;
	p2 =	seq.s32 @!p0 s5, $0x0  }
0x1f: {  	s9 =	smul.u32 $0xF7A, s1;
	s8 =	simm.s32 @!p0 $0x1BF5;
	p2 =	por !p2, p0  }
0x20: {  	[sflag:s8] =	ssyncset.s32 @!p0 $0xFFFFF086;
	s6 =	sadd.s32 @!p0 s3, s7;
	s7 =	simm.s32 @!p0 $0x108  }
0x21: {  	s3 =	sadd.s32 s3, s9;
	s6 =	sadd.s32 @!p0 $0x88, s6;
	s7 =	simm.s32 @p2 $0x1082  }
0x22: {  	[simem:s7], [sflag:s8] =	dma.local @!p0 [hbm:s6], $0xF7A  }
0x23: {  	s9 =	sor.u32 $0xD0000000, s2;
	s6 =	simm.s32 $0x108;
	_ =	swait.ge @!p0 [sflag:s8], $0x0  }
0x24: {  	s3 =	sadd.s32 $0x88, s3;
	s6 =	simm.s32 @!p1 $0x1082;
	[sflag:s4] =	ssyncset.s32 $0xFFFFF086  }
0x25: {  	[simem:s6], [sflag:s4] =	dma.local [hbm:s3], $0xF7A  }
0x26: {  	[smem:$0x3F9D] =	sst s1;
	(tag) =	ssettag s2;
	_ =	strace s9  }
0x27: {  	s1 =	sld [smem:$0x3FAD]  }
0x28: {  	s2 =	sld [smem:$0x3FAE]  }
0x29: {  	s4 =	sld [smem:$0x3FB0]  }
0x2a: {  	p0 =	seq.s32 s5, $0x0;
	s5 =	sld [smem:$0x3FB1]  }
0x2b: {  	s6 =	sld [smem:$0x3FB2]  }
0x2c: {  	s7 =	sld [smem:$0x3FB3]  }
0x2d: {  	s3 =	simm.s32 $0x108;
	s8 =	sld [smem:$0x3FB4]  }
0x2e: {  	s3 =	simm.s32 @!p0 $0x1082;
	s9 =	sld [smem:$0x3FB5]  }
0x2f: {  	lr =	sadd.s32 s0, s3;
	s0 =	sld [smem:$0x3FAC]  }
0x30: {  	s3 =	sld [smem:$0x3FAF]  }
0x31: {  	[smem:$0x3FB8] =	sst s10  }
0x32: {  	s10 =	sld [smem:$0x3FB6];
	_ =	sdelay $0x3  }
0x33: {  	p0 =	seq.s32 s10, $0x1;
	s10 =	sld [smem:$0x3FB8];
	_ =	sdelay $0x3  }
0x34: {  	[smem:$0x3FB8] =	sst s10  }
0x35: {  	s10 =	sld [smem:$0x3FB7];
	_ =	sdelay $0x3  }
0x36: {  	p1 =	seq.s32 s10, $0x1;
	s10 =	sld [smem:$0x3FB8];
	_ =	sdelay $0x3  }
0x37: {  	[smem:$0x3FB8] =	sst s10  }
0x38: {  	s10 =	sld [smem:$0x3FB9]  }
0x39: {  	_ = 	snop;
	(pc) =	sbr.ind lr, $3  }
0x3a: {  	_ = 	snop  }
0x3b: {  	_ = 	snop  }
0x3c: {  	p2 =	seq.s32 s10, $0x1;
	s10 =	sld [smem:$0x3FB8]  }
0x3d: {  	_ =	shalt  }
0x3e: {  	_ =	shalt  }
0x3f: {  	_ =	shalt  }
0x40: {  	_ =	shalt  }
0x41: {  	_ =	shalt  }
0x42: {  	_ =	shalt  }
0x43: {  	_ =	shalt  }
0x44: {  	_ =	shalt  }
0x45: {  	_ =	shalt  }
0x46: {  	_ =	shalt  }
0x47: {  	_ =	shalt  }
0x48: {  	_ =	shalt  }
0x49: {  	_ =	shalt  }
0x4a: {  	_ =	shalt  }
0x4b: {  	_ =	shalt  }
0x4c: {  	_ =	shalt  }
0x4d: {  	_ =	shalt  }
0x4e: {  	_ =	shalt  }
0x4f: {  	_ =	shalt  }
0x50: {  	_ =	shalt  }
0x51: {  	_ =	shalt  }
0x52: {  	_ =	shalt  }
0x53: {  	_ =	shalt  }
0x54: {  	_ =	shalt  }
0x55: {  	_ =	shalt  }
0x56: {  	_ =	shalt  }
0x57: {  	_ =	shalt  }
0x58: {  	_ =	shalt  }
0x59: {  	_ =	shalt  }
0x5a: {  	_ =	shalt  }
0x5b: {  	_ =	shalt  }
0x5c: {  	_ =	shalt  }
0x5d: {  	_ =	shalt  }
0x5e: {  	_ =	shalt  }
0x5f: {  	_ =	shalt  }
0x60: {  	_ =	shalt  }
0x61: {  	_ =	shalt  }
0x62: {  	_ =	shalt  }
0x63: {  	_ =	shalt  }
0x64: {  	_ =	shalt  }
0x65: {  	_ =	shalt  }
0x66: {  	_ =	shalt  }
0x67: {  	_ =	shalt  }
0x68: {  	_ =	shalt  }
0x69: {  	_ =	shalt  }
0x6a: {  	_ =	shalt  }
0x6b: {  	_ =	shalt  }
0x6c: {  	_ =	shalt  }
0x6d: {  	_ =	shalt  }
0x6e: {  	_ =	shalt  }
0x6f: {  	_ =	shalt  }
0x70: {  	_ =	shalt  }
0x71: {  	_ =	shalt  }
0x72: {  	_ =	shalt  }
0x73: {  	_ =	shalt  }
0x74: {  	_ =	shalt  }
0x75: {  	_ =	shalt  }
0x76: {  	_ =	shalt  }
0x77: {  	_ =	shalt  }
0x78: {  	_ =	shalt  }
0x79: {  	_ =	shalt  }
0x7a: {  	_ =	shalt  }
0x7b: {  	_ =	shalt  }
0x7c: {  	_ =	shalt  }
0x7d: {  	_ =	shalt  }
0x7e: {  	_ =	shalt  }
0x7f: {  	_ =	shalt  }
0x80: {  	_ =	shalt  }
0x81: {  	_ =	shalt  }
0x82: {  	_ =	shalt  }
0x83: {  	_ =	shalt  }
0x84: {  	_ =	shalt  }
0x85: {  	_ =	shalt  }
0x86: {  	_ =	shalt  }
0x87: {  	_ =	shalt  }
.Lfunc_end0:
.L_simem_size_0:
called_computation_lowered:
.L_overlay_start_0:
0x88: {  	s2 =	sld [smem:$0x3FD9]  }
0x89: {  	s3 =	sld [smem:$0x3FFE];
	_ =	sdelay $0x1  }
0x8a: {  	s1 =	srdreg.scid  }
0x8b: {  	s0 =	sand.u32 $0x1, s1  }
0x8c: {  	s15 =	sshll.u32 s0, $0xA;
	s2 =	sadd.s32 s3, s2  }
0x8d: {  	s2 =	sadd.s32 s2, s15  }
0x8e: {  	[smem:$0x3FC4] =	sst s2  }
0x8f: {  	_ = 	snop  }
0x90: {  	s2 =	sld [smem:$0x3FC9]  }
0x91: {  	s16 =	sld [smem:$0x3FD0]  }
0x92: {  	s4 =	sld [smem:$0x3FC8]  }
0x93: {  	s5 =	sld [smem:$0x3FC7]  }
0x94: {  	s7 =	simm.s32 $0xA;
	s8 =	simm.s32 $0x10;
	s6 =	sld [smem:$0x3FC6]  }
0x95: {  	[smem:s8], [sflag:s7] =	dma.local [hbm:s16], $0x1  }
0x96: {  	_ =	swait.eq [sflag:s7], $0x1  }
0x97: {  	[sflag:s7] =	ssyncset.done $0x0  }
0x98: {  	s17 =	sld [smem:$0x10];
	[sflag:s7] =	ssyncadd.s32 $0xFFFFFFFF  }
0x99: {  	s18 =	sld [smem:$0x11];
	(tm) =	ssettm $0x1  }
0x9a: {  	s19 =	sld [smem:$0x3FFB];
	_ =	sdelay $0x3  }
0x9b: {  	_ =	strace s19  }
0x9c: {  	s8 =	sld [smem:$0x3FFC];
	_ =	sdelay $0x3  }
0x9d: {  	_ =	strace s8  }
0x9e: {  	s8 =	sld [smem:$0x3FFD];
	_ =	sdelay $0x3  }
0x9f: {  	_ =	strace s8  }
0xa0: {  	_ =	strace $0x8FFFFFFF  }
0xa1: {  	s20 =	sld [smem:$0x3FDB];
	_ =	sdelay $0x1  }
0xa2: {  	s9 =	simm.s32 $_scs_section_size  }
0xa3: {  	s10 =	simm.s32 $_size__tile_overlayer_lowered;
	s11 =	simm.s32 $_tile_overlayer_lowered  }
0xa4: {  	s23 =	simm.s32 $0x1BFF;
	s22 =	sshll.u32 s11, $0x1;
	s8 =	sadd.s32 s9, s20  }
0xa5: {  	s12 =	simm.s32 $0x0;
	s21 =	sshll.u32 s10, $0x1;
	s10 =	sadd.s32 s22, s8  }
0xa6: {  	[timem:s12], [sflag:s23] =	dma.local [hbm:s10], s21  }
0xa7: {  	_ =	swait.ge [sflag:s23], s21  }
0xa8: {  	s9 =	ssub.s32 $0x0, s21;
	[sflag:s23] =	ssyncset.done $0x0  }
0xa9: {  	[sflag:s23] =	ssyncadd.s32 s9;
	_ =	sdelay $0x1  }
0xaa: {  	s24 =	simm.s32 $0x1B8B  }
0xab: {  	_ =	swait.ge [sflag:s24], $0x1  }
0xac: {  	[sflag:s24] =	ssyncset.done $0x0  }
0xad: {  	s25 =	simm.s32 $0x1B8E;
	[sflag:s24] =	ssyncadd.s32 $0xFFFFFFFF  }
0xae: {  	s26 =	simm.s32 $execute0_lowered;
	[smem:$0x3FD2] =	sst s25  }
0xaf: {  	s9 =	sshll.u32 s26, $0x1;
	_ =	strace $0x80000046;
	[dreg:$0x1] =	wrdreg $0xFFFFFFFF  }
0xb0: {  	s28 =	simm.s32 $_size_execute0_lowered;
	s8 =	sadd.s32 s8, s9;
	[dreg:$0x0] =	wrdreg $0x0  }
0xb1: {  	s9 =	sshll.u32 s28, $0x1;
	[dreg:$0x2] =	wrdreg s8  }
0xb2: {  	[dreg:$0x3] =	wrdreg s9  }
0xb3: {  	[dreg:$0x4] =	wrdreg $0xC0  }
0xb4: {  	_ =	task [dreg:s12], $0x5FFFF  }
0xb5: {  	[dreg:$0x1] =	wrdreg $0xFFFFFFFF  }
0xb6: {  	[dreg:$0x0] =	wrdreg $0x60  }
0xb7: {  	[dreg:$0x2] =	wrdreg s2  }
0xb8: {  	[dreg:$0x3] =	wrdreg s4  }
0xb9: {  	[dreg:$0x4] =	wrdreg s5  }
0xba: {  	[dreg:$0x5] =	wrdreg s6  }
0xbb: {  	[dreg:$0x6] =	wrdreg s17  }
0xbc: {  	[dreg:$0x7] =	wrdreg s18  }
0xbd: {  	[dreg:$0x8] =	wrdreg $0x9  }
0xbe: {  	_ =	task.clear_ibuf [dreg:s12], $0x9FFFF;
	_ =	strace $0x90000046  }
0xbf: {  	s29 =	simm.s32 $0x9;
	_ =	strace $0x80000048  }
0xc0: {  	_ =	swait.ge [sflag:s29], $0x1  }
0xc1: {  	[sflag:s29] =	ssyncadd.s32 $0xFFFFFFFF  }
0xc2: {  	_ =	strace $0x90000048  }
0xc3: {  	_ =	sfence  }
0xc4: {  	s30 =	sld [smem:$0x0];
	_ =	sdelay $0x2  }
0xc5: {  	s31 =	sshll.u32 s1, $0xD;
	s1 =	sshrl.u32 s1, $0x2  }
0xc6: {  	s3 =	sand.u32 $0x4000, s31;
	s1 =	sadd.s32 s1, s30  }
0xc7: {  	s0 =	sor.u32 s3, s0;
	s1 =	sshll.u32 s1, $0x11  }
0xc8: {  	s0 =	sor.u32 s1, s0  }
0xc9: {  	s0 =	sadd.s32 $0x8F2B, s0  }
0xca: {  	[sflag:s0] =	ssyncadd.remote.s32 $0x1  }
0xcb: {  	_ =	sfence.sel $0xFFFF  }
0xcc: {  	[dreg:$0x0] =	wrdreg $0xFFFFFFFF;
	(pc) =	sbr.abs _section_cstart, $3  }
0xcd: {  	[dreg:$0x1] =	wrdreg $0xFFFFFFFF  }
0xce: {  	_ =	task.clear_ibuf [dreg:s12], $0x2FFFF;
	_ =	strace $0x9FFFFFFF  }
0xcf: {  	(tm) =	ssettm $0x7FFFFFFF  }
tec
execute0_lowered:
.L_overlay_start_1:
0x0: {  	(tag) =	ssettag $0x1  }
0x1: {  	s5 =	rddreg [dreg:$0x0]  }
0x2: {  	s6 =	rddreg [dreg:$0x1]  }
0x3: {  	s0 =	rddreg [dreg:$0x2]  }
0x4: {  	s3 =	rddreg [dreg:$0x3]  }
0x5: {  	s7 =	rddreg [dreg:$0x4];
	s1 =	srdreg.scid  }
0x6: {  	s8 =	rddreg [dreg:$0x5];
	s2 =	stileid.u32  }
0x7: {  	s4 =	simm.s32 $0x0;
	s16 =	simm.s32 $0x50;
	s17 =	simm.s32 $0x2100  }
0x8: {  	s18 =	simm.s32 $0x4980;
	s19 =	simm.s32 $0x1;
	s20 =	simm.s32 $0x2  }
0x9: {  	s23 =	simm.s32 $0x0;
	s9 =	sand.u32 $0x1, s1;
	s1 =	rddreg [dreg:$0x6]  }
0xa: {  	s11 =	sshrl.u32 s2, $0x2;
	[smem:$0x7FF] =	sst s4;
	s28 =	sand.u32 $0x3, s2  }
0xb: {  	s29 =	sshrl.u32 s2, $0x3;
	s15 =	sshll.u32 s2, $0x7;
	s10 =	sshll.u32 s9, $0x2  }
0xc: {  	s12 =	ssub.s32 $0x2, s9;
	_ =	strace $0x80000047;
	s21 =	sshll.u32 s28, $0x1  }
0xd: {  	s13 =	sshll.u32 s9, $0x14;
	s14 =	sshll.u32 s29, $0x13;
	s9 =	sshll.u32 s9, $0x12  }
0xe: {  	s30 =	sand.u32 $0x380, s15;
	s22 =	sshllo.u32 s28, $0x1;
	s15 =	simm.s32 $0x2180  }
0xf: {  	s10 =	sor.u32 s11, s10;
	s26 =	sshrl.u32 s12, $0x1;
	s13 =	sor.u32 s13, s14  }
0x10: {  	s14 =	simm.s32 $0x2080;
	v0 =	vmov s21;
	s21 =	simm.s32 $0x80;
	s10 =	smul.u32 $0x410, s10  }
0x11: {  	v1 =	vmov s22;
	s22 =	simm.s32 $0x400;
	s11 =	ssub.s32 s12, s26;
	s31 =	sor.u32 s30, s13  }
0x12: {  	s12 =	sshll.u32 s28, $0xE;
	s5 =	sadd.s32 s5, s10;
	s10 =	sshll.u32 s29, $0x11  }
0x13: {  	s13 =	simm.s32 $0x1B180;
	s6 =	sadd.s32 s6, s12;
	s9 =	sor.u32 s9, s10  }
0x14: {  	s12 =	simm.s32 $0xB180;
	s10 =	sshrl.u32 s31, $0x3;
	s9 =	sor.u32 s30, s9  }
0x15: {  	s7 =	sadd.s32 s7, s10;
	s10 =	simm.s32 $0x3;
	s9 =	sshrl.u32 s9, $0x3  }
0x16: {  	s8 =	sadd.s32 s8, s9;
	s9 =	smax.u32 s11, $0x1;
	s11 =	simm.s32 $0x7180  }
.LBB2_1:
0x17: {  	[tilespmem:s4], [sflag:$0x3] =	stream.linear.gather [hbm4b:s5+s4], $0x2080, $0x38;
	[tilespmem:$0x1F180] =	vst v63  }
0x18: {  	_ =	swait.ge [sflag:s10], $0x2080  }
0x19: {  	[sflag:s10] =	ssyncset.done $0x0  }
0x1a: {  	[sflag:s10] =	ssyncadd.s32 $0xFFFFDF80  }
0x1b: {  	[tilespmem:s11], [sflag:$0x3] =	stream.linear.gather [hbm4b:s0+s4], $0x4000, $0x38;
	[tilespmem:$0x1F180] =	vst v63  }
0x1c: {  	_ =	swait.ge [sflag:s10], $0x4000  }
0x1d: {  	[sflag:s10] =	ssyncset.done $0x0  }
0x1e: {  	[sflag:s10] =	ssyncadd.s32 $0xFFFFC000  }
0x1f: {  	[tilespmem:s12], [sflag:$0x3] =	stream.linear.gather [hbm4b:s3+s4], $0x10000, $0x38;
	[tilespmem:$0x1F180] =	vst v63  }
0x20: {  	_ =	swait.ge [sflag:s10], $0x10000  }
0x21: {  	[sflag:s10] =	ssyncset.done $0x0  }
0x22: {  	[sflag:s10] =	ssyncadd.s32 $0xFFFF0000  }
0x23: {  	[tilespmem:s13], [sflag:$0x3] =	stream.linear.gather [hbm4b:s3+s4], $0x4000, $0x38;
	[tilespmem:$0x1F180] =	vst v63  }
0x24: {  	_ =	swait.ge [sflag:s10], $0x4000  }
0x25: {  	[sflag:s10] =	ssyncset.done $0x0  }
0x26: {  	[sflag:s10] =	ssyncadd.s32 $0xFFFFC000  }
0x27: {  	v2 =	vld [tilespmem:$0x0]  }
0x28: {  	v3 =	vld [tilespmem:$0x10]  }
0x29: {  	v4 =	vld [tilespmem:$0x20]  }
0x2a: {  	v5 =	vld [tilespmem:$0x30]  }
0x2b: {  	v6 =	vld [tilespmem:$0x40]  }
0x2c: {  	v2 =	vand.u32 $0xFFFF, v2  }
0x2d: {  	[tilespmem:$0x2080] =	vst v2;
	v2 =	vand.u32 $0xFFFF, v3  }
0x2e: {  	[tilespmem:$0x2090] =	vst v2;
	v2 =	vand.u32 $0xFFFF, v4  }
0x2f: {  	[tilespmem:$0x20A0] =	vst v2;
	v2 =	vand.u32 $0xFFFF, v5  }
0x30: {  	[tilespmem:$0x20B0] =	vst v2;
	v2 =	vand.u32 $0xFFFF, v6  }
0x31: {  	s24 =	simm.s32 $0x50;
	s25 =	simm.s32 $0x0;
	s26 =	simm.s32 $0x0;
	[tilespmem:$0x20C0] =	vst v2  }
0x32: {  	[tilespmem:s15], [sflag:$0x1] =	stream.indirect.gather [hbm4b:s6+s16], $0x80, s14, s16, $0xb8;
	[tilespmem:$0x1F180] =	vst v63  }
.LBB2_2:
0x33: {  	s28 =	smul.u32 $0xA0, s26;
	_ =	sdelay $0x1  }
0x34: {  	v2 =	vld [tilespmem:s28+$0x50];
	_ =	sdelay $0x4  }
0x35: {  	v2 =	vand.u32 $0xFFFF, v2  }
0x36: {  	[tilespmem:$0x2100] =	vst v2  }
0x37: {  	v2 =	vld [tilespmem:s28+$0x60];
	_ =	sdelay $0x4  }
0x38: {  	v2 =	vand.u32 $0xFFFF, v2  }
0x39: {  	[tilespmem:$0x2110] =	vst v2  }
0x3a: {  	v2 =	vld [tilespmem:s28+$0x70];
	_ =	sdelay $0x4  }
0x3b: {  	v2 =	vand.u32 $0xFFFF, v2  }
0x3c: {  	s29 =	sand.u32 $0x3FE0, s28;
	[tilespmem:$0x2120] =	vst v2  }
0x3d: {  	v2 =	vld [tilespmem:s29+$0x80];
	_ =	sdelay $0x4  }
0x3e: {  	v2 =	vand.u32 $0xFFFF, v2  }
0x3f: {  	[tilespmem:$0x2130] =	vst v2  }
0x40: {  	v2 =	vld [tilespmem:s28+$0x90];
	_ =	sdelay $0x4  }
0x41: {  	v2 =	vand.u32 $0xFFFF, v2  }
0x42: {  	[tilespmem:$0x2140] =	vst v2  }
0x43: {  	v2 =	vmov s25;
	[tilespmem:s18], [sflag:$0x2] =	stream.indirect.gather [hbm4b:s6+s16], $0x80, s17, s16, $0xb8;
	[tilespmem:$0x1F180] =	vst v63  }
0x44: {  	_ =	swait.ge [sflag:s19], $0x2800  }
0x45: {  	[sflag:s19] =	ssyncset.done $0x0  }
0x46: {  	s30 =	simm.s32 $0x2580;
	s29 =	simm.s32 $0x0;
	[sflag:s19] =	ssyncadd.s32 $0xFFFFD800  }
.LBB2_3:
0x47: {  	s31 =	sshra.s32 s29, $0x2  }
0x48: {  	v3 =	vld.idx.msk [tilespmem:v2+s31+$0x0 ss:$0x1], $0xffff;
	_ =	sdelay $0x4  }
0x49: {  	v3 =	vshra.s32 v3, $0x10  }
0x4a: {  	v4 =	vshll.u32 v3, $0x4  }
0x4b: {  	(v2sf) =	vpush v4, $0x0;
	_ =	sdelay $0xe  }
0x4c: {  	v5 =	vld [tilespmem:s30+$0xFFFFFC40];
	s31 =	spop (v2sf)  }
0x4d: {  	v6 =	vld [tilespmem:s31+$0x7180];
	_ =	sdelay $0x4  }
0x4e: {  	v5 =	vadd.f32 v6, v5;
	_ =	sdelay $0x1  }
0x4f: {  	v6 =	vmul.f32 $2.000000030e-01, v5;
	_ =	sdelay $0x1  }
0x50: {  	v5 =	vmax.f32 v5, v6  }
0x51: {  	v5 =	vmul.f32 $1.442695020e+00, v5;
	_ =	sdelay $0x1  }
0x52: {  	(erf) = vpow2.f32 v5  }
0x53: {  	v3 =	vshll.u32 v3, $0x6  }
0x54: {  	(v2sf) =	vpush v3, $0x0;
	_ =	sdelay $0x6  }
0x55: {  	v5 =	vpop (erf)  }
0x56: {  	[tilespmem:s31+$0x1B180] =	vst.add.f32.msk $0xffff, v5  }
0x57: {  	v17 =	vld [tilespmem:s30+$0xFFFFFC00];
	_ =	sdelay $0x2  }
0x58: {  	v7 =	vperm.xlane v5, v0;
	_ =	sdelay $0x1  }
0x59: {  	v6 =	vmul.f32 v17, v7  }
0x5a: {  	s31 =	spop (v2sf)  }
0x5b: {  	[tilespmem:s31+$0xB180] =	vst.add.f32.msk $0xffff, v6  }
0x5c: {  	v6 =	vld [tilespmem:s30+$0xFFFFFC10];
	_ =	sdelay $0x4  }
0x5d: {  	v6 =	vmul.f32 v6, v7;
	_ =	sdelay $0x1  }
0x5e: {  	[tilespmem:s31+$0xB190] =	vst.add.f32.msk $0xffff, v6  }
0x5f: {  	v6 =	vld [tilespmem:s30+$0xFFFFFC20]  }
0x60: {  	(v2sf) =	vpush v4, $0x1;
	_ =	sdelay $0x1  }
0x61: {  	v5 =	vperm.xlane v5, v1;
	_ =	sdelay $0x1  }
0x62: {  	v6 =	vmul.f32 v6, v5;
	_ =	sdelay $0x1  }
0x63: {  	[tilespmem:s31+$0xB1A0] =	vst.add.f32.msk $0xffff, v6  }
0x64: {  	v6 =	vld [tilespmem:s30+$0xFFFFFC30];
	_ =	sdelay $0x4  }
0x65: {  	v5 =	vmul.f32 v6, v5;
	_ =	sdelay $0x1  }
0x66: {  	[tilespmem:s31+$0xB1B0] =	vst.add.f32.msk $0xffff, v5  }
0x67: {  	s31 =	spop (v2sf);
	v5 =	vld [tilespmem:s30+$0xFFFFFCC0]  }
0x68: {  	v18 =	vld [tilespmem:s31+$0x7180];
	_ =	sdelay $0x4  }
0x69: {  	v5 =	vadd.f32 v18, v5;
	_ =	sdelay $0x1  }
0x6a: {  	v6 =	vmul.f32 $2.000000030e-01, v5;
	_ =	sdelay $0x1  }
0x6b: {  	v5 =	vmax.f32 v5, v6  }
0x6c: {  	v5 =	vmul.f32 $1.442695020e+00, v5;
	_ =	sdelay $0x1  }
0x6d: {  	(erf) = vpow2.f32 v5;
	_ =	sdelay $0x1  }
0x6e: {  	(v2sf) =	vpush v3, $0x1;
	_ =	sdelay $0x6  }
0x6f: {  	v5 =	vpop (erf)  }
0x70: {  	[tilespmem:s31+$0x1B180] =	vst.add.f32.msk $0xffff, v5  }
0x71: {  	v19 =	vld [tilespmem:s30+$0xFFFFFC80];
	_ =	sdelay $0x2  }
0x72: {  	v20 =	vperm.xlane v5, v0;
	_ =	sdelay $0x1  }
0x73: {  	v6 =	vmul.f32 v19, v20  }
0x74: {  	s31 =	spop (v2sf)  }
0x75: {  	[tilespmem:s31+$0xB180] =	vst.add.f32.msk $0xffff, v6  }
0x76: {  	v6 =	vld [tilespmem:s30+$0xFFFFFC90];
	_ =	sdelay $0x4  }
0x77: {  	v6 =	vmul.f32 v6, v20;
	_ =	sdelay $0x1  }
0x78: {  	[tilespmem:s31+$0xB190] =	vst.add.f32.msk $0xffff, v6  }
0x79: {  	v6 =	vld [tilespmem:s30+$0xFFFFFCA0]  }
0x7a: {  	(v2sf) =	vpush v4, $0x2;
	_ =	sdelay $0x1  }
0x7b: {  	v5 =	vperm.xlane v5, v1;
	_ =	sdelay $0x1  }
0x7c: {  	v6 =	vmul.f32 v6, v5;
	_ =	sdelay $0x1  }
0x7d: {  	[tilespmem:s31+$0xB1A0] =	vst.add.f32.msk $0xffff, v6  }
0x7e: {  	v6 =	vld [tilespmem:s30+$0xFFFFFCB0];
	_ =	sdelay $0x4  }
0x7f: {  	v5 =	vmul.f32 v6, v5;
	_ =	sdelay $0x1  }
0x80: {  	[tilespmem:s31+$0xB1B0] =	vst.add.f32.msk $0xffff, v5  }
0x81: {  	s31 =	spop (v2sf);
	v5 =	vld [tilespmem:s30+$0xFFFFFD40]  }
0x82: {  	v21 =	vld [tilespmem:s31+$0x7180];
	_ =	sdelay $0x4  }
0x83: {  	v5 =	vadd.f32 v21, v5;
	_ =	sdelay $0x1  }
0x84: {  	v6 =	vmul.f32 $2.000000030e-01, v5;
	_ =	sdelay $0x1  }
0x85: {  	v5 =	vmax.f32 v5, v6  }
0x86: {  	v5 =	vmul.f32 $1.442695020e+00, v5;
	_ =	sdelay $0x1  }
0x87: {  	(erf) = vpow2.f32 v5;
	_ =	sdelay $0x1  }
0x88: {  	(v2sf) =	vpush v3, $0x2;
	_ =	sdelay $0x6  }
0x89: {  	v5 =	vpop (erf)  }
0x8a: {  	[tilespmem:s31+$0x1B180] =	vst.add.f32.msk $0xffff, v5  }
0x8b: {  	v22 =	vld [tilespmem:s30+$0xFFFFFD00];
	_ =	sdelay $0x2  }
0x8c: {  	v23 =	vperm.xlane v5, v0;
	_ =	sdelay $0x1  }
0x8d: {  	v6 =	vmul.f32 v22, v23  }
0x8e: {  	s31 =	spop (v2sf)  }
0x8f: {  	[tilespmem:s31+$0xB180] =	vst.add.f32.msk $0xffff, v6  }
0x90: {  	v6 =	vld [tilespmem:s30+$0xFFFFFD10];
	_ =	sdelay $0x4  }
0x91: {  	v6 =	vmul.f32 v6, v23;
	_ =	sdelay $0x1  }
0x92: {  	[tilespmem:s31+$0xB190] =	vst.add.f32.msk $0xffff, v6  }
0x93: {  	v6 =	vld [tilespmem:s30+$0xFFFFFD20]  }
0x94: {  	(v2sf) =	vpush v4, $0x3;
	_ =	sdelay $0x1  }
0x95: {  	v5 =	vperm.xlane v5, v1;
	_ =	sdelay $0x1  }
0x96: {  	v6 =	vmul.f32 v6, v5;
	_ =	sdelay $0x1  }
0x97: {  	[tilespmem:s31+$0xB1A0] =	vst.add.f32.msk $0xffff, v6  }
0x98: {  	v6 =	vld [tilespmem:s30+$0xFFFFFD30];
	_ =	sdelay $0x4  }
0x99: {  	v5 =	vmul.f32 v6, v5;
	_ =	sdelay $0x1  }
0x9a: {  	[tilespmem:s31+$0xB1B0] =	vst.add.f32.msk $0xffff, v5  }
0x9b: {  	s31 =	spop (v2sf);
	v5 =	vld [tilespmem:s30+$0xFFFFFDC0]  }
0x9c: {  	v24 =	vld [tilespmem:s31+$0x7180];
	_ =	sdelay $0x4  }
0x9d: {  	v5 =	vadd.f32 v24, v5;
	_ =	sdelay $0x1  }
0x9e: {  	v6 =	vmul.f32 $2.000000030e-01, v5;
	_ =	sdelay $0x1  }
0x9f: {  	v5 =	vmax.f32 v5, v6  }
0xa0: {  	v5 =	vmul.f32 $1.442695020e+00, v5;
	_ =	sdelay $0x1  }
0xa1: {  	(erf) = vpow2.f32 v5;
	_ =	sdelay $0x1  }
0xa2: {  	(v2sf) =	vpush v3, $0x3;
	_ =	sdelay $0x6  }
0xa3: {  	v5 =	vpop (erf)  }
0xa4: {  	[tilespmem:s31+$0x1B180] =	vst.add.f32.msk $0xffff, v5  }
0xa5: {  	v25 =	vld [tilespmem:s30+$0xFFFFFD80];
	_ =	sdelay $0x2  }
0xa6: {  	v26 =	vperm.xlane v5, v0;
	_ =	sdelay $0x1  }
0xa7: {  	v6 =	vmul.f32 v25, v26  }
0xa8: {  	s31 =	spop (v2sf)  }
0xa9: {  	[tilespmem:s31+$0xB180] =	vst.add.f32.msk $0xffff, v6  }
0xaa: {  	v6 =	vld [tilespmem:s30+$0xFFFFFD90];
	_ =	sdelay $0x4  }
0xab: {  	v6 =	vmul.f32 v6, v26;
	_ =	sdelay $0x1  }
0xac: {  	[tilespmem:s31+$0xB190] =	vst.add.f32.msk $0xffff, v6  }
0xad: {  	v6 =	vld [tilespmem:s30+$0xFFFFFDA0]  }
0xae: {  	(v2sf) =	vpush v4, $0x4;
	_ =	sdelay $0x1  }
0xaf: {  	v5 =	vperm.xlane v5, v1;
	_ =	sdelay $0x1  }
0xb0: {  	v6 =	vmul.f32 v6, v5;
	_ =	sdelay $0x1  }
0xb1: {  	[tilespmem:s31+$0xB1A0] =	vst.add.f32.msk $0xffff, v6  }
0xb2: {  	v6 =	vld [tilespmem:s30+$0xFFFFFDB0];
	_ =	sdelay $0x4  }
0xb3: {  	v5 =	vmul.f32 v6, v5;
	_ =	sdelay $0x1  }
0xb4: {  	[tilespmem:s31+$0xB1B0] =	vst.add.f32.msk $0xffff, v5  }
0xb5: {  	s31 =	spop (v2sf);
	v5 =	vld [tilespmem:s30+$0xFFFFFE40]  }
0xb6: {  	v27 =	vld [tilespmem:s31+$0x7180];
	_ =	sdelay $0x4  }
0xb7: {  	v5 =	vadd.f32 v27, v5;
	_ =	sdelay $0x1  }
0xb8: {  	v6 =	vmul.f32 $2.000000030e-01, v5;
	_ =	sdelay $0x1  }
0xb9: {  	v5 =	vmax.f32 v5, v6  }
0xba: {  	v5 =	vmul.f32 $1.442695020e+00, v5;
	_ =	sdelay $0x1  }
0xbb: {  	(erf) = vpow2.f32 v5;
	_ =	sdelay $0x1  }
0xbc: {  	(v2sf) =	vpush v3, $0x4;
	_ =	sdelay $0x6  }
0xbd: {  	v5 =	vpop (erf)  }
0xbe: {  	[tilespmem:s31+$0x1B180] =	vst.add.f32.msk $0xffff, v5  }
0xbf: {  	v28 =	vld [tilespmem:s30+$0xFFFFFE00];
	_ =	sdelay $0x2  }
0xc0: {  	v29 =	vperm.xlane v5, v0;
	_ =	sdelay $0x1  }
0xc1: {  	v6 =	vmul.f32 v28, v29  }
0xc2: {  	s31 =	spop (v2sf)  }
0xc3: {  	[tilespmem:s31+$0xB180] =	vst.add.f32.msk $0xffff, v6  }
0xc4: {  	v6 =	vld [tilespmem:s30+$0xFFFFFE10];
	_ =	sdelay $0x4  }
0xc5: {  	v6 =	vmul.f32 v6, v29;
	_ =	sdelay $0x1  }
0xc6: {  	[tilespmem:s31+$0xB190] =	vst.add.f32.msk $0xffff, v6  }
0xc7: {  	v6 =	vld [tilespmem:s30+$0xFFFFFE20]  }
0xc8: {  	(v2sf) =	vpush v4, $0x5;
	_ =	sdelay $0x1  }
0xc9: {  	v5 =	vperm.xlane v5, v1;
	_ =	sdelay $0x1  }
0xca: {  	v6 =	vmul.f32 v6, v5;
	_ =	sdelay $0x1  }
0xcb: {  	[tilespmem:s31+$0xB1A0] =	vst.add.f32.msk $0xffff, v6  }
0xcc: {  	v6 =	vld [tilespmem:s30+$0xFFFFFE30];
	_ =	sdelay $0x4  }
0xcd: {  	v5 =	vmul.f32 v6, v5;
	_ =	sdelay $0x1  }
0xce: {  	[tilespmem:s31+$0xB1B0] =	vst.add.f32.msk $0xffff, v5  }
0xcf: {  	s31 =	spop (v2sf);
	v5 =	vld [tilespmem:s30+$0xFFFFFEC0]  }
0xd0: {  	v30 =	vld [tilespmem:s31+$0x7180];
	_ =	sdelay $0x4  }
0xd1: {  	v5 =	vadd.f32 v30, v5;
	_ =	sdelay $0x1  }
0xd2: {  	v6 =	vmul.f32 $2.000000030e-01, v5;
	_ =	sdelay $0x1  }
0xd3: {  	v5 =	vmax.f32 v5, v6  }
0xd4: {  	v5 =	vmul.f32 $1.442695020e+00, v5;
	_ =	sdelay $0x1  }
0xd5: {  	(erf) = vpow2.f32 v5;
	_ =	sdelay $0x1  }
0xd6: {  	(v2sf) =	vpush v3, $0x5;
	_ =	sdelay $0x6  }
0xd7: {  	v5 =	vpop (erf)  }
0xd8: {  	[tilespmem:s31+$0x1B180] =	vst.add.f32.msk $0xffff, v5  }
0xd9: {  	v31 =	vld [tilespmem:s30+$0xFFFFFE80];
	_ =	sdelay $0x2  }
0xda: {  	v32 =	vperm.xlane v5, v0;
	_ =	sdelay $0x1  }
0xdb: {  	v6 =	vmul.f32 v31, v32  }
0xdc: {  	s31 =	spop (v2sf)  }
0xdd: {  	[tilespmem:s31+$0xB180] =	vst.add.f32.msk $0xffff, v6  }
0xde: {  	v6 =	vld [tilespmem:s30+$0xFFFFFE90];
	_ =	sdelay $0x4  }
0xdf: {  	v6 =	vmul.f32 v6, v32;
	_ =	sdelay $0x1  }
0xe0: {  	[tilespmem:s31+$0xB190] =	vst.add.f32.msk $0xffff, v6  }
0xe1: {  	v6 =	vld [tilespmem:s30+$0xFFFFFEA0]  }
0xe2: {  	(v2sf) =	vpush v4, $0x6;
	_ =	sdelay $0x1  }
0xe3: {  	v5 =	vperm.xlane v5, v1;
	_ =	sdelay $0x1  }
0xe4: {  	v6 =	vmul.f32 v6, v5;
	_ =	sdelay $0x1  }
0xe5: {  	[tilespmem:s31+$0xB1A0] =	vst.add.f32.msk $0xffff, v6  }
0xe6: {  	v6 =	vld [tilespmem:s30+$0xFFFFFEB0];
	_ =	sdelay $0x4  }
0xe7: {  	v5 =	vmul.f32 v6, v5;
	_ =	sdelay $0x1  }
0xe8: {  	[tilespmem:s31+$0xB1B0] =	vst.add.f32.msk $0xffff, v5  }
0xe9: {  	s31 =	spop (v2sf);
	v5 =	vld [tilespmem:s30+$0xFFFFFF40]  }
0xea: {  	v33 =	vld [tilespmem:s31+$0x7180];
	_ =	sdelay $0x4  }
0xeb: {  	v5 =	vadd.f32 v33, v5;
	_ =	sdelay $0x1  }
0xec: {  	v6 =	vmul.f32 $2.000000030e-01, v5;
	_ =	sdelay $0x1  }
0xed: {  	v5 =	vmax.f32 v5, v6  }
0xee: {  	v5 =	vmul.f32 $1.442695020e+00, v5;
	_ =	sdelay $0x1  }
0xef: {  	(erf) = vpow2.f32 v5;
	_ =	sdelay $0x1  }
0xf0: {  	(v2sf) =	vpush v3, $0x6;
	_ =	sdelay $0x6  }
0xf1: {  	v5 =	vpop (erf)  }
0xf2: {  	[tilespmem:s31+$0x1B180] =	vst.add.f32.msk $0xffff, v5  }
0xf3: {  	v34 =	vld [tilespmem:s30+$0xFFFFFF00];
	_ =	sdelay $0x2  }
0xf4: {  	v35 =	vperm.xlane v5, v0;
	_ =	sdelay $0x1  }
0xf5: {  	v6 =	vmul.f32 v34, v35  }
0xf6: {  	s31 =	spop (v2sf)  }
0xf7: {  	[tilespmem:s31+$0xB180] =	vst.add.f32.msk $0xffff, v6  }
0xf8: {  	v6 =	vld [tilespmem:s30+$0xFFFFFF10];
	_ =	sdelay $0x4  }
0xf9: {  	v6 =	vmul.f32 v6, v35;
	_ =	sdelay $0x1  }
0xfa: {  	[tilespmem:s31+$0xB190] =	vst.add.f32.msk $0xffff, v6  }
0xfb: {  	v6 =	vld [tilespmem:s30+$0xFFFFFF20]  }
0xfc: {  	(v2sf) =	vpush v4, $0x7;
	_ =	sdelay $0x1  }
0xfd: {  	v5 =	vperm.xlane v5, v1;
	_ =	sdelay $0x1  }
0xfe: {  	v6 =	vmul.f32 v6, v5;
	_ =	sdelay $0x1  }
0xff: {  	[tilespmem:s31+$0xB1A0] =	vst.add.f32.msk $0xffff, v6  }
0x100: {  	v6 =	vld [tilespmem:s30+$0xFFFFFF30];
	_ =	sdelay $0x4  }
0x101: {  	v5 =	vmul.f32 v6, v5;
	_ =	sdelay $0x1  }
0x102: {  	[tilespmem:s31+$0xB1B0] =	vst.add.f32.msk $0xffff, v5  }
0x103: {  	s31 =	spop (v2sf);
	v5 =	vld [tilespmem:s30+$0xFFFFFFC0]  }
0x104: {  	v36 =	vld [tilespmem:s31+$0x7180];
	_ =	sdelay $0x4  }
0x105: {  	v5 =	vadd.f32 v36, v5;
	_ =	sdelay $0x1  }
0x106: {  	v6 =	vmul.f32 $2.000000030e-01, v5;
	_ =	sdelay $0x1  }
0x107: {  	v5 =	vmax.f32 v5, v6  }
0x108: {  	v5 =	vmul.f32 $1.442695020e+00, v5;
	_ =	sdelay $0x1  }
0x109: {  	(erf) = vpow2.f32 v5;
	_ =	sdelay $0x1  }
0x10a: {  	(v2sf) =	vpush v3, $0x7;
	_ =	sdelay $0x6  }
0x10b: {  	v5 =	vpop (erf)  }
0x10c: {  	[tilespmem:s31+$0x1B180] =	vst.add.f32.msk $0xffff, v5  }
0x10d: {  	v37 =	vld [tilespmem:s30+$0xFFFFFF80];
	_ =	sdelay $0x2  }
0x10e: {  	v38 =	vperm.xlane v5, v0;
	_ =	sdelay $0x1  }
0x10f: {  	v6 =	vmul.f32 v37, v38  }
0x110: {  	s31 =	spop (v2sf)  }
0x111: {  	[tilespmem:s31+$0xB180] =	vst.add.f32.msk $0xffff, v6  }
0x112: {  	v6 =	vld [tilespmem:s30+$0xFFFFFF90];
	_ =	sdelay $0x4  }
0x113: {  	v6 =	vmul.f32 v6, v38;
	_ =	sdelay $0x1  }
0x114: {  	[tilespmem:s31+$0xB190] =	vst.add.f32.msk $0xffff, v6  }
0x115: {  	v6 =	vld [tilespmem:s30+$0xFFFFFFA0]  }
0x116: {  	(v2sf) =	vpush v4, $0x8;
	_ =	sdelay $0x1  }
0x117: {  	v5 =	vperm.xlane v5, v1;
	_ =	sdelay $0x1  }
0x118: {  	v6 =	vmul.f32 v6, v5;
	_ =	sdelay $0x1  }
0x119: {  	[tilespmem:s31+$0xB1A0] =	vst.add.f32.msk $0xffff, v6  }
0x11a: {  	v6 =	vld [tilespmem:s30+$0xFFFFFFB0];
	_ =	sdelay $0x4  }
0x11b: {  	v5 =	vmul.f32 v6, v5;
	_ =	sdelay $0x1  }
0x11c: {  	[tilespmem:s31+$0xB1B0] =	vst.add.f32.msk $0xffff, v5  }
0x11d: {  	s31 =	spop (v2sf);
	v5 =	vld [tilespmem:s30+$0x40]  }
0x11e: {  	v39 =	vld [tilespmem:s31+$0x7180];
	_ =	sdelay $0x4  }
0x11f: {  	v5 =	vadd.f32 v39, v5;
	_ =	sdelay $0x1  }
0x120: {  	v6 =	vmul.f32 $2.000000030e-01, v5;
	_ =	sdelay $0x1  }
0x121: {  	v5 =	vmax.f32 v5, v6  }
0x122: {  	v5 =	vmul.f32 $1.442695020e+00, v5;
	_ =	sdelay $0x1  }
0x123: {  	(erf) = vpow2.f32 v5;
	_ =	sdelay $0x1  }
0x124: {  	(v2sf) =	vpush v3, $0x8;
	_ =	sdelay $0x6  }
0x125: {  	v5 =	vpop (erf)  }
0x126: {  	[tilespmem:s31+$0x1B180] =	vst.add.f32.msk $0xffff, v5  }
0x127: {  	v40 =	vld [tilespmem:s30+$0x0];
	_ =	sdelay $0x2  }
0x128: {  	v41 =	vperm.xlane v5, v0;
	_ =	sdelay $0x1  }
0x129: {  	v6 =	vmul.f32 v40, v41  }
0x12a: {  	s31 =	spop (v2sf)  }
0x12b: {  	[tilespmem:s31+$0xB180] =	vst.add.f32.msk $0xffff, v6  }
0x12c: {  	v6 =	vld [tilespmem:s30+$0x10];
	_ =	sdelay $0x4  }
0x12d: {  	v6 =	vmul.f32 v6, v41;
	_ =	sdelay $0x1  }
0x12e: {  	[tilespmem:s31+$0xB190] =	vst.add.f32.msk $0xffff, v6  }
0x12f: {  	v6 =	vld [tilespmem:s30+$0x20]  }
0x130: {  	(v2sf) =	vpush v4, $0x9;
	_ =	sdelay $0x1  }
0x131: {  	v5 =	vperm.xlane v5, v1;
	_ =	sdelay $0x1  }
0x132: {  	v6 =	vmul.f32 v6, v5;
	_ =	sdelay $0x1  }
0x133: {  	[tilespmem:s31+$0xB1A0] =	vst.add.f32.msk $0xffff, v6  }
0x134: {  	v6 =	vld [tilespmem:s30+$0x30];
	_ =	sdelay $0x4  }
0x135: {  	v5 =	vmul.f32 v6, v5;
	_ =	sdelay $0x1  }
0x136: {  	[tilespmem:s31+$0xB1B0] =	vst.add.f32.msk $0xffff, v5  }
0x137: {  	s31 =	spop (v2sf);
	v5 =	vld [tilespmem:s30+$0xC0]  }
0x138: {  	v42 =	vld [tilespmem:s31+$0x7180];
	_ =	sdelay $0x4  }
0x139: {  	v5 =	vadd.f32 v42, v5;
	_ =	sdelay $0x1  }
0x13a: {  	v6 =	vmul.f32 $2.000000030e-01, v5;
	_ =	sdelay $0x1  }
0x13b: {  	v5 =	vmax.f32 v5, v6  }
0x13c: {  	v5 =	vmul.f32 $1.442695020e+00, v5;
	_ =	sdelay $0x1  }
0x13d: {  	(erf) = vpow2.f32 v5;
	_ =	sdelay $0x1  }
0x13e: {  	(v2sf) =	vpush v3, $0x9;
	_ =	sdelay $0x6  }
0x13f: {  	v5 =	vpop (erf)  }
0x140: {  	[tilespmem:s31+$0x1B180] =	vst.add.f32.msk $0xffff, v5  }
0x141: {  	v43 =	vld [tilespmem:s30+$0x80];
	_ =	sdelay $0x2  }
0x142: {  	v44 =	vperm.xlane v5, v0;
	_ =	sdelay $0x1  }
0x143: {  	v6 =	vmul.f32 v43, v44  }
0x144: {  	s31 =	spop (v2sf)  }
0x145: {  	[tilespmem:s31+$0xB180] =	vst.add.f32.msk $0xffff, v6  }
0x146: {  	v6 =	vld [tilespmem:s30+$0x90];
	_ =	sdelay $0x4  }
0x147: {  	v6 =	vmul.f32 v6, v44;
	_ =	sdelay $0x1  }
0x148: {  	[tilespmem:s31+$0xB190] =	vst.add.f32.msk $0xffff, v6  }
0x149: {  	v6 =	vld [tilespmem:s30+$0xA0]  }
0x14a: {  	(v2sf) =	vpush v4, $0xA;
	_ =	sdelay $0x1  }
0x14b: {  	v5 =	vperm.xlane v5, v1;
	_ =	sdelay $0x1  }
0x14c: {  	v6 =	vmul.f32 v6, v5;
	_ =	sdelay $0x1  }
0x14d: {  	[tilespmem:s31+$0xB1A0] =	vst.add.f32.msk $0xffff, v6  }
0x14e: {  	v6 =	vld [tilespmem:s30+$0xB0];
	_ =	sdelay $0x4  }
0x14f: {  	v5 =	vmul.f32 v6, v5;
	_ =	sdelay $0x1  }
0x150: {  	[tilespmem:s31+$0xB1B0] =	vst.add.f32.msk $0xffff, v5  }
0x151: {  	s31 =	spop (v2sf);
	v5 =	vld [tilespmem:s30+$0x140]  }
0x152: {  	v45 =	vld [tilespmem:s31+$0x7180];
	_ =	sdelay $0x4  }
0x153: {  	v5 =	vadd.f32 v45, v5;
	_ =	sdelay $0x1  }
0x154: {  	v6 =	vmul.f32 $2.000000030e-01, v5;
	_ =	sdelay $0x1  }
0x155: {  	v5 =	vmax.f32 v5, v6  }
0x156: {  	v5 =	vmul.f32 $1.442695020e+00, v5;
	_ =	sdelay $0x1  }
0x157: {  	(erf) = vpow2.f32 v5;
	_ =	sdelay $0x1  }
0x158: {  	(v2sf) =	vpush v3, $0xA;
	_ =	sdelay $0x6  }
0x159: {  	v5 =	vpop (erf)  }
0x15a: {  	[tilespmem:s31+$0x1B180] =	vst.add.f32.msk $0xffff, v5  }
0x15b: {  	v46 =	vld [tilespmem:s30+$0x100];
	_ =	sdelay $0x2  }
0x15c: {  	v47 =	vperm.xlane v5, v0;
	_ =	sdelay $0x1  }
0x15d: {  	v6 =	vmul.f32 v46, v47  }
0x15e: {  	s31 =	spop (v2sf)  }
0x15f: {  	[tilespmem:s31+$0xB180] =	vst.add.f32.msk $0xffff, v6  }
0x160: {  	v6 =	vld [tilespmem:s30+$0x110];
	_ =	sdelay $0x4  }
0x161: {  	v6 =	vmul.f32 v6, v47;
	_ =	sdelay $0x1  }
0x162: {  	[tilespmem:s31+$0xB190] =	vst.add.f32.msk $0xffff, v6  }
0x163: {  	v6 =	vld [tilespmem:s30+$0x120]  }
0x164: {  	(v2sf) =	vpush v4, $0xB;
	_ =	sdelay $0x1  }
0x165: {  	v5 =	vperm.xlane v5, v1;
	_ =	sdelay $0x1  }
0x166: {  	v6 =	vmul.f32 v6, v5;
	_ =	sdelay $0x1  }
0x167: {  	[tilespmem:s31+$0xB1A0] =	vst.add.f32.msk $0xffff, v6  }
0x168: {  	v6 =	vld [tilespmem:s30+$0x130];
	_ =	sdelay $0x4  }
0x169: {  	v5 =	vmul.f32 v6, v5;
	_ =	sdelay $0x1  }
0x16a: {  	[tilespmem:s31+$0xB1B0] =	vst.add.f32.msk $0xffff, v5  }
0x16b: {  	s31 =	spop (v2sf);
	v5 =	vld [tilespmem:s30+$0x1C0]  }
0x16c: {  	v48 =	vld [tilespmem:s31+$0x7180];
	_ =	sdelay $0x4  }
0x16d: {  	v5 =	vadd.f32 v48, v5;
	_ =	sdelay $0x1  }
0x16e: {  	v6 =	vmul.f32 $2.000000030e-01, v5;
	_ =	sdelay $0x1  }
0x16f: {  	v5 =	vmax.f32 v5, v6  }
0x170: {  	v5 =	vmul.f32 $1.442695020e+00, v5;
	_ =	sdelay $0x1  }
0x171: {  	(erf) = vpow2.f32 v5;
	_ =	sdelay $0x1  }
0x172: {  	(v2sf) =	vpush v3, $0xB;
	_ =	sdelay $0x6  }
0x173: {  	v5 =	vpop (erf)  }
0x174: {  	[tilespmem:s31+$0x1B180] =	vst.add.f32.msk $0xffff, v5  }
0x175: {  	v49 =	vld [tilespmem:s30+$0x180];
	_ =	sdelay $0x2  }
0x176: {  	v50 =	vperm.xlane v5, v0;
	_ =	sdelay $0x1  }
0x177: {  	v6 =	vmul.f32 v49, v50  }
0x178: {  	s31 =	spop (v2sf)  }
0x179: {  	[tilespmem:s31+$0xB180] =	vst.add.f32.msk $0xffff, v6  }
0x17a: {  	v6 =	vld [tilespmem:s30+$0x190];
	_ =	sdelay $0x4  }
0x17b: {  	v6 =	vmul.f32 v6, v50;
	_ =	sdelay $0x1  }
0x17c: {  	[tilespmem:s31+$0xB190] =	vst.add.f32.msk $0xffff, v6  }
0x17d: {  	v6 =	vld [tilespmem:s30+$0x1A0]  }
0x17e: {  	(v2sf) =	vpush v4, $0xC;
	_ =	sdelay $0x1  }
0x17f: {  	v5 =	vperm.xlane v5, v1;
	_ =	sdelay $0x1  }
0x180: {  	v6 =	vmul.f32 v6, v5;
	_ =	sdelay $0x1  }
0x181: {  	[tilespmem:s31+$0xB1A0] =	vst.add.f32.msk $0xffff, v6  }
0x182: {  	v6 =	vld [tilespmem:s30+$0x1B0];
	_ =	sdelay $0x4  }
0x183: {  	v5 =	vmul.f32 v6, v5;
	_ =	sdelay $0x1  }
0x184: {  	[tilespmem:s31+$0xB1B0] =	vst.add.f32.msk $0xffff, v5  }
0x185: {  	s31 =	spop (v2sf);
	v5 =	vld [tilespmem:s30+$0x240]  }
0x186: {  	v51 =	vld [tilespmem:s31+$0x7180];
	_ =	sdelay $0x4  }
0x187: {  	v5 =	vadd.f32 v51, v5;
	_ =	sdelay $0x1  }
0x188: {  	v6 =	vmul.f32 $2.000000030e-01, v5;
	_ =	sdelay $0x1  }
0x189: {  	v5 =	vmax.f32 v5, v6  }
0x18a: {  	v5 =	vmul.f32 $1.442695020e+00, v5;
	_ =	sdelay $0x1  }
0x18b: {  	(erf) = vpow2.f32 v5;
	_ =	sdelay $0x1  }
0x18c: {  	(v2sf) =	vpush v3, $0xC;
	_ =	sdelay $0x6  }
0x18d: {  	v5 =	vpop (erf)  }
0x18e: {  	[tilespmem:s31+$0x1B180] =	vst.add.f32.msk $0xffff, v5  }
0x18f: {  	v52 =	vld [tilespmem:s30+$0x200];
	_ =	sdelay $0x2  }
0x190: {  	v53 =	vperm.xlane v5, v0;
	_ =	sdelay $0x1  }
0x191: {  	v6 =	vmul.f32 v52, v53  }
0x192: {  	s31 =	spop (v2sf)  }
0x193: {  	[tilespmem:s31+$0xB180] =	vst.add.f32.msk $0xffff, v6  }
0x194: {  	v6 =	vld [tilespmem:s30+$0x210];
	_ =	sdelay $0x4  }
0x195: {  	v6 =	vmul.f32 v6, v53;
	_ =	sdelay $0x1  }
0x196: {  	[tilespmem:s31+$0xB190] =	vst.add.f32.msk $0xffff, v6  }
0x197: {  	v6 =	vld [tilespmem:s30+$0x220]  }
0x198: {  	(v2sf) =	vpush v4, $0xD;
	_ =	sdelay $0x1  }
0x199: {  	v5 =	vperm.xlane v5, v1;
	_ =	sdelay $0x1  }
0x19a: {  	v6 =	vmul.f32 v6, v5;
	_ =	sdelay $0x1  }
0x19b: {  	[tilespmem:s31+$0xB1A0] =	vst.add.f32.msk $0xffff, v6  }
0x19c: {  	v6 =	vld [tilespmem:s30+$0x230];
	_ =	sdelay $0x4  }
0x19d: {  	v5 =	vmul.f32 v6, v5;
	_ =	sdelay $0x1  }
0x19e: {  	[tilespmem:s31+$0xB1B0] =	vst.add.f32.msk $0xffff, v5  }
0x19f: {  	s31 =	spop (v2sf);
	v5 =	vld [tilespmem:s30+$0x2C0]  }
0x1a0: {  	v54 =	vld [tilespmem:s31+$0x7180];
	_ =	sdelay $0x4  }
0x1a1: {  	v5 =	vadd.f32 v54, v5;
	_ =	sdelay $0x1  }
0x1a2: {  	v6 =	vmul.f32 $2.000000030e-01, v5;
	_ =	sdelay $0x1  }
0x1a3: {  	v5 =	vmax.f32 v5, v6  }
0x1a4: {  	v5 =	vmul.f32 $1.442695020e+00, v5;
	_ =	sdelay $0x1  }
0x1a5: {  	(erf) = vpow2.f32 v5;
	_ =	sdelay $0x1  }
0x1a6: {  	(v2sf) =	vpush v3, $0xD;
	_ =	sdelay $0x6  }
0x1a7: {  	v5 =	vpop (erf)  }
0x1a8: {  	[tilespmem:s31+$0x1B180] =	vst.add.f32.msk $0xffff, v5  }
0x1a9: {  	v55 =	vld [tilespmem:s30+$0x280];
	_ =	sdelay $0x2  }
0x1aa: {  	v56 =	vperm.xlane v5, v0;
	_ =	sdelay $0x1  }
0x1ab: {  	v6 =	vmul.f32 v55, v56  }
0x1ac: {  	s31 =	spop (v2sf)  }
0x1ad: {  	[tilespmem:s31+$0xB180] =	vst.add.f32.msk $0xffff, v6  }
0x1ae: {  	v6 =	vld [tilespmem:s30+$0x290];
	_ =	sdelay $0x4  }
0x1af: {  	v6 =	vmul.f32 v6, v56;
	_ =	sdelay $0x1  }
0x1b0: {  	[tilespmem:s31+$0xB190] =	vst.add.f32.msk $0xffff, v6  }
0x1b1: {  	v6 =	vld [tilespmem:s30+$0x2A0]  }
0x1b2: {  	(v2sf) =	vpush v4, $0xE;
	_ =	sdelay $0x1  }
0x1b3: {  	v5 =	vperm.xlane v5, v1;
	_ =	sdelay $0x1  }
0x1b4: {  	v6 =	vmul.f32 v6, v5;
	_ =	sdelay $0x1  }
0x1b5: {  	[tilespmem:s31+$0xB1A0] =	vst.add.f32.msk $0xffff, v6  }
0x1b6: {  	v6 =	vld [tilespmem:s30+$0x2B0];
	_ =	sdelay $0x4  }
0x1b7: {  	v5 =	vmul.f32 v6, v5;
	_ =	sdelay $0x1  }
0x1b8: {  	[tilespmem:s31+$0xB1B0] =	vst.add.f32.msk $0xffff, v5  }
0x1b9: {  	s31 =	spop (v2sf);
	v5 =	vld [tilespmem:s30+$0x340]  }
0x1ba: {  	v57 =	vld [tilespmem:s31+$0x7180];
	_ =	sdelay $0x4  }
0x1bb: {  	v5 =	vadd.f32 v57, v5;
	_ =	sdelay $0x1  }
0x1bc: {  	v6 =	vmul.f32 $2.000000030e-01, v5;
	_ =	sdelay $0x1  }
0x1bd: {  	v5 =	vmax.f32 v5, v6  }
0x1be: {  	v5 =	vmul.f32 $1.442695020e+00, v5;
	_ =	sdelay $0x1  }
0x1bf: {  	(erf) = vpow2.f32 v5;
	_ =	sdelay $0x1  }
0x1c0: {  	(v2sf) =	vpush v3, $0xE;
	_ =	sdelay $0x6  }
0x1c1: {  	v5 =	vpop (erf)  }
0x1c2: {  	[tilespmem:s31+$0x1B180] =	vst.add.f32.msk $0xffff, v5  }
0x1c3: {  	v58 =	vld [tilespmem:s30+$0x300];
	_ =	sdelay $0x2  }
0x1c4: {  	v59 =	vperm.xlane v5, v0;
	_ =	sdelay $0x1  }
0x1c5: {  	v6 =	vmul.f32 v58, v59  }
0x1c6: {  	s31 =	spop (v2sf)  }
0x1c7: {  	[tilespmem:s31+$0xB180] =	vst.add.f32.msk $0xffff, v6  }
0x1c8: {  	v6 =	vld [tilespmem:s30+$0x310];
	_ =	sdelay $0x4  }
0x1c9: {  	v6 =	vmul.f32 v6, v59;
	_ =	sdelay $0x1  }
0x1ca: {  	[tilespmem:s31+$0xB190] =	vst.add.f32.msk $0xffff, v6  }
0x1cb: {  	v6 =	vld [tilespmem:s30+$0x320]  }
0x1cc: {  	(v2sf) =	vpush v4, $0xF;
	_ =	sdelay $0x1  }
0x1cd: {  	v60 =	vperm.xlane v5, v1;
	_ =	sdelay $0x1  }
0x1ce: {  	v5 =	vmul.f32 v6, v60;
	_ =	sdelay $0x1  }
0x1cf: {  	[tilespmem:s31+$0xB1A0] =	vst.add.f32.msk $0xffff, v5  }
0x1d0: {  	v5 =	vld [tilespmem:s30+$0x330];
	_ =	sdelay $0x4  }
0x1d1: {  	v4 =	vmul.f32 v5, v60;
	_ =	sdelay $0x1  }
0x1d2: {  	[tilespmem:s31+$0xB1B0] =	vst.add.f32.msk $0xffff, v4  }
0x1d3: {  	s31 =	spop (v2sf);
	v4 =	vld [tilespmem:s30+$0x3C0]  }
0x1d4: {  	v61 =	vld [tilespmem:s31+$0x7180];
	_ =	sdelay $0x4  }
0x1d5: {  	v4 =	vadd.f32 v61, v4;
	_ =	sdelay $0x1  }
0x1d6: {  	v5 =	vmul.f32 $2.000000030e-01, v4;
	_ =	sdelay $0x1  }
0x1d7: {  	v4 =	vmax.f32 v4, v5  }
0x1d8: {  	v4 =	vmul.f32 $1.442695020e+00, v4;
	_ =	sdelay $0x1  }
0x1d9: {  	(erf) = vpow2.f32 v4;
	_ =	sdelay $0x1  }
0x1da: {  	(v2sf) =	vpush v3, $0xF;
	_ =	sdelay $0x6  }
0x1db: {  	v3 =	vpop (erf)  }
0x1dc: {  	[tilespmem:s31+$0x1B180] =	vst.add.f32.msk $0xffff, v3  }
0x1dd: {  	v62 =	vld [tilespmem:s30+$0x380];
	_ =	sdelay $0x2  }
0x1de: {  	v63 =	vperm.xlane v3, v0;
	_ =	sdelay $0x1  }
0x1df: {  	v4 =	vmul.f32 v62, v63  }
0x1e0: {  	s31 =	spop (v2sf)  }
0x1e1: {  	[tilespmem:s31+$0xB180] =	vst.add.f32.msk $0xffff, v4  }
0x1e2: {  	v4 =	vld [tilespmem:s30+$0x390];
	_ =	sdelay $0x4  }
0x1e3: {  	v4 =	vmul.f32 v4, v63;
	_ =	sdelay $0x1  }
0x1e4: {  	[tilespmem:s31+$0xB190] =	vst.add.f32.msk $0xffff, v4  }
0x1e5: {  	v4 =	vld [tilespmem:s30+$0x3A0];
	_ =	sdelay $0x2  }
0x1e6: {  	v3 =	vperm.xlane v3, v1;
	_ =	sdelay $0x1  }
0x1e7: {  	v4 =	vmul.f32 v4, v3;
	_ =	sdelay $0x1  }
0x1e8: {  	[tilespmem:s31+$0xB1A0] =	vst.add.f32.msk $0xffff, v4  }
0x1e9: {  	v4 =	vld [tilespmem:s30+$0x3B0];
	_ =	sdelay $0x1  }
0x1ea: {  	p0 =	sne.s32 s29, $0x100  }
.Ltmp0:
0x1eb: {  	_ = 	snop;
	(pc) =	sbr.rel @p0 .LBB2_3-.Ltmp0, $3  }
0x1ec: {  	_ = 	snop  }
0x1ed: {  	v3 =	vmul.f32 v4, v3;
	_ =	sdelay $0x1  }
0x1ee: {  	s29 =	sadd.s32 $0x40, s29;
	s30 =	sadd.s32 $0x800, s30;
	[tilespmem:s31+$0xB1B0] =	vst.add.f32.msk $0xffff, v3  }
0x1ef: {  	p0 =	seq.s32 s26, $0x33;
	s28 =	sadd.s32 $0xA0, s28  }
0x1f0: {  	s28 =	simm.s32 @p0 $0x0  }
0x1f1: {  	v2 =	vld [tilespmem:s28+$0x0];
	_ =	sdelay $0x4  }
0x1f2: {  	v2 =	vand.u32 $0xFFFF, v2  }
0x1f3: {  	[tilespmem:$0x2080] =	vst v2  }
0x1f4: {  	v2 =	vld [tilespmem:s28+$0x10];
	_ =	sdelay $0x4  }
0x1f5: {  	v2 =	vand.u32 $0xFFFF, v2  }
0x1f6: {  	[tilespmem:$0x2090] =	vst v2  }
0x1f7: {  	v2 =	vld [tilespmem:s28+$0x20];
	_ =	sdelay $0x4  }
0x1f8: {  	v2 =	vand.u32 $0xFFFF, v2  }
0x1f9: {  	[tilespmem:$0x20A0] =	vst v2  }
0x1fa: {  	v2 =	vld [tilespmem:s28+$0x30];
	_ =	sdelay $0x4  }
0x1fb: {  	v2 =	vand.u32 $0xFFFF, v2  }
0x1fc: {  	[tilespmem:$0x20B0] =	vst v2  }
0x1fd: {  	v2 =	vld [tilespmem:s28+$0x40];
	_ =	sdelay $0x4  }
0x1fe: {  	v2 =	vand.u32 $0xFFFF, v2  }
0x1ff: {  	[tilespmem:$0x20C0] =	vst v2  }
0x200: {  	v2 =	vmov s24;
	[tilespmem:s15], [sflag:$0x1] =	stream.indirect.gather [hbm4b:s6+s16], $0x80, s14, s16, $0xb8;
	[tilespmem:$0x1F180] =	vst v63  }
0x201: {  	_ =	swait.ge [sflag:s20], $0x2800  }
0x202: {  	[sflag:s20] =	ssyncset.done $0x0  }
0x203: {  	s29 =	simm.s32 $0x4D80;
	s28 =	simm.s32 $0x0;
	[sflag:s20] =	ssyncadd.s32 $0xFFFFD800  }
.LBB2_5:
0x204: {  	s30 =	sshra.s32 s28, $0x2  }
0x205: {  	v3 =	vld.idx.msk [tilespmem:v2+s30+$0x0 ss:$0x1], $0xffff;
	_ =	sdelay $0x4  }
0x206: {  	v3 =	vshra.s32 v3, $0x10  }
0x207: {  	v4 =	vshll.u32 v3, $0x4  }
0x208: {  	(v2sf) =	vpush v4, $0x0;
	_ =	sdelay $0xe  }
0x209: {  	v5 =	vld [tilespmem:s29+$0xFFFFFC40];
	s31 =	spop (v2sf)  }
0x20a: {  	v6 =	vld [tilespmem:s31+$0x7180];
	_ =	sdelay $0x4  }
0x20b: {  	v5 =	vadd.f32 v6, v5;
	_ =	sdelay $0x1  }
0x20c: {  	v6 =	vmul.f32 $2.000000030e-01, v5;
	_ =	sdelay $0x1  }
0x20d: {  	v5 =	vmax.f32 v5, v6  }
0x20e: {  	v5 =	vmul.f32 $1.442695020e+00, v5;
	_ =	sdelay $0x1  }
0x20f: {  	(erf) = vpow2.f32 v5  }
0x210: {  	v3 =	vshll.u32 v3, $0x6  }
0x211: {  	(v2sf) =	vpush v3, $0x0;
	_ =	sdelay $0x6  }
0x212: {  	v5 =	vpop (erf)  }
0x213: {  	[tilespmem:s31+$0x1B180] =	vst.add.f32.msk $0xffff, v5  }
0x214: {  	v17 =	vld [tilespmem:s29+$0xFFFFFC00];
	_ =	sdelay $0x2  }
0x215: {  	v7 =	vperm.xlane v5, v0;
	_ =	sdelay $0x1  }
0x216: {  	v6 =	vmul.f32 v17, v7  }
0x217: {  	s31 =	spop (v2sf)  }
0x218: {  	[tilespmem:s31+$0xB180] =	vst.add.f32.msk $0xffff, v6  }
0x219: {  	v6 =	vld [tilespmem:s29+$0xFFFFFC10];
	_ =	sdelay $0x4  }
0x21a: {  	v6 =	vmul.f32 v6, v7;
	_ =	sdelay $0x1  }
0x21b: {  	[tilespmem:s31+$0xB190] =	vst.add.f32.msk $0xffff, v6  }
0x21c: {  	v6 =	vld [tilespmem:s29+$0xFFFFFC20]  }
0x21d: {  	(v2sf) =	vpush v4, $0x1;
	_ =	sdelay $0x1  }
0x21e: {  	v5 =	vperm.xlane v5, v1;
	_ =	sdelay $0x1  }
0x21f: {  	v6 =	vmul.f32 v6, v5;
	_ =	sdelay $0x1  }
0x220: {  	[tilespmem:s31+$0xB1A0] =	vst.add.f32.msk $0xffff, v6  }
0x221: {  	v6 =	vld [tilespmem:s29+$0xFFFFFC30];
	_ =	sdelay $0x4  }
0x222: {  	v5 =	vmul.f32 v6, v5;
	_ =	sdelay $0x1  }
0x223: {  	[tilespmem:s31+$0xB1B0] =	vst.add.f32.msk $0xffff, v5  }
0x224: {  	s31 =	spop (v2sf);
	v5 =	vld [tilespmem:s29+$0xFFFFFCC0]  }
0x225: {  	v18 =	vld [tilespmem:s31+$0x7180];
	_ =	sdelay $0x4  }
0x226: {  	v5 =	vadd.f32 v18, v5;
	_ =	sdelay $0x1  }
0x227: {  	v6 =	vmul.f32 $2.000000030e-01, v5;
	_ =	sdelay $0x1  }
0x228: {  	v5 =	vmax.f32 v5, v6  }
0x229: {  	v5 =	vmul.f32 $1.442695020e+00, v5;
	_ =	sdelay $0x1  }
0x22a: {  	(erf) = vpow2.f32 v5;
	_ =	sdelay $0x1  }
0x22b: {  	(v2sf) =	vpush v3, $0x1;
	_ =	sdelay $0x6  }
0x22c: {  	v5 =	vpop (erf)  }
0x22d: {  	[tilespmem:s31+$0x1B180] =	vst.add.f32.msk $0xffff, v5  }
0x22e: {  	v19 =	vld [tilespmem:s29+$0xFFFFFC80];
	_ =	sdelay $0x2  }
0x22f: {  	v20 =	vperm.xlane v5, v0;
	_ =	sdelay $0x1  }
0x230: {  	v6 =	vmul.f32 v19, v20  }
0x231: {  	s31 =	spop (v2sf)  }
0x232: {  	[tilespmem:s31+$0xB180] =	vst.add.f32.msk $0xffff, v6  }
0x233: {  	v6 =	vld [tilespmem:s29+$0xFFFFFC90];
	_ =	sdelay $0x4  }
0x234: {  	v6 =	vmul.f32 v6, v20;
	_ =	sdelay $0x1  }
0x235: {  	[tilespmem:s31+$0xB190] =	vst.add.f32.msk $0xffff, v6  }
0x236: {  	v6 =	vld [tilespmem:s29+$0xFFFFFCA0]  }
0x237: {  	(v2sf) =	vpush v4, $0x2;
	_ =	sdelay $0x1  }
0x238: {  	v5 =	vperm.xlane v5, v1;
	_ =	sdelay $0x1  }
0x239: {  	v6 =	vmul.f32 v6, v5;
	_ =	sdelay $0x1  }
0x23a: {  	[tilespmem:s31+$0xB1A0] =	vst.add.f32.msk $0xffff, v6  }
0x23b: {  	v6 =	vld [tilespmem:s29+$0xFFFFFCB0];
	_ =	sdelay $0x4  }
0x23c: {  	v5 =	vmul.f32 v6, v5;
	_ =	sdelay $0x1  }
0x23d: {  	[tilespmem:s31+$0xB1B0] =	vst.add.f32.msk $0xffff, v5  }
0x23e: {  	s31 =	spop (v2sf);
	v5 =	vld [tilespmem:s29+$0xFFFFFD40]  }
0x23f: {  	v21 =	vld [tilespmem:s31+$0x7180];
	_ =	sdelay $0x4  }
0x240: {  	v5 =	vadd.f32 v21, v5;
	_ =	sdelay $0x1  }
0x241: {  	v6 =	vmul.f32 $2.000000030e-01, v5;
	_ =	sdelay $0x1  }
0x242: {  	v5 =	vmax.f32 v5, v6  }
0x243: {  	v5 =	vmul.f32 $1.442695020e+00, v5;
	_ =	sdelay $0x1  }
0x244: {  	(erf) = vpow2.f32 v5;
	_ =	sdelay $0x1  }
0x245: {  	(v2sf) =	vpush v3, $0x2;
	_ =	sdelay $0x6  }
0x246: {  	v5 =	vpop (erf)  }
0x247: {  	[tilespmem:s31+$0x1B180] =	vst.add.f32.msk $0xffff, v5  }
0x248: {  	v22 =	vld [tilespmem:s29+$0xFFFFFD00];
	_ =	sdelay $0x2  }
0x249: {  	v23 =	vperm.xlane v5, v0;
	_ =	sdelay $0x1  }
0x24a: {  	v6 =	vmul.f32 v22, v23  }
0x24b: {  	s31 =	spop (v2sf)  }
0x24c: {  	[tilespmem:s31+$0xB180] =	vst.add.f32.msk $0xffff, v6  }
0x24d: {  	v6 =	vld [tilespmem:s29+$0xFFFFFD10];
	_ =	sdelay $0x4  }
0x24e: {  	v6 =	vmul.f32 v6, v23;
	_ =	sdelay $0x1  }
0x24f: {  	[tilespmem:s31+$0xB190] =	vst.add.f32.msk $0xffff, v6  }
0x250: {  	v6 =	vld [tilespmem:s29+$0xFFFFFD20]  }
0x251: {  	(v2sf) =	vpush v4, $0x3;
	_ =	sdelay $0x1  }
0x252: {  	v5 =	vperm.xlane v5, v1;
	_ =	sdelay $0x1  }
0x253: {  	v6 =	vmul.f32 v6, v5;
	_ =	sdelay $0x1  }
0x254: {  	[tilespmem:s31+$0xB1A0] =	vst.add.f32.msk $0xffff, v6  }
0x255: {  	v6 =	vld [tilespmem:s29+$0xFFFFFD30];
	_ =	sdelay $0x4  }
0x256: {  	v5 =	vmul.f32 v6, v5;
	_ =	sdelay $0x1  }
0x257: {  	[tilespmem:s31+$0xB1B0] =	vst.add.f32.msk $0xffff, v5  }
0x258: {  	s31 =	spop (v2sf);
	v5 =	vld [tilespmem:s29+$0xFFFFFDC0]  }
0x259: {  	v24 =	vld [tilespmem:s31+$0x7180];
	_ =	sdelay $0x4  }
0x25a: {  	v5 =	vadd.f32 v24, v5;
	_ =	sdelay $0x1  }
0x25b: {  	v6 =	vmul.f32 $2.000000030e-01, v5;
	_ =	sdelay $0x1  }
0x25c: {  	v5 =	vmax.f32 v5, v6  }
0x25d: {  	v5 =	vmul.f32 $1.442695020e+00, v5;
	_ =	sdelay $0x1  }
0x25e: {  	(erf) = vpow2.f32 v5;
	_ =	sdelay $0x1  }
0x25f: {  	(v2sf) =	vpush v3, $0x3;
	_ =	sdelay $0x6  }
0x260: {  	v5 =	vpop (erf)  }
0x261: {  	[tilespmem:s31+$0x1B180] =	vst.add.f32.msk $0xffff, v5  }
0x262: {  	v25 =	vld [tilespmem:s29+$0xFFFFFD80];
	_ =	sdelay $0x2  }
0x263: {  	v26 =	vperm.xlane v5, v0;
	_ =	sdelay $0x1  }
0x264: {  	v6 =	vmul.f32 v25, v26  }
0x265: {  	s31 =	spop (v2sf)  }
0x266: {  	[tilespmem:s31+$0xB180] =	vst.add.f32.msk $0xffff, v6  }
0x267: {  	v6 =	vld [tilespmem:s29+$0xFFFFFD90];
	_ =	sdelay $0x4  }
0x268: {  	v6 =	vmul.f32 v6, v26;
	_ =	sdelay $0x1  }
0x269: {  	[tilespmem:s31+$0xB190] =	vst.add.f32.msk $0xffff, v6  }
0x26a: {  	v6 =	vld [tilespmem:s29+$0xFFFFFDA0]  }
0x26b: {  	(v2sf) =	vpush v4, $0x4;
	_ =	sdelay $0x1  }
0x26c: {  	v5 =	vperm.xlane v5, v1;
	_ =	sdelay $0x1  }
0x26d: {  	v6 =	vmul.f32 v6, v5;
	_ =	sdelay $0x1  }
0x26e: {  	[tilespmem:s31+$0xB1A0] =	vst.add.f32.msk $0xffff, v6  }
0x26f: {  	v6 =	vld [tilespmem:s29+$0xFFFFFDB0];
	_ =	sdelay $0x4  }
0x270: {  	v5 =	vmul.f32 v6, v5;
	_ =	sdelay $0x1  }
0x271: {  	[tilespmem:s31+$0xB1B0] =	vst.add.f32.msk $0xffff, v5  }
0x272: {  	s31 =	spop (v2sf);
	v5 =	vld [tilespmem:s29+$0xFFFFFE40]  }
0x273: {  	v27 =	vld [tilespmem:s31+$0x7180];
	_ =	sdelay $0x4  }
0x274: {  	v5 =	vadd.f32 v27, v5;
	_ =	sdelay $0x1  }
0x275: {  	v6 =	vmul.f32 $2.000000030e-01, v5;
	_ =	sdelay $0x1  }
0x276: {  	v5 =	vmax.f32 v5, v6  }
0x277: {  	v5 =	vmul.f32 $1.442695020e+00, v5;
	_ =	sdelay $0x1  }
0x278: {  	(erf) = vpow2.f32 v5;
	_ =	sdelay $0x1  }
0x279: {  	(v2sf) =	vpush v3, $0x4;
	_ =	sdelay $0x6  }
0x27a: {  	v5 =	vpop (erf)  }
0x27b: {  	[tilespmem:s31+$0x1B180] =	vst.add.f32.msk $0xffff, v5  }
0x27c: {  	v28 =	vld [tilespmem:s29+$0xFFFFFE00];
	_ =	sdelay $0x2  }
0x27d: {  	v29 =	vperm.xlane v5, v0;
	_ =	sdelay $0x1  }
0x27e: {  	v6 =	vmul.f32 v28, v29  }
0x27f: {  	s31 =	spop (v2sf)  }
0x280: {  	[tilespmem:s31+$0xB180] =	vst.add.f32.msk $0xffff, v6  }
0x281: {  	v6 =	vld [tilespmem:s29+$0xFFFFFE10];
	_ =	sdelay $0x4  }
0x282: {  	v6 =	vmul.f32 v6, v29;
	_ =	sdelay $0x1  }
0x283: {  	[tilespmem:s31+$0xB190] =	vst.add.f32.msk $0xffff, v6  }
0x284: {  	v6 =	vld [tilespmem:s29+$0xFFFFFE20]  }
0x285: {  	(v2sf) =	vpush v4, $0x5;
	_ =	sdelay $0x1  }
0x286: {  	v5 =	vperm.xlane v5, v1;
	_ =	sdelay $0x1  }
0x287: {  	v6 =	vmul.f32 v6, v5;
	_ =	sdelay $0x1  }
0x288: {  	[tilespmem:s31+$0xB1A0] =	vst.add.f32.msk $0xffff, v6  }
0x289: {  	v6 =	vld [tilespmem:s29+$0xFFFFFE30];
	_ =	sdelay $0x4  }
0x28a: {  	v5 =	vmul.f32 v6, v5;
	_ =	sdelay $0x1  }
0x28b: {  	[tilespmem:s31+$0xB1B0] =	vst.add.f32.msk $0xffff, v5  }
0x28c: {  	s31 =	spop (v2sf);
	v5 =	vld [tilespmem:s29+$0xFFFFFEC0]  }
0x28d: {  	v30 =	vld [tilespmem:s31+$0x7180];
	_ =	sdelay $0x4  }
0x28e: {  	v5 =	vadd.f32 v30, v5;
	_ =	sdelay $0x1  }
0x28f: {  	v6 =	vmul.f32 $2.000000030e-01, v5;
	_ =	sdelay $0x1  }
0x290: {  	v5 =	vmax.f32 v5, v6  }
0x291: {  	v5 =	vmul.f32 $1.442695020e+00, v5;
	_ =	sdelay $0x1  }
0x292: {  	(erf) = vpow2.f32 v5;
	_ =	sdelay $0x1  }
0x293: {  	(v2sf) =	vpush v3, $0x5;
	_ =	sdelay $0x6  }
0x294: {  	v5 =	vpop (erf)  }
0x295: {  	[tilespmem:s31+$0x1B180] =	vst.add.f32.msk $0xffff, v5  }
0x296: {  	v31 =	vld [tilespmem:s29+$0xFFFFFE80];
	_ =	sdelay $0x2  }
0x297: {  	v32 =	vperm.xlane v5, v0;
	_ =	sdelay $0x1  }
0x298: {  	v6 =	vmul.f32 v31, v32  }
0x299: {  	s31 =	spop (v2sf)  }
0x29a: {  	[tilespmem:s31+$0xB180] =	vst.add.f32.msk $0xffff, v6  }
0x29b: {  	v6 =	vld [tilespmem:s29+$0xFFFFFE90];
	_ =	sdelay $0x4  }
0x29c: {  	v6 =	vmul.f32 v6, v32;
	_ =	sdelay $0x1  }
0x29d: {  	[tilespmem:s31+$0xB190] =	vst.add.f32.msk $0xffff, v6  }
0x29e: {  	v6 =	vld [tilespmem:s29+$0xFFFFFEA0]  }
0x29f: {  	(v2sf) =	vpush v4, $0x6;
	_ =	sdelay $0x1  }
0x2a0: {  	v5 =	vperm.xlane v5, v1;
	_ =	sdelay $0x1  }
0x2a1: {  	v6 =	vmul.f32 v6, v5;
	_ =	sdelay $0x1  }
0x2a2: {  	[tilespmem:s31+$0xB1A0] =	vst.add.f32.msk $0xffff, v6  }
0x2a3: {  	v6 =	vld [tilespmem:s29+$0xFFFFFEB0];
	_ =	sdelay $0x4  }
0x2a4: {  	v5 =	vmul.f32 v6, v5;
	_ =	sdelay $0x1  }
0x2a5: {  	[tilespmem:s31+$0xB1B0] =	vst.add.f32.msk $0xffff, v5  }
0x2a6: {  	s31 =	spop (v2sf);
	v5 =	vld [tilespmem:s29+$0xFFFFFF40]  }
0x2a7: {  	v33 =	vld [tilespmem:s31+$0x7180];
	_ =	sdelay $0x4  }
0x2a8: {  	v5 =	vadd.f32 v33, v5;
	_ =	sdelay $0x1  }
0x2a9: {  	v6 =	vmul.f32 $2.000000030e-01, v5;
	_ =	sdelay $0x1  }
0x2aa: {  	v5 =	vmax.f32 v5, v6  }
0x2ab: {  	v5 =	vmul.f32 $1.442695020e+00, v5;
	_ =	sdelay $0x1  }
0x2ac: {  	(erf) = vpow2.f32 v5;
	_ =	sdelay $0x1  }
0x2ad: {  	(v2sf) =	vpush v3, $0x6;
	_ =	sdelay $0x6  }
0x2ae: {  	v5 =	vpop (erf)  }
0x2af: {  	[tilespmem:s31+$0x1B180] =	vst.add.f32.msk $0xffff, v5  }
0x2b0: {  	v34 =	vld [tilespmem:s29+$0xFFFFFF00];
	_ =	sdelay $0x2  }
0x2b1: {  	v35 =	vperm.xlane v5, v0;
	_ =	sdelay $0x1  }
0x2b2: {  	v6 =	vmul.f32 v34, v35  }
0x2b3: {  	s31 =	spop (v2sf)  }
0x2b4: {  	[tilespmem:s31+$0xB180] =	vst.add.f32.msk $0xffff, v6  }
0x2b5: {  	v6 =	vld [tilespmem:s29+$0xFFFFFF10];
	_ =	sdelay $0x4  }
0x2b6: {  	v6 =	vmul.f32 v6, v35;
	_ =	sdelay $0x1  }
0x2b7: {  	[tilespmem:s31+$0xB190] =	vst.add.f32.msk $0xffff, v6  }
0x2b8: {  	v6 =	vld [tilespmem:s29+$0xFFFFFF20]  }
0x2b9: {  	(v2sf) =	vpush v4, $0x7;
	_ =	sdelay $0x1  }
0x2ba: {  	v5 =	vperm.xlane v5, v1;
	_ =	sdelay $0x1  }
0x2bb: {  	v6 =	vmul.f32 v6, v5;
	_ =	sdelay $0x1  }
0x2bc: {  	[tilespmem:s31+$0xB1A0] =	vst.add.f32.msk $0xffff, v6  }
0x2bd: {  	v6 =	vld [tilespmem:s29+$0xFFFFFF30];
	_ =	sdelay $0x4  }
0x2be: {  	v5 =	vmul.f32 v6, v5;
	_ =	sdelay $0x1  }
0x2bf: {  	[tilespmem:s31+$0xB1B0] =	vst.add.f32.msk $0xffff, v5  }
0x2c0: {  	s31 =	spop (v2sf);
	v5 =	vld [tilespmem:s29+$0xFFFFFFC0]  }
0x2c1: {  	v36 =	vld [tilespmem:s31+$0x7180];
	_ =	sdelay $0x4  }
0x2c2: {  	v5 =	vadd.f32 v36, v5;
	_ =	sdelay $0x1  }
0x2c3: {  	v6 =	vmul.f32 $2.000000030e-01, v5;
	_ =	sdelay $0x1  }
0x2c4: {  	v5 =	vmax.f32 v5, v6  }
0x2c5: {  	v5 =	vmul.f32 $1.442695020e+00, v5;
	_ =	sdelay $0x1  }
0x2c6: {  	(erf) = vpow2.f32 v5;
	_ =	sdelay $0x1  }
0x2c7: {  	(v2sf) =	vpush v3, $0x7;
	_ =	sdelay $0x6  }
0x2c8: {  	v5 =	vpop (erf)  }
0x2c9: {  	[tilespmem:s31+$0x1B180] =	vst.add.f32.msk $0xffff, v5  }
0x2ca: {  	v37 =	vld [tilespmem:s29+$0xFFFFFF80];
	_ =	sdelay $0x2  }
0x2cb: {  	v38 =	vperm.xlane v5, v0;
	_ =	sdelay $0x1  }
0x2cc: {  	v6 =	vmul.f32 v37, v38  }
0x2cd: {  	s31 =	spop (v2sf)  }
0x2ce: {  	[tilespmem:s31+$0xB180] =	vst.add.f32.msk $0xffff, v6  }
0x2cf: {  	v6 =	vld [tilespmem:s29+$0xFFFFFF90];
	_ =	sdelay $0x4  }
0x2d0: {  	v6 =	vmul.f32 v6, v38;
	_ =	sdelay $0x1  }
0x2d1: {  	[tilespmem:s31+$0xB190] =	vst.add.f32.msk $0xffff, v6  }
0x2d2: {  	v6 =	vld [tilespmem:s29+$0xFFFFFFA0]  }
0x2d3: {  	(v2sf) =	vpush v4, $0x8;
	_ =	sdelay $0x1  }
0x2d4: {  	v5 =	vperm.xlane v5, v1;
	_ =	sdelay $0x1  }
0x2d5: {  	v6 =	vmul.f32 v6, v5;
	_ =	sdelay $0x1  }
0x2d6: {  	[tilespmem:s31+$0xB1A0] =	vst.add.f32.msk $0xffff, v6  }
0x2d7: {  	v6 =	vld [tilespmem:s29+$0xFFFFFFB0];
	_ =	sdelay $0x4  }
0x2d8: {  	v5 =	vmul.f32 v6, v5;
	_ =	sdelay $0x1  }
0x2d9: {  	[tilespmem:s31+$0xB1B0] =	vst.add.f32.msk $0xffff, v5  }
0x2da: {  	s31 =	spop (v2sf);
	v5 =	vld [tilespmem:s29+$0x40]  }
0x2db: {  	v39 =	vld [tilespmem:s31+$0x7180];
	_ =	sdelay $0x4  }
0x2dc: {  	v5 =	vadd.f32 v39, v5;
	_ =	sdelay $0x1  }
0x2dd: {  	v6 =	vmul.f32 $2.000000030e-01, v5;
	_ =	sdelay $0x1  }
0x2de: {  	v5 =	vmax.f32 v5, v6  }
0x2df: {  	v5 =	vmul.f32 $1.442695020e+00, v5;
	_ =	sdelay $0x1  }
0x2e0: {  	(erf) = vpow2.f32 v5;
	_ =	sdelay $0x1  }
0x2e1: {  	(v2sf) =	vpush v3, $0x8;
	_ =	sdelay $0x6  }
0x2e2: {  	v5 =	vpop (erf)  }
0x2e3: {  	[tilespmem:s31+$0x1B180] =	vst.add.f32.msk $0xffff, v5  }
0x2e4: {  	v40 =	vld [tilespmem:s29+$0x0];
	_ =	sdelay $0x2  }
0x2e5: {  	v41 =	vperm.xlane v5, v0;
	_ =	sdelay $0x1  }
0x2e6: {  	v6 =	vmul.f32 v40, v41  }
0x2e7: {  	s31 =	spop (v2sf)  }
0x2e8: {  	[tilespmem:s31+$0xB180] =	vst.add.f32.msk $0xffff, v6  }
0x2e9: {  	v6 =	vld [tilespmem:s29+$0x10];
	_ =	sdelay $0x4  }
0x2ea: {  	v6 =	vmul.f32 v6, v41;
	_ =	sdelay $0x1  }
0x2eb: {  	[tilespmem:s31+$0xB190] =	vst.add.f32.msk $0xffff, v6  }
0x2ec: {  	v6 =	vld [tilespmem:s29+$0x20]  }
0x2ed: {  	(v2sf) =	vpush v4, $0x9;
	_ =	sdelay $0x1  }
0x2ee: {  	v5 =	vperm.xlane v5, v1;
	_ =	sdelay $0x1  }
0x2ef: {  	v6 =	vmul.f32 v6, v5;
	_ =	sdelay $0x1  }
0x2f0: {  	[tilespmem:s31+$0xB1A0] =	vst.add.f32.msk $0xffff, v6  }
0x2f1: {  	v6 =	vld [tilespmem:s29+$0x30];
	_ =	sdelay $0x4  }
0x2f2: {  	v5 =	vmul.f32 v6, v5;
	_ =	sdelay $0x1  }
0x2f3: {  	[tilespmem:s31+$0xB1B0] =	vst.add.f32.msk $0xffff, v5  }
0x2f4: {  	s31 =	spop (v2sf);
	v5 =	vld [tilespmem:s29+$0xC0]  }
0x2f5: {  	v42 =	vld [tilespmem:s31+$0x7180];
	_ =	sdelay $0x4  }
0x2f6: {  	v5 =	vadd.f32 v42, v5;
	_ =	sdelay $0x1  }
0x2f7: {  	v6 =	vmul.f32 $2.000000030e-01, v5;
	_ =	sdelay $0x1  }
0x2f8: {  	v5 =	vmax.f32 v5, v6  }
0x2f9: {  	v5 =	vmul.f32 $1.442695020e+00, v5;
	_ =	sdelay $0x1  }
0x2fa: {  	(erf) = vpow2.f32 v5;
	_ =	sdelay $0x1  }
0x2fb: {  	(v2sf) =	vpush v3, $0x9;
	_ =	sdelay $0x6  }
0x2fc: {  	v5 =	vpop (erf)  }
0x2fd: {  	[tilespmem:s31+$0x1B180] =	vst.add.f32.msk $0xffff, v5  }
0x2fe: {  	v43 =	vld [tilespmem:s29+$0x80];
	_ =	sdelay $0x2  }
0x2ff: {  	v44 =	vperm.xlane v5, v0;
	_ =	sdelay $0x1  }
0x300: {  	v6 =	vmul.f32 v43, v44  }
0x301: {  	s31 =	spop (v2sf)  }
0x302: {  	[tilespmem:s31+$0xB180] =	vst.add.f32.msk $0xffff, v6  }
0x303: {  	v6 =	vld [tilespmem:s29+$0x90];
	_ =	sdelay $0x4  }
0x304: {  	v6 =	vmul.f32 v6, v44;
	_ =	sdelay $0x1  }
0x305: {  	[tilespmem:s31+$0xB190] =	vst.add.f32.msk $0xffff, v6  }
0x306: {  	v6 =	vld [tilespmem:s29+$0xA0]  }
0x307: {  	(v2sf) =	vpush v4, $0xA;
	_ =	sdelay $0x1  }
0x308: {  	v5 =	vperm.xlane v5, v1;
	_ =	sdelay $0x1  }
0x309: {  	v6 =	vmul.f32 v6, v5;
	_ =	sdelay $0x1  }
0x30a: {  	[tilespmem:s31+$0xB1A0] =	vst.add.f32.msk $0xffff, v6  }
0x30b: {  	v6 =	vld [tilespmem:s29+$0xB0];
	_ =	sdelay $0x4  }
0x30c: {  	v5 =	vmul.f32 v6, v5;
	_ =	sdelay $0x1  }
0x30d: {  	[tilespmem:s31+$0xB1B0] =	vst.add.f32.msk $0xffff, v5  }
0x30e: {  	s31 =	spop (v2sf);
	v5 =	vld [tilespmem:s29+$0x140]  }
0x30f: {  	v45 =	vld [tilespmem:s31+$0x7180];
	_ =	sdelay $0x4  }
0x310: {  	v5 =	vadd.f32 v45, v5;
	_ =	sdelay $0x1  }
0x311: {  	v6 =	vmul.f32 $2.000000030e-01, v5;
	_ =	sdelay $0x1  }
0x312: {  	v5 =	vmax.f32 v5, v6  }
0x313: {  	v5 =	vmul.f32 $1.442695020e+00, v5;
	_ =	sdelay $0x1  }
0x314: {  	(erf) = vpow2.f32 v5;
	_ =	sdelay $0x1  }
0x315: {  	(v2sf) =	vpush v3, $0xA;
	_ =	sdelay $0x6  }
0x316: {  	v5 =	vpop (erf)  }
0x317: {  	[tilespmem:s31+$0x1B180] =	vst.add.f32.msk $0xffff, v5  }
0x318: {  	v46 =	vld [tilespmem:s29+$0x100];
	_ =	sdelay $0x2  }
0x319: {  	v47 =	vperm.xlane v5, v0;
	_ =	sdelay $0x1  }
0x31a: {  	v6 =	vmul.f32 v46, v47  }
0x31b: {  	s31 =	spop (v2sf)  }
0x31c: {  	[tilespmem:s31+$0xB180] =	vst.add.f32.msk $0xffff, v6  }
0x31d: {  	v6 =	vld [tilespmem:s29+$0x110];
	_ =	sdelay $0x4  }
0x31e: {  	v6 =	vmul.f32 v6, v47;
	_ =	sdelay $0x1  }
0x31f: {  	[tilespmem:s31+$0xB190] =	vst.add.f32.msk $0xffff, v6  }
0x320: {  	v6 =	vld [tilespmem:s29+$0x120]  }
0x321: {  	(v2sf) =	vpush v4, $0xB;
	_ =	sdelay $0x1  }
0x322: {  	v5 =	vperm.xlane v5, v1;
	_ =	sdelay $0x1  }
0x323: {  	v6 =	vmul.f32 v6, v5;
	_ =	sdelay $0x1  }
0x324: {  	[tilespmem:s31+$0xB1A0] =	vst.add.f32.msk $0xffff, v6  }
0x325: {  	v6 =	vld [tilespmem:s29+$0x130];
	_ =	sdelay $0x4  }
0x326: {  	v5 =	vmul.f32 v6, v5;
	_ =	sdelay $0x1  }
0x327: {  	[tilespmem:s31+$0xB1B0] =	vst.add.f32.msk $0xffff, v5  }
0x328: {  	s31 =	spop (v2sf);
	v5 =	vld [tilespmem:s29+$0x1C0]  }
0x329: {  	v48 =	vld [tilespmem:s31+$0x7180];
	_ =	sdelay $0x4  }
0x32a: {  	v5 =	vadd.f32 v48, v5;
	_ =	sdelay $0x1  }
0x32b: {  	v6 =	vmul.f32 $2.000000030e-01, v5;
	_ =	sdelay $0x1  }
0x32c: {  	v5 =	vmax.f32 v5, v6  }
0x32d: {  	v5 =	vmul.f32 $1.442695020e+00, v5;
	_ =	sdelay $0x1  }
0x32e: {  	(erf) = vpow2.f32 v5;
	_ =	sdelay $0x1  }
0x32f: {  	(v2sf) =	vpush v3, $0xB;
	_ =	sdelay $0x6  }
0x330: {  	v5 =	vpop (erf)  }
0x331: {  	[tilespmem:s31+$0x1B180] =	vst.add.f32.msk $0xffff, v5  }
0x332: {  	v49 =	vld [tilespmem:s29+$0x180];
	_ =	sdelay $0x2  }
0x333: {  	v50 =	vperm.xlane v5, v0;
	_ =	sdelay $0x1  }
0x334: {  	v6 =	vmul.f32 v49, v50  }
0x335: {  	s31 =	spop (v2sf)  }
0x336: {  	[tilespmem:s31+$0xB180] =	vst.add.f32.msk $0xffff, v6  }
0x337: {  	v6 =	vld [tilespmem:s29+$0x190];
	_ =	sdelay $0x4  }
0x338: {  	v6 =	vmul.f32 v6, v50;
	_ =	sdelay $0x1  }
0x339: {  	[tilespmem:s31+$0xB190] =	vst.add.f32.msk $0xffff, v6  }
0x33a: {  	v6 =	vld [tilespmem:s29+$0x1A0]  }
0x33b: {  	(v2sf) =	vpush v4, $0xC;
	_ =	sdelay $0x1  }
0x33c: {  	v5 =	vperm.xlane v5, v1;
	_ =	sdelay $0x1  }
0x33d: {  	v6 =	vmul.f32 v6, v5;
	_ =	sdelay $0x1  }
0x33e: {  	[tilespmem:s31+$0xB1A0] =	vst.add.f32.msk $0xffff, v6  }
0x33f: {  	v6 =	vld [tilespmem:s29+$0x1B0];
	_ =	sdelay $0x4  }
0x340: {  	v5 =	vmul.f32 v6, v5;
	_ =	sdelay $0x1  }
0x341: {  	[tilespmem:s31+$0xB1B0] =	vst.add.f32.msk $0xffff, v5  }
0x342: {  	s31 =	spop (v2sf);
	v5 =	vld [tilespmem:s29+$0x240]  }
0x343: {  	v51 =	vld [tilespmem:s31+$0x7180];
	_ =	sdelay $0x4  }
0x344: {  	v5 =	vadd.f32 v51, v5;
	_ =	sdelay $0x1  }
0x345: {  	v6 =	vmul.f32 $2.000000030e-01, v5;
	_ =	sdelay $0x1  }
0x346: {  	v5 =	vmax.f32 v5, v6  }
0x347: {  	v5 =	vmul.f32 $1.442695020e+00, v5;
	_ =	sdelay $0x1  }
0x348: {  	(erf) = vpow2.f32 v5;
	_ =	sdelay $0x1  }
0x349: {  	(v2sf) =	vpush v3, $0xC;
	_ =	sdelay $0x6  }
0x34a: {  	v5 =	vpop (erf)  }
0x34b: {  	[tilespmem:s31+$0x1B180] =	vst.add.f32.msk $0xffff, v5  }
0x34c: {  	v52 =	vld [tilespmem:s29+$0x200];
	_ =	sdelay $0x2  }
0x34d: {  	v53 =	vperm.xlane v5, v0;
	_ =	sdelay $0x1  }
0x34e: {  	v6 =	vmul.f32 v52, v53  }
0x34f: {  	s31 =	spop (v2sf)  }
0x350: {  	[tilespmem:s31+$0xB180] =	vst.add.f32.msk $0xffff, v6  }
0x351: {  	v6 =	vld [tilespmem:s29+$0x210];
	_ =	sdelay $0x4  }
0x352: {  	v6 =	vmul.f32 v6, v53;
	_ =	sdelay $0x1  }
0x353: {  	[tilespmem:s31+$0xB190] =	vst.add.f32.msk $0xffff, v6  }
0x354: {  	v6 =	vld [tilespmem:s29+$0x220]  }
0x355: {  	(v2sf) =	vpush v4, $0xD;
	_ =	sdelay $0x1  }
0x356: {  	v5 =	vperm.xlane v5, v1;
	_ =	sdelay $0x1  }
0x357: {  	v6 =	vmul.f32 v6, v5;
	_ =	sdelay $0x1  }
0x358: {  	[tilespmem:s31+$0xB1A0] =	vst.add.f32.msk $0xffff, v6  }
0x359: {  	v6 =	vld [tilespmem:s29+$0x230];
	_ =	sdelay $0x4  }
0x35a: {  	v5 =	vmul.f32 v6, v5;
	_ =	sdelay $0x1  }
0x35b: {  	[tilespmem:s31+$0xB1B0] =	vst.add.f32.msk $0xffff, v5  }
0x35c: {  	s31 =	spop (v2sf);
	v5 =	vld [tilespmem:s29+$0x2C0]  }
0x35d: {  	v54 =	vld [tilespmem:s31+$0x7180];
	_ =	sdelay $0x4  }
0x35e: {  	v5 =	vadd.f32 v54, v5;
	_ =	sdelay $0x1  }
0x35f: {  	v6 =	vmul.f32 $2.000000030e-01, v5;
	_ =	sdelay $0x1  }
0x360: {  	v5 =	vmax.f32 v5, v6  }
0x361: {  	v5 =	vmul.f32 $1.442695020e+00, v5;
	_ =	sdelay $0x1  }
0x362: {  	(erf) = vpow2.f32 v5;
	_ =	sdelay $0x1  }
0x363: {  	(v2sf) =	vpush v3, $0xD;
	_ =	sdelay $0x6  }
0x364: {  	v5 =	vpop (erf)  }
0x365: {  	[tilespmem:s31+$0x1B180] =	vst.add.f32.msk $0xffff, v5  }
0x366: {  	v55 =	vld [tilespmem:s29+$0x280];
	_ =	sdelay $0x2  }
0x367: {  	v56 =	vperm.xlane v5, v0;
	_ =	sdelay $0x1  }
0x368: {  	v6 =	vmul.f32 v55, v56  }
0x369: {  	s31 =	spop (v2sf)  }
0x36a: {  	[tilespmem:s31+$0xB180] =	vst.add.f32.msk $0xffff, v6  }
0x36b: {  	v6 =	vld [tilespmem:s29+$0x290];
	_ =	sdelay $0x4  }
0x36c: {  	v6 =	vmul.f32 v6, v56;
	_ =	sdelay $0x1  }
0x36d: {  	[tilespmem:s31+$0xB190] =	vst.add.f32.msk $0xffff, v6  }
0x36e: {  	v6 =	vld [tilespmem:s29+$0x2A0]  }
0x36f: {  	(v2sf) =	vpush v4, $0xE;
	_ =	sdelay $0x1  }
0x370: {  	v5 =	vperm.xlane v5, v1;
	_ =	sdelay $0x1  }
0x371: {  	v6 =	vmul.f32 v6, v5;
	_ =	sdelay $0x1  }
0x372: {  	[tilespmem:s31+$0xB1A0] =	vst.add.f32.msk $0xffff, v6  }
0x373: {  	v6 =	vld [tilespmem:s29+$0x2B0];
	_ =	sdelay $0x4  }
0x374: {  	v5 =	vmul.f32 v6, v5;
	_ =	sdelay $0x1  }
0x375: {  	[tilespmem:s31+$0xB1B0] =	vst.add.f32.msk $0xffff, v5  }
0x376: {  	s31 =	spop (v2sf);
	v5 =	vld [tilespmem:s29+$0x340]  }
0x377: {  	v57 =	vld [tilespmem:s31+$0x7180];
	_ =	sdelay $0x4  }
0x378: {  	v5 =	vadd.f32 v57, v5;
	_ =	sdelay $0x1  }
0x379: {  	v6 =	vmul.f32 $2.000000030e-01, v5;
	_ =	sdelay $0x1  }
0x37a: {  	v5 =	vmax.f32 v5, v6  }
0x37b: {  	v5 =	vmul.f32 $1.442695020e+00, v5;
	_ =	sdelay $0x1  }
0x37c: {  	(erf) = vpow2.f32 v5;
	_ =	sdelay $0x1  }
0x37d: {  	(v2sf) =	vpush v3, $0xE;
	_ =	sdelay $0x6  }
0x37e: {  	v5 =	vpop (erf)  }
0x37f: {  	[tilespmem:s31+$0x1B180] =	vst.add.f32.msk $0xffff, v5  }
0x380: {  	v58 =	vld [tilespmem:s29+$0x300];
	_ =	sdelay $0x2  }
0x381: {  	v59 =	vperm.xlane v5, v0;
	_ =	sdelay $0x1  }
0x382: {  	v6 =	vmul.f32 v58, v59  }
0x383: {  	s31 =	spop (v2sf)  }
0x384: {  	[tilespmem:s31+$0xB180] =	vst.add.f32.msk $0xffff, v6  }
0x385: {  	v6 =	vld [tilespmem:s29+$0x310];
	_ =	sdelay $0x4  }
0x386: {  	v6 =	vmul.f32 v6, v59;
	_ =	sdelay $0x1  }
0x387: {  	[tilespmem:s31+$0xB190] =	vst.add.f32.msk $0xffff, v6  }
0x388: {  	v6 =	vld [tilespmem:s29+$0x320]  }
0x389: {  	(v2sf) =	vpush v4, $0xF;
	_ =	sdelay $0x1  }
0x38a: {  	v60 =	vperm.xlane v5, v1;
	_ =	sdelay $0x1  }
0x38b: {  	v5 =	vmul.f32 v6, v60;
	_ =	sdelay $0x1  }
0x38c: {  	[tilespmem:s31+$0xB1A0] =	vst.add.f32.msk $0xffff, v5  }
0x38d: {  	v5 =	vld [tilespmem:s29+$0x330];
	_ =	sdelay $0x4  }
0x38e: {  	v4 =	vmul.f32 v5, v60;
	_ =	sdelay $0x1  }
0x38f: {  	[tilespmem:s31+$0xB1B0] =	vst.add.f32.msk $0xffff, v4  }
0x390: {  	s31 =	spop (v2sf);
	v4 =	vld [tilespmem:s29+$0x3C0]  }
0x391: {  	v61 =	vld [tilespmem:s31+$0x7180];
	_ =	sdelay $0x4  }
0x392: {  	v4 =	vadd.f32 v61, v4;
	_ =	sdelay $0x1  }
0x393: {  	v5 =	vmul.f32 $2.000000030e-01, v4;
	_ =	sdelay $0x1  }
0x394: {  	v4 =	vmax.f32 v4, v5  }
0x395: {  	v4 =	vmul.f32 $1.442695020e+00, v4;
	_ =	sdelay $0x1  }
0x396: {  	(erf) = vpow2.f32 v4;
	_ =	sdelay $0x1  }
0x397: {  	(v2sf) =	vpush v3, $0xF;
	_ =	sdelay $0x6  }
0x398: {  	v3 =	vpop (erf)  }
0x399: {  	[tilespmem:s31+$0x1B180] =	vst.add.f32.msk $0xffff, v3  }
0x39a: {  	v62 =	vld [tilespmem:s29+$0x380];
	_ =	sdelay $0x2  }
0x39b: {  	v63 =	vperm.xlane v3, v0;
	_ =	sdelay $0x1  }
0x39c: {  	v4 =	vmul.f32 v62, v63  }
0x39d: {  	s31 =	spop (v2sf)  }
0x39e: {  	[tilespmem:s31+$0xB180] =	vst.add.f32.msk $0xffff, v4  }
0x39f: {  	v4 =	vld [tilespmem:s29+$0x390];
	_ =	sdelay $0x4  }
0x3a0: {  	v4 =	vmul.f32 v4, v63;
	_ =	sdelay $0x1  }
0x3a1: {  	[tilespmem:s31+$0xB190] =	vst.add.f32.msk $0xffff, v4  }
0x3a2: {  	v4 =	vld [tilespmem:s29+$0x3A0];
	_ =	sdelay $0x2  }
0x3a3: {  	v3 =	vperm.xlane v3, v1;
	_ =	sdelay $0x1  }
0x3a4: {  	v4 =	vmul.f32 v4, v3;
	_ =	sdelay $0x1  }
0x3a5: {  	[tilespmem:s31+$0xB1A0] =	vst.add.f32.msk $0xffff, v4  }
0x3a6: {  	v4 =	vld [tilespmem:s29+$0x3B0];
	_ =	sdelay $0x1  }
0x3a7: {  	p0 =	sne.s32 s28, $0x100  }
.Ltmp1:
0x3a8: {  	_ = 	snop;
	(pc) =	sbr.rel @p0 .LBB2_5-.Ltmp1, $3  }
0x3a9: {  	_ = 	snop  }
0x3aa: {  	v3 =	vmul.f32 v4, v3;
	_ =	sdelay $0x1  }
0x3ab: {  	s28 =	sadd.s32 $0x40, s28;
	s29 =	sadd.s32 $0x800, s29;
	[tilespmem:s31+$0xB1B0] =	vst.add.f32.msk $0xffff, v3  }
0x3ac: {  	s26 =	sadd.s32 $0x1, s26  }
0x3ad: {  	p0 =	sne.s32 s26, $0x34  }
.Ltmp2:
0x3ae: {  	_ = 	snop;
	(pc) =	sbr.rel @p0 .LBB2_2-.Ltmp2, $2  }
0x3af: {  	_ =	sdelay $0x2  }
0x3b0: {  	s25 =	sadd.s32 $0xA0, s25;
	s24 =	sadd.s32 $0xA0, s24  }
0x3b1: {  	_ =	swait.ge [sflag:s19], $0x2800  }
0x3b2: {  	[sflag:s19] =	ssyncset.done $0x0  }
0x3b3: {  	[sflag:s19] =	ssyncadd.s32 $0xFFFFD800  }
0x3b4: {  	[hbm4b:s7+s21] =	stream.strided.scatter [tilespmem:s12], [sflag:$0x3], $0x10000, s22, s21, $0x38;
	[tilespmem:$0x1F180] =	vst v63  }
0x3b5: {  	s23 =	sadd.s32 $0x1, s23;
	_ =	swait.ge [sflag:s10], $0x10000  }
0x3b6: {  	p0 =	sne.s32 s23, s9;
	[sflag:s10] =	ssyncset.done $0x0  }
.Ltmp3:
0x3b7: {  	[sflag:s10] =	ssyncadd.s32 $0xFFFF0000;
	(pc) =	sbr.rel @p0 .LBB2_1-.Ltmp3, $4  }
0x3b8: {  	[hbm4b:s8+s21] =	stream.strided.scatter [tilespmem:s13], [sflag:$0x3], $0x4000, s22, s21, $0x38;
	[tilespmem:$0x1F180] =	vst v63  }
0x3b9: {  	_ =	swait.ge [sflag:s10], $0x4000  }
0x3ba: {  	[sflag:s10] =	ssyncset.done $0x0  }
0x3bb: {  	[sflag:s10] =	ssyncadd.s32 $0xFFFFC000  }
0x3bc: {  	_ =	sfence.sel $0x180000  }
0x3bd: {  	[bflag:$0x0] =	sbarrier.arrive $0xFFFF  }
0x3be: {  	p0 =	sne.s32 s2, $0x0;
	_ =	strace $0x90000047  }
0x3bf: {  	s0 =	sadd.s32 @!p0 $0x100000, s1;
	[bflag:$0x2] =	sbarrier.arrive $0xFFFF  }
0x3c0: {  	[sflag:s0] =	ssyncadd.tile.s32 @!p0 $0x1;
	_ =	shalt  }
.Lfunc_end2:
_tile_overlayer_lowered:
.L_overlay_start_2:
0x3c1: {  	(tag) =	ssettag $0x2  }
0x3c2: {  	s0 =	rddreg [dreg:$0x0];
	s2 =	stileid.u32  }
0x3c3: {  	s1 =	rddreg [dreg:$0x1];
	p0 =	sne.s32 s2, $0x0  }
0x3c4: {  	s3 =	rddreg [dreg:$0x2];
	[bflag:$0x3] =	sbarrier.arrive $0xFFFF;
	s2 =	simm.s32 @!p0 $0x1C03  }
0x3c5: {  	[timem:s3], [sflag:s2] =	dma.local @!p0 [hbm:s0], s1  }
0x3c6: {  	s0 =	simm.s32 @!p0 $0x3  }
0x3c7: {  	_ =	swait.ge @!p0 [sflag:s0], s1  }
0x3c8: {  	s1 =	ssub.s32 @!p0 $0x0, s1;
	[sflag:s0] =	ssyncset.done @!p0 $0x0  }
0x3c9: {  	[sflag:s0] =	ssyncadd.s32 @!p0 s1  }
0x3ca: {  	[bflag:$0x3] =	sbarrier.arrive $0xFFFF  }
0x3cb: {  	_ =	shalt  }

</sc_bundles>
